<compile_context>
chip_gen: v7x
topology: tpu7x:2x2x1
jax: 0.10.2.dev20260603
libtpu: 0.0.44.dev20260713+nightly
codegen_flags: <defaults>
</compile_context>

<pallas_src>
import jax
import jax.numpy as jnp
from jax import lax
from jax.experimental import pallas as pl
from jax.experimental.pallas import tpu as pltpu
from jax.experimental.pallas import tpu_sc as plsc

N = 10000
E = 320000
D = 128
K = 4

NC = 2
NS = 16
LANES = 16
DH = D // NC

RPT = N // NS
N_PAD = N + LANES
DUMMY = N

CHUNK = 128
N_CHUNKS_STAGE = 20
N_STAGES = 8
EPT = CHUNK * N_CHUNKS_STAGE * N_STAGES
E_PAD = EPT * NS

ROW_CHUNKS = RPT // CHUNK
ROW_REM = RPT % CHUNK


def _rsqrt16(d):
    y = jnp.full((LANES,), 1.0, jnp.float32)
    for k in range(1, 10):
        y = jnp.where(d >= jnp.float32(4.0 ** k),
                      jnp.full((LANES,), 2.0 ** (-k), jnp.float32), y)
    y = y * jnp.float32(0.7)
    for _ in range(6):
        y = y * (1.5 - 0.5 * d * y * y)
    return y


def _sc_body(feats, srcp, dstp, rounds_out,
             s_sh, acc_sh, src_v, dst_v, rows_v, t_v, zeros_v, nrm_v):
    c = lax.axis_index("c")
    tid = lax.axis_index("s")
    row_base = tid * RPT
    col_base = c * DH

    def _fill(i, _):
        for g in range(DH // LANES):
            sl = pl.ds(g * LANES, LANES)
            zeros_v[i, sl] = jnp.zeros((LANES,), jnp.float32)
            rows_v[i, sl] = jnp.full((LANES,), 1.0, jnp.float32)
        return 0
    lax.fori_loop(0, CHUNK, _fill, 0)

    for p in range(ROW_CHUNKS):
        pltpu.sync_copy(zeros_v, acc_sh.at[pl.ds(row_base + p * CHUNK, CHUNK)])
    pltpu.sync_copy(zeros_v.at[pl.ds(0, ROW_REM)],
                    acc_sh.at[pl.ds(row_base + ROW_CHUNKS * CHUNK, ROW_REM)])
    plsc.subcore_barrier()

    def _deg_stage(st, _):
        pltpu.sync_copy(dstp.at[tid, pl.ds(st * N_CHUNKS_STAGE, N_CHUNKS_STAGE)],
                        dst_v)

        def _deg_chunk(j, _):
            pltpu.sync_copy(rows_v, acc_sh.at[dst_v.at[j]], add=True)
            return 0
        lax.fori_loop(0, N_CHUNKS_STAGE, _deg_chunk, 0)
        return 0
    lax.fori_loop(0, N_STAGES, _deg_stage, 0)
    plsc.subcore_barrier()

    def _init_block(nrows, loff):
        goff = row_base + loff
        pltpu.sync_copy(acc_sh.at[pl.ds(goff, nrows)], t_v.at[pl.ds(0, nrows)])
        pltpu.sync_copy(zeros_v.at[pl.ds(0, nrows)],
                        acc_sh.at[pl.ds(goff, nrows)])

        def _nrm_row(i, _):
            d = jnp.maximum(t_v[i, pl.ds(0, LANES)], 1.0)
            nrm_v[loff + i, :] = _rsqrt16(d)
            return 0
        lax.fori_loop(0, nrows, _nrm_row, 0)

        pltpu.sync_copy(feats.at[pl.ds(goff, nrows), pl.ds(col_base, DH)],
                        t_v.at[pl.ds(0, nrows)])

        def _scale_row(i, _):
            n = nrm_v[loff + i, :]
            for g in range(DH // LANES):
                sl = pl.ds(g * LANES, LANES)
                t_v[i, sl] = n * t_v[i, sl]
            return 0
        lax.fori_loop(0, nrows, _scale_row, 0)

        pltpu.sync_copy(t_v.at[pl.ds(0, nrows)], s_sh.at[pl.ds(goff, nrows)])

    for p in range(ROW_CHUNKS):
        _init_block(CHUNK, p * CHUNK)
    _init_block(ROW_REM, ROW_CHUNKS * CHUNK)
    plsc.subcore_barrier()

    def _round(r, _):
        def _stage(st, _):
            base = st * N_CHUNKS_STAGE
            pltpu.sync_copy(srcp.at[tid, pl.ds(base, N_CHUNKS_STAGE)], src_v)
            pltpu.sync_copy(dstp.at[tid, pl.ds(base, N_CHUNKS_STAGE)], dst_v)

            def _chunk(j, _):
                pltpu.sync_copy(s_sh.at[src_v.at[j]], rows_v)
                pltpu.sync_copy(rows_v, acc_sh.at[dst_v.at[j]], add=True)
                return 0
            lax.fori_loop(0, N_CHUNKS_STAGE, _chunk, 0)
            return 0
        lax.fori_loop(0, N_STAGES, _stage, 0)
        plsc.subcore_barrier()

        def _rescale_block(nrows, loff):
            goff = row_base + loff
            pltpu.sync_copy(acc_sh.at[pl.ds(goff, nrows)],
                            t_v.at[pl.ds(0, nrows)])
            pltpu.sync_copy(zeros_v.at[pl.ds(0, nrows)],
                            acc_sh.at[pl.ds(goff, nrows)])

            def _row(i, _):
                n = nrm_v[loff + i, :]
                for g in range(DH // LANES):
                    sl = pl.ds(g * LANES, LANES)
                    x = n * t_v[i, sl]
                    t_v[i, sl] = x
                    rows_v[i, sl] = n * x
                return 0
            lax.fori_loop(0, nrows, _row, 0)

            pltpu.sync_copy(
                t_v.at[pl.ds(0, nrows)],
                rounds_out.at[r, pl.ds(goff, nrows), pl.ds(col_base, DH)])
            pltpu.sync_copy(rows_v.at[pl.ds(0, nrows)],
                            s_sh.at[pl.ds(goff, nrows)])

        for p in range(ROW_CHUNKS):
            _rescale_block(CHUNK, p * CHUNK)
        _rescale_block(ROW_REM, ROW_CHUNKS * CHUNK)
        plsc.subcore_barrier()
        return 0
    lax.fori_loop(0, K, _round, 0)


_sc_grand = pl.kernel(
    _sc_body,
    out_type=jax.ShapeDtypeStruct((K, N, D), jnp.float32),
    mesh=plsc.VectorSubcoreMesh(core_axis_name="c", subcore_axis_name="s"),
    compiler_params=pltpu.CompilerParams(use_tc_tiling_on_sc=False),
    scratch_types=[
        pltpu.VMEM_SHARED((N_PAD, DH), jnp.float32),
        pltpu.VMEM_SHARED((N_PAD, DH), jnp.float32),
        pltpu.VMEM((N_CHUNKS_STAGE, CHUNK), jnp.int32),
        pltpu.VMEM((N_CHUNKS_STAGE, CHUNK), jnp.int32),
        pltpu.VMEM((CHUNK, DH), jnp.float32),
        pltpu.VMEM((CHUNK, DH), jnp.float32),
        pltpu.VMEM((CHUNK, DH), jnp.float32),
        pltpu.VMEM((RPT, LANES), jnp.float32),
    ],
)


def _mlp_body(r_ref, f_ref, w1_ref, b1_ref, w2_ref, b2_ref, o_ref):
    x = f_ref[...]
    for k in range(K):
        x = x + r_ref[k]
    x = x * jnp.float32(1.0 / (K + 1))
    h1 = lax.dot_general(x, w1_ref[...], (((1,), (1,)), ((), ())),
                         precision=lax.Precision.HIGHEST,
                         preferred_element_type=jnp.float32)
    h1 = jnp.maximum(h1 + b1_ref[...], 0.0)
    lo = lax.dot_general(h1, w2_ref[...], (((1,), (1,)), ((), ())),
                         precision=lax.Precision.HIGHEST,
                         preferred_element_type=jnp.float32)
    lo = lo + b2_ref[...]
    m = jnp.max(lo, axis=-1, keepdims=True)
    z = lo - m
    lse = jnp.log(jnp.sum(jnp.exp(z), axis=-1, keepdims=True))
    o_ref[...] = z - lse


_MLP_BLOCK = 1000


def _mlp(rounds, feats, W1, b1, W2, b2):
    n_class = W2.shape[0]
    return pl.pallas_call(
        _mlp_body,
        grid=(N // _MLP_BLOCK,),
        in_specs=[
            pl.BlockSpec((K, _MLP_BLOCK, D), lambda i: (0, i, 0)),
            pl.BlockSpec((_MLP_BLOCK, D), lambda i: (i, 0)),
            pl.BlockSpec((D, D), lambda i: (0, 0)),
            pl.BlockSpec((1, D), lambda i: (0, 0)),
            pl.BlockSpec((n_class, D), lambda i: (0, 0)),
            pl.BlockSpec((1, n_class), lambda i: (0, 0)),
        ],
        out_specs=pl.BlockSpec((_MLP_BLOCK, n_class), lambda i: (i, 0)),
        out_shape=jax.ShapeDtypeStruct((N, n_class), jnp.float32),
    )(rounds, feats, W1, b1.reshape(1, -1), W2, b2.reshape(1, -1))


def kernel(feats, edge_index, W1, b1, W2, b2):
    src = edge_index[0]
    dst = edge_index[1]
    pad = E_PAD - E
    srcp = jnp.concatenate([src, jnp.zeros((pad,), jnp.int32)])
    dstp = jnp.concatenate([dst, jnp.full((pad,), DUMMY, jnp.int32)])
    srcp = srcp.reshape(NS, N_STAGES * N_CHUNKS_STAGE, CHUNK)
    dstp = dstp.reshape(NS, N_STAGES * N_CHUNKS_STAGE, CHUNK)
    rounds = _sc_grand(feats, srcp, dstp)
    return _mlp(rounds, feats, W1, b1, W2, b2)

# --- scband reference (transcript-rebuilt; emitter-appended) ---
"""Pipeline reference for scband-grand-11819749999225 (READ-ONLY COPY).

The authoritative reference and input builder live on the scoring server;
editing this copy changes nothing except your own understanding.
"""

import jax, jax.numpy as jnp
import numpy as np

N = 10000
E = 320000
IN_DIM = 128
HID_DIM = 128
N_CLASS = 64
K_ORDER = 4


def setup_inputs(seed: int = 0) -> dict:
    key = jax.random.key(seed)
    k1, k2, k3, k4, k5, k6 = jax.random.split(key, 6)
    feats = jax.random.normal(k1, (N, IN_DIM), dtype=jnp.float32)
    edge_index = jax.random.randint(k2, (2, E), 0, N, dtype=jnp.int32)
    W1 = jax.random.normal(k3, (HID_DIM, IN_DIM), dtype=jnp.float32) * (1.0 / np.sqrt(IN_DIM))
    b1 = jax.random.normal(k4, (HID_DIM,), dtype=jnp.float32) * 0.01
    W2 = jax.random.normal(k5, (N_CLASS, HID_DIM), dtype=jnp.float32) * (1.0 / np.sqrt(HID_DIM))
    b2 = jax.random.normal(k6, (N_CLASS,), dtype=jnp.float32) * 0.01
    return {"feats": feats, "edge_index": edge_index, "W1": W1, "b1": b1, "W2": W2, "b2": b2}


def grand_conv(feats, edge_index, order):
    # symmetric normalized adjacency propagation: y = mean over k of A_hat^k x
    src = edge_index[0]
    dst = edge_index[1]
    # in-degrees (messages flow src -> dst)
    deg = jnp.zeros((N,), dtype=jnp.float32).at[dst].add(1.0)
    deg = jnp.clip(deg, 1.0, None)
    norm = jnp.power(deg, -0.5)
    w = (norm[src] * norm[dst])[:, None]  # edge weights
    x = feats
    y = feats
    for _ in range(order):
        m = x[src] * w                      # gather + scale (u_mul_e)
        x = jax.ops.segment_sum(m, dst, num_segments=N)  # scatter-add (fn.sum)
        y = y + x
    return y / (order + 1)


def mlp(x, W1, b1, W2, b2):
    # use_bn=False, dropout rates are 0.0 -> identity
    h = jax.nn.relu(x @ W1.T + b1)
    return h @ W2.T + b2


def reference(feats, edge_index, W1, b1, W2, b2):
    # GRAND forward with node_dropout=0.0 (drop_node is identity in eval,
    # and with S=1 / rate 0 identical in train): GRANDConv then MLP then log_softmax
    h = grand_conv(feats, edge_index, K_ORDER)
    logits = mlp(h, W1, b1, W2, b2)
    return jax.nn.log_softmax(logits, axis=-1)

if __name__ == "__main__":
    import jax
    _d = setup_inputs()
    print(jax.jit(kernel)(*tuple(_d.values())))

</pallas_src>

<mosaic_0001>
#map = affine_map<(d0, d1) -> (0, 0)>
#map1 = affine_map<(d0, d1) -> (0, 0, 0)>
module attributes {stable_mosaic.version = 14 : i64} {
  func.func @_sc_body(%arg0: i32, %arg1: i32, %arg2: memref<10000x128xf32, #tpu.memory_space<hbm>>, %arg3: memref<16x160x128xi32, #tpu.memory_space<hbm>>, %arg4: memref<16x160x128xi32, #tpu.memory_space<hbm>>, %arg5: memref<4x10000x128xf32, #tpu.memory_space<hbm>>, %arg6: memref<10016x64xf32, #tpu.memory_space<vmem_shared>>, %arg7: memref<10016x64xf32, #tpu.memory_space<vmem_shared>>, %arg8: memref<20x128xi32, #tpu.memory_space<vmem>>, %arg9: memref<20x128xi32, #tpu.memory_space<vmem>>, %arg10: memref<128x64xf32, #tpu.memory_space<vmem>>, %arg11: memref<128x64xf32, #tpu.memory_space<vmem>>, %arg12: memref<128x64xf32, #tpu.memory_space<vmem>>, %arg13: memref<625x16xf32, #tpu.memory_space<vmem>>) attributes {dimension_semantics = [#tpu.dimension_semantics<core_parallel>, #tpu.dimension_semantics<subcore_parallel>], iteration_bounds = array<i64: 2, 16>, scalar_prefetch = 0 : i64, scratch_operands = 8 : i64, tpu.core_type = #tpu.core_type<sc_vector_subcore>, window_params = [{transform_indices = #map}, {transform_indices = #map1}, {transform_indices = #map1}, {transform_indices = #map1}]} {
    %mul3A = arith.constant 625 : i32
    %mul3A_0 = arith.muli %arg1, %mul3A : i32
    %mul3A_1 = arith.constant 64 : i32
    %mul3A_2 = arith.muli %arg0, %mul3A_1 : i32
    %scan3A = arith.constant 0 : i32
    %scan3A_3 = arith.constant 0 : i32
    %scan3A_4 = arith.constant 128 : i32
    %scan3A_5 = arith.addi %scan3A_3, %scan3A_4 : i32
    %scan3A_6 = arith.constant 1 : i32
    %scan3A_7 = scf.for %scan3A_114 = %scan3A_3 to %scan3A_5 step %scan3A_6 iter_args(%scan3A_115 = %scan3A) -> (i32)  : i32 {
      %broadcast_in_dim3A = arith.constant 0.000000e+00 : f32
      %broadcast_in_dim3A_116 = vector.broadcast %broadcast_in_dim3A : f32 to vector<16xf32>
      %swap3A = arith.index_cast %scan3A_114 : i32 to index
      %swap3A_117 = arith.constant 0 : index
      %swap3A_118 = tpu.vector_load %arg12[%swap3A, %swap3A_117] {strides = array<i32>} : memref<128x64xf32, #tpu.memory_space<vmem>>, vector<1x16xf32>,
      %swap3A_119 = vector.shape_cast %swap3A_118 : vector<1x16xf32> to vector<16xf32>
      %swap3A_120 = vector.shape_cast %broadcast_in_dim3A_116 : vector<16xf32> to vector<1x16xf32>
      tpu.vector_store %arg12[%swap3A, %swap3A_117], %swap3A_120 {strides = array<i32>} : memref<128x64xf32, #tpu.memory_space<vmem>>, vector<1x16xf32>,
      %broadcast_in_dim3A_121 = arith.constant 1.000000e+00 : f32
      %broadcast_in_dim3A_122 = vector.broadcast %broadcast_in_dim3A_121 : f32 to vector<16xf32>
      %swap3A_123 = arith.index_cast %scan3A_114 : i32 to index
      %swap3A_124 = arith.constant 0 : index
      %swap3A_125 = tpu.vector_load %arg10[%swap3A_123, %swap3A_124] {strides = array<i32>} : memref<128x64xf32, #tpu.memory_space<vmem>>, vector<1x16xf32>,
      %swap3A_126 = vector.shape_cast %swap3A_125 : vector<1x16xf32> to vector<16xf32>
      %swap3A_127 = vector.shape_cast %broadcast_in_dim3A_122 : vector<16xf32> to vector<1x16xf32>
      tpu.vector_store %arg10[%swap3A_123, %swap3A_124], %swap3A_127 {strides = array<i32>} : memref<128x64xf32, #tpu.memory_space<vmem>>, vector<1x16xf32>,
      %broadcast_in_dim3A_128 = arith.constant 0.000000e+00 : f32
      %broadcast_in_dim3A_129 = vector.broadcast %broadcast_in_dim3A_128 : f32 to vector<16xf32>
      %swap3A_130 = arith.index_cast %scan3A_114 : i32 to index
      %swap3A_131 = arith.constant 16 : index
      %swap3A_132 = tpu.vector_load %arg12[%swap3A_130, %swap3A_131] {strides = array<i32>} : memref<128x64xf32, #tpu.memory_space<vmem>>, vector<1x16xf32>,
      %swap3A_133 = vector.shape_cast %swap3A_132 : vector<1x16xf32> to vector<16xf32>
      %swap3A_134 = vector.shape_cast %broadcast_in_dim3A_129 : vector<16xf32> to vector<1x16xf32>
      tpu.vector_store %arg12[%swap3A_130, %swap3A_131], %swap3A_134 {strides = array<i32>} : memref<128x64xf32, #tpu.memory_space<vmem>>, vector<1x16xf32>,
      %broadcast_in_dim3A_135 = arith.constant 1.000000e+00 : f32
      %broadcast_in_dim3A_136 = vector.broadcast %broadcast_in_dim3A_135 : f32 to vector<16xf32>
      %swap3A_137 = arith.index_cast %scan3A_114 : i32 to index
      %swap3A_138 = arith.constant 16 : index
      %swap3A_139 = tpu.vector_load %arg10[%swap3A_137, %swap3A_138] {strides = array<i32>} : memref<128x64xf32, #tpu.memory_space<vmem>>, vector<1x16xf32>,
      %swap3A_140 = vector.shape_cast %swap3A_139 : vector<1x16xf32> to vector<16xf32>
      %swap3A_141 = vector.shape_cast %broadcast_in_dim3A_136 : vector<16xf32> to vector<1x16xf32>
      tpu.vector_store %arg10[%swap3A_137, %swap3A_138], %swap3A_141 {strides = array<i32>} : memref<128x64xf32, #tpu.memory_space<vmem>>, vector<1x16xf32>,
      %broadcast_in_dim3A_142 = arith.constant 0.000000e+00 : f32
      %broadcast_in_dim3A_143 = vector.broadcast %broadcast_in_dim3A_142 : f32 to vector<16xf32>
      %swap3A_144 = arith.index_cast %scan3A_114 : i32 to index
      %swap3A_145 = arith.constant 32 : index
      %swap3A_146 = tpu.vector_load %arg12[%swap3A_144, %swap3A_145] {strides = array<i32>} : memref<128x64xf32, #tpu.memory_space<vmem>>, vector<1x16xf32>,
      %swap3A_147 = vector.shape_cast %swap3A_146 : vector<1x16xf32> to vector<16xf32>
      %swap3A_148 = vector.shape_cast %broadcast_in_dim3A_143 : vector<16xf32> to vector<1x16xf32>
      tpu.vector_store %arg12[%swap3A_144, %swap3A_145], %swap3A_148 {strides = array<i32>} : memref<128x64xf32, #tpu.memory_space<vmem>>, vector<1x16xf32>,
      %broadcast_in_dim3A_149 = arith.constant 1.000000e+00 : f32
      %broadcast_in_dim3A_150 = vector.broadcast %broadcast_in_dim3A_149 : f32 to vector<16xf32>
      %swap3A_151 = arith.index_cast %scan3A_114 : i32 to index
      %swap3A_152 = arith.constant 32 : index
      %swap3A_153 = tpu.vector_load %arg10[%swap3A_151, %swap3A_152] {strides = array<i32>} : memref<128x64xf32, #tpu.memory_space<vmem>>, vector<1x16xf32>,
      %swap3A_154 = vector.shape_cast %swap3A_153 : vector<1x16xf32> to vector<16xf32>
      %swap3A_155 = vector.shape_cast %broadcast_in_dim3A_150 : vector<16xf32> to vector<1x16xf32>
      tpu.vector_store %arg10[%swap3A_151, %swap3A_152], %swap3A_155 {strides = array<i32>} : memref<128x64xf32, #tpu.memory_space<vmem>>, vector<1x16xf32>,
      %broadcast_in_dim3A_156 = arith.constant 0.000000e+00 : f32
      %broadcast_in_dim3A_157 = vector.broadcast %broadcast_in_dim3A_156 : f32 to vector<16xf32>
      %swap3A_158 = arith.index_cast %scan3A_114 : i32 to index
      %swap3A_159 = arith.constant 48 : index
      %swap3A_160 = tpu.vector_load %arg12[%swap3A_158, %swap3A_159] {strides = array<i32>} : memref<128x64xf32, #tpu.memory_space<vmem>>, vector<1x16xf32>,
      %swap3A_161 = vector.shape_cast %swap3A_160 : vector<1x16xf32> to vector<16xf32>
      %swap3A_162 = vector.shape_cast %broadcast_in_dim3A_157 : vector<16xf32> to vector<1x16xf32>
      tpu.vector_store %arg12[%swap3A_158, %swap3A_159], %swap3A_162 {strides = array<i32>} : memref<128x64xf32, #tpu.memory_space<vmem>>, vector<1x16xf32>,
      %broadcast_in_dim3A_163 = arith.constant 1.000000e+00 : f32
      %broadcast_in_dim3A_164 = vector.broadcast %broadcast_in_dim3A_163 : f32 to vector<16xf32>
      %swap3A_165 = arith.index_cast %scan3A_114 : i32 to index
      %swap3A_166 = arith.constant 48 : index
      %swap3A_167 = tpu.vector_load %arg10[%swap3A_165, %swap3A_166] {strides = array<i32>} : memref<128x64xf32, #tpu.memory_space<vmem>>, vector<1x16xf32>,
      %swap3A_168 = vector.shape_cast %swap3A_167 : vector<1x16xf32> to vector<16xf32>
      %swap3A_169 = vector.shape_cast %broadcast_in_dim3A_164 : vector<16xf32> to vector<1x16xf32>
      tpu.vector_store %arg10[%swap3A_165, %swap3A_166], %swap3A_169 {strides = array<i32>} : memref<128x64xf32, #tpu.memory_space<vmem>>, vector<1x16xf32>,
      %scan3A_170 = arith.constant 0 : i32
      scf.yield %scan3A_170 : i32
    }
    %scan3A_8 = arith.constant 128 : i32
    %add3A = arith.constant 0 : i32
    %add3A_9 = arith.addi %mul3A_0, %add3A : i32
    "tpu.region"() ({
      %run_scoped3A = tpu.sem_alloc : memref<!tpu.dma_semaphore, #tpu.memory_space<semaphore_mem>>
      %dma_start3A = arith.constant 0 : i32
      %dma_start3A_114 = tpu.memref_slice %arg7[%add3A_9, %dma_start3A] : memref<10016x64xf32, #tpu.memory_space<vmem_shared>> -> memref<128x64xf32, #tpu.memory_space<vmem_shared>>
      %dma_start3A_115 = arith.constant 0 : i32
      %dma_start3A_116 = tpu.memref_slice %arg7[%add3A_9, %dma_start3A_115] : memref<10016x64xf32, #tpu.memory_space<vmem_shared>> -> memref<128x64xf32, #tpu.memory_space<vmem_shared>>
      tpu.enqueue_dma source(%arg12 : memref<128x64xf32, #tpu.memory_space<vmem>>) target(%dma_start3A_116 : memref<128x64xf32, #tpu.memory_space<vmem_shared>>) target_semaphore(%run_scoped3A : memref<!tpu.dma_semaphore, #tpu.memory_space<semaphore_mem>>)
      %dma_wait3A = arith.constant 0 : i32
      %dma_wait3A_117 = tpu.memref_slice %arg7[%add3A_9, %dma_wait3A] : memref<10016x64xf32, #tpu.memory_space<vmem_shared>> -> memref<128x64xf32, #tpu.memory_space<vmem_shared>>
      %dma_wait3A_118 = arith.constant 0 : i32
      %dma_wait3A_119 = tpu.memref_slice %arg7[%add3A_9, %dma_wait3A_118] : memref<10016x64xf32, #tpu.memory_space<vmem_shared>> -> memref<128x64xf32, #tpu.memory_space<vmem_shared>>
      tpu.wait_dma2 semaphore(%run_scoped3A : memref<!tpu.dma_semaphore, #tpu.memory_space<semaphore_mem>>) src(%arg12 : memref<128x64xf32, #tpu.memory_space<vmem>>) dst(%dma_wait3A_119 : memref<128x64xf32, #tpu.memory_space<vmem_shared>>)
      tpu.yield
    }) : () -> ()
    %add3A_10 = arith.constant 128 : i32
    %add3A_11 = arith.addi %mul3A_0, %add3A_10 : i32
    "tpu.region"() ({
      %run_scoped3A = tpu.sem_alloc : memref<!tpu.dma_semaphore, #tpu.memory_space<semaphore_mem>>
      %dma_start3A = arith.constant 0 : i32
      %dma_start3A_114 = tpu.memref_slice %arg7[%add3A_11, %dma_start3A] : memref<10016x64xf32, #tpu.memory_space<vmem_shared>> -> memref<128x64xf32, #tpu.memory_space<vmem_shared>>
      %dma_start3A_115 = arith.constant 0 : i32
      %dma_start3A_116 = tpu.memref_slice %arg7[%add3A_11, %dma_start3A_115] : memref<10016x64xf32, #tpu.memory_space<vmem_shared>> -> memref<128x64xf32, #tpu.memory_space<vmem_shared>>
      tpu.enqueue_dma source(%arg12 : memref<128x64xf32, #tpu.memory_space<vmem>>) target(%dma_start3A_116 : memref<128x64xf32, #tpu.memory_space<vmem_shared>>) target_semaphore(%run_scoped3A : memref<!tpu.dma_semaphore, #tpu.memory_space<semaphore_mem>>)
      %dma_wait3A = arith.constant 0 : i32
      %dma_wait3A_117 = tpu.memref_slice %arg7[%add3A_11, %dma_wait3A] : memref<10016x64xf32, #tpu.memory_space<vmem_shared>> -> memref<128x64xf32, #tpu.memory_space<vmem_shared>>
      %dma_wait3A_118 = arith.constant 0 : i32
      %dma_wait3A_119 = tpu.memref_slice %arg7[%add3A_11, %dma_wait3A_118] : memref<10016x64xf32, #tpu.memory_space<vmem_shared>> -> memref<128x64xf32, #tpu.memory_space<vmem_shared>>
      tpu.wait_dma2 semaphore(%run_scoped3A : memref<!tpu.dma_semaphore, #tpu.memory_space<semaphore_mem>>) src(%arg12 : memref<128x64xf32, #tpu.memory_space<vmem>>) dst(%dma_wait3A_119 : memref<128x64xf32, #tpu.memory_space<vmem_shared>>)
      tpu.yield
    }) : () -> ()
    %add3A_12 = arith.constant 256 : i32
    %add3A_13 = arith.addi %mul3A_0, %add3A_12 : i32
    "tpu.region"() ({
      %run_scoped3A = tpu.sem_alloc : memref<!tpu.dma_semaphore, #tpu.memory_space<semaphore_mem>>
      %dma_start3A = arith.constant 0 : i32
      %dma_start3A_114 = tpu.memref_slice %arg7[%add3A_13, %dma_start3A] : memref<10016x64xf32, #tpu.memory_space<vmem_shared>> -> memref<128x64xf32, #tpu.memory_space<vmem_shared>>
      %dma_start3A_115 = arith.constant 0 : i32
      %dma_start3A_116 = tpu.memref_slice %arg7[%add3A_13, %dma_start3A_115] : memref<10016x64xf32, #tpu.memory_space<vmem_shared>> -> memref<128x64xf32, #tpu.memory_space<vmem_shared>>
      tpu.enqueue_dma source(%arg12 : memref<128x64xf32, #tpu.memory_space<vmem>>) target(%dma_start3A_116 : memref<128x64xf32, #tpu.memory_space<vmem_shared>>) target_semaphore(%run_scoped3A : memref<!tpu.dma_semaphore, #tpu.memory_space<semaphore_mem>>)
      %dma_wait3A = arith.constant 0 : i32
      %dma_wait3A_117 = tpu.memref_slice %arg7[%add3A_13, %dma_wait3A] : memref<10016x64xf32, #tpu.memory_space<vmem_shared>> -> memref<128x64xf32, #tpu.memory_space<vmem_shared>>
      %dma_wait3A_118 = arith.constant 0 : i32
      %dma_wait3A_119 = tpu.memref_slice %arg7[%add3A_13, %dma_wait3A_118] : memref<10016x64xf32, #tpu.memory_space<vmem_shared>> -> memref<128x64xf32, #tpu.memory_space<vmem_shared>>
      tpu.wait_dma2 semaphore(%run_scoped3A : memref<!tpu.dma_semaphore, #tpu.memory_space<semaphore_mem>>) src(%arg12 : memref<128x64xf32, #tpu.memory_space<vmem>>) dst(%dma_wait3A_119 : memref<128x64xf32, #tpu.memory_space<vmem_shared>>)
      tpu.yield
    }) : () -> ()
    %add3A_14 = arith.constant 384 : i32
    %add3A_15 = arith.addi %mul3A_0, %add3A_14 : i32
    "tpu.region"() ({
      %run_scoped3A = tpu.sem_alloc : memref<!tpu.dma_semaphore, #tpu.memory_space<semaphore_mem>>
      %dma_start3A = arith.constant 0 : i32
      %dma_start3A_114 = tpu.memref_slice %arg7[%add3A_15, %dma_start3A] : memref<10016x64xf32, #tpu.memory_space<vmem_shared>> -> memref<128x64xf32, #tpu.memory_space<vmem_shared>>
      %dma_start3A_115 = arith.constant 0 : i32
      %dma_start3A_116 = tpu.memref_slice %arg7[%add3A_15, %dma_start3A_115] : memref<10016x64xf32, #tpu.memory_space<vmem_shared>> -> memref<128x64xf32, #tpu.memory_space<vmem_shared>>
      tpu.enqueue_dma source(%arg12 : memref<128x64xf32, #tpu.memory_space<vmem>>) target(%dma_start3A_116 : memref<128x64xf32, #tpu.memory_space<vmem_shared>>) target_semaphore(%run_scoped3A : memref<!tpu.dma_semaphore, #tpu.memory_space<semaphore_mem>>)
      %dma_wait3A = arith.constant 0 : i32
      %dma_wait3A_117 = tpu.memref_slice %arg7[%add3A_15, %dma_wait3A] : memref<10016x64xf32, #tpu.memory_space<vmem_shared>> -> memref<128x64xf32, #tpu.memory_space<vmem_shared>>
      %dma_wait3A_118 = arith.constant 0 : i32
      %dma_wait3A_119 = tpu.memref_slice %arg7[%add3A_15, %dma_wait3A_118] : memref<10016x64xf32, #tpu.memory_space<vmem_shared>> -> memref<128x64xf32, #tpu.memory_space<vmem_shared>>
      tpu.wait_dma2 semaphore(%run_scoped3A : memref<!tpu.dma_semaphore, #tpu.memory_space<semaphore_mem>>) src(%arg12 : memref<128x64xf32, #tpu.memory_space<vmem>>) dst(%dma_wait3A_119 : memref<128x64xf32, #tpu.memory_space<vmem_shared>>)
      tpu.yield
    }) : () -> ()
    %add3A_16 = arith.constant 512 : i32
    %add3A_17 = arith.addi %mul3A_0, %add3A_16 : i32
    "tpu.region"() ({
      %run_scoped3A = tpu.sem_alloc : memref<!tpu.dma_semaphore, #tpu.memory_space<semaphore_mem>>
      %dma_start3A = arith.constant 0 : i32
      %dma_start3A_114 = arith.constant 0 : i32
      %dma_start3A_115 = tpu.memref_slice %arg12[%dma_start3A, %dma_start3A_114] : memref<128x64xf32, #tpu.memory_space<vmem>> -> memref<113x64xf32, #tpu.memory_space<vmem>>
      %dma_start3A_116 = arith.constant 0 : i32
      %dma_start3A_117 = tpu.memref_slice %arg7[%add3A_17, %dma_start3A_116] : memref<10016x64xf32, #tpu.memory_space<vmem_shared>> -> memref<113x64xf32, #tpu.memory_space<vmem_shared>>
      %dma_start3A_118 = arith.constant 0 : i32
      %dma_start3A_119 = tpu.memref_slice %arg7[%add3A_17, %dma_start3A_118] : memref<10016x64xf32, #tpu.memory_space<vmem_shared>> -> memref<113x64xf32, #tpu.memory_space<vmem_shared>>
      %dma_start3A_120 = arith.constant 0 : i32
      %dma_start3A_121 = arith.constant 0 : i32
      %dma_start3A_122 = tpu.memref_slice %arg12[%dma_start3A_120, %dma_start3A_121] : memref<128x64xf32, #tpu.memory_space<vmem>> -> memref<113x64xf32, #tpu.memory_space<vmem>>
      tpu.enqueue_dma source(%dma_start3A_122 : memref<113x64xf32, #tpu.memory_space<vmem>>) target(%dma_start3A_119 : memref<113x64xf32, #tpu.memory_space<vmem_shared>>) target_semaphore(%run_scoped3A : memref<!tpu.dma_semaphore, #tpu.memory_space<semaphore_mem>>)
      %dma_wait3A = arith.constant 0 : i32
      %dma_wait3A_123 = arith.constant 0 : i32
      %dma_wait3A_124 = tpu.memref_slice %arg12[%dma_wait3A, %dma_wait3A_123] : memref<128x64xf32, #tpu.memory_space<vmem>> -> memref<113x64xf32, #tpu.memory_space<vmem>>
      %dma_wait3A_125 = arith.constant 0 : i32
      %dma_wait3A_126 = tpu.memref_slice %arg7[%add3A_17, %dma_wait3A_125] : memref<10016x64xf32, #tpu.memory_space<vmem_shared>> -> memref<113x64xf32, #tpu.memory_space<vmem_shared>>
      %dma_wait3A_127 = arith.constant 0 : i32
      %dma_wait3A_128 = tpu.memref_slice %arg7[%add3A_17, %dma_wait3A_127] : memref<10016x64xf32, #tpu.memory_space<vmem_shared>> -> memref<113x64xf32, #tpu.memory_space<vmem_shared>>
      %dma_wait3A_129 = arith.constant 0 : i32
      %dma_wait3A_130 = arith.constant 0 : i32
      %dma_wait3A_131 = tpu.memref_slice %arg12[%dma_wait3A_129, %dma_wait3A_130] : memref<128x64xf32, #tpu.memory_space<vmem>> -> memref<113x64xf32, #tpu.memory_space<vmem>>
      tpu.wait_dma2 semaphore(%run_scoped3A : memref<!tpu.dma_semaphore, #tpu.memory_space<semaphore_mem>>) src(%dma_wait3A_131 : memref<113x64xf32, #tpu.memory_space<vmem>>) dst(%dma_wait3A_128 : memref<113x64xf32, #tpu.memory_space<vmem_shared>>)
      tpu.yield
    }) : () -> ()
    %barrier3A = arith.constant 0 : index
    tpu.barrier barrier_id(%barrier3A)
    %scan3A_18 = arith.constant 0 : i32
    %scan3A_19 = arith.constant 0 : i32
    %scan3A_20 = arith.constant 8 : i32
    %scan3A_21 = arith.addi %scan3A_19, %scan3A_20 : i32
    %scan3A_22 = arith.constant 1 : i32
    %scan3A_23 = scf.for %scan3A_114 = %scan3A_19 to %scan3A_21 step %scan3A_22 iter_args(%scan3A_115 = %scan3A_18) -> (i32)  : i32 {
      %mul3A_116 = arith.constant 20 : i32
      %mul3A_117 = arith.muli %scan3A_114, %mul3A_116 : i32
      "tpu.region"() ({
        %run_scoped3A = tpu.sem_alloc : memref<!tpu.dma_semaphore, #tpu.memory_space<semaphore_mem>>
        %dma_start3A = arith.constant 0 : i32
        %dma_start3A_126 = tpu.memref_slice %arg4[%arg1, %mul3A_117, %dma_start3A] : memref<16x160x128xi32, #tpu.memory_space<hbm>> -> memref<1x20x128xi32, #tpu.memory_space<hbm>>
        %dma_start3A_127 = tpu.memref_squeeze %dma_start3A_126 : memref<1x20x128xi32, #tpu.memory_space<hbm>> -> memref<20x128xi32, #tpu.memory_space<hbm>>
        %dma_start3A_128 = arith.constant 0 : i32
        %dma_start3A_129 = tpu.memref_slice %arg4[%arg1, %mul3A_117, %dma_start3A_128] : memref<16x160x128xi32, #tpu.memory_space<hbm>> -> memref<1x20x128xi32, #tpu.memory_space<hbm>>
        %dma_start3A_130 = tpu.memref_squeeze %dma_start3A_129 : memref<1x20x128xi32, #tpu.memory_space<hbm>> -> memref<20x128xi32, #tpu.memory_space<hbm>>
        tpu.enqueue_dma source(%dma_start3A_130 : memref<20x128xi32, #tpu.memory_space<hbm>>) target(%arg9 : memref<20x128xi32, #tpu.memory_space<vmem>>) target_semaphore(%run_scoped3A : memref<!tpu.dma_semaphore, #tpu.memory_space<semaphore_mem>>)
        %dma_wait3A = arith.constant 0 : i32
        %dma_wait3A_131 = tpu.memref_slice %arg4[%arg1, %mul3A_117, %dma_wait3A] : memref<16x160x128xi32, #tpu.memory_space<hbm>> -> memref<1x20x128xi32, #tpu.memory_space<hbm>>
        %dma_wait3A_132 = tpu.memref_squeeze %dma_wait3A_131 : memref<1x20x128xi32, #tpu.memory_space<hbm>> -> memref<20x128xi32, #tpu.memory_space<hbm>>
        %dma_wait3A_133 = arith.constant 0 : i32
        %dma_wait3A_134 = tpu.memref_slice %arg4[%arg1, %mul3A_117, %dma_wait3A_133] : memref<16x160x128xi32, #tpu.memory_space<hbm>> -> memref<1x20x128xi32, #tpu.memory_space<hbm>>
        %dma_wait3A_135 = tpu.memref_squeeze %dma_wait3A_134 : memref<1x20x128xi32, #tpu.memory_space<hbm>> -> memref<20x128xi32, #tpu.memory_space<hbm>>
        tpu.wait_dma2 semaphore(%run_scoped3A : memref<!tpu.dma_semaphore, #tpu.memory_space<semaphore_mem>>) src(%dma_wait3A_135 : memref<20x128xi32, #tpu.memory_space<hbm>>) dst(%arg9 : memref<20x128xi32, #tpu.memory_space<vmem>>)
        tpu.yield
      }) : () -> ()
      %scan3A_118 = arith.constant 0 : i32
      %scan3A_119 = arith.constant 0 : i32
      %scan3A_120 = arith.constant 20 : i32
      %scan3A_121 = arith.addi %scan3A_119, %scan3A_120 : i32
      %scan3A_122 = arith.constant 1 : i32
      %scan3A_123 = scf.for %scan3A_126 = %scan3A_119 to %scan3A_121 step %scan3A_122 iter_args(%scan3A_127 = %scan3A_118) -> (i32)  : i32 {
        "tpu.region"() ({
          %run_scoped3A = tpu.sem_alloc : memref<!tpu.dma_semaphore, #tpu.memory_space<semaphore_mem>>
          %dma_start3A = arith.constant 0 : i32
          %dma_start3A_129 = tpu.memref_slice %arg9[%scan3A_126, %dma_start3A] : memref<20x128xi32, #tpu.memory_space<vmem>> -> memref<1x128xi32, #tpu.memory_space<vmem>>
          %dma_start3A_130 = tpu.memref_squeeze %dma_start3A_129 : memref<1x128xi32, #tpu.memory_space<vmem>> -> memref<128xi32, #tpu.memory_space<vmem>>
          %dma_start3A_131 = arith.constant 0 : i32
          %dma_start3A_132 = arith.constant 0 : i32
          %dma_start3A_133 = tpu.memref_slice %arg7[%dma_start3A_131, %dma_start3A_132] : memref<10016x64xf32, #tpu.memory_space<vmem_shared>> -> memref<10016x64xf32, #tpu.memory_space<vmem_shared>>
          tpu.enqueue_indirect_dma source(%arg10 : memref<128x64xf32, #tpu.memory_space<vmem>>) target(%dma_start3A_133 : memref<10016x64xf32, #tpu.memory_space<vmem_shared>>) offsets(%dma_start3A_130 : memref<128xi32, #tpu.memory_space<vmem>>) semaphore(%run_scoped3A : memref<!tpu.dma_semaphore, #tpu.memory_space<semaphore_mem>>) {add = true}
          %dma_wait3A = arith.constant 0 : i32
          %dma_wait3A_134 = tpu.memref_slice %arg9[%scan3A_126, %dma_wait3A] : memref<20x128xi32, #tpu.memory_space<vmem>> -> memref<1x128xi32, #tpu.memory_space<vmem>>
          %dma_wait3A_135 = tpu.memref_squeeze %dma_wait3A_134 : memref<1x128xi32, #tpu.memory_space<vmem>> -> memref<128xi32, #tpu.memory_space<vmem>>
          %dma_wait3A_136 = arith.constant 0 : i32
          %dma_wait3A_137 = arith.constant 0 : i32
          %dma_wait3A_138 = tpu.memref_slice %arg7[%dma_wait3A_136, %dma_wait3A_137] : memref<10016x64xf32, #tpu.memory_space<vmem_shared>> -> memref<10016x64xf32, #tpu.memory_space<vmem_shared>>
          tpu.wait_indirect_dma semaphore(%run_scoped3A : memref<!tpu.dma_semaphore, #tpu.memory_space<semaphore_mem>>) src(%arg10 : memref<128x64xf32, #tpu.memory_space<vmem>>) dst(%dma_wait3A_138 : memref<10016x64xf32, #tpu.memory_space<vmem_shared>>)
          tpu.yield
        }) : () -> ()
        %scan3A_128 = arith.constant 0 : i32
        scf.yield %scan3A_128 : i32
      }
      %scan3A_124 = arith.constant 20 : i32
      %scan3A_125 = arith.constant 0 : i32
      scf.yield %scan3A_125 : i32
    }
    %scan3A_24 = arith.constant 8 : i32
    %barrier3A_25 = arith.constant 0 : index
    tpu.barrier barrier_id(%barrier3A_25)
    %add3A_26 = arith.constant 0 : i32
    %add3A_27 = arith.addi %mul3A_0, %add3A_26 : i32
    "tpu.region"() ({
      %run_scoped3A = tpu.sem_alloc : memref<!tpu.dma_semaphore, #tpu.memory_space<semaphore_mem>>
      %dma_start3A = arith.constant 0 : i32
      %dma_start3A_114 = arith.constant 0 : i32
      %dma_start3A_115 = tpu.memref_slice %arg11[%dma_start3A, %dma_start3A_114] : memref<128x64xf32, #tpu.memory_space<vmem>> -> memref<128x64xf32, #tpu.memory_space<vmem>>
      %dma_start3A_116 = arith.constant 0 : i32
      %dma_start3A_117 = tpu.memref_slice %arg7[%add3A_27, %dma_start3A_116] : memref<10016x64xf32, #tpu.memory_space<vmem_shared>> -> memref<128x64xf32, #tpu.memory_space<vmem_shared>>
      %dma_start3A_118 = arith.constant 0 : i32
      %dma_start3A_119 = arith.constant 0 : i32
      %dma_start3A_120 = tpu.memref_slice %arg11[%dma_start3A_118, %dma_start3A_119] : memref<128x64xf32, #tpu.memory_space<vmem>> -> memref<128x64xf32, #tpu.memory_space<vmem>>
      %dma_start3A_121 = arith.constant 0 : i32
      %dma_start3A_122 = tpu.memref_slice %arg7[%add3A_27, %dma_start3A_121] : memref<10016x64xf32, #tpu.memory_space<vmem_shared>> -> memref<128x64xf32, #tpu.memory_space<vmem_shared>>
      tpu.enqueue_dma source(%dma_start3A_122 : memref<128x64xf32, #tpu.memory_space<vmem_shared>>) target(%dma_start3A_120 : memref<128x64xf32, #tpu.memory_space<vmem>>) target_semaphore(%run_scoped3A : memref<!tpu.dma_semaphore, #tpu.memory_space<semaphore_mem>>)
      %dma_wait3A = arith.constant 0 : i32
      %dma_wait3A_123 = arith.constant 0 : i32
      %dma_wait3A_124 = tpu.memref_slice %arg11[%dma_wait3A, %dma_wait3A_123] : memref<128x64xf32, #tpu.memory_space<vmem>> -> memref<128x64xf32, #tpu.memory_space<vmem>>
      %dma_wait3A_125 = arith.constant 0 : i32
      %dma_wait3A_126 = tpu.memref_slice %arg7[%add3A_27, %dma_wait3A_125] : memref<10016x64xf32, #tpu.memory_space<vmem_shared>> -> memref<128x64xf32, #tpu.memory_space<vmem_shared>>
      %dma_wait3A_127 = arith.constant 0 : i32
      %dma_wait3A_128 = arith.constant 0 : i32
      %dma_wait3A_129 = tpu.memref_slice %arg11[%dma_wait3A_127, %dma_wait3A_128] : memref<128x64xf32, #tpu.memory_space<vmem>> -> memref<128x64xf32, #tpu.memory_space<vmem>>
      %dma_wait3A_130 = arith.constant 0 : i32
      %dma_wait3A_131 = tpu.memref_slice %arg7[%add3A_27, %dma_wait3A_130] : memref<10016x64xf32, #tpu.memory_space<vmem_shared>> -> memref<128x64xf32, #tpu.memory_space<vmem_shared>>
      tpu.wait_dma2 semaphore(%run_scoped3A : memref<!tpu.dma_semaphore, #tpu.memory_space<semaphore_mem>>) src(%dma_wait3A_131 : memref<128x64xf32, #tpu.memory_space<vmem_shared>>) dst(%dma_wait3A_129 : memref<128x64xf32, #tpu.memory_space<vmem>>)
      tpu.yield
    }) : () -> ()
    "tpu.region"() ({
      %run_scoped3A = tpu.sem_alloc : memref<!tpu.dma_semaphore, #tpu.memory_space<semaphore_mem>>
      %dma_start3A = arith.constant 0 : i32
      %dma_start3A_114 = arith.constant 0 : i32
      %dma_start3A_115 = tpu.memref_slice %arg12[%dma_start3A, %dma_start3A_114] : memref<128x64xf32, #tpu.memory_space<vmem>> -> memref<128x64xf32, #tpu.memory_space<vmem>>
      %dma_start3A_116 = arith.constant 0 : i32
      %dma_start3A_117 = tpu.memref_slice %arg7[%add3A_27, %dma_start3A_116] : memref<10016x64xf32, #tpu.memory_space<vmem_shared>> -> memref<128x64xf32, #tpu.memory_space<vmem_shared>>
      %dma_start3A_118 = arith.constant 0 : i32
      %dma_start3A_119 = tpu.memref_slice %arg7[%add3A_27, %dma_start3A_118] : memref<10016x64xf32, #tpu.memory_space<vmem_shared>> -> memref<128x64xf32, #tpu.memory_space<vmem_shared>>
      %dma_start3A_120 = arith.constant 0 : i32
      %dma_start3A_121 = arith.constant 0 : i32
      %dma_start3A_122 = tpu.memref_slice %arg12[%dma_start3A_120, %dma_start3A_121] : memref<128x64xf32, #tpu.memory_space<vmem>> -> memref<128x64xf32, #tpu.memory_space<vmem>>
      tpu.enqueue_dma source(%dma_start3A_122 : memref<128x64xf32, #tpu.memory_space<vmem>>) target(%dma_start3A_119 : memref<128x64xf32, #tpu.memory_space<vmem_shared>>) target_semaphore(%run_scoped3A : memref<!tpu.dma_semaphore, #tpu.memory_space<semaphore_mem>>)
      %dma_wait3A = arith.constant 0 : i32
      %dma_wait3A_123 = arith.constant 0 : i32
      %dma_wait3A_124 = tpu.memref_slice %arg12[%dma_wait3A, %dma_wait3A_123] : memref<128x64xf32, #tpu.memory_space<vmem>> -> memref<128x64xf32, #tpu.memory_space<vmem>>
      %dma_wait3A_125 = arith.constant 0 : i32
      %dma_wait3A_126 = tpu.memref_slice %arg7[%add3A_27, %dma_wait3A_125] : memref<10016x64xf32, #tpu.memory_space<vmem_shared>> -> memref<128x64xf32, #tpu.memory_space<vmem_shared>>
      %dma_wait3A_127 = arith.constant 0 : i32
      %dma_wait3A_128 = tpu.memref_slice %arg7[%add3A_27, %dma_wait3A_127] : memref<10016x64xf32, #tpu.memory_space<vmem_shared>> -> memref<128x64xf32, #tpu.memory_space<vmem_shared>>
      %dma_wait3A_129 = arith.constant 0 : i32
      %dma_wait3A_130 = arith.constant 0 : i32
      %dma_wait3A_131 = tpu.memref_slice %arg12[%dma_wait3A_129, %dma_wait3A_130] : memref<128x64xf32, #tpu.memory_space<vmem>> -> memref<128x64xf32, #tpu.memory_space<vmem>>
      tpu.wait_dma2 semaphore(%run_scoped3A : memref<!tpu.dma_semaphore, #tpu.memory_space<semaphore_mem>>) src(%dma_wait3A_131 : memref<128x64xf32, #tpu.memory_space<vmem>>) dst(%dma_wait3A_128 : memref<128x64xf32, #tpu.memory_space<vmem_shared>>)
      tpu.yield
    }) : () -> ()
    %scan3A_28 = arith.constant 0 : i32
    %scan3A_29 = arith.constant 0 : i32
    %scan3A_30 = arith.constant 128 : i32
    %scan3A_31 = arith.addi %scan3A_29, %scan3A_30 : i32
    %scan3A_32 = arith.constant 1 : i32
    %scan3A_33 = scf.for %scan3A_114 = %scan3A_29 to %scan3A_31 step %scan3A_32 iter_args(%scan3A_115 = %scan3A_28) -> (i32)  : i32 {
      %get3A = arith.index_cast %scan3A_114 : i32 to index
      %get3A_116 = arith.constant 0 : index
      %get3A_117 = tpu.vector_load %arg11[%get3A, %get3A_116] {strides = array<i32>} : memref<128x64xf32, #tpu.memory_space<vmem>>, vector<1x16xf32>,
      %get3A_118 = vector.shape_cast %get3A_117 : vector<1x16xf32> to vector<16xf32>
      %max3A = arith.constant 1.000000e+00 : f32
      %max3A_119 = vector.broadcast %max3A : f32 to vector<16xf32>
      %max3A_120 = arith.maximumf %get3A_118, %max3A_119 : vector<16xf32>
      %broadcast_in_dim3A = arith.constant 1.000000e+00 : f32
      %broadcast_in_dim3A_121 = vector.broadcast %broadcast_in_dim3A : f32 to vector<16xf32>
      %ge3A = arith.constant 4.000000e+00 : f32
      %ge3A_122 = vector.broadcast %ge3A : f32 to vector<16xf32>
      %ge3A_123 = arith.cmpf oge, %max3A_120, %ge3A_122 : vector<16xf32>
      %broadcast_in_dim3A_124 = arith.constant 5.000000e-01 : f32
      %broadcast_in_dim3A_125 = vector.broadcast %broadcast_in_dim3A_124 : f32 to vector<16xf32>
      %select_n3A = arith.select %ge3A_123, %broadcast_in_dim3A_125, %broadcast_in_dim3A_121 : vector<16xi1>, vector<16xf32>
      %ge3A_126 = arith.constant 1.600000e+01 : f32
      %ge3A_127 = vector.broadcast %ge3A_126 : f32 to vector<16xf32>
      %ge3A_128 = arith.cmpf oge, %max3A_120, %ge3A_127 : vector<16xf32>
      %broadcast_in_dim3A_129 = arith.constant 2.500000e-01 : f32
      %broadcast_in_dim3A_130 = vector.broadcast %broadcast_in_dim3A_129 : f32 to vector<16xf32>
      %select_n3A_131 = arith.select %ge3A_128, %broadcast_in_dim3A_130, %select_n3A : vector<16xi1>, vector<16xf32>
      %ge3A_132 = arith.constant 6.400000e+01 : f32
      %ge3A_133 = vector.broadcast %ge3A_132 : f32 to vector<16xf32>
      %ge3A_134 = arith.cmpf oge, %max3A_120, %ge3A_133 : vector<16xf32>
      %broadcast_in_dim3A_135 = arith.constant 1.250000e-01 : f32
      %broadcast_in_dim3A_136 = vector.broadcast %broadcast_in_dim3A_135 : f32 to vector<16xf32>
      %select_n3A_137 = arith.select %ge3A_134, %broadcast_in_dim3A_136, %select_n3A_131 : vector<16xi1>, vector<16xf32>
      %ge3A_138 = arith.constant 2.560000e+02 : f32
      %ge3A_139 = vector.broadcast %ge3A_138 : f32 to vector<16xf32>
      %ge3A_140 = arith.cmpf oge, %max3A_120, %ge3A_139 : vector<16xf32>
      %broadcast_in_dim3A_141 = arith.constant 6.250000e-02 : f32
      %broadcast_in_dim3A_142 = vector.broadcast %broadcast_in_dim3A_141 : f32 to vector<16xf32>
      %select_n3A_143 = arith.select %ge3A_140, %broadcast_in_dim3A_142, %select_n3A_137 : vector<16xi1>, vector<16xf32>
      %ge3A_144 = arith.constant 1.024000e+03 : f32
      %ge3A_145 = vector.broadcast %ge3A_144 : f32 to vector<16xf32>
      %ge3A_146 = arith.cmpf oge, %max3A_120, %ge3A_145 : vector<16xf32>
      %broadcast_in_dim3A_147 = arith.constant 3.125000e-02 : f32
      %broadcast_in_dim3A_148 = vector.broadcast %broadcast_in_dim3A_147 : f32 to vector<16xf32>
      %select_n3A_149 = arith.select %ge3A_146, %broadcast_in_dim3A_148, %select_n3A_143 : vector<16xi1>, vector<16xf32>
      %ge3A_150 = arith.constant 4.096000e+03 : f32
      %ge3A_151 = vector.broadcast %ge3A_150 : f32 to vector<16xf32>
      %ge3A_152 = arith.cmpf oge, %max3A_120, %ge3A_151 : vector<16xf32>
      %broadcast_in_dim3A_153 = arith.constant 1.562500e-02 : f32
      %broadcast_in_dim3A_154 = vector.broadcast %broadcast_in_dim3A_153 : f32 to vector<16xf32>
      %select_n3A_155 = arith.select %ge3A_152, %broadcast_in_dim3A_154, %select_n3A_149 : vector<16xi1>, vector<16xf32>
      %ge3A_156 = arith.constant 1.638400e+04 : f32
      %ge3A_157 = vector.broadcast %ge3A_156 : f32 to vector<16xf32>
      %ge3A_158 = arith.cmpf oge, %max3A_120, %ge3A_157 : vector<16xf32>
      %broadcast_in_dim3A_159 = arith.constant 7.812500e-03 : f32
      %broadcast_in_dim3A_160 = vector.broadcast %broadcast_in_dim3A_159 : f32 to vector<16xf32>
      %select_n3A_161 = arith.select %ge3A_158, %broadcast_in_dim3A_160, %select_n3A_155 : vector<16xi1>, vector<16xf32>
      %ge3A_162 = arith.constant 6.553600e+04 : f32
      %ge3A_163 = vector.broadcast %ge3A_162 : f32 to vector<16xf32>
      %ge3A_164 = arith.cmpf oge, %max3A_120, %ge3A_163 : vector<16xf32>
      %broadcast_in_dim3A_165 = arith.constant 3.906250e-03 : f32
      %broadcast_in_dim3A_166 = vector.broadcast %broadcast_in_dim3A_165 : f32 to vector<16xf32>
      %select_n3A_167 = arith.select %ge3A_164, %broadcast_in_dim3A_166, %select_n3A_161 : vector<16xi1>, vector<16xf32>
      %ge3A_168 = arith.constant 2.621440e+05 : f32
      %ge3A_169 = vector.broadcast %ge3A_168 : f32 to vector<16xf32>
      %ge3A_170 = arith.cmpf oge, %max3A_120, %ge3A_169 : vector<16xf32>
      %broadcast_in_dim3A_171 = arith.constant 0.001953125 : f32
      %broadcast_in_dim3A_172 = vector.broadcast %broadcast_in_dim3A_171 : f32 to vector<16xf32>
      %select_n3A_173 = arith.select %ge3A_170, %broadcast_in_dim3A_172, %select_n3A_167 : vector<16xi1>, vector<16xf32>
      %mul3A_174 = arith.constant 0.699999988 : f32
      %mul3A_175 = vector.broadcast %mul3A_174 : f32 to vector<16xf32>
      %mul3A_176 = arith.mulf %select_n3A_173, %mul3A_175 : vector<16xf32>
      %mul3A_177 = arith.constant 5.000000e-01 : f32
      %mul3A_178 = vector.broadcast %mul3A_177 : f32 to vector<16xf32>
      %mul3A_179 = arith.mulf %mul3A_178, %max3A_120 : vector<16xf32>
      %mul3A_180 = arith.mulf %mul3A_179, %mul3A_176 : vector<16xf32>
      %mul3A_181 = arith.mulf %mul3A_180, %mul3A_176 : vector<16xf32>
      %sub3A = arith.constant 1.500000e+00 : f32
      %sub3A_182 = vector.broadcast %sub3A : f32 to vector<16xf32>
      %sub3A_183 = arith.subf %sub3A_182, %mul3A_181 : vector<16xf32>
      %mul3A_184 = arith.mulf %mul3A_176, %sub3A_183 : vector<16xf32>
      %mul3A_185 = arith.constant 5.000000e-01 : f32
      %mul3A_186 = vector.broadcast %mul3A_185 : f32 to vector<16xf32>
      %mul3A_187 = arith.mulf %mul3A_186, %max3A_120 : vector<16xf32>
      %mul3A_188 = arith.mulf %mul3A_187, %mul3A_184 : vector<16xf32>
      %mul3A_189 = arith.mulf %mul3A_188, %mul3A_184 : vector<16xf32>
      %sub3A_190 = arith.constant 1.500000e+00 : f32
      %sub3A_191 = vector.broadcast %sub3A_190 : f32 to vector<16xf32>
      %sub3A_192 = arith.subf %sub3A_191, %mul3A_189 : vector<16xf32>
      %mul3A_193 = arith.mulf %mul3A_184, %sub3A_192 : vector<16xf32>
      %mul3A_194 = arith.constant 5.000000e-01 : f32
      %mul3A_195 = vector.broadcast %mul3A_194 : f32 to vector<16xf32>
      %mul3A_196 = arith.mulf %mul3A_195, %max3A_120 : vector<16xf32>
      %mul3A_197 = arith.mulf %mul3A_196, %mul3A_193 : vector<16xf32>
      %mul3A_198 = arith.mulf %mul3A_197, %mul3A_193 : vector<16xf32>
      %sub3A_199 = arith.constant 1.500000e+00 : f32
      %sub3A_200 = vector.broadcast %sub3A_199 : f32 to vector<16xf32>
      %sub3A_201 = arith.subf %sub3A_200, %mul3A_198 : vector<16xf32>
      %mul3A_202 = arith.mulf %mul3A_193, %sub3A_201 : vector<16xf32>
      %mul3A_203 = arith.constant 5.000000e-01 : f32
      %mul3A_204 = vector.broadcast %mul3A_203 : f32 to vector<16xf32>
      %mul3A_205 = arith.mulf %mul3A_204, %max3A_120 : vector<16xf32>
      %mul3A_206 = arith.mulf %mul3A_205, %mul3A_202 : vector<16xf32>
      %mul3A_207 = arith.mulf %mul3A_206, %mul3A_202 : vector<16xf32>
      %sub3A_208 = arith.constant 1.500000e+00 : f32
      %sub3A_209 = vector.broadcast %sub3A_208 : f32 to vector<16xf32>
      %sub3A_210 = arith.subf %sub3A_209, %mul3A_207 : vector<16xf32>
      %mul3A_211 = arith.mulf %mul3A_202, %sub3A_210 : vector<16xf32>
      %mul3A_212 = arith.constant 5.000000e-01 : f32
      %mul3A_213 = vector.broadcast %mul3A_212 : f32 to vector<16xf32>
      %mul3A_214 = arith.mulf %mul3A_213, %max3A_120 : vector<16xf32>
      %mul3A_215 = arith.mulf %mul3A_214, %mul3A_211 : vector<16xf32>
      %mul3A_216 = arith.mulf %mul3A_215, %mul3A_211 : vector<16xf32>
      %sub3A_217 = arith.constant 1.500000e+00 : f32
      %sub3A_218 = vector.broadcast %sub3A_217 : f32 to vector<16xf32>
      %sub3A_219 = arith.subf %sub3A_218, %mul3A_216 : vector<16xf32>
      %mul3A_220 = arith.mulf %mul3A_211, %sub3A_219 : vector<16xf32>
      %mul3A_221 = arith.constant 5.000000e-01 : f32
      %mul3A_222 = vector.broadcast %mul3A_221 : f32 to vector<16xf32>
      %mul3A_223 = arith.mulf %mul3A_222, %max3A_120 : vector<16xf32>
      %mul3A_224 = arith.mulf %mul3A_223, %mul3A_220 : vector<16xf32>
      %mul3A_225 = arith.mulf %mul3A_224, %mul3A_220 : vector<16xf32>
      %sub3A_226 = arith.constant 1.500000e+00 : f32
      %sub3A_227 = vector.broadcast %sub3A_226 : f32 to vector<16xf32>
      %sub3A_228 = arith.subf %sub3A_227, %mul3A_225 : vector<16xf32>
      %mul3A_229 = arith.mulf %mul3A_220, %sub3A_228 : vector<16xf32>
      %add3A_230 = arith.constant 0 : i32
      %add3A_231 = arith.addi %add3A_230, %scan3A_114 : i32
      %swap3A = arith.index_cast %add3A_231 : i32 to index
      %swap3A_232 = arith.constant 0 : index
      %swap3A_233 = tpu.vector_load %arg13[%swap3A, %swap3A_232] {strides = array<i32>} : memref<625x16xf32, #tpu.memory_space<vmem>>, vector<1x16xf32>,
      %swap3A_234 = vector.shape_cast %swap3A_233 : vector<1x16xf32> to vector<16xf32>
      %swap3A_235 = vector.shape_cast %mul3A_229 : vector<16xf32> to vector<1x16xf32>
      tpu.vector_store %arg13[%swap3A, %swap3A_232], %swap3A_235 {strides = array<i32>} : memref<625x16xf32, #tpu.memory_space<vmem>>, vector<1x16xf32>,
      %scan3A_236 = arith.constant 0 : i32
      scf.yield %scan3A_236 : i32
    }
    %scan3A_34 = arith.constant 128 : i32
    "tpu.region"() ({
      %run_scoped3A = tpu.sem_alloc : memref<!tpu.dma_semaphore, #tpu.memory_space<semaphore_mem>>
      %dma_start3A = arith.constant 0 : i32
      %dma_start3A_114 = arith.constant 0 : i32
      %dma_start3A_115 = tpu.memref_slice %arg11[%dma_start3A, %dma_start3A_114] : memref<128x64xf32, #tpu.memory_space<vmem>> -> memref<128x64xf32, #tpu.memory_space<vmem>>
      %dma_start3A_116 = tpu.memref_slice %arg2[%add3A_27, %mul3A_2] : memref<10000x128xf32, #tpu.memory_space<hbm>> -> memref<128x64xf32, #tpu.memory_space<hbm>>
      %dma_start3A_117 = arith.constant 0 : i32
      %dma_start3A_118 = arith.constant 0 : i32
      %dma_start3A_119 = tpu.memref_slice %arg11[%dma_start3A_117, %dma_start3A_118] : memref<128x64xf32, #tpu.memory_space<vmem>> -> memref<128x64xf32, #tpu.memory_space<vmem>>
      %dma_start3A_120 = tpu.memref_slice %arg2[%add3A_27, %mul3A_2] : memref<10000x128xf32, #tpu.memory_space<hbm>> -> memref<128x64xf32, #tpu.memory_space<hbm>>
      tpu.enqueue_dma source(%dma_start3A_120 : memref<128x64xf32, #tpu.memory_space<hbm>>) target(%dma_start3A_119 : memref<128x64xf32, #tpu.memory_space<vmem>>) target_semaphore(%run_scoped3A : memref<!tpu.dma_semaphore, #tpu.memory_space<semaphore_mem>>)
      %dma_wait3A = arith.constant 0 : i32
      %dma_wait3A_121 = arith.constant 0 : i32
      %dma_wait3A_122 = tpu.memref_slice %arg11[%dma_wait3A, %dma_wait3A_121] : memref<128x64xf32, #tpu.memory_space<vmem>> -> memref<128x64xf32, #tpu.memory_space<vmem>>
      %dma_wait3A_123 = tpu.memref_slice %arg2[%add3A_27, %mul3A_2] : memref<10000x128xf32, #tpu.memory_space<hbm>> -> memref<128x64xf32, #tpu.memory_space<hbm>>
      %dma_wait3A_124 = arith.constant 0 : i32
      %dma_wait3A_125 = arith.constant 0 : i32
      %dma_wait3A_126 = tpu.memref_slice %arg11[%dma_wait3A_124, %dma_wait3A_125] : memref<128x64xf32, #tpu.memory_space<vmem>> -> memref<128x64xf32, #tpu.memory_space<vmem>>
      %dma_wait3A_127 = tpu.memref_slice %arg2[%add3A_27, %mul3A_2] : memref<10000x128xf32, #tpu.memory_space<hbm>> -> memref<128x64xf32, #tpu.memory_space<hbm>>
      tpu.wait_dma2 semaphore(%run_scoped3A : memref<!tpu.dma_semaphore, #tpu.memory_space<semaphore_mem>>) src(%dma_wait3A_127 : memref<128x64xf32, #tpu.memory_space<hbm>>) dst(%dma_wait3A_126 : memref<128x64xf32, #tpu.memory_space<vmem>>)
      tpu.yield
    }) : () -> ()
    %scan3A_35 = arith.constant 0 : i32
    %scan3A_36 = arith.constant 0 : i32
    %scan3A_37 = arith.constant 128 : i32
    %scan3A_38 = arith.addi %scan3A_36, %scan3A_37 : i32
    %scan3A_39 = arith.constant 1 : i32
    %scan3A_40 = scf.for %scan3A_114 = %scan3A_36 to %scan3A_38 step %scan3A_39 iter_args(%scan3A_115 = %scan3A_35) -> (i32)  : i32 {
      %add3A_116 = arith.constant 0 : i32
      %add3A_117 = arith.addi %add3A_116, %scan3A_114 : i32
      %get3A = arith.index_cast %add3A_117 : i32 to index
      %get3A_118 = arith.constant 0 : index
      %get3A_119 = tpu.vector_load %arg13[%get3A, %get3A_118] {strides = array<i32>} : memref<625x16xf32, #tpu.memory_space<vmem>>, vector<1x16xf32>,
      %get3A_120 = vector.shape_cast %get3A_119 : vector<1x16xf32> to vector<16xf32>
      %get3A_121 = arith.index_cast %scan3A_114 : i32 to index
      %get3A_122 = arith.constant 0 : index
      %get3A_123 = tpu.vector_load %arg11[%get3A_121, %get3A_122] {strides = array<i32>} : memref<128x64xf32, #tpu.memory_space<vmem>>, vector<1x16xf32>,
      %get3A_124 = vector.shape_cast %get3A_123 : vector<1x16xf32> to vector<16xf32>
      %mul3A_125 = arith.mulf %get3A_120, %get3A_124 : vector<16xf32>
      %swap3A = arith.index_cast %scan3A_114 : i32 to index
      %swap3A_126 = arith.constant 0 : index
      %swap3A_127 = tpu.vector_load %arg11[%swap3A, %swap3A_126] {strides = array<i32>} : memref<128x64xf32, #tpu.memory_space<vmem>>, vector<1x16xf32>,
      %swap3A_128 = vector.shape_cast %swap3A_127 : vector<1x16xf32> to vector<16xf32>
      %swap3A_129 = vector.shape_cast %mul3A_125 : vector<16xf32> to vector<1x16xf32>
      tpu.vector_store %arg11[%swap3A, %swap3A_126], %swap3A_129 {strides = array<i32>} : memref<128x64xf32, #tpu.memory_space<vmem>>, vector<1x16xf32>,
      %get3A_130 = arith.index_cast %scan3A_114 : i32 to index
      %get3A_131 = arith.constant 16 : index
      %get3A_132 = tpu.vector_load %arg11[%get3A_130, %get3A_131] {strides = array<i32>} : memref<128x64xf32, #tpu.memory_space<vmem>>, vector<1x16xf32>,
      %get3A_133 = vector.shape_cast %get3A_132 : vector<1x16xf32> to vector<16xf32>
      %mul3A_134 = arith.mulf %get3A_120, %get3A_133 : vector<16xf32>
      %swap3A_135 = arith.index_cast %scan3A_114 : i32 to index
      %swap3A_136 = arith.constant 16 : index
      %swap3A_137 = tpu.vector_load %arg11[%swap3A_135, %swap3A_136] {strides = array<i32>} : memref<128x64xf32, #tpu.memory_space<vmem>>, vector<1x16xf32>,
      %swap3A_138 = vector.shape_cast %swap3A_137 : vector<1x16xf32> to vector<16xf32>
      %swap3A_139 = vector.shape_cast %mul3A_134 : vector<16xf32> to vector<1x16xf32>
      tpu.vector_store %arg11[%swap3A_135, %swap3A_136], %swap3A_139 {strides = array<i32>} : memref<128x64xf32, #tpu.memory_space<vmem>>, vector<1x16xf32>,
      %get3A_140 = arith.index_cast %scan3A_114 : i32 to index
      %get3A_141 = arith.constant 32 : index
      %get3A_142 = tpu.vector_load %arg11[%get3A_140, %get3A_141] {strides = array<i32>} : memref<128x64xf32, #tpu.memory_space<vmem>>, vector<1x16xf32>,
      %get3A_143 = vector.shape_cast %get3A_142 : vector<1x16xf32> to vector<16xf32>
      %mul3A_144 = arith.mulf %get3A_120, %get3A_143 : vector<16xf32>
      %swap3A_145 = arith.index_cast %scan3A_114 : i32 to index
      %swap3A_146 = arith.constant 32 : index
      %swap3A_147 = tpu.vector_load %arg11[%swap3A_145, %swap3A_146] {strides = array<i32>} : memref<128x64xf32, #tpu.memory_space<vmem>>, vector<1x16xf32>,
      %swap3A_148 = vector.shape_cast %swap3A_147 : vector<1x16xf32> to vector<16xf32>
      %swap3A_149 = vector.shape_cast %mul3A_144 : vector<16xf32> to vector<1x16xf32>
      tpu.vector_store %arg11[%swap3A_145, %swap3A_146], %swap3A_149 {strides = array<i32>} : memref<128x64xf32, #tpu.memory_space<vmem>>, vector<1x16xf32>,
      %get3A_150 = arith.index_cast %scan3A_114 : i32 to index
      %get3A_151 = arith.constant 48 : index
      %get3A_152 = tpu.vector_load %arg11[%get3A_150, %get3A_151] {strides = array<i32>} : memref<128x64xf32, #tpu.memory_space<vmem>>, vector<1x16xf32>,
      %get3A_153 = vector.shape_cast %get3A_152 : vector<1x16xf32> to vector<16xf32>
      %mul3A_154 = arith.mulf %get3A_120, %get3A_153 : vector<16xf32>
      %swap3A_155 = arith.index_cast %scan3A_114 : i32 to index
      %swap3A_156 = arith.constant 48 : index
      %swap3A_157 = tpu.vector_load %arg11[%swap3A_155, %swap3A_156] {strides = array<i32>} : memref<128x64xf32, #tpu.memory_space<vmem>>, vector<1x16xf32>,
      %swap3A_158 = vector.shape_cast %swap3A_157 : vector<1x16xf32> to vector<16xf32>
      %swap3A_159 = vector.shape_cast %mul3A_154 : vector<16xf32> to vector<1x16xf32>
      tpu.vector_store %arg11[%swap3A_155, %swap3A_156], %swap3A_159 {strides = array<i32>} : memref<128x64xf32, #tpu.memory_space<vmem>>, vector<1x16xf32>,
      %scan3A_160 = arith.constant 0 : i32
      scf.yield %scan3A_160 : i32
    }
    %scan3A_41 = arith.constant 128 : i32
    "tpu.region"() ({
      %run_scoped3A = tpu.sem_alloc : memref<!tpu.dma_semaphore, #tpu.memory_space<semaphore_mem>>
      %dma_start3A = arith.constant 0 : i32
      %dma_start3A_114 = arith.constant 0 : i32
      %dma_start3A_115 = tpu.memref_slice %arg11[%dma_start3A, %dma_start3A_114] : memref<128x64xf32, #tpu.memory_space<vmem>> -> memref<128x64xf32, #tpu.memory_space<vmem>>
      %dma_start3A_116 = arith.constant 0 : i32
      %dma_start3A_117 = tpu.memref_slice %arg6[%add3A_27, %dma_start3A_116] : memref<10016x64xf32, #tpu.memory_space<vmem_shared>> -> memref<128x64xf32, #tpu.memory_space<vmem_shared>>
      %dma_start3A_118 = arith.constant 0 : i32
      %dma_start3A_119 = tpu.memref_slice %arg6[%add3A_27, %dma_start3A_118] : memref<10016x64xf32, #tpu.memory_space<vmem_shared>> -> memref<128x64xf32, #tpu.memory_space<vmem_shared>>
      %dma_start3A_120 = arith.constant 0 : i32
      %dma_start3A_121 = arith.constant 0 : i32
      %dma_start3A_122 = tpu.memref_slice %arg11[%dma_start3A_120, %dma_start3A_121] : memref<128x64xf32, #tpu.memory_space<vmem>> -> memref<128x64xf32, #tpu.memory_space<vmem>>
      tpu.enqueue_dma source(%dma_start3A_122 : memref<128x64xf32, #tpu.memory_space<vmem>>) target(%dma_start3A_119 : memref<128x64xf32, #tpu.memory_space<vmem_shared>>) target_semaphore(%run_scoped3A : memref<!tpu.dma_semaphore, #tpu.memory_space<semaphore_mem>>)
      %dma_wait3A = arith.constant 0 : i32
      %dma_wait3A_123 = arith.constant 0 : i32
      %dma_wait3A_124 = tpu.memref_slice %arg11[%dma_wait3A, %dma_wait3A_123] : memref<128x64xf32, #tpu.memory_space<vmem>> -> memref<128x64xf32, #tpu.memory_space<vmem>>
      %dma_wait3A_125 = arith.constant 0 : i32
      %dma_wait3A_126 = tpu.memref_slice %arg6[%add3A_27, %dma_wait3A_125] : memref<10016x64xf32, #tpu.memory_space<vmem_shared>> -> memref<128x64xf32, #tpu.memory_space<vmem_shared>>
      %dma_wait3A_127 = arith.constant 0 : i32
      %dma_wait3A_128 = tpu.memref_slice %arg6[%add3A_27, %dma_wait3A_127] : memref<10016x64xf32, #tpu.memory_space<vmem_shared>> -> memref<128x64xf32, #tpu.memory_space<vmem_shared>>
      %dma_wait3A_129 = arith.constant 0 : i32
      %dma_wait3A_130 = arith.constant 0 : i32
      %dma_wait3A_131 = tpu.memref_slice %arg11[%dma_wait3A_129, %dma_wait3A_130] : memref<128x64xf32, #tpu.memory_space<vmem>> -> memref<128x64xf32, #tpu.memory_space<vmem>>
      tpu.wait_dma2 semaphore(%run_scoped3A : memref<!tpu.dma_semaphore, #tpu.memory_space<semaphore_mem>>) src(%dma_wait3A_131 : memref<128x64xf32, #tpu.memory_space<vmem>>) dst(%dma_wait3A_128 : memref<128x64xf32, #tpu.memory_space<vmem_shared>>)
      tpu.yield
    }) : () -> ()
    %add3A_42 = arith.constant 128 : i32
    %add3A_43 = arith.addi %mul3A_0, %add3A_42 : i32
    "tpu.region"() ({
      %run_scoped3A = tpu.sem_alloc : memref<!tpu.dma_semaphore, #tpu.memory_space<semaphore_mem>>
      %dma_start3A = arith.constant 0 : i32
      %dma_start3A_114 = arith.constant 0 : i32
      %dma_start3A_115 = tpu.memref_slice %arg11[%dma_start3A, %dma_start3A_114] : memref<128x64xf32, #tpu.memory_space<vmem>> -> memref<128x64xf32, #tpu.memory_space<vmem>>
      %dma_start3A_116 = arith.constant 0 : i32
      %dma_start3A_117 = tpu.memref_slice %arg7[%add3A_43, %dma_start3A_116] : memref<10016x64xf32, #tpu.memory_space<vmem_shared>> -> memref<128x64xf32, #tpu.memory_space<vmem_shared>>
      %dma_start3A_118 = arith.constant 0 : i32
      %dma_start3A_119 = arith.constant 0 : i32
      %dma_start3A_120 = tpu.memref_slice %arg11[%dma_start3A_118, %dma_start3A_119] : memref<128x64xf32, #tpu.memory_space<vmem>> -> memref<128x64xf32, #tpu.memory_space<vmem>>
      %dma_start3A_121 = arith.constant 0 : i32
      %dma_start3A_122 = tpu.memref_slice %arg7[%add3A_43, %dma_start3A_121] : memref<10016x64xf32, #tpu.memory_space<vmem_shared>> -> memref<128x64xf32, #tpu.memory_space<vmem_shared>>
      tpu.enqueue_dma source(%dma_start3A_122 : memref<128x64xf32, #tpu.memory_space<vmem_shared>>) target(%dma_start3A_120 : memref<128x64xf32, #tpu.memory_space<vmem>>) target_semaphore(%run_scoped3A : memref<!tpu.dma_semaphore, #tpu.memory_space<semaphore_mem>>)
      %dma_wait3A = arith.constant 0 : i32
      %dma_wait3A_123 = arith.constant 0 : i32
      %dma_wait3A_124 = tpu.memref_slice %arg11[%dma_wait3A, %dma_wait3A_123] : memref<128x64xf32, #tpu.memory_space<vmem>> -> memref<128x64xf32, #tpu.memory_space<vmem>>
      %dma_wait3A_125 = arith.constant 0 : i32
      %dma_wait3A_126 = tpu.memref_slice %arg7[%add3A_43, %dma_wait3A_125] : memref<10016x64xf32, #tpu.memory_space<vmem_shared>> -> memref<128x64xf32, #tpu.memory_space<vmem_shared>>
      %dma_wait3A_127 = arith.constant 0 : i32
      %dma_wait3A_128 = arith.constant 0 : i32
      %dma_wait3A_129 = tpu.memref_slice %arg11[%dma_wait3A_127, %dma_wait3A_128] : memref<128x64xf32, #tpu.memory_space<vmem>> -> memref<128x64xf32, #tpu.memory_space<vmem>>
      %dma_wait3A_130 = arith.constant 0 : i32
      %dma_wait3A_131 = tpu.memref_slice %arg7[%add3A_43, %dma_wait3A_130] : memref<10016x64xf32, #tpu.memory_space<vmem_shared>> -> memref<128x64xf32, #tpu.memory_space<vmem_shared>>
      tpu.wait_dma2 semaphore(%run_scoped3A : memref<!tpu.dma_semaphore, #tpu.memory_space<semaphore_mem>>) src(%dma_wait3A_131 : memref<128x64xf32, #tpu.memory_space<vmem_shared>>) dst(%dma_wait3A_129 : memref<128x64xf32, #tpu.memory_space<vmem>>)
      tpu.yield
    }) : () -> ()
    "tpu.region"() ({
      %run_scoped3A = tpu.sem_alloc : memref<!tpu.dma_semaphore, #tpu.memory_space<semaphore_mem>>
      %dma_start3A = arith.constant 0 : i32
      %dma_start3A_114 = arith.constant 0 : i32
      %dma_start3A_115 = tpu.memref_slice %arg12[%dma_start3A, %dma_start3A_114] : memref<128x64xf32, #tpu.memory_space<vmem>> -> memref<128x64xf32, #tpu.memory_space<vmem>>
      %dma_start3A_116 = arith.constant 0 : i32
      %dma_start3A_117 = tpu.memref_slice %arg7[%add3A_43, %dma_start3A_116] : memref<10016x64xf32, #tpu.memory_space<vmem_shared>> -> memref<128x64xf32, #tpu.memory_space<vmem_shared>>
      %dma_start3A_118 = arith.constant 0 : i32
      %dma_start3A_119 = tpu.memref_slice %arg7[%add3A_43, %dma_start3A_118] : memref<10016x64xf32, #tpu.memory_space<vmem_shared>> -> memref<128x64xf32, #tpu.memory_space<vmem_shared>>
      %dma_start3A_120 = arith.constant 0 : i32
      %dma_start3A_121 = arith.constant 0 : i32
      %dma_start3A_122 = tpu.memref_slice %arg12[%dma_start3A_120, %dma_start3A_121] : memref<128x64xf32, #tpu.memory_space<vmem>> -> memref<128x64xf32, #tpu.memory_space<vmem>>
      tpu.enqueue_dma source(%dma_start3A_122 : memref<128x64xf32, #tpu.memory_space<vmem>>) target(%dma_start3A_119 : memref<128x64xf32, #tpu.memory_space<vmem_shared>>) target_semaphore(%run_scoped3A : memref<!tpu.dma_semaphore, #tpu.memory_space<semaphore_mem>>)
      %dma_wait3A = arith.constant 0 : i32
      %dma_wait3A_123 = arith.constant 0 : i32
      %dma_wait3A_124 = tpu.memref_slice %arg12[%dma_wait3A, %dma_wait3A_123] : memref<128x64xf32, #tpu.memory_space<vmem>> -> memref<128x64xf32, #tpu.memory_space<vmem>>
      %dma_wait3A_125 = arith.constant 0 : i32
      %dma_wait3A_126 = tpu.memref_slice %arg7[%add3A_43, %dma_wait3A_125] : memref<10016x64xf32, #tpu.memory_space<vmem_shared>> -> memref<128x64xf32, #tpu.memory_space<vmem_shared>>
      %dma_wait3A_127 = arith.constant 0 : i32
      %dma_wait3A_128 = tpu.memref_slice %arg7[%add3A_43, %dma_wait3A_127] : memref<10016x64xf32, #tpu.memory_space<vmem_shared>> -> memref<128x64xf32, #tpu.memory_space<vmem_shared>>
      %dma_wait3A_129 = arith.constant 0 : i32
      %dma_wait3A_130 = arith.constant 0 : i32
      %dma_wait3A_131 = tpu.memref_slice %arg12[%dma_wait3A_129, %dma_wait3A_130] : memref<128x64xf32, #tpu.memory_space<vmem>> -> memref<128x64xf32, #tpu.memory_space<vmem>>
      tpu.wait_dma2 semaphore(%run_scoped3A : memref<!tpu.dma_semaphore, #tpu.memory_space<semaphore_mem>>) src(%dma_wait3A_131 : memref<128x64xf32, #tpu.memory_space<vmem>>) dst(%dma_wait3A_128 : memref<128x64xf32, #tpu.memory_space<vmem_shared>>)
      tpu.yield
    }) : () -> ()
    %scan3A_44 = arith.constant 0 : i32
    %scan3A_45 = arith.constant 0 : i32
    %scan3A_46 = arith.constant 128 : i32
    %scan3A_47 = arith.addi %scan3A_45, %scan3A_46 : i32
    %scan3A_48 = arith.constant 1 : i32
    %scan3A_49 = scf.for %scan3A_114 = %scan3A_45 to %scan3A_47 step %scan3A_48 iter_args(%scan3A_115 = %scan3A_44) -> (i32)  : i32 {
      %get3A = arith.index_cast %scan3A_114 : i32 to index
      %get3A_116 = arith.constant 0 : index
      %get3A_117 = tpu.vector_load %arg11[%get3A, %get3A_116] {strides = array<i32>} : memref<128x64xf32, #tpu.memory_space<vmem>>, vector<1x16xf32>,
      %get3A_118 = vector.shape_cast %get3A_117 : vector<1x16xf32> to vector<16xf32>
      %max3A = arith.constant 1.000000e+00 : f32
      %max3A_119 = vector.broadcast %max3A : f32 to vector<16xf32>
      %max3A_120 = arith.maximumf %get3A_118, %max3A_119 : vector<16xf32>
      %broadcast_in_dim3A = arith.constant 1.000000e+00 : f32
      %broadcast_in_dim3A_121 = vector.broadcast %broadcast_in_dim3A : f32 to vector<16xf32>
      %ge3A = arith.constant 4.000000e+00 : f32
      %ge3A_122 = vector.broadcast %ge3A : f32 to vector<16xf32>
      %ge3A_123 = arith.cmpf oge, %max3A_120, %ge3A_122 : vector<16xf32>
      %broadcast_in_dim3A_124 = arith.constant 5.000000e-01 : f32
      %broadcast_in_dim3A_125 = vector.broadcast %broadcast_in_dim3A_124 : f32 to vector<16xf32>
      %select_n3A = arith.select %ge3A_123, %broadcast_in_dim3A_125, %broadcast_in_dim3A_121 : vector<16xi1>, vector<16xf32>
      %ge3A_126 = arith.constant 1.600000e+01 : f32
      %ge3A_127 = vector.broadcast %ge3A_126 : f32 to vector<16xf32>
      %ge3A_128 = arith.cmpf oge, %max3A_120, %ge3A_127 : vector<16xf32>
      %broadcast_in_dim3A_129 = arith.constant 2.500000e-01 : f32
      %broadcast_in_dim3A_130 = vector.broadcast %broadcast_in_dim3A_129 : f32 to vector<16xf32>
      %select_n3A_131 = arith.select %ge3A_128, %broadcast_in_dim3A_130, %select_n3A : vector<16xi1>, vector<16xf32>
      %ge3A_132 = arith.constant 6.400000e+01 : f32
      %ge3A_133 = vector.broadcast %ge3A_132 : f32 to vector<16xf32>
      %ge3A_134 = arith.cmpf oge, %max3A_120, %ge3A_133 : vector<16xf32>
      %broadcast_in_dim3A_135 = arith.constant 1.250000e-01 : f32
      %broadcast_in_dim3A_136 = vector.broadcast %broadcast_in_dim3A_135 : f32 to vector<16xf32>
      %select_n3A_137 = arith.select %ge3A_134, %broadcast_in_dim3A_136, %select_n3A_131 : vector<16xi1>, vector<16xf32>
      %ge3A_138 = arith.constant 2.560000e+02 : f32
      %ge3A_139 = vector.broadcast %ge3A_138 : f32 to vector<16xf32>
      %ge3A_140 = arith.cmpf oge, %max3A_120, %ge3A_139 : vector<16xf32>
      %broadcast_in_dim3A_141 = arith.constant 6.250000e-02 : f32
      %broadcast_in_dim3A_142 = vector.broadcast %broadcast_in_dim3A_141 : f32 to vector<16xf32>
      %select_n3A_143 = arith.select %ge3A_140, %broadcast_in_dim3A_142, %select_n3A_137 : vector<16xi1>, vector<16xf32>
      %ge3A_144 = arith.constant 1.024000e+03 : f32
      %ge3A_145 = vector.broadcast %ge3A_144 : f32 to vector<16xf32>
      %ge3A_146 = arith.cmpf oge, %max3A_120, %ge3A_145 : vector<16xf32>
      %broadcast_in_dim3A_147 = arith.constant 3.125000e-02 : f32
      %broadcast_in_dim3A_148 = vector.broadcast %broadcast_in_dim3A_147 : f32 to vector<16xf32>
      %select_n3A_149 = arith.select %ge3A_146, %broadcast_in_dim3A_148, %select_n3A_143 : vector<16xi1>, vector<16xf32>
      %ge3A_150 = arith.constant 4.096000e+03 : f32
      %ge3A_151 = vector.broadcast %ge3A_150 : f32 to vector<16xf32>
      %ge3A_152 = arith.cmpf oge, %max3A_120, %ge3A_151 : vector<16xf32>
      %broadcast_in_dim3A_153 = arith.constant 1.562500e-02 : f32
      %broadcast_in_dim3A_154 = vector.broadcast %broadcast_in_dim3A_153 : f32 to vector<16xf32>
      %select_n3A_155 = arith.select %ge3A_152, %broadcast_in_dim3A_154, %select_n3A_149 : vector<16xi1>, vector<16xf32>
      %ge3A_156 = arith.constant 1.638400e+04 : f32
      %ge3A_157 = vector.broadcast %ge3A_156 : f32 to vector<16xf32>
      %ge3A_158 = arith.cmpf oge, %max3A_120, %ge3A_157 : vector<16xf32>
      %broadcast_in_dim3A_159 = arith.constant 7.812500e-03 : f32
      %broadcast_in_dim3A_160 = vector.broadcast %broadcast_in_dim3A_159 : f32 to vector<16xf32>
      %select_n3A_161 = arith.select %ge3A_158, %broadcast_in_dim3A_160, %select_n3A_155 : vector<16xi1>, vector<16xf32>
      %ge3A_162 = arith.constant 6.553600e+04 : f32
      %ge3A_163 = vector.broadcast %ge3A_162 : f32 to vector<16xf32>
      %ge3A_164 = arith.cmpf oge, %max3A_120, %ge3A_163 : vector<16xf32>
      %broadcast_in_dim3A_165 = arith.constant 3.906250e-03 : f32
      %broadcast_in_dim3A_166 = vector.broadcast %broadcast_in_dim3A_165 : f32 to vector<16xf32>
      %select_n3A_167 = arith.select %ge3A_164, %broadcast_in_dim3A_166, %select_n3A_161 : vector<16xi1>, vector<16xf32>
      %ge3A_168 = arith.constant 2.621440e+05 : f32
      %ge3A_169 = vector.broadcast %ge3A_168 : f32 to vector<16xf32>
      %ge3A_170 = arith.cmpf oge, %max3A_120, %ge3A_169 : vector<16xf32>
      %broadcast_in_dim3A_171 = arith.constant 0.001953125 : f32
      %broadcast_in_dim3A_172 = vector.broadcast %broadcast_in_dim3A_171 : f32 to vector<16xf32>
      %select_n3A_173 = arith.select %ge3A_170, %broadcast_in_dim3A_172, %select_n3A_167 : vector<16xi1>, vector<16xf32>
      %mul3A_174 = arith.constant 0.699999988 : f32
      %mul3A_175 = vector.broadcast %mul3A_174 : f32 to vector<16xf32>
      %mul3A_176 = arith.mulf %select_n3A_173, %mul3A_175 : vector<16xf32>
      %mul3A_177 = arith.constant 5.000000e-01 : f32
      %mul3A_178 = vector.broadcast %mul3A_177 : f32 to vector<16xf32>
      %mul3A_179 = arith.mulf %mul3A_178, %max3A_120 : vector<16xf32>
      %mul3A_180 = arith.mulf %mul3A_179, %mul3A_176 : vector<16xf32>
      %mul3A_181 = arith.mulf %mul3A_180, %mul3A_176 : vector<16xf32>
      %sub3A = arith.constant 1.500000e+00 : f32
      %sub3A_182 = vector.broadcast %sub3A : f32 to vector<16xf32>
      %sub3A_183 = arith.subf %sub3A_182, %mul3A_181 : vector<16xf32>
      %mul3A_184 = arith.mulf %mul3A_176, %sub3A_183 : vector<16xf32>
      %mul3A_185 = arith.constant 5.000000e-01 : f32
      %mul3A_186 = vector.broadcast %mul3A_185 : f32 to vector<16xf32>
      %mul3A_187 = arith.mulf %mul3A_186, %max3A_120 : vector<16xf32>
      %mul3A_188 = arith.mulf %mul3A_187, %mul3A_184 : vector<16xf32>
      %mul3A_189 = arith.mulf %mul3A_188, %mul3A_184 : vector<16xf32>
      %sub3A_190 = arith.constant 1.500000e+00 : f32
      %sub3A_191 = vector.broadcast %sub3A_190 : f32 to vector<16xf32>
      %sub3A_192 = arith.subf %sub3A_191, %mul3A_189 : vector<16xf32>
      %mul3A_193 = arith.mulf %mul3A_184, %sub3A_192 : vector<16xf32>
      %mul3A_194 = arith.constant 5.000000e-01 : f32
      %mul3A_195 = vector.broadcast %mul3A_194 : f32 to vector<16xf32>
      %mul3A_196 = arith.mulf %mul3A_195, %max3A_120 : vector<16xf32>
      %mul3A_197 = arith.mulf %mul3A_196, %mul3A_193 : vector<16xf32>
      %mul3A_198 = arith.mulf %mul3A_197, %mul3A_193 : vector<16xf32>
      %sub3A_199 = arith.constant 1.500000e+00 : f32
      %sub3A_200 = vector.broadcast %sub3A_199 : f32 to vector<16xf32>
      %sub3A_201 = arith.subf %sub3A_200, %mul3A_198 : vector<16xf32>
      %mul3A_202 = arith.mulf %mul3A_193, %sub3A_201 : vector<16xf32>
      %mul3A_203 = arith.constant 5.000000e-01 : f32
      %mul3A_204 = vector.broadcast %mul3A_203 : f32 to vector<16xf32>
      %mul3A_205 = arith.mulf %mul3A_204, %max3A_120 : vector<16xf32>
      %mul3A_206 = arith.mulf %mul3A_205, %mul3A_202 : vector<16xf32>
      %mul3A_207 = arith.mulf %mul3A_206, %mul3A_202 : vector<16xf32>
      %sub3A_208 = arith.constant 1.500000e+00 : f32
      %sub3A_209 = vector.broadcast %sub3A_208 : f32 to vector<16xf32>
      %sub3A_210 = arith.subf %sub3A_209, %mul3A_207 : vector<16xf32>
      %mul3A_211 = arith.mulf %mul3A_202, %sub3A_210 : vector<16xf32>
      %mul3A_212 = arith.constant 5.000000e-01 : f32
      %mul3A_213 = vector.broadcast %mul3A_212 : f32 to vector<16xf32>
      %mul3A_214 = arith.mulf %mul3A_213, %max3A_120 : vector<16xf32>
      %mul3A_215 = arith.mulf %mul3A_214, %mul3A_211 : vector<16xf32>
      %mul3A_216 = arith.mulf %mul3A_215, %mul3A_211 : vector<16xf32>
      %sub3A_217 = arith.constant 1.500000e+00 : f32
      %sub3A_218 = vector.broadcast %sub3A_217 : f32 to vector<16xf32>
      %sub3A_219 = arith.subf %sub3A_218, %mul3A_216 : vector<16xf32>
      %mul3A_220 = arith.mulf %mul3A_211, %sub3A_219 : vector<16xf32>
      %mul3A_221 = arith.constant 5.000000e-01 : f32
      %mul3A_222 = vector.broadcast %mul3A_221 : f32 to vector<16xf32>
      %mul3A_223 = arith.mulf %mul3A_222, %max3A_120 : vector<16xf32>
      %mul3A_224 = arith.mulf %mul3A_223, %mul3A_220 : vector<16xf32>
      %mul3A_225 = arith.mulf %mul3A_224, %mul3A_220 : vector<16xf32>
      %sub3A_226 = arith.constant 1.500000e+00 : f32
      %sub3A_227 = vector.broadcast %sub3A_226 : f32 to vector<16xf32>
      %sub3A_228 = arith.subf %sub3A_227, %mul3A_225 : vector<16xf32>
      %mul3A_229 = arith.mulf %mul3A_220, %sub3A_228 : vector<16xf32>
      %add3A_230 = arith.constant 128 : i32
      %add3A_231 = arith.addi %add3A_230, %scan3A_114 : i32
      %swap3A = arith.index_cast %add3A_231 : i32 to index
      %swap3A_232 = arith.constant 0 : index
      %swap3A_233 = tpu.vector_load %arg13[%swap3A, %swap3A_232] {strides = array<i32>} : memref<625x16xf32, #tpu.memory_space<vmem>>, vector<1x16xf32>,
      %swap3A_234 = vector.shape_cast %swap3A_233 : vector<1x16xf32> to vector<16xf32>
      %swap3A_235 = vector.shape_cast %mul3A_229 : vector<16xf32> to vector<1x16xf32>
      tpu.vector_store %arg13[%swap3A, %swap3A_232], %swap3A_235 {strides = array<i32>} : memref<625x16xf32, #tpu.memory_space<vmem>>, vector<1x16xf32>,
      %scan3A_236 = arith.constant 0 : i32
      scf.yield %scan3A_236 : i32
    }
    %scan3A_50 = arith.constant 128 : i32
    "tpu.region"() ({
      %run_scoped3A = tpu.sem_alloc : memref<!tpu.dma_semaphore, #tpu.memory_space<semaphore_mem>>
      %dma_start3A = arith.constant 0 : i32
      %dma_start3A_114 = arith.constant 0 : i32
      %dma_start3A_115 = tpu.memref_slice %arg11[%dma_start3A, %dma_start3A_114] : memref<128x64xf32, #tpu.memory_space<vmem>> -> memref<128x64xf32, #tpu.memory_space<vmem>>
      %dma_start3A_116 = tpu.memref_slice %arg2[%add3A_43, %mul3A_2] : memref<10000x128xf32, #tpu.memory_space<hbm>> -> memref<128x64xf32, #tpu.memory_space<hbm>>
      %dma_start3A_117 = arith.constant 0 : i32
      %dma_start3A_118 = arith.constant 0 : i32
      %dma_start3A_119 = tpu.memref_slice %arg11[%dma_start3A_117, %dma_start3A_118] : memref<128x64xf32, #tpu.memory_space<vmem>> -> memref<128x64xf32, #tpu.memory_space<vmem>>
      %dma_start3A_120 = tpu.memref_slice %arg2[%add3A_43, %mul3A_2] : memref<10000x128xf32, #tpu.memory_space<hbm>> -> memref<128x64xf32, #tpu.memory_space<hbm>>
      tpu.enqueue_dma source(%dma_start3A_120 : memref<128x64xf32, #tpu.memory_space<hbm>>) target(%dma_start3A_119 : memref<128x64xf32, #tpu.memory_space<vmem>>) target_semaphore(%run_scoped3A : memref<!tpu.dma_semaphore, #tpu.memory_space<semaphore_mem>>)
      %dma_wait3A = arith.constant 0 : i32
      %dma_wait3A_121 = arith.constant 0 : i32
      %dma_wait3A_122 = tpu.memref_slice %arg11[%dma_wait3A, %dma_wait3A_121] : memref<128x64xf32, #tpu.memory_space<vmem>> -> memref<128x64xf32, #tpu.memory_space<vmem>>
      %dma_wait3A_123 = tpu.memref_slice %arg2[%add3A_43, %mul3A_2] : memref<10000x128xf32, #tpu.memory_space<hbm>> -> memref<128x64xf32, #tpu.memory_space<hbm>>
      %dma_wait3A_124 = arith.constant 0 : i32
      %dma_wait3A_125 = arith.constant 0 : i32
      %dma_wait3A_126 = tpu.memref_slice %arg11[%dma_wait3A_124, %dma_wait3A_125] : memref<128x64xf32, #tpu.memory_space<vmem>> -> memref<128x64xf32, #tpu.memory_space<vmem>>
      %dma_wait3A_127 = tpu.memref_slice %arg2[%add3A_43, %mul3A_2] : memref<10000x128xf32, #tpu.memory_space<hbm>> -> memref<128x64xf32, #tpu.memory_space<hbm>>
      tpu.wait_dma2 semaphore(%run_scoped3A : memref<!tpu.dma_semaphore, #tpu.memory_space<semaphore_mem>>) src(%dma_wait3A_127 : memref<128x64xf32, #tpu.memory_space<hbm>>) dst(%dma_wait3A_126 : memref<128x64xf32, #tpu.memory_space<vmem>>)
      tpu.yield
    }) : () -> ()
    %scan3A_51 = arith.constant 0 : i32
    %scan3A_52 = arith.constant 0 : i32
    %scan3A_53 = arith.constant 128 : i32
    %scan3A_54 = arith.addi %scan3A_52, %scan3A_53 : i32
    %scan3A_55 = arith.constant 1 : i32
    %scan3A_56 = scf.for %scan3A_114 = %scan3A_52 to %scan3A_54 step %scan3A_55 iter_args(%scan3A_115 = %scan3A_51) -> (i32)  : i32 {
      %add3A_116 = arith.constant 128 : i32
      %add3A_117 = arith.addi %add3A_116, %scan3A_114 : i32
      %get3A = arith.index_cast %add3A_117 : i32 to index
      %get3A_118 = arith.constant 0 : index
      %get3A_119 = tpu.vector_load %arg13[%get3A, %get3A_118] {strides = array<i32>} : memref<625x16xf32, #tpu.memory_space<vmem>>, vector<1x16xf32>,
      %get3A_120 = vector.shape_cast %get3A_119 : vector<1x16xf32> to vector<16xf32>
      %get3A_121 = arith.index_cast %scan3A_114 : i32 to index
      %get3A_122 = arith.constant 0 : index
      %get3A_123 = tpu.vector_load %arg11[%get3A_121, %get3A_122] {strides = array<i32>} : memref<128x64xf32, #tpu.memory_space<vmem>>, vector<1x16xf32>,
      %get3A_124 = vector.shape_cast %get3A_123 : vector<1x16xf32> to vector<16xf32>
      %mul3A_125 = arith.mulf %get3A_120, %get3A_124 : vector<16xf32>
      %swap3A = arith.index_cast %scan3A_114 : i32 to index
      %swap3A_126 = arith.constant 0 : index
      %swap3A_127 = tpu.vector_load %arg11[%swap3A, %swap3A_126] {strides = array<i32>} : memref<128x64xf32, #tpu.memory_space<vmem>>, vector<1x16xf32>,
      %swap3A_128 = vector.shape_cast %swap3A_127 : vector<1x16xf32> to vector<16xf32>
      %swap3A_129 = vector.shape_cast %mul3A_125 : vector<16xf32> to vector<1x16xf32>
      tpu.vector_store %arg11[%swap3A, %swap3A_126], %swap3A_129 {strides = array<i32>} : memref<128x64xf32, #tpu.memory_space<vmem>>, vector<1x16xf32>,
      %get3A_130 = arith.index_cast %scan3A_114 : i32 to index
      %get3A_131 = arith.constant 16 : index
      %get3A_132 = tpu.vector_load %arg11[%get3A_130, %get3A_131] {strides = array<i32>} : memref<128x64xf32, #tpu.memory_space<vmem>>, vector<1x16xf32>,
      %get3A_133 = vector.shape_cast %get3A_132 : vector<1x16xf32> to vector<16xf32>
      %mul3A_134 = arith.mulf %get3A_120, %get3A_133 : vector<16xf32>
      %swap3A_135 = arith.index_cast %scan3A_114 : i32 to index
      %swap3A_136 = arith.constant 16 : index
      %swap3A_137 = tpu.vector_load %arg11[%swap3A_135, %swap3A_136] {strides = array<i32>} : memref<128x64xf32, #tpu.memory_space<vmem>>, vector<1x16xf32>,
      %swap3A_138 = vector.shape_cast %swap3A_137 : vector<1x16xf32> to vector<16xf32>
      %swap3A_139 = vector.shape_cast %mul3A_134 : vector<16xf32> to vector<1x16xf32>
      tpu.vector_store %arg11[%swap3A_135, %swap3A_136], %swap3A_139 {strides = array<i32>} : memref<128x64xf32, #tpu.memory_space<vmem>>, vector<1x16xf32>,
      %get3A_140 = arith.index_cast %scan3A_114 : i32 to index
      %get3A_141 = arith.constant 32 : index
      %get3A_142 = tpu.vector_load %arg11[%get3A_140, %get3A_141] {strides = array<i32>} : memref<128x64xf32, #tpu.memory_space<vmem>>, vector<1x16xf32>,
      %get3A_143 = vector.shape_cast %get3A_142 : vector<1x16xf32> to vector<16xf32>
      %mul3A_144 = arith.mulf %get3A_120, %get3A_143 : vector<16xf32>
      %swap3A_145 = arith.index_cast %scan3A_114 : i32 to index
      %swap3A_146 = arith.constant 32 : index
      %swap3A_147 = tpu.vector_load %arg11[%swap3A_145, %swap3A_146] {strides = array<i32>} : memref<128x64xf32, #tpu.memory_space<vmem>>, vector<1x16xf32>,
      %swap3A_148 = vector.shape_cast %swap3A_147 : vector<1x16xf32> to vector<16xf32>
      %swap3A_149 = vector.shape_cast %mul3A_144 : vector<16xf32> to vector<1x16xf32>
      tpu.vector_store %arg11[%swap3A_145, %swap3A_146], %swap3A_149 {strides = array<i32>} : memref<128x64xf32, #tpu.memory_space<vmem>>, vector<1x16xf32>,
      %get3A_150 = arith.index_cast %scan3A_114 : i32 to index
      %get3A_151 = arith.constant 48 : index
      %get3A_152 = tpu.vector_load %arg11[%get3A_150, %get3A_151] {strides = array<i32>} : memref<128x64xf32, #tpu.memory_space<vmem>>, vector<1x16xf32>,
      %get3A_153 = vector.shape_cast %get3A_152 : vector<1x16xf32> to vector<16xf32>
      %mul3A_154 = arith.mulf %get3A_120, %get3A_153 : vector<16xf32>
      %swap3A_155 = arith.index_cast %scan3A_114 : i32 to index
      %swap3A_156 = arith.constant 48 : index
      %swap3A_157 = tpu.vector_load %arg11[%swap3A_155, %swap3A_156] {strides = array<i32>} : memref<128x64xf32, #tpu.memory_space<vmem>>, vector<1x16xf32>,
      %swap3A_158 = vector.shape_cast %swap3A_157 : vector<1x16xf32> to vector<16xf32>
      %swap3A_159 = vector.shape_cast %mul3A_154 : vector<16xf32> to vector<1x16xf32>
      tpu.vector_store %arg11[%swap3A_155, %swap3A_156], %swap3A_159 {strides = array<i32>} : memref<128x64xf32, #tpu.memory_space<vmem>>, vector<1x16xf32>,
      %scan3A_160 = arith.constant 0 : i32
      scf.yield %scan3A_160 : i32
    }
    %scan3A_57 = arith.constant 128 : i32
    "tpu.region"() ({
      %run_scoped3A = tpu.sem_alloc : memref<!tpu.dma_semaphore, #tpu.memory_space<semaphore_mem>>
      %dma_start3A = arith.constant 0 : i32
      %dma_start3A_114 = arith.constant 0 : i32
      %dma_start3A_115 = tpu.memref_slice %arg11[%dma_start3A, %dma_start3A_114] : memref<128x64xf32, #tpu.memory_space<vmem>> -> memref<128x64xf32, #tpu.memory_space<vmem>>
      %dma_start3A_116 = arith.constant 0 : i32
      %dma_start3A_117 = tpu.memref_slice %arg6[%add3A_43, %dma_start3A_116] : memref<10016x64xf32, #tpu.memory_space<vmem_shared>> -> memref<128x64xf32, #tpu.memory_space<vmem_shared>>
      %dma_start3A_118 = arith.constant 0 : i32
      %dma_start3A_119 = tpu.memref_slice %arg6[%add3A_43, %dma_start3A_118] : memref<10016x64xf32, #tpu.memory_space<vmem_shared>> -> memref<128x64xf32, #tpu.memory_space<vmem_shared>>
      %dma_start3A_120 = arith.constant 0 : i32
      %dma_start3A_121 = arith.constant 0 : i32
      %dma_start3A_122 = tpu.memref_slice %arg11[%dma_start3A_120, %dma_start3A_121] : memref<128x64xf32, #tpu.memory_space<vmem>> -> memref<128x64xf32, #tpu.memory_space<vmem>>
      tpu.enqueue_dma source(%dma_start3A_122 : memref<128x64xf32, #tpu.memory_space<vmem>>) target(%dma_start3A_119 : memref<128x64xf32, #tpu.memory_space<vmem_shared>>) target_semaphore(%run_scoped3A : memref<!tpu.dma_semaphore, #tpu.memory_space<semaphore_mem>>)
      %dma_wait3A = arith.constant 0 : i32
      %dma_wait3A_123 = arith.constant 0 : i32
      %dma_wait3A_124 = tpu.memref_slice %arg11[%dma_wait3A, %dma_wait3A_123] : memref<128x64xf32, #tpu.memory_space<vmem>> -> memref<128x64xf32, #tpu.memory_space<vmem>>
      %dma_wait3A_125 = arith.constant 0 : i32
      %dma_wait3A_126 = tpu.memref_slice %arg6[%add3A_43, %dma_wait3A_125] : memref<10016x64xf32, #tpu.memory_space<vmem_shared>> -> memref<128x64xf32, #tpu.memory_space<vmem_shared>>
      %dma_wait3A_127 = arith.constant 0 : i32
      %dma_wait3A_128 = tpu.memref_slice %arg6[%add3A_43, %dma_wait3A_127] : memref<10016x64xf32, #tpu.memory_space<vmem_shared>> -> memref<128x64xf32, #tpu.memory_space<vmem_shared>>
      %dma_wait3A_129 = arith.constant 0 : i32
      %dma_wait3A_130 = arith.constant 0 : i32
      %dma_wait3A_131 = tpu.memref_slice %arg11[%dma_wait3A_129, %dma_wait3A_130] : memref<128x64xf32, #tpu.memory_space<vmem>> -> memref<128x64xf32, #tpu.memory_space<vmem>>
      tpu.wait_dma2 semaphore(%run_scoped3A : memref<!tpu.dma_semaphore, #tpu.memory_space<semaphore_mem>>) src(%dma_wait3A_131 : memref<128x64xf32, #tpu.memory_space<vmem>>) dst(%dma_wait3A_128 : memref<128x64xf32, #tpu.memory_space<vmem_shared>>)
      tpu.yield
    }) : () -> ()
    %add3A_58 = arith.constant 256 : i32
    %add3A_59 = arith.addi %mul3A_0, %add3A_58 : i32
    "tpu.region"() ({
      %run_scoped3A = tpu.sem_alloc : memref<!tpu.dma_semaphore, #tpu.memory_space<semaphore_mem>>
      %dma_start3A = arith.constant 0 : i32
      %dma_start3A_114 = arith.constant 0 : i32
      %dma_start3A_115 = tpu.memref_slice %arg11[%dma_start3A, %dma_start3A_114] : memref<128x64xf32, #tpu.memory_space<vmem>> -> memref<128x64xf32, #tpu.memory_space<vmem>>
      %dma_start3A_116 = arith.constant 0 : i32
      %dma_start3A_117 = tpu.memref_slice %arg7[%add3A_59, %dma_start3A_116] : memref<10016x64xf32, #tpu.memory_space<vmem_shared>> -> memref<128x64xf32, #tpu.memory_space<vmem_shared>>
      %dma_start3A_118 = arith.constant 0 : i32
      %dma_start3A_119 = arith.constant 0 : i32
      %dma_start3A_120 = tpu.memref_slice %arg11[%dma_start3A_118, %dma_start3A_119] : memref<128x64xf32, #tpu.memory_space<vmem>> -> memref<128x64xf32, #tpu.memory_space<vmem>>
      %dma_start3A_121 = arith.constant 0 : i32
      %dma_start3A_122 = tpu.memref_slice %arg7[%add3A_59, %dma_start3A_121] : memref<10016x64xf32, #tpu.memory_space<vmem_shared>> -> memref<128x64xf32, #tpu.memory_space<vmem_shared>>
      tpu.enqueue_dma source(%dma_start3A_122 : memref<128x64xf32, #tpu.memory_space<vmem_shared>>) target(%dma_start3A_120 : memref<128x64xf32, #tpu.memory_space<vmem>>) target_semaphore(%run_scoped3A : memref<!tpu.dma_semaphore, #tpu.memory_space<semaphore_mem>>)
      %dma_wait3A = arith.constant 0 : i32
      %dma_wait3A_123 = arith.constant 0 : i32
      %dma_wait3A_124 = tpu.memref_slice %arg11[%dma_wait3A, %dma_wait3A_123] : memref<128x64xf32, #tpu.memory_space<vmem>> -> memref<128x64xf32, #tpu.memory_space<vmem>>
      %dma_wait3A_125 = arith.constant 0 : i32
      %dma_wait3A_126 = tpu.memref_slice %arg7[%add3A_59, %dma_wait3A_125] : memref<10016x64xf32, #tpu.memory_space<vmem_shared>> -> memref<128x64xf32, #tpu.memory_space<vmem_shared>>
      %dma_wait3A_127 = arith.constant 0 : i32
      %dma_wait3A_128 = arith.constant 0 : i32
      %dma_wait3A_129 = tpu.memref_slice %arg11[%dma_wait3A_127, %dma_wait3A_128] : memref<128x64xf32, #tpu.memory_space<vmem>> -> memref<128x64xf32, #tpu.memory_space<vmem>>
      %dma_wait3A_130 = arith.constant 0 : i32
      %dma_wait3A_131 = tpu.memref_slice %arg7[%add3A_59, %dma_wait3A_130] : memref<10016x64xf32, #tpu.memory_space<vmem_shared>> -> memref<128x64xf32, #tpu.memory_space<vmem_shared>>
      tpu.wait_dma2 semaphore(%run_scoped3A : memref<!tpu.dma_semaphore, #tpu.memory_space<semaphore_mem>>) src(%dma_wait3A_131 : memref<128x64xf32, #tpu.memory_space<vmem_shared>>) dst(%dma_wait3A_129 : memref<128x64xf32, #tpu.memory_space<vmem>>)
      tpu.yield
    }) : () -> ()
    "tpu.region"() ({
      %run_scoped3A = tpu.sem_alloc : memref<!tpu.dma_semaphore, #tpu.memory_space<semaphore_mem>>
      %dma_start3A = arith.constant 0 : i32
      %dma_start3A_114 = arith.constant 0 : i32
      %dma_start3A_115 = tpu.memref_slice %arg12[%dma_start3A, %dma_start3A_114] : memref<128x64xf32, #tpu.memory_space<vmem>> -> memref<128x64xf32, #tpu.memory_space<vmem>>
      %dma_start3A_116 = arith.constant 0 : i32
      %dma_start3A_117 = tpu.memref_slice %arg7[%add3A_59, %dma_start3A_116] : memref<10016x64xf32, #tpu.memory_space<vmem_shared>> -> memref<128x64xf32, #tpu.memory_space<vmem_shared>>
      %dma_start3A_118 = arith.constant 0 : i32
      %dma_start3A_119 = tpu.memref_slice %arg7[%add3A_59, %dma_start3A_118] : memref<10016x64xf32, #tpu.memory_space<vmem_shared>> -> memref<128x64xf32, #tpu.memory_space<vmem_shared>>
      %dma_start3A_120 = arith.constant 0 : i32
      %dma_start3A_121 = arith.constant 0 : i32
      %dma_start3A_122 = tpu.memref_slice %arg12[%dma_start3A_120, %dma_start3A_121] : memref<128x64xf32, #tpu.memory_space<vmem>> -> memref<128x64xf32, #tpu.memory_space<vmem>>
      tpu.enqueue_dma source(%dma_start3A_122 : memref<128x64xf32, #tpu.memory_space<vmem>>) target(%dma_start3A_119 : memref<128x64xf32, #tpu.memory_space<vmem_shared>>) target_semaphore(%run_scoped3A : memref<!tpu.dma_semaphore, #tpu.memory_space<semaphore_mem>>)
      %dma_wait3A = arith.constant 0 : i32
      %dma_wait3A_123 = arith.constant 0 : i32
      %dma_wait3A_124 = tpu.memref_slice %arg12[%dma_wait3A, %dma_wait3A_123] : memref<128x64xf32, #tpu.memory_space<vmem>> -> memref<128x64xf32, #tpu.memory_space<vmem>>
      %dma_wait3A_125 = arith.constant 0 : i32
      %dma_wait3A_126 = tpu.memref_slice %arg7[%add3A_59, %dma_wait3A_125] : memref<10016x64xf32, #tpu.memory_space<vmem_shared>> -> memref<128x64xf32, #tpu.memory_space<vmem_shared>>
      %dma_wait3A_127 = arith.constant 0 : i32
      %dma_wait3A_128 = tpu.memref_slice %arg7[%add3A_59, %dma_wait3A_127] : memref<10016x64xf32, #tpu.memory_space<vmem_shared>> -> memref<128x64xf32, #tpu.memory_space<vmem_shared>>
      %dma_wait3A_129 = arith.constant 0 : i32
      %dma_wait3A_130 = arith.constant 0 : i32
      %dma_wait3A_131 = tpu.memref_slice %arg12[%dma_wait3A_129, %dma_wait3A_130] : memref<128x64xf32, #tpu.memory_space<vmem>> -> memref<128x64xf32, #tpu.memory_space<vmem>>
      tpu.wait_dma2 semaphore(%run_scoped3A : memref<!tpu.dma_semaphore, #tpu.memory_space<semaphore_mem>>) src(%dma_wait3A_131 : memref<128x64xf32, #tpu.memory_space<vmem>>) dst(%dma_wait3A_128 : memref<128x64xf32, #tpu.memory_space<vmem_shared>>)
      tpu.yield
    }) : () -> ()
    %scan3A_60 = arith.constant 0 : i32
    %scan3A_61 = arith.constant 0 : i32
    %scan3A_62 = arith.constant 128 : i32
    %scan3A_63 = arith.addi %scan3A_61, %scan3A_62 : i32
    %scan3A_64 = arith.constant 1 : i32
    %scan3A_65 = scf.for %scan3A_114 = %scan3A_61 to %scan3A_63 step %scan3A_64 iter_args(%scan3A_115 = %scan3A_60) -> (i32)  : i32 {
      %get3A = arith.index_cast %scan3A_114 : i32 to index
      %get3A_116 = arith.constant 0 : index
      %get3A_117 = tpu.vector_load %arg11[%get3A, %get3A_116] {strides = array<i32>} : memref<128x64xf32, #tpu.memory_space<vmem>>, vector<1x16xf32>,
      %get3A_118 = vector.shape_cast %get3A_117 : vector<1x16xf32> to vector<16xf32>
      %max3A = arith.constant 1.000000e+00 : f32
      %max3A_119 = vector.broadcast %max3A : f32 to vector<16xf32>
      %max3A_120 = arith.maximumf %get3A_118, %max3A_119 : vector<16xf32>
      %broadcast_in_dim3A = arith.constant 1.000000e+00 : f32
      %broadcast_in_dim3A_121 = vector.broadcast %broadcast_in_dim3A : f32 to vector<16xf32>
      %ge3A = arith.constant 4.000000e+00 : f32
      %ge3A_122 = vector.broadcast %ge3A : f32 to vector<16xf32>
      %ge3A_123 = arith.cmpf oge, %max3A_120, %ge3A_122 : vector<16xf32>
      %broadcast_in_dim3A_124 = arith.constant 5.000000e-01 : f32
      %broadcast_in_dim3A_125 = vector.broadcast %broadcast_in_dim3A_124 : f32 to vector<16xf32>
      %select_n3A = arith.select %ge3A_123, %broadcast_in_dim3A_125, %broadcast_in_dim3A_121 : vector<16xi1>, vector<16xf32>
      %ge3A_126 = arith.constant 1.600000e+01 : f32
      %ge3A_127 = vector.broadcast %ge3A_126 : f32 to vector<16xf32>
      %ge3A_128 = arith.cmpf oge, %max3A_120, %ge3A_127 : vector<16xf32>
      %broadcast_in_dim3A_129 = arith.constant 2.500000e-01 : f32
      %broadcast_in_dim3A_130 = vector.broadcast %broadcast_in_dim3A_129 : f32 to vector<16xf32>
      %select_n3A_131 = arith.select %ge3A_128, %broadcast_in_dim3A_130, %select_n3A : vector<16xi1>, vector<16xf32>
      %ge3A_132 = arith.constant 6.400000e+01 : f32
      %ge3A_133 = vector.broadcast %ge3A_132 : f32 to vector<16xf32>
      %ge3A_134 = arith.cmpf oge, %max3A_120, %ge3A_133 : vector<16xf32>
      %broadcast_in_dim3A_135 = arith.constant 1.250000e-01 : f32
      %broadcast_in_dim3A_136 = vector.broadcast %broadcast_in_dim3A_135 : f32 to vector<16xf32>
      %select_n3A_137 = arith.select %ge3A_134, %broadcast_in_dim3A_136, %select_n3A_131 : vector<16xi1>, vector<16xf32>
      %ge3A_138 = arith.constant 2.560000e+02 : f32
      %ge3A_139 = vector.broadcast %ge3A_138 : f32 to vector<16xf32>
      %ge3A_140 = arith.cmpf oge, %max3A_120, %ge3A_139 : vector<16xf32>
      %broadcast_in_dim3A_141 = arith.constant 6.250000e-02 : f32
      %broadcast_in_dim3A_142 = vector.broadcast %broadcast_in_dim3A_141 : f32 to vector<16xf32>
      %select_n3A_143 = arith.select %ge3A_140, %broadcast_in_dim3A_142, %select_n3A_137 : vector<16xi1>, vector<16xf32>
      %ge3A_144 = arith.constant 1.024000e+03 : f32
      %ge3A_145 = vector.broadcast %ge3A_144 : f32 to vector<16xf32>
      %ge3A_146 = arith.cmpf oge, %max3A_120, %ge3A_145 : vector<16xf32>
      %broadcast_in_dim3A_147 = arith.constant 3.125000e-02 : f32
      %broadcast_in_dim3A_148 = vector.broadcast %broadcast_in_dim3A_147 : f32 to vector<16xf32>
      %select_n3A_149 = arith.select %ge3A_146, %broadcast_in_dim3A_148, %select_n3A_143 : vector<16xi1>, vector<16xf32>
      %ge3A_150 = arith.constant 4.096000e+03 : f32
      %ge3A_151 = vector.broadcast %ge3A_150 : f32 to vector<16xf32>
      %ge3A_152 = arith.cmpf oge, %max3A_120, %ge3A_151 : vector<16xf32>
      %broadcast_in_dim3A_153 = arith.constant 1.562500e-02 : f32
      %broadcast_in_dim3A_154 = vector.broadcast %broadcast_in_dim3A_153 : f32 to vector<16xf32>
      %select_n3A_155 = arith.select %ge3A_152, %broadcast_in_dim3A_154, %select_n3A_149 : vector<16xi1>, vector<16xf32>
      %ge3A_156 = arith.constant 1.638400e+04 : f32
      %ge3A_157 = vector.broadcast %ge3A_156 : f32 to vector<16xf32>
      %ge3A_158 = arith.cmpf oge, %max3A_120, %ge3A_157 : vector<16xf32>
      %broadcast_in_dim3A_159 = arith.constant 7.812500e-03 : f32
      %broadcast_in_dim3A_160 = vector.broadcast %broadcast_in_dim3A_159 : f32 to vector<16xf32>
      %select_n3A_161 = arith.select %ge3A_158, %broadcast_in_dim3A_160, %select_n3A_155 : vector<16xi1>, vector<16xf32>
      %ge3A_162 = arith.constant 6.553600e+04 : f32
      %ge3A_163 = vector.broadcast %ge3A_162 : f32 to vector<16xf32>
      %ge3A_164 = arith.cmpf oge, %max3A_120, %ge3A_163 : vector<16xf32>
      %broadcast_in_dim3A_165 = arith.constant 3.906250e-03 : f32
      %broadcast_in_dim3A_166 = vector.broadcast %broadcast_in_dim3A_165 : f32 to vector<16xf32>
      %select_n3A_167 = arith.select %ge3A_164, %broadcast_in_dim3A_166, %select_n3A_161 : vector<16xi1>, vector<16xf32>
      %ge3A_168 = arith.constant 2.621440e+05 : f32
      %ge3A_169 = vector.broadcast %ge3A_168 : f32 to vector<16xf32>
      %ge3A_170 = arith.cmpf oge, %max3A_120, %ge3A_169 : vector<16xf32>
      %broadcast_in_dim3A_171 = arith.constant 0.001953125 : f32
      %broadcast_in_dim3A_172 = vector.broadcast %broadcast_in_dim3A_171 : f32 to vector<16xf32>
      %select_n3A_173 = arith.select %ge3A_170, %broadcast_in_dim3A_172, %select_n3A_167 : vector<16xi1>, vector<16xf32>
      %mul3A_174 = arith.constant 0.699999988 : f32
      %mul3A_175 = vector.broadcast %mul3A_174 : f32 to vector<16xf32>
      %mul3A_176 = arith.mulf %select_n3A_173, %mul3A_175 : vector<16xf32>
      %mul3A_177 = arith.constant 5.000000e-01 : f32
      %mul3A_178 = vector.broadcast %mul3A_177 : f32 to vector<16xf32>
      %mul3A_179 = arith.mulf %mul3A_178, %max3A_120 : vector<16xf32>
      %mul3A_180 = arith.mulf %mul3A_179, %mul3A_176 : vector<16xf32>
      %mul3A_181 = arith.mulf %mul3A_180, %mul3A_176 : vector<16xf32>
      %sub3A = arith.constant 1.500000e+00 : f32
      %sub3A_182 = vector.broadcast %sub3A : f32 to vector<16xf32>
      %sub3A_183 = arith.subf %sub3A_182, %mul3A_181 : vector<16xf32>
      %mul3A_184 = arith.mulf %mul3A_176, %sub3A_183 : vector<16xf32>
      %mul3A_185 = arith.constant 5.000000e-01 : f32
      %mul3A_186 = vector.broadcast %mul3A_185 : f32 to vector<16xf32>
      %mul3A_187 = arith.mulf %mul3A_186, %max3A_120 : vector<16xf32>
      %mul3A_188 = arith.mulf %mul3A_187, %mul3A_184 : vector<16xf32>
      %mul3A_189 = arith.mulf %mul3A_188, %mul3A_184 : vector<16xf32>
      %sub3A_190 = arith.constant 1.500000e+00 : f32
      %sub3A_191 = vector.broadcast %sub3A_190 : f32 to vector<16xf32>
      %sub3A_192 = arith.subf %sub3A_191, %mul3A_189 : vector<16xf32>
      %mul3A_193 = arith.mulf %mul3A_184, %sub3A_192 : vector<16xf32>
      %mul3A_194 = arith.constant 5.000000e-01 : f32
      %mul3A_195 = vector.broadcast %mul3A_194 : f32 to vector<16xf32>
      %mul3A_196 = arith.mulf %mul3A_195, %max3A_120 : vector<16xf32>
      %mul3A_197 = arith.mulf %mul3A_196, %mul3A_193 : vector<16xf32>
      %mul3A_198 = arith.mulf %mul3A_197, %mul3A_193 : vector<16xf32>
      %sub3A_199 = arith.constant 1.500000e+00 : f32
      %sub3A_200 = vector.broadcast %sub3A_199 : f32 to vector<16xf32>
      %sub3A_201 = arith.subf %sub3A_200, %mul3A_198 : vector<16xf32>
      %mul3A_202 = arith.mulf %mul3A_193, %sub3A_201 : vector<16xf32>
      %mul3A_203 = arith.constant 5.000000e-01 : f32
      %mul3A_204 = vector.broadcast %mul3A_203 : f32 to vector<16xf32>
      %mul3A_205 = arith.mulf %mul3A_204, %max3A_120 : vector<16xf32>
      %mul3A_206 = arith.mulf %mul3A_205, %mul3A_202 : vector<16xf32>
      %mul3A_207 = arith.mulf %mul3A_206, %mul3A_202 : vector<16xf32>
      %sub3A_208 = arith.constant 1.500000e+00 : f32
      %sub3A_209 = vector.broadcast %sub3A_208 : f32 to vector<16xf32>
      %sub3A_210 = arith.subf %sub3A_209, %mul3A_207 : vector<16xf32>
      %mul3A_211 = arith.mulf %mul3A_202, %sub3A_210 : vector<16xf32>
      %mul3A_212 = arith.constant 5.000000e-01 : f32
      %mul3A_213 = vector.broadcast %mul3A_212 : f32 to vector<16xf32>
      %mul3A_214 = arith.mulf %mul3A_213, %max3A_120 : vector<16xf32>
      %mul3A_215 = arith.mulf %mul3A_214, %mul3A_211 : vector<16xf32>
      %mul3A_216 = arith.mulf %mul3A_215, %mul3A_211 : vector<16xf32>
      %sub3A_217 = arith.constant 1.500000e+00 : f32
      %sub3A_218 = vector.broadcast %sub3A_217 : f32 to vector<16xf32>
      %sub3A_219 = arith.subf %sub3A_218, %mul3A_216 : vector<16xf32>
      %mul3A_220 = arith.mulf %mul3A_211, %sub3A_219 : vector<16xf32>
      %mul3A_221 = arith.constant 5.000000e-01 : f32
      %mul3A_222 = vector.broadcast %mul3A_221 : f32 to vector<16xf32>
      %mul3A_223 = arith.mulf %mul3A_222, %max3A_120 : vector<16xf32>
      %mul3A_224 = arith.mulf %mul3A_223, %mul3A_220 : vector<16xf32>
      %mul3A_225 = arith.mulf %mul3A_224, %mul3A_220 : vector<16xf32>
      %sub3A_226 = arith.constant 1.500000e+00 : f32
      %sub3A_227 = vector.broadcast %sub3A_226 : f32 to vector<16xf32>
      %sub3A_228 = arith.subf %sub3A_227, %mul3A_225 : vector<16xf32>
      %mul3A_229 = arith.mulf %mul3A_220, %sub3A_228 : vector<16xf32>
      %add3A_230 = arith.constant 256 : i32
      %add3A_231 = arith.addi %add3A_230, %scan3A_114 : i32
      %swap3A = arith.index_cast %add3A_231 : i32 to index
      %swap3A_232 = arith.constant 0 : index
      %swap3A_233 = tpu.vector_load %arg13[%swap3A, %swap3A_232] {strides = array<i32>} : memref<625x16xf32, #tpu.memory_space<vmem>>, vector<1x16xf32>,
      %swap3A_234 = vector.shape_cast %swap3A_233 : vector<1x16xf32> to vector<16xf32>
      %swap3A_235 = vector.shape_cast %mul3A_229 : vector<16xf32> to vector<1x16xf32>
      tpu.vector_store %arg13[%swap3A, %swap3A_232], %swap3A_235 {strides = array<i32>} : memref<625x16xf32, #tpu.memory_space<vmem>>, vector<1x16xf32>,
      %scan3A_236 = arith.constant 0 : i32
      scf.yield %scan3A_236 : i32
    }
    %scan3A_66 = arith.constant 128 : i32
    "tpu.region"() ({
      %run_scoped3A = tpu.sem_alloc : memref<!tpu.dma_semaphore, #tpu.memory_space<semaphore_mem>>
      %dma_start3A = arith.constant 0 : i32
      %dma_start3A_114 = arith.constant 0 : i32
      %dma_start3A_115 = tpu.memref_slice %arg11[%dma_start3A, %dma_start3A_114] : memref<128x64xf32, #tpu.memory_space<vmem>> -> memref<128x64xf32, #tpu.memory_space<vmem>>
      %dma_start3A_116 = tpu.memref_slice %arg2[%add3A_59, %mul3A_2] : memref<10000x128xf32, #tpu.memory_space<hbm>> -> memref<128x64xf32, #tpu.memory_space<hbm>>
      %dma_start3A_117 = arith.constant 0 : i32
      %dma_start3A_118 = arith.constant 0 : i32
      %dma_start3A_119 = tpu.memref_slice %arg11[%dma_start3A_117, %dma_start3A_118] : memref<128x64xf32, #tpu.memory_space<vmem>> -> memref<128x64xf32, #tpu.memory_space<vmem>>
      %dma_start3A_120 = tpu.memref_slice %arg2[%add3A_59, %mul3A_2] : memref<10000x128xf32, #tpu.memory_space<hbm>> -> memref<128x64xf32, #tpu.memory_space<hbm>>
      tpu.enqueue_dma source(%dma_start3A_120 : memref<128x64xf32, #tpu.memory_space<hbm>>) target(%dma_start3A_119 : memref<128x64xf32, #tpu.memory_space<vmem>>) target_semaphore(%run_scoped3A : memref<!tpu.dma_semaphore, #tpu.memory_space<semaphore_mem>>)
      %dma_wait3A = arith.constant 0 : i32
      %dma_wait3A_121 = arith.constant 0 : i32
      %dma_wait3A_122 = tpu.memref_slice %arg11[%dma_wait3A, %dma_wait3A_121] : memref<128x64xf32, #tpu.memory_space<vmem>> -> memref<128x64xf32, #tpu.memory_space<vmem>>
      %dma_wait3A_123 = tpu.memref_slice %arg2[%add3A_59, %mul3A_2] : memref<10000x128xf32, #tpu.memory_space<hbm>> -> memref<128x64xf32, #tpu.memory_space<hbm>>
      %dma_wait3A_124 = arith.constant 0 : i32
      %dma_wait3A_125 = arith.constant 0 : i32
      %dma_wait3A_126 = tpu.memref_slice %arg11[%dma_wait3A_124, %dma_wait3A_125] : memref<128x64xf32, #tpu.memory_space<vmem>> -> memref<128x64xf32, #tpu.memory_space<vmem>>
      %dma_wait3A_127 = tpu.memref_slice %arg2[%add3A_59, %mul3A_2] : memref<10000x128xf32, #tpu.memory_space<hbm>> -> memref<128x64xf32, #tpu.memory_space<hbm>>
      tpu.wait_dma2 semaphore(%run_scoped3A : memref<!tpu.dma_semaphore, #tpu.memory_space<semaphore_mem>>) src(%dma_wait3A_127 : memref<128x64xf32, #tpu.memory_space<hbm>>) dst(%dma_wait3A_126 : memref<128x64xf32, #tpu.memory_space<vmem>>)
      tpu.yield
    }) : () -> ()
    %scan3A_67 = arith.constant 0 : i32
    %scan3A_68 = arith.constant 0 : i32
    %scan3A_69 = arith.constant 128 : i32
    %scan3A_70 = arith.addi %scan3A_68, %scan3A_69 : i32
    %scan3A_71 = arith.constant 1 : i32
    %scan3A_72 = scf.for %scan3A_114 = %scan3A_68 to %scan3A_70 step %scan3A_71 iter_args(%scan3A_115 = %scan3A_67) -> (i32)  : i32 {
      %add3A_116 = arith.constant 256 : i32
      %add3A_117 = arith.addi %add3A_116, %scan3A_114 : i32
      %get3A = arith.index_cast %add3A_117 : i32 to index
      %get3A_118 = arith.constant 0 : index
      %get3A_119 = tpu.vector_load %arg13[%get3A, %get3A_118] {strides = array<i32>} : memref<625x16xf32, #tpu.memory_space<vmem>>, vector<1x16xf32>,
      %get3A_120 = vector.shape_cast %get3A_119 : vector<1x16xf32> to vector<16xf32>
      %get3A_121 = arith.index_cast %scan3A_114 : i32 to index
      %get3A_122 = arith.constant 0 : index
      %get3A_123 = tpu.vector_load %arg11[%get3A_121, %get3A_122] {strides = array<i32>} : memref<128x64xf32, #tpu.memory_space<vmem>>, vector<1x16xf32>,
      %get3A_124 = vector.shape_cast %get3A_123 : vector<1x16xf32> to vector<16xf32>
      %mul3A_125 = arith.mulf %get3A_120, %get3A_124 : vector<16xf32>
      %swap3A = arith.index_cast %scan3A_114 : i32 to index
      %swap3A_126 = arith.constant 0 : index
      %swap3A_127 = tpu.vector_load %arg11[%swap3A, %swap3A_126] {strides = array<i32>} : memref<128x64xf32, #tpu.memory_space<vmem>>, vector<1x16xf32>,
      %swap3A_128 = vector.shape_cast %swap3A_127 : vector<1x16xf32> to vector<16xf32>
      %swap3A_129 = vector.shape_cast %mul3A_125 : vector<16xf32> to vector<1x16xf32>
      tpu.vector_store %arg11[%swap3A, %swap3A_126], %swap3A_129 {strides = array<i32>} : memref<128x64xf32, #tpu.memory_space<vmem>>, vector<1x16xf32>,
      %get3A_130 = arith.index_cast %scan3A_114 : i32 to index
      %get3A_131 = arith.constant 16 : index
      %get3A_132 = tpu.vector_load %arg11[%get3A_130, %get3A_131] {strides = array<i32>} : memref<128x64xf32, #tpu.memory_space<vmem>>, vector<1x16xf32>,
      %get3A_133 = vector.shape_cast %get3A_132 : vector<1x16xf32> to vector<16xf32>
      %mul3A_134 = arith.mulf %get3A_120, %get3A_133 : vector<16xf32>
      %swap3A_135 = arith.index_cast %scan3A_114 : i32 to index
      %swap3A_136 = arith.constant 16 : index
      %swap3A_137 = tpu.vector_load %arg11[%swap3A_135, %swap3A_136] {strides = array<i32>} : memref<128x64xf32, #tpu.memory_space<vmem>>, vector<1x16xf32>,
      %swap3A_138 = vector.shape_cast %swap3A_137 : vector<1x16xf32> to vector<16xf32>
      %swap3A_139 = vector.shape_cast %mul3A_134 : vector<16xf32> to vector<1x16xf32>
      tpu.vector_store %arg11[%swap3A_135, %swap3A_136], %swap3A_139 {strides = array<i32>} : memref<128x64xf32, #tpu.memory_space<vmem>>, vector<1x16xf32>,
      %get3A_140 = arith.index_cast %scan3A_114 : i32 to index
      %get3A_141 = arith.constant 32 : index
      %get3A_142 = tpu.vector_load %arg11[%get3A_140, %get3A_141] {strides = array<i32>} : memref<128x64xf32, #tpu.memory_space<vmem>>, vector<1x16xf32>,
      %get3A_143 = vector.shape_cast %get3A_142 : vector<1x16xf32> to vector<16xf32>
      %mul3A_144 = arith.mulf %get3A_120, %get3A_143 : vector<16xf32>
      %swap3A_145 = arith.index_cast %scan3A_114 : i32 to index
      %swap3A_146 = arith.constant 32 : index
      %swap3A_147 = tpu.vector_load %arg11[%swap3A_145, %swap3A_146] {strides = array<i32>} : memref<128x64xf32, #tpu.memory_space<vmem>>, vector<1x16xf32>,
      %swap3A_148 = vector.shape_cast %swap3A_147 : vector<1x16xf32> to vector<16xf32>
      %swap3A_149 = vector.shape_cast %mul3A_144 : vector<16xf32> to vector<1x16xf32>
      tpu.vector_store %arg11[%swap3A_145, %swap3A_146], %swap3A_149 {strides = array<i32>} : memref<128x64xf32, #tpu.memory_space<vmem>>, vector<1x16xf32>,
      %get3A_150 = arith.index_cast %scan3A_114 : i32 to index
      %get3A_151 = arith.constant 48 : index
      %get3A_152 = tpu.vector_load %arg11[%get3A_150, %get3A_151] {strides = array<i32>} : memref<128x64xf32, #tpu.memory_space<vmem>>, vector<1x16xf32>,
      %get3A_153 = vector.shape_cast %get3A_152 : vector<1x16xf32> to vector<16xf32>
      %mul3A_154 = arith.mulf %get3A_120, %get3A_153 : vector<16xf32>
      %swap3A_155 = arith.index_cast %scan3A_114 : i32 to index
      %swap3A_156 = arith.constant 48 : index
      %swap3A_157 = tpu.vector_load %arg11[%swap3A_155, %swap3A_156] {strides = array<i32>} : memref<128x64xf32, #tpu.memory_space<vmem>>, vector<1x16xf32>,
      %swap3A_158 = vector.shape_cast %swap3A_157 : vector<1x16xf32> to vector<16xf32>
      %swap3A_159 = vector.shape_cast %mul3A_154 : vector<16xf32> to vector<1x16xf32>
      tpu.vector_store %arg11[%swap3A_155, %swap3A_156], %swap3A_159 {strides = array<i32>} : memref<128x64xf32, #tpu.memory_space<vmem>>, vector<1x16xf32>,
      %scan3A_160 = arith.constant 0 : i32
      scf.yield %scan3A_160 : i32
    }
    %scan3A_73 = arith.constant 128 : i32
    "tpu.region"() ({
      %run_scoped3A = tpu.sem_alloc : memref<!tpu.dma_semaphore, #tpu.memory_space<semaphore_mem>>
      %dma_start3A = arith.constant 0 : i32
      %dma_start3A_114 = arith.constant 0 : i32
      %dma_start3A_115 = tpu.memref_slice %arg11[%dma_start3A, %dma_start3A_114] : memref<128x64xf32, #tpu.memory_space<vmem>> -> memref<128x64xf32, #tpu.memory_space<vmem>>
      %dma_start3A_116 = arith.constant 0 : i32
      %dma_start3A_117 = tpu.memref_slice %arg6[%add3A_59, %dma_start3A_116] : memref<10016x64xf32, #tpu.memory_space<vmem_shared>> -> memref<128x64xf32, #tpu.memory_space<vmem_shared>>
      %dma_start3A_118 = arith.constant 0 : i32
      %dma_start3A_119 = tpu.memref_slice %arg6[%add3A_59, %dma_start3A_118] : memref<10016x64xf32, #tpu.memory_space<vmem_shared>> -> memref<128x64xf32, #tpu.memory_space<vmem_shared>>
      %dma_start3A_120 = arith.constant 0 : i32
      %dma_start3A_121 = arith.constant 0 : i32
      %dma_start3A_122 = tpu.memref_slice %arg11[%dma_start3A_120, %dma_start3A_121] : memref<128x64xf32, #tpu.memory_space<vmem>> -> memref<128x64xf32, #tpu.memory_space<vmem>>
      tpu.enqueue_dma source(%dma_start3A_122 : memref<128x64xf32, #tpu.memory_space<vmem>>) target(%dma_start3A_119 : memref<128x64xf32, #tpu.memory_space<vmem_shared>>) target_semaphore(%run_scoped3A : memref<!tpu.dma_semaphore, #tpu.memory_space<semaphore_mem>>)
      %dma_wait3A = arith.constant 0 : i32
      %dma_wait3A_123 = arith.constant 0 : i32
      %dma_wait3A_124 = tpu.memref_slice %arg11[%dma_wait3A, %dma_wait3A_123] : memref<128x64xf32, #tpu.memory_space<vmem>> -> memref<128x64xf32, #tpu.memory_space<vmem>>
      %dma_wait3A_125 = arith.constant 0 : i32
      %dma_wait3A_126 = tpu.memref_slice %arg6[%add3A_59, %dma_wait3A_125] : memref<10016x64xf32, #tpu.memory_space<vmem_shared>> -> memref<128x64xf32, #tpu.memory_space<vmem_shared>>
      %dma_wait3A_127 = arith.constant 0 : i32
      %dma_wait3A_128 = tpu.memref_slice %arg6[%add3A_59, %dma_wait3A_127] : memref<10016x64xf32, #tpu.memory_space<vmem_shared>> -> memref<128x64xf32, #tpu.memory_space<vmem_shared>>
      %dma_wait3A_129 = arith.constant 0 : i32
      %dma_wait3A_130 = arith.constant 0 : i32
      %dma_wait3A_131 = tpu.memref_slice %arg11[%dma_wait3A_129, %dma_wait3A_130] : memref<128x64xf32, #tpu.memory_space<vmem>> -> memref<128x64xf32, #tpu.memory_space<vmem>>
      tpu.wait_dma2 semaphore(%run_scoped3A : memref<!tpu.dma_semaphore, #tpu.memory_space<semaphore_mem>>) src(%dma_wait3A_131 : memref<128x64xf32, #tpu.memory_space<vmem>>) dst(%dma_wait3A_128 : memref<128x64xf32, #tpu.memory_space<vmem_shared>>)
      tpu.yield
    }) : () -> ()
    %add3A_74 = arith.constant 384 : i32
    %add3A_75 = arith.addi %mul3A_0, %add3A_74 : i32
    "tpu.region"() ({
      %run_scoped3A = tpu.sem_alloc : memref<!tpu.dma_semaphore, #tpu.memory_space<semaphore_mem>>
      %dma_start3A = arith.constant 0 : i32
      %dma_start3A_114 = arith.constant 0 : i32
      %dma_start3A_115 = tpu.memref_slice %arg11[%dma_start3A, %dma_start3A_114] : memref<128x64xf32, #tpu.memory_space<vmem>> -> memref<128x64xf32, #tpu.memory_space<vmem>>
      %dma_start3A_116 = arith.constant 0 : i32
      %dma_start3A_117 = tpu.memref_slice %arg7[%add3A_75, %dma_start3A_116] : memref<10016x64xf32, #tpu.memory_space<vmem_shared>> -> memref<128x64xf32, #tpu.memory_space<vmem_shared>>
      %dma_start3A_118 = arith.constant 0 : i32
      %dma_start3A_119 = arith.constant 0 : i32
      %dma_start3A_120 = tpu.memref_slice %arg11[%dma_start3A_118, %dma_start3A_119] : memref<128x64xf32, #tpu.memory_space<vmem>> -> memref<128x64xf32, #tpu.memory_space<vmem>>
      %dma_start3A_121 = arith.constant 0 : i32
      %dma_start3A_122 = tpu.memref_slice %arg7[%add3A_75, %dma_start3A_121] : memref<10016x64xf32, #tpu.memory_space<vmem_shared>> -> memref<128x64xf32, #tpu.memory_space<vmem_shared>>
      tpu.enqueue_dma source(%dma_start3A_122 : memref<128x64xf32, #tpu.memory_space<vmem_shared>>) target(%dma_start3A_120 : memref<128x64xf32, #tpu.memory_space<vmem>>) target_semaphore(%run_scoped3A : memref<!tpu.dma_semaphore, #tpu.memory_space<semaphore_mem>>)
      %dma_wait3A = arith.constant 0 : i32
      %dma_wait3A_123 = arith.constant 0 : i32
      %dma_wait3A_124 = tpu.memref_slice %arg11[%dma_wait3A, %dma_wait3A_123] : memref<128x64xf32, #tpu.memory_space<vmem>> -> memref<128x64xf32, #tpu.memory_space<vmem>>
      %dma_wait3A_125 = arith.constant 0 : i32
      %dma_wait3A_126 = tpu.memref_slice %arg7[%add3A_75, %dma_wait3A_125] : memref<10016x64xf32, #tpu.memory_space<vmem_shared>> -> memref<128x64xf32, #tpu.memory_space<vmem_shared>>
      %dma_wait3A_127 = arith.constant 0 : i32
      %dma_wait3A_128 = arith.constant 0 : i32
      %dma_wait3A_129 = tpu.memref_slice %arg11[%dma_wait3A_127, %dma_wait3A_128] : memref<128x64xf32, #tpu.memory_space<vmem>> -> memref<128x64xf32, #tpu.memory_space<vmem>>
      %dma_wait3A_130 = arith.constant 0 : i32
      %dma_wait3A_131 = tpu.memref_slice %arg7[%add3A_75, %dma_wait3A_130] : memref<10016x64xf32, #tpu.memory_space<vmem_shared>> -> memref<128x64xf32, #tpu.memory_space<vmem_shared>>
      tpu.wait_dma2 semaphore(%run_scoped3A : memref<!tpu.dma_semaphore, #tpu.memory_space<semaphore_mem>>) src(%dma_wait3A_131 : memref<128x64xf32, #tpu.memory_space<vmem_shared>>) dst(%dma_wait3A_129 : memref<128x64xf32, #tpu.memory_space<vmem>>)
      tpu.yield
    }) : () -> ()
    "tpu.region"() ({
      %run_scoped3A = tpu.sem_alloc : memref<!tpu.dma_semaphore, #tpu.memory_space<semaphore_mem>>
      %dma_start3A = arith.constant 0 : i32
      %dma_start3A_114 = arith.constant 0 : i32
      %dma_start3A_115 = tpu.memref_slice %arg12[%dma_start3A, %dma_start3A_114] : memref<128x64xf32, #tpu.memory_space<vmem>> -> memref<128x64xf32, #tpu.memory_space<vmem>>
      %dma_start3A_116 = arith.constant 0 : i32
      %dma_start3A_117 = tpu.memref_slice %arg7[%add3A_75, %dma_start3A_116] : memref<10016x64xf32, #tpu.memory_space<vmem_shared>> -> memref<128x64xf32, #tpu.memory_space<vmem_shared>>
      %dma_start3A_118 = arith.constant 0 : i32
      %dma_start3A_119 = tpu.memref_slice %arg7[%add3A_75, %dma_start3A_118] : memref<10016x64xf32, #tpu.memory_space<vmem_shared>> -> memref<128x64xf32, #tpu.memory_space<vmem_shared>>
      %dma_start3A_120 = arith.constant 0 : i32
      %dma_start3A_121 = arith.constant 0 : i32
      %dma_start3A_122 = tpu.memref_slice %arg12[%dma_start3A_120, %dma_start3A_121] : memref<128x64xf32, #tpu.memory_space<vmem>> -> memref<128x64xf32, #tpu.memory_space<vmem>>
      tpu.enqueue_dma source(%dma_start3A_122 : memref<128x64xf32, #tpu.memory_space<vmem>>) target(%dma_start3A_119 : memref<128x64xf32, #tpu.memory_space<vmem_shared>>) target_semaphore(%run_scoped3A : memref<!tpu.dma_semaphore, #tpu.memory_space<semaphore_mem>>)
      %dma_wait3A = arith.constant 0 : i32
      %dma_wait3A_123 = arith.constant 0 : i32
      %dma_wait3A_124 = tpu.memref_slice %arg12[%dma_wait3A, %dma_wait3A_123] : memref<128x64xf32, #tpu.memory_space<vmem>> -> memref<128x64xf32, #tpu.memory_space<vmem>>
      %dma_wait3A_125 = arith.constant 0 : i32
      %dma_wait3A_126 = tpu.memref_slice %arg7[%add3A_75, %dma_wait3A_125] : memref<10016x64xf32, #tpu.memory_space<vmem_shared>> -> memref<128x64xf32, #tpu.memory_space<vmem_shared>>
      %dma_wait3A_127 = arith.constant 0 : i32
      %dma_wait3A_128 = tpu.memref_slice %arg7[%add3A_75, %dma_wait3A_127] : memref<10016x64xf32, #tpu.memory_space<vmem_shared>> -> memref<128x64xf32, #tpu.memory_space<vmem_shared>>
      %dma_wait3A_129 = arith.constant 0 : i32
      %dma_wait3A_130 = arith.constant 0 : i32
      %dma_wait3A_131 = tpu.memref_slice %arg12[%dma_wait3A_129, %dma_wait3A_130] : memref<128x64xf32, #tpu.memory_space<vmem>> -> memref<128x64xf32, #tpu.memory_space<vmem>>
      tpu.wait_dma2 semaphore(%run_scoped3A : memref<!tpu.dma_semaphore, #tpu.memory_space<semaphore_mem>>) src(%dma_wait3A_131 : memref<128x64xf32, #tpu.memory_space<vmem>>) dst(%dma_wait3A_128 : memref<128x64xf32, #tpu.memory_space<vmem_shared>>)
      tpu.yield
    }) : () -> ()
    %scan3A_76 = arith.constant 0 : i32
    %scan3A_77 = arith.constant 0 : i32
    %scan3A_78 = arith.constant 128 : i32
    %scan3A_79 = arith.addi %scan3A_77, %scan3A_78 : i32
    %scan3A_80 = arith.constant 1 : i32
    %scan3A_81 = scf.for %scan3A_114 = %scan3A_77 to %scan3A_79 step %scan3A_80 iter_args(%scan3A_115 = %scan3A_76) -> (i32)  : i32 {
      %get3A = arith.index_cast %scan3A_114 : i32 to index
      %get3A_116 = arith.constant 0 : index
      %get3A_117 = tpu.vector_load %arg11[%get3A, %get3A_116] {strides = array<i32>} : memref<128x64xf32, #tpu.memory_space<vmem>>, vector<1x16xf32>,
      %get3A_118 = vector.shape_cast %get3A_117 : vector<1x16xf32> to vector<16xf32>
      %max3A = arith.constant 1.000000e+00 : f32
      %max3A_119 = vector.broadcast %max3A : f32 to vector<16xf32>
      %max3A_120 = arith.maximumf %get3A_118, %max3A_119 : vector<16xf32>
      %broadcast_in_dim3A = arith.constant 1.000000e+00 : f32
      %broadcast_in_dim3A_121 = vector.broadcast %broadcast_in_dim3A : f32 to vector<16xf32>
      %ge3A = arith.constant 4.000000e+00 : f32
      %ge3A_122 = vector.broadcast %ge3A : f32 to vector<16xf32>
      %ge3A_123 = arith.cmpf oge, %max3A_120, %ge3A_122 : vector<16xf32>
      %broadcast_in_dim3A_124 = arith.constant 5.000000e-01 : f32
      %broadcast_in_dim3A_125 = vector.broadcast %broadcast_in_dim3A_124 : f32 to vector<16xf32>
      %select_n3A = arith.select %ge3A_123, %broadcast_in_dim3A_125, %broadcast_in_dim3A_121 : vector<16xi1>, vector<16xf32>
      %ge3A_126 = arith.constant 1.600000e+01 : f32
      %ge3A_127 = vector.broadcast %ge3A_126 : f32 to vector<16xf32>
      %ge3A_128 = arith.cmpf oge, %max3A_120, %ge3A_127 : vector<16xf32>
      %broadcast_in_dim3A_129 = arith.constant 2.500000e-01 : f32
      %broadcast_in_dim3A_130 = vector.broadcast %broadcast_in_dim3A_129 : f32 to vector<16xf32>
      %select_n3A_131 = arith.select %ge3A_128, %broadcast_in_dim3A_130, %select_n3A : vector<16xi1>, vector<16xf32>
      %ge3A_132 = arith.constant 6.400000e+01 : f32
      %ge3A_133 = vector.broadcast %ge3A_132 : f32 to vector<16xf32>
      %ge3A_134 = arith.cmpf oge, %max3A_120, %ge3A_133 : vector<16xf32>
      %broadcast_in_dim3A_135 = arith.constant 1.250000e-01 : f32
      %broadcast_in_dim3A_136 = vector.broadcast %broadcast_in_dim3A_135 : f32 to vector<16xf32>
      %select_n3A_137 = arith.select %ge3A_134, %broadcast_in_dim3A_136, %select_n3A_131 : vector<16xi1>, vector<16xf32>
      %ge3A_138 = arith.constant 2.560000e+02 : f32
      %ge3A_139 = vector.broadcast %ge3A_138 : f32 to vector<16xf32>
      %ge3A_140 = arith.cmpf oge, %max3A_120, %ge3A_139 : vector<16xf32>
      %broadcast_in_dim3A_141 = arith.constant 6.250000e-02 : f32
      %broadcast_in_dim3A_142 = vector.broadcast %broadcast_in_dim3A_141 : f32 to vector<16xf32>
      %select_n3A_143 = arith.select %ge3A_140, %broadcast_in_dim3A_142, %select_n3A_137 : vector<16xi1>, vector<16xf32>
      %ge3A_144 = arith.constant 1.024000e+03 : f32
      %ge3A_145 = vector.broadcast %ge3A_144 : f32 to vector<16xf32>
      %ge3A_146 = arith.cmpf oge, %max3A_120, %ge3A_145 : vector<16xf32>
      %broadcast_in_dim3A_147 = arith.constant 3.125000e-02 : f32
      %broadcast_in_dim3A_148 = vector.broadcast %broadcast_in_dim3A_147 : f32 to vector<16xf32>
      %select_n3A_149 = arith.select %ge3A_146, %broadcast_in_dim3A_148, %select_n3A_143 : vector<16xi1>, vector<16xf32>
      %ge3A_150 = arith.constant 4.096000e+03 : f32
      %ge3A_151 = vector.broadcast %ge3A_150 : f32 to vector<16xf32>
      %ge3A_152 = arith.cmpf oge, %max3A_120, %ge3A_151 : vector<16xf32>
      %broadcast_in_dim3A_153 = arith.constant 1.562500e-02 : f32
      %broadcast_in_dim3A_154 = vector.broadcast %broadcast_in_dim3A_153 : f32 to vector<16xf32>
      %select_n3A_155 = arith.select %ge3A_152, %broadcast_in_dim3A_154, %select_n3A_149 : vector<16xi1>, vector<16xf32>
      %ge3A_156 = arith.constant 1.638400e+04 : f32
      %ge3A_157 = vector.broadcast %ge3A_156 : f32 to vector<16xf32>
      %ge3A_158 = arith.cmpf oge, %max3A_120, %ge3A_157 : vector<16xf32>
      %broadcast_in_dim3A_159 = arith.constant 7.812500e-03 : f32
      %broadcast_in_dim3A_160 = vector.broadcast %broadcast_in_dim3A_159 : f32 to vector<16xf32>
      %select_n3A_161 = arith.select %ge3A_158, %broadcast_in_dim3A_160, %select_n3A_155 : vector<16xi1>, vector<16xf32>
      %ge3A_162 = arith.constant 6.553600e+04 : f32
      %ge3A_163 = vector.broadcast %ge3A_162 : f32 to vector<16xf32>
      %ge3A_164 = arith.cmpf oge, %max3A_120, %ge3A_163 : vector<16xf32>
      %broadcast_in_dim3A_165 = arith.constant 3.906250e-03 : f32
      %broadcast_in_dim3A_166 = vector.broadcast %broadcast_in_dim3A_165 : f32 to vector<16xf32>
      %select_n3A_167 = arith.select %ge3A_164, %broadcast_in_dim3A_166, %select_n3A_161 : vector<16xi1>, vector<16xf32>
      %ge3A_168 = arith.constant 2.621440e+05 : f32
      %ge3A_169 = vector.broadcast %ge3A_168 : f32 to vector<16xf32>
      %ge3A_170 = arith.cmpf oge, %max3A_120, %ge3A_169 : vector<16xf32>
      %broadcast_in_dim3A_171 = arith.constant 0.001953125 : f32
      %broadcast_in_dim3A_172 = vector.broadcast %broadcast_in_dim3A_171 : f32 to vector<16xf32>
      %select_n3A_173 = arith.select %ge3A_170, %broadcast_in_dim3A_172, %select_n3A_167 : vector<16xi1>, vector<16xf32>
      %mul3A_174 = arith.constant 0.699999988 : f32
      %mul3A_175 = vector.broadcast %mul3A_174 : f32 to vector<16xf32>
      %mul3A_176 = arith.mulf %select_n3A_173, %mul3A_175 : vector<16xf32>
      %mul3A_177 = arith.constant 5.000000e-01 : f32
      %mul3A_178 = vector.broadcast %mul3A_177 : f32 to vector<16xf32>
      %mul3A_179 = arith.mulf %mul3A_178, %max3A_120 : vector<16xf32>
      %mul3A_180 = arith.mulf %mul3A_179, %mul3A_176 : vector<16xf32>
      %mul3A_181 = arith.mulf %mul3A_180, %mul3A_176 : vector<16xf32>
      %sub3A = arith.constant 1.500000e+00 : f32
      %sub3A_182 = vector.broadcast %sub3A : f32 to vector<16xf32>
      %sub3A_183 = arith.subf %sub3A_182, %mul3A_181 : vector<16xf32>
      %mul3A_184 = arith.mulf %mul3A_176, %sub3A_183 : vector<16xf32>
      %mul3A_185 = arith.constant 5.000000e-01 : f32
      %mul3A_186 = vector.broadcast %mul3A_185 : f32 to vector<16xf32>
      %mul3A_187 = arith.mulf %mul3A_186, %max3A_120 : vector<16xf32>
      %mul3A_188 = arith.mulf %mul3A_187, %mul3A_184 : vector<16xf32>
      %mul3A_189 = arith.mulf %mul3A_188, %mul3A_184 : vector<16xf32>
      %sub3A_190 = arith.constant 1.500000e+00 : f32
      %sub3A_191 = vector.broadcast %sub3A_190 : f32 to vector<16xf32>
      %sub3A_192 = arith.subf %sub3A_191, %mul3A_189 : vector<16xf32>
      %mul3A_193 = arith.mulf %mul3A_184, %sub3A_192 : vector<16xf32>
      %mul3A_194 = arith.constant 5.000000e-01 : f32
      %mul3A_195 = vector.broadcast %mul3A_194 : f32 to vector<16xf32>
      %mul3A_196 = arith.mulf %mul3A_195, %max3A_120 : vector<16xf32>
      %mul3A_197 = arith.mulf %mul3A_196, %mul3A_193 : vector<16xf32>
      %mul3A_198 = arith.mulf %mul3A_197, %mul3A_193 : vector<16xf32>
      %sub3A_199 = arith.constant 1.500000e+00 : f32
      %sub3A_200 = vector.broadcast %sub3A_199 : f32 to vector<16xf32>
      %sub3A_201 = arith.subf %sub3A_200, %mul3A_198 : vector<16xf32>
      %mul3A_202 = arith.mulf %mul3A_193, %sub3A_201 : vector<16xf32>
      %mul3A_203 = arith.constant 5.000000e-01 : f32
      %mul3A_204 = vector.broadcast %mul3A_203 : f32 to vector<16xf32>
      %mul3A_205 = arith.mulf %mul3A_204, %max3A_120 : vector<16xf32>
      %mul3A_206 = arith.mulf %mul3A_205, %mul3A_202 : vector<16xf32>
      %mul3A_207 = arith.mulf %mul3A_206, %mul3A_202 : vector<16xf32>
      %sub3A_208 = arith.constant 1.500000e+00 : f32
      %sub3A_209 = vector.broadcast %sub3A_208 : f32 to vector<16xf32>
      %sub3A_210 = arith.subf %sub3A_209, %mul3A_207 : vector<16xf32>
      %mul3A_211 = arith.mulf %mul3A_202, %sub3A_210 : vector<16xf32>
      %mul3A_212 = arith.constant 5.000000e-01 : f32
      %mul3A_213 = vector.broadcast %mul3A_212 : f32 to vector<16xf32>
      %mul3A_214 = arith.mulf %mul3A_213, %max3A_120 : vector<16xf32>
      %mul3A_215 = arith.mulf %mul3A_214, %mul3A_211 : vector<16xf32>
      %mul3A_216 = arith.mulf %mul3A_215, %mul3A_211 : vector<16xf32>
      %sub3A_217 = arith.constant 1.500000e+00 : f32
      %sub3A_218 = vector.broadcast %sub3A_217 : f32 to vector<16xf32>
      %sub3A_219 = arith.subf %sub3A_218, %mul3A_216 : vector<16xf32>
      %mul3A_220 = arith.mulf %mul3A_211, %sub3A_219 : vector<16xf32>
      %mul3A_221 = arith.constant 5.000000e-01 : f32
      %mul3A_222 = vector.broadcast %mul3A_221 : f32 to vector<16xf32>
      %mul3A_223 = arith.mulf %mul3A_222, %max3A_120 : vector<16xf32>
      %mul3A_224 = arith.mulf %mul3A_223, %mul3A_220 : vector<16xf32>
      %mul3A_225 = arith.mulf %mul3A_224, %mul3A_220 : vector<16xf32>
      %sub3A_226 = arith.constant 1.500000e+00 : f32
      %sub3A_227 = vector.broadcast %sub3A_226 : f32 to vector<16xf32>
      %sub3A_228 = arith.subf %sub3A_227, %mul3A_225 : vector<16xf32>
      %mul3A_229 = arith.mulf %mul3A_220, %sub3A_228 : vector<16xf32>
      %add3A_230 = arith.constant 384 : i32
      %add3A_231 = arith.addi %add3A_230, %scan3A_114 : i32
      %swap3A = arith.index_cast %add3A_231 : i32 to index
      %swap3A_232 = arith.constant 0 : index
      %swap3A_233 = tpu.vector_load %arg13[%swap3A, %swap3A_232] {strides = array<i32>} : memref<625x16xf32, #tpu.memory_space<vmem>>, vector<1x16xf32>,
      %swap3A_234 = vector.shape_cast %swap3A_233 : vector<1x16xf32> to vector<16xf32>
      %swap3A_235 = vector.shape_cast %mul3A_229 : vector<16xf32> to vector<1x16xf32>
      tpu.vector_store %arg13[%swap3A, %swap3A_232], %swap3A_235 {strides = array<i32>} : memref<625x16xf32, #tpu.memory_space<vmem>>, vector<1x16xf32>,
      %scan3A_236 = arith.constant 0 : i32
      scf.yield %scan3A_236 : i32
    }
    %scan3A_82 = arith.constant 128 : i32
    "tpu.region"() ({
      %run_scoped3A = tpu.sem_alloc : memref<!tpu.dma_semaphore, #tpu.memory_space<semaphore_mem>>
      %dma_start3A = arith.constant 0 : i32
      %dma_start3A_114 = arith.constant 0 : i32
      %dma_start3A_115 = tpu.memref_slice %arg11[%dma_start3A, %dma_start3A_114] : memref<128x64xf32, #tpu.memory_space<vmem>> -> memref<128x64xf32, #tpu.memory_space<vmem>>
      %dma_start3A_116 = tpu.memref_slice %arg2[%add3A_75, %mul3A_2] : memref<10000x128xf32, #tpu.memory_space<hbm>> -> memref<128x64xf32, #tpu.memory_space<hbm>>
      %dma_start3A_117 = arith.constant 0 : i32
      %dma_start3A_118 = arith.constant 0 : i32
      %dma_start3A_119 = tpu.memref_slice %arg11[%dma_start3A_117, %dma_start3A_118] : memref<128x64xf32, #tpu.memory_space<vmem>> -> memref<128x64xf32, #tpu.memory_space<vmem>>
      %dma_start3A_120 = tpu.memref_slice %arg2[%add3A_75, %mul3A_2] : memref<10000x128xf32, #tpu.memory_space<hbm>> -> memref<128x64xf32, #tpu.memory_space<hbm>>
      tpu.enqueue_dma source(%dma_start3A_120 : memref<128x64xf32, #tpu.memory_space<hbm>>) target(%dma_start3A_119 : memref<128x64xf32, #tpu.memory_space<vmem>>) target_semaphore(%run_scoped3A : memref<!tpu.dma_semaphore, #tpu.memory_space<semaphore_mem>>)
      %dma_wait3A = arith.constant 0 : i32
      %dma_wait3A_121 = arith.constant 0 : i32
      %dma_wait3A_122 = tpu.memref_slice %arg11[%dma_wait3A, %dma_wait3A_121] : memref<128x64xf32, #tpu.memory_space<vmem>> -> memref<128x64xf32, #tpu.memory_space<vmem>>
      %dma_wait3A_123 = tpu.memref_slice %arg2[%add3A_75, %mul3A_2] : memref<10000x128xf32, #tpu.memory_space<hbm>> -> memref<128x64xf32, #tpu.memory_space<hbm>>
      %dma_wait3A_124 = arith.constant 0 : i32
      %dma_wait3A_125 = arith.constant 0 : i32
      %dma_wait3A_126 = tpu.memref_slice %arg11[%dma_wait3A_124, %dma_wait3A_125] : memref<128x64xf32, #tpu.memory_space<vmem>> -> memref<128x64xf32, #tpu.memory_space<vmem>>
      %dma_wait3A_127 = tpu.memref_slice %arg2[%add3A_75, %mul3A_2] : memref<10000x128xf32, #tpu.memory_space<hbm>> -> memref<128x64xf32, #tpu.memory_space<hbm>>
      tpu.wait_dma2 semaphore(%run_scoped3A : memref<!tpu.dma_semaphore, #tpu.memory_space<semaphore_mem>>) src(%dma_wait3A_127 : memref<128x64xf32, #tpu.memory_space<hbm>>) dst(%dma_wait3A_126 : memref<128x64xf32, #tpu.memory_space<vmem>>)
      tpu.yield
    }) : () -> ()
    %scan3A_83 = arith.constant 0 : i32
    %scan3A_84 = arith.constant 0 : i32
    %scan3A_85 = arith.constant 128 : i32
    %scan3A_86 = arith.addi %scan3A_84, %scan3A_85 : i32
    %scan3A_87 = arith.constant 1 : i32
    %scan3A_88 = scf.for %scan3A_114 = %scan3A_84 to %scan3A_86 step %scan3A_87 iter_args(%scan3A_115 = %scan3A_83) -> (i32)  : i32 {
      %add3A_116 = arith.constant 384 : i32
      %add3A_117 = arith.addi %add3A_116, %scan3A_114 : i32
      %get3A = arith.index_cast %add3A_117 : i32 to index
      %get3A_118 = arith.constant 0 : index
      %get3A_119 = tpu.vector_load %arg13[%get3A, %get3A_118] {strides = array<i32>} : memref<625x16xf32, #tpu.memory_space<vmem>>, vector<1x16xf32>,
      %get3A_120 = vector.shape_cast %get3A_119 : vector<1x16xf32> to vector<16xf32>
      %get3A_121 = arith.index_cast %scan3A_114 : i32 to index
      %get3A_122 = arith.constant 0 : index
      %get3A_123 = tpu.vector_load %arg11[%get3A_121, %get3A_122] {strides = array<i32>} : memref<128x64xf32, #tpu.memory_space<vmem>>, vector<1x16xf32>,
      %get3A_124 = vector.shape_cast %get3A_123 : vector<1x16xf32> to vector<16xf32>
      %mul3A_125 = arith.mulf %get3A_120, %get3A_124 : vector<16xf32>
      %swap3A = arith.index_cast %scan3A_114 : i32 to index
      %swap3A_126 = arith.constant 0 : index
      %swap3A_127 = tpu.vector_load %arg11[%swap3A, %swap3A_126] {strides = array<i32>} : memref<128x64xf32, #tpu.memory_space<vmem>>, vector<1x16xf32>,
      %swap3A_128 = vector.shape_cast %swap3A_127 : vector<1x16xf32> to vector<16xf32>
      %swap3A_129 = vector.shape_cast %mul3A_125 : vector<16xf32> to vector<1x16xf32>
      tpu.vector_store %arg11[%swap3A, %swap3A_126], %swap3A_129 {strides = array<i32>} : memref<128x64xf32, #tpu.memory_space<vmem>>, vector<1x16xf32>,
      %get3A_130 = arith.index_cast %scan3A_114 : i32 to index
      %get3A_131 = arith.constant 16 : index
      %get3A_132 = tpu.vector_load %arg11[%get3A_130, %get3A_131] {strides = array<i32>} : memref<128x64xf32, #tpu.memory_space<vmem>>, vector<1x16xf32>,
      %get3A_133 = vector.shape_cast %get3A_132 : vector<1x16xf32> to vector<16xf32>
      %mul3A_134 = arith.mulf %get3A_120, %get3A_133 : vector<16xf32>
      %swap3A_135 = arith.index_cast %scan3A_114 : i32 to index
      %swap3A_136 = arith.constant 16 : index
      %swap3A_137 = tpu.vector_load %arg11[%swap3A_135, %swap3A_136] {strides = array<i32>} : memref<128x64xf32, #tpu.memory_space<vmem>>, vector<1x16xf32>,
      %swap3A_138 = vector.shape_cast %swap3A_137 : vector<1x16xf32> to vector<16xf32>
      %swap3A_139 = vector.shape_cast %mul3A_134 : vector<16xf32> to vector<1x16xf32>
      tpu.vector_store %arg11[%swap3A_135, %swap3A_136], %swap3A_139 {strides = array<i32>} : memref<128x64xf32, #tpu.memory_space<vmem>>, vector<1x16xf32>,
      %get3A_140 = arith.index_cast %scan3A_114 : i32 to index
      %get3A_141 = arith.constant 32 : index
      %get3A_142 = tpu.vector_load %arg11[%get3A_140, %get3A_141] {strides = array<i32>} : memref<128x64xf32, #tpu.memory_space<vmem>>, vector<1x16xf32>,
      %get3A_143 = vector.shape_cast %get3A_142 : vector<1x16xf32> to vector<16xf32>
      %mul3A_144 = arith.mulf %get3A_120, %get3A_143 : vector<16xf32>
      %swap3A_145 = arith.index_cast %scan3A_114 : i32 to index
      %swap3A_146 = arith.constant 32 : index
      %swap3A_147 = tpu.vector_load %arg11[%swap3A_145, %swap3A_146] {strides = array<i32>} : memref<128x64xf32, #tpu.memory_space<vmem>>, vector<1x16xf32>,
      %swap3A_148 = vector.shape_cast %swap3A_147 : vector<1x16xf32> to vector<16xf32>
      %swap3A_149 = vector.shape_cast %mul3A_144 : vector<16xf32> to vector<1x16xf32>
      tpu.vector_store %arg11[%swap3A_145, %swap3A_146], %swap3A_149 {strides = array<i32>} : memref<128x64xf32, #tpu.memory_space<vmem>>, vector<1x16xf32>,
      %get3A_150 = arith.index_cast %scan3A_114 : i32 to index
      %get3A_151 = arith.constant 48 : index
      %get3A_152 = tpu.vector_load %arg11[%get3A_150, %get3A_151] {strides = array<i32>} : memref<128x64xf32, #tpu.memory_space<vmem>>, vector<1x16xf32>,
      %get3A_153 = vector.shape_cast %get3A_152 : vector<1x16xf32> to vector<16xf32>
      %mul3A_154 = arith.mulf %get3A_120, %get3A_153 : vector<16xf32>
      %swap3A_155 = arith.index_cast %scan3A_114 : i32 to index
      %swap3A_156 = arith.constant 48 : index
      %swap3A_157 = tpu.vector_load %arg11[%swap3A_155, %swap3A_156] {strides = array<i32>} : memref<128x64xf32, #tpu.memory_space<vmem>>, vector<1x16xf32>,
      %swap3A_158 = vector.shape_cast %swap3A_157 : vector<1x16xf32> to vector<16xf32>
      %swap3A_159 = vector.shape_cast %mul3A_154 : vector<16xf32> to vector<1x16xf32>
      tpu.vector_store %arg11[%swap3A_155, %swap3A_156], %swap3A_159 {strides = array<i32>} : memref<128x64xf32, #tpu.memory_space<vmem>>, vector<1x16xf32>,
      %scan3A_160 = arith.constant 0 : i32
      scf.yield %scan3A_160 : i32
    }
    %scan3A_89 = arith.constant 128 : i32
    "tpu.region"() ({
      %run_scoped3A = tpu.sem_alloc : memref<!tpu.dma_semaphore, #tpu.memory_space<semaphore_mem>>
      %dma_start3A = arith.constant 0 : i32
      %dma_start3A_114 = arith.constant 0 : i32
      %dma_start3A_115 = tpu.memref_slice %arg11[%dma_start3A, %dma_start3A_114] : memref<128x64xf32, #tpu.memory_space<vmem>> -> memref<128x64xf32, #tpu.memory_space<vmem>>
      %dma_start3A_116 = arith.constant 0 : i32
      %dma_start3A_117 = tpu.memref_slice %arg6[%add3A_75, %dma_start3A_116] : memref<10016x64xf32, #tpu.memory_space<vmem_shared>> -> memref<128x64xf32, #tpu.memory_space<vmem_shared>>
      %dma_start3A_118 = arith.constant 0 : i32
      %dma_start3A_119 = tpu.memref_slice %arg6[%add3A_75, %dma_start3A_118] : memref<10016x64xf32, #tpu.memory_space<vmem_shared>> -> memref<128x64xf32, #tpu.memory_space<vmem_shared>>
      %dma_start3A_120 = arith.constant 0 : i32
      %dma_start3A_121 = arith.constant 0 : i32
      %dma_start3A_122 = tpu.memref_slice %arg11[%dma_start3A_120, %dma_start3A_121] : memref<128x64xf32, #tpu.memory_space<vmem>> -> memref<128x64xf32, #tpu.memory_space<vmem>>
      tpu.enqueue_dma source(%dma_start3A_122 : memref<128x64xf32, #tpu.memory_space<vmem>>) target(%dma_start3A_119 : memref<128x64xf32, #tpu.memory_space<vmem_shared>>) target_semaphore(%run_scoped3A : memref<!tpu.dma_semaphore, #tpu.memory_space<semaphore_mem>>)
      %dma_wait3A = arith.constant 0 : i32
      %dma_wait3A_123 = arith.constant 0 : i32
      %dma_wait3A_124 = tpu.memref_slice %arg11[%dma_wait3A, %dma_wait3A_123] : memref<128x64xf32, #tpu.memory_space<vmem>> -> memref<128x64xf32, #tpu.memory_space<vmem>>
      %dma_wait3A_125 = arith.constant 0 : i32
      %dma_wait3A_126 = tpu.memref_slice %arg6[%add3A_75, %dma_wait3A_125] : memref<10016x64xf32, #tpu.memory_space<vmem_shared>> -> memref<128x64xf32, #tpu.memory_space<vmem_shared>>
      %dma_wait3A_127 = arith.constant 0 : i32
      %dma_wait3A_128 = tpu.memref_slice %arg6[%add3A_75, %dma_wait3A_127] : memref<10016x64xf32, #tpu.memory_space<vmem_shared>> -> memref<128x64xf32, #tpu.memory_space<vmem_shared>>
      %dma_wait3A_129 = arith.constant 0 : i32
      %dma_wait3A_130 = arith.constant 0 : i32
      %dma_wait3A_131 = tpu.memref_slice %arg11[%dma_wait3A_129, %dma_wait3A_130] : memref<128x64xf32, #tpu.memory_space<vmem>> -> memref<128x64xf32, #tpu.memory_space<vmem>>
      tpu.wait_dma2 semaphore(%run_scoped3A : memref<!tpu.dma_semaphore, #tpu.memory_space<semaphore_mem>>) src(%dma_wait3A_131 : memref<128x64xf32, #tpu.memory_space<vmem>>) dst(%dma_wait3A_128 : memref<128x64xf32, #tpu.memory_space<vmem_shared>>)
      tpu.yield
    }) : () -> ()
    %add3A_90 = arith.constant 512 : i32
    %add3A_91 = arith.addi %mul3A_0, %add3A_90 : i32
    "tpu.region"() ({
      %run_scoped3A = tpu.sem_alloc : memref<!tpu.dma_semaphore, #tpu.memory_space<semaphore_mem>>
      %dma_start3A = arith.constant 0 : i32
      %dma_start3A_114 = arith.constant 0 : i32
      %dma_start3A_115 = tpu.memref_slice %arg11[%dma_start3A, %dma_start3A_114] : memref<128x64xf32, #tpu.memory_space<vmem>> -> memref<113x64xf32, #tpu.memory_space<vmem>>
      %dma_start3A_116 = arith.constant 0 : i32
      %dma_start3A_117 = tpu.memref_slice %arg7[%add3A_91, %dma_start3A_116] : memref<10016x64xf32, #tpu.memory_space<vmem_shared>> -> memref<113x64xf32, #tpu.memory_space<vmem_shared>>
      %dma_start3A_118 = arith.constant 0 : i32
      %dma_start3A_119 = arith.constant 0 : i32
      %dma_start3A_120 = tpu.memref_slice %arg11[%dma_start3A_118, %dma_start3A_119] : memref<128x64xf32, #tpu.memory_space<vmem>> -> memref<113x64xf32, #tpu.memory_space<vmem>>
      %dma_start3A_121 = arith.constant 0 : i32
      %dma_start3A_122 = tpu.memref_slice %arg7[%add3A_91, %dma_start3A_121] : memref<10016x64xf32, #tpu.memory_space<vmem_shared>> -> memref<113x64xf32, #tpu.memory_space<vmem_shared>>
      tpu.enqueue_dma source(%dma_start3A_122 : memref<113x64xf32, #tpu.memory_space<vmem_shared>>) target(%dma_start3A_120 : memref<113x64xf32, #tpu.memory_space<vmem>>) target_semaphore(%run_scoped3A : memref<!tpu.dma_semaphore, #tpu.memory_space<semaphore_mem>>)
      %dma_wait3A = arith.constant 0 : i32
      %dma_wait3A_123 = arith.constant 0 : i32
      %dma_wait3A_124 = tpu.memref_slice %arg11[%dma_wait3A, %dma_wait3A_123] : memref<128x64xf32, #tpu.memory_space<vmem>> -> memref<113x64xf32, #tpu.memory_space<vmem>>
      %dma_wait3A_125 = arith.constant 0 : i32
      %dma_wait3A_126 = tpu.memref_slice %arg7[%add3A_91, %dma_wait3A_125] : memref<10016x64xf32, #tpu.memory_space<vmem_shared>> -> memref<113x64xf32, #tpu.memory_space<vmem_shared>>
      %dma_wait3A_127 = arith.constant 0 : i32
      %dma_wait3A_128 = arith.constant 0 : i32
      %dma_wait3A_129 = tpu.memref_slice %arg11[%dma_wait3A_127, %dma_wait3A_128] : memref<128x64xf32, #tpu.memory_space<vmem>> -> memref<113x64xf32, #tpu.memory_space<vmem>>
      %dma_wait3A_130 = arith.constant 0 : i32
      %dma_wait3A_131 = tpu.memref_slice %arg7[%add3A_91, %dma_wait3A_130] : memref<10016x64xf32, #tpu.memory_space<vmem_shared>> -> memref<113x64xf32, #tpu.memory_space<vmem_shared>>
      tpu.wait_dma2 semaphore(%run_scoped3A : memref<!tpu.dma_semaphore, #tpu.memory_space<semaphore_mem>>) src(%dma_wait3A_131 : memref<113x64xf32, #tpu.memory_space<vmem_shared>>) dst(%dma_wait3A_129 : memref<113x64xf32, #tpu.memory_space<vmem>>)
      tpu.yield
    }) : () -> ()
    "tpu.region"() ({
      %run_scoped3A = tpu.sem_alloc : memref<!tpu.dma_semaphore, #tpu.memory_space<semaphore_mem>>
      %dma_start3A = arith.constant 0 : i32
      %dma_start3A_114 = arith.constant 0 : i32
      %dma_start3A_115 = tpu.memref_slice %arg12[%dma_start3A, %dma_start3A_114] : memref<128x64xf32, #tpu.memory_space<vmem>> -> memref<113x64xf32, #tpu.memory_space<vmem>>
      %dma_start3A_116 = arith.constant 0 : i32
      %dma_start3A_117 = tpu.memref_slice %arg7[%add3A_91, %dma_start3A_116] : memref<10016x64xf32, #tpu.memory_space<vmem_shared>> -> memref<113x64xf32, #tpu.memory_space<vmem_shared>>
      %dma_start3A_118 = arith.constant 0 : i32
      %dma_start3A_119 = tpu.memref_slice %arg7[%add3A_91, %dma_start3A_118] : memref<10016x64xf32, #tpu.memory_space<vmem_shared>> -> memref<113x64xf32, #tpu.memory_space<vmem_shared>>
      %dma_start3A_120 = arith.constant 0 : i32
      %dma_start3A_121 = arith.constant 0 : i32
      %dma_start3A_122 = tpu.memref_slice %arg12[%dma_start3A_120, %dma_start3A_121] : memref<128x64xf32, #tpu.memory_space<vmem>> -> memref<113x64xf32, #tpu.memory_space<vmem>>
      tpu.enqueue_dma source(%dma_start3A_122 : memref<113x64xf32, #tpu.memory_space<vmem>>) target(%dma_start3A_119 : memref<113x64xf32, #tpu.memory_space<vmem_shared>>) target_semaphore(%run_scoped3A : memref<!tpu.dma_semaphore, #tpu.memory_space<semaphore_mem>>)
      %dma_wait3A = arith.constant 0 : i32
      %dma_wait3A_123 = arith.constant 0 : i32
      %dma_wait3A_124 = tpu.memref_slice %arg12[%dma_wait3A, %dma_wait3A_123] : memref<128x64xf32, #tpu.memory_space<vmem>> -> memref<113x64xf32, #tpu.memory_space<vmem>>
      %dma_wait3A_125 = arith.constant 0 : i32
      %dma_wait3A_126 = tpu.memref_slice %arg7[%add3A_91, %dma_wait3A_125] : memref<10016x64xf32, #tpu.memory_space<vmem_shared>> -> memref<113x64xf32, #tpu.memory_space<vmem_shared>>
      %dma_wait3A_127 = arith.constant 0 : i32
      %dma_wait3A_128 = tpu.memref_slice %arg7[%add3A_91, %dma_wait3A_127] : memref<10016x64xf32, #tpu.memory_space<vmem_shared>> -> memref<113x64xf32, #tpu.memory_space<vmem_shared>>
      %dma_wait3A_129 = arith.constant 0 : i32
      %dma_wait3A_130 = arith.constant 0 : i32
      %dma_wait3A_131 = tpu.memref_slice %arg12[%dma_wait3A_129, %dma_wait3A_130] : memref<128x64xf32, #tpu.memory_space<vmem>> -> memref<113x64xf32, #tpu.memory_space<vmem>>
      tpu.wait_dma2 semaphore(%run_scoped3A : memref<!tpu.dma_semaphore, #tpu.memory_space<semaphore_mem>>) src(%dma_wait3A_131 : memref<113x64xf32, #tpu.memory_space<vmem>>) dst(%dma_wait3A_128 : memref<113x64xf32, #tpu.memory_space<vmem_shared>>)
      tpu.yield
    }) : () -> ()
    %scan3A_92 = arith.constant 0 : i32
    %scan3A_93 = arith.constant 0 : i32
    %scan3A_94 = arith.constant 113 : i32
    %scan3A_95 = arith.addi %scan3A_93, %scan3A_94 : i32
    %scan3A_96 = arith.constant 1 : i32
    %scan3A_97 = scf.for %scan3A_114 = %scan3A_93 to %scan3A_95 step %scan3A_96 iter_args(%scan3A_115 = %scan3A_92) -> (i32)  : i32 {
      %get3A = arith.index_cast %scan3A_114 : i32 to index
      %get3A_116 = arith.constant 0 : index
      %get3A_117 = tpu.vector_load %arg11[%get3A, %get3A_116] {strides = array<i32>} : memref<128x64xf32, #tpu.memory_space<vmem>>, vector<1x16xf32>,
      %get3A_118 = vector.shape_cast %get3A_117 : vector<1x16xf32> to vector<16xf32>
      %max3A = arith.constant 1.000000e+00 : f32
      %max3A_119 = vector.broadcast %max3A : f32 to vector<16xf32>
      %max3A_120 = arith.maximumf %get3A_118, %max3A_119 : vector<16xf32>
      %broadcast_in_dim3A = arith.constant 1.000000e+00 : f32
      %broadcast_in_dim3A_121 = vector.broadcast %broadcast_in_dim3A : f32 to vector<16xf32>
      %ge3A = arith.constant 4.000000e+00 : f32
      %ge3A_122 = vector.broadcast %ge3A : f32 to vector<16xf32>
      %ge3A_123 = arith.cmpf oge, %max3A_120, %ge3A_122 : vector<16xf32>
      %broadcast_in_dim3A_124 = arith.constant 5.000000e-01 : f32
      %broadcast_in_dim3A_125 = vector.broadcast %broadcast_in_dim3A_124 : f32 to vector<16xf32>
      %select_n3A = arith.select %ge3A_123, %broadcast_in_dim3A_125, %broadcast_in_dim3A_121 : vector<16xi1>, vector<16xf32>
      %ge3A_126 = arith.constant 1.600000e+01 : f32
      %ge3A_127 = vector.broadcast %ge3A_126 : f32 to vector<16xf32>
      %ge3A_128 = arith.cmpf oge, %max3A_120, %ge3A_127 : vector<16xf32>
      %broadcast_in_dim3A_129 = arith.constant 2.500000e-01 : f32
      %broadcast_in_dim3A_130 = vector.broadcast %broadcast_in_dim3A_129 : f32 to vector<16xf32>
      %select_n3A_131 = arith.select %ge3A_128, %broadcast_in_dim3A_130, %select_n3A : vector<16xi1>, vector<16xf32>
      %ge3A_132 = arith.constant 6.400000e+01 : f32
      %ge3A_133 = vector.broadcast %ge3A_132 : f32 to vector<16xf32>
      %ge3A_134 = arith.cmpf oge, %max3A_120, %ge3A_133 : vector<16xf32>
      %broadcast_in_dim3A_135 = arith.constant 1.250000e-01 : f32
      %broadcast_in_dim3A_136 = vector.broadcast %broadcast_in_dim3A_135 : f32 to vector<16xf32>
      %select_n3A_137 = arith.select %ge3A_134, %broadcast_in_dim3A_136, %select_n3A_131 : vector<16xi1>, vector<16xf32>
      %ge3A_138 = arith.constant 2.560000e+02 : f32
      %ge3A_139 = vector.broadcast %ge3A_138 : f32 to vector<16xf32>
      %ge3A_140 = arith.cmpf oge, %max3A_120, %ge3A_139 : vector<16xf32>
      %broadcast_in_dim3A_141 = arith.constant 6.250000e-02 : f32
      %broadcast_in_dim3A_142 = vector.broadcast %broadcast_in_dim3A_141 : f32 to vector<16xf32>
      %select_n3A_143 = arith.select %ge3A_140, %broadcast_in_dim3A_142, %select_n3A_137 : vector<16xi1>, vector<16xf32>
      %ge3A_144 = arith.constant 1.024000e+03 : f32
      %ge3A_145 = vector.broadcast %ge3A_144 : f32 to vector<16xf32>
      %ge3A_146 = arith.cmpf oge, %max3A_120, %ge3A_145 : vector<16xf32>
      %broadcast_in_dim3A_147 = arith.constant 3.125000e-02 : f32
      %broadcast_in_dim3A_148 = vector.broadcast %broadcast_in_dim3A_147 : f32 to vector<16xf32>
      %select_n3A_149 = arith.select %ge3A_146, %broadcast_in_dim3A_148, %select_n3A_143 : vector<16xi1>, vector<16xf32>
      %ge3A_150 = arith.constant 4.096000e+03 : f32
      %ge3A_151 = vector.broadcast %ge3A_150 : f32 to vector<16xf32>
      %ge3A_152 = arith.cmpf oge, %max3A_120, %ge3A_151 : vector<16xf32>
      %broadcast_in_dim3A_153 = arith.constant 1.562500e-02 : f32
      %broadcast_in_dim3A_154 = vector.broadcast %broadcast_in_dim3A_153 : f32 to vector<16xf32>
      %select_n3A_155 = arith.select %ge3A_152, %broadcast_in_dim3A_154, %select_n3A_149 : vector<16xi1>, vector<16xf32>
      %ge3A_156 = arith.constant 1.638400e+04 : f32
      %ge3A_157 = vector.broadcast %ge3A_156 : f32 to vector<16xf32>
      %ge3A_158 = arith.cmpf oge, %max3A_120, %ge3A_157 : vector<16xf32>
      %broadcast_in_dim3A_159 = arith.constant 7.812500e-03 : f32
      %broadcast_in_dim3A_160 = vector.broadcast %broadcast_in_dim3A_159 : f32 to vector<16xf32>
      %select_n3A_161 = arith.select %ge3A_158, %broadcast_in_dim3A_160, %select_n3A_155 : vector<16xi1>, vector<16xf32>
      %ge3A_162 = arith.constant 6.553600e+04 : f32
      %ge3A_163 = vector.broadcast %ge3A_162 : f32 to vector<16xf32>
      %ge3A_164 = arith.cmpf oge, %max3A_120, %ge3A_163 : vector<16xf32>
      %broadcast_in_dim3A_165 = arith.constant 3.906250e-03 : f32
      %broadcast_in_dim3A_166 = vector.broadcast %broadcast_in_dim3A_165 : f32 to vector<16xf32>
      %select_n3A_167 = arith.select %ge3A_164, %broadcast_in_dim3A_166, %select_n3A_161 : vector<16xi1>, vector<16xf32>
      %ge3A_168 = arith.constant 2.621440e+05 : f32
      %ge3A_169 = vector.broadcast %ge3A_168 : f32 to vector<16xf32>
      %ge3A_170 = arith.cmpf oge, %max3A_120, %ge3A_169 : vector<16xf32>
      %broadcast_in_dim3A_171 = arith.constant 0.001953125 : f32
      %broadcast_in_dim3A_172 = vector.broadcast %broadcast_in_dim3A_171 : f32 to vector<16xf32>
      %select_n3A_173 = arith.select %ge3A_170, %broadcast_in_dim3A_172, %select_n3A_167 : vector<16xi1>, vector<16xf32>
      %mul3A_174 = arith.constant 0.699999988 : f32
      %mul3A_175 = vector.broadcast %mul3A_174 : f32 to vector<16xf32>
      %mul3A_176 = arith.mulf %select_n3A_173, %mul3A_175 : vector<16xf32>
      %mul3A_177 = arith.constant 5.000000e-01 : f32
      %mul3A_178 = vector.broadcast %mul3A_177 : f32 to vector<16xf32>
      %mul3A_179 = arith.mulf %mul3A_178, %max3A_120 : vector<16xf32>
      %mul3A_180 = arith.mulf %mul3A_179, %mul3A_176 : vector<16xf32>
      %mul3A_181 = arith.mulf %mul3A_180, %mul3A_176 : vector<16xf32>
      %sub3A = arith.constant 1.500000e+00 : f32
      %sub3A_182 = vector.broadcast %sub3A : f32 to vector<16xf32>
      %sub3A_183 = arith.subf %sub3A_182, %mul3A_181 : vector<16xf32>
      %mul3A_184 = arith.mulf %mul3A_176, %sub3A_183 : vector<16xf32>
      %mul3A_185 = arith.constant 5.000000e-01 : f32
      %mul3A_186 = vector.broadcast %mul3A_185 : f32 to vector<16xf32>
      %mul3A_187 = arith.mulf %mul3A_186, %max3A_120 : vector<16xf32>
      %mul3A_188 = arith.mulf %mul3A_187, %mul3A_184 : vector<16xf32>
      %mul3A_189 = arith.mulf %mul3A_188, %mul3A_184 : vector<16xf32>
      %sub3A_190 = arith.constant 1.500000e+00 : f32
      %sub3A_191 = vector.broadcast %sub3A_190 : f32 to vector<16xf32>
      %sub3A_192 = arith.subf %sub3A_191, %mul3A_189 : vector<16xf32>
      %mul3A_193 = arith.mulf %mul3A_184, %sub3A_192 : vector<16xf32>
      %mul3A_194 = arith.constant 5.000000e-01 : f32
      %mul3A_195 = vector.broadcast %mul3A_194 : f32 to vector<16xf32>
      %mul3A_196 = arith.mulf %mul3A_195, %max3A_120 : vector<16xf32>
      %mul3A_197 = arith.mulf %mul3A_196, %mul3A_193 : vector<16xf32>
      %mul3A_198 = arith.mulf %mul3A_197, %mul3A_193 : vector<16xf32>
      %sub3A_199 = arith.constant 1.500000e+00 : f32
      %sub3A_200 = vector.broadcast %sub3A_199 : f32 to vector<16xf32>
      %sub3A_201 = arith.subf %sub3A_200, %mul3A_198 : vector<16xf32>
      %mul3A_202 = arith.mulf %mul3A_193, %sub3A_201 : vector<16xf32>
      %mul3A_203 = arith.constant 5.000000e-01 : f32
      %mul3A_204 = vector.broadcast %mul3A_203 : f32 to vector<16xf32>
      %mul3A_205 = arith.mulf %mul3A_204, %max3A_120 : vector<16xf32>
      %mul3A_206 = arith.mulf %mul3A_205, %mul3A_202 : vector<16xf32>
      %mul3A_207 = arith.mulf %mul3A_206, %mul3A_202 : vector<16xf32>
      %sub3A_208 = arith.constant 1.500000e+00 : f32
      %sub3A_209 = vector.broadcast %sub3A_208 : f32 to vector<16xf32>
      %sub3A_210 = arith.subf %sub3A_209, %mul3A_207 : vector<16xf32>
      %mul3A_211 = arith.mulf %mul3A_202, %sub3A_210 : vector<16xf32>
      %mul3A_212 = arith.constant 5.000000e-01 : f32
      %mul3A_213 = vector.broadcast %mul3A_212 : f32 to vector<16xf32>
      %mul3A_214 = arith.mulf %mul3A_213, %max3A_120 : vector<16xf32>
      %mul3A_215 = arith.mulf %mul3A_214, %mul3A_211 : vector<16xf32>
      %mul3A_216 = arith.mulf %mul3A_215, %mul3A_211 : vector<16xf32>
      %sub3A_217 = arith.constant 1.500000e+00 : f32
      %sub3A_218 = vector.broadcast %sub3A_217 : f32 to vector<16xf32>
      %sub3A_219 = arith.subf %sub3A_218, %mul3A_216 : vector<16xf32>
      %mul3A_220 = arith.mulf %mul3A_211, %sub3A_219 : vector<16xf32>
      %mul3A_221 = arith.constant 5.000000e-01 : f32
      %mul3A_222 = vector.broadcast %mul3A_221 : f32 to vector<16xf32>
      %mul3A_223 = arith.mulf %mul3A_222, %max3A_120 : vector<16xf32>
      %mul3A_224 = arith.mulf %mul3A_223, %mul3A_220 : vector<16xf32>
      %mul3A_225 = arith.mulf %mul3A_224, %mul3A_220 : vector<16xf32>
      %sub3A_226 = arith.constant 1.500000e+00 : f32
      %sub3A_227 = vector.broadcast %sub3A_226 : f32 to vector<16xf32>
      %sub3A_228 = arith.subf %sub3A_227, %mul3A_225 : vector<16xf32>
      %mul3A_229 = arith.mulf %mul3A_220, %sub3A_228 : vector<16xf32>
      %add3A_230 = arith.constant 512 : i32
      %add3A_231 = arith.addi %add3A_230, %scan3A_114 : i32
      %swap3A = arith.index_cast %add3A_231 : i32 to index
      %swap3A_232 = arith.constant 0 : index
      %swap3A_233 = tpu.vector_load %arg13[%swap3A, %swap3A_232] {strides = array<i32>} : memref<625x16xf32, #tpu.memory_space<vmem>>, vector<1x16xf32>,
      %swap3A_234 = vector.shape_cast %swap3A_233 : vector<1x16xf32> to vector<16xf32>
      %swap3A_235 = vector.shape_cast %mul3A_229 : vector<16xf32> to vector<1x16xf32>
      tpu.vector_store %arg13[%swap3A, %swap3A_232], %swap3A_235 {strides = array<i32>} : memref<625x16xf32, #tpu.memory_space<vmem>>, vector<1x16xf32>,
      %scan3A_236 = arith.constant 0 : i32
      scf.yield %scan3A_236 : i32
    }
    %scan3A_98 = arith.constant 113 : i32
    "tpu.region"() ({
      %run_scoped3A = tpu.sem_alloc : memref<!tpu.dma_semaphore, #tpu.memory_space<semaphore_mem>>
      %dma_start3A = arith.constant 0 : i32
      %dma_start3A_114 = arith.constant 0 : i32
      %dma_start3A_115 = tpu.memref_slice %arg11[%dma_start3A, %dma_start3A_114] : memref<128x64xf32, #tpu.memory_space<vmem>> -> memref<113x64xf32, #tpu.memory_space<vmem>>
      %dma_start3A_116 = tpu.memref_slice %arg2[%add3A_91, %mul3A_2] : memref<10000x128xf32, #tpu.memory_space<hbm>> -> memref<113x64xf32, #tpu.memory_space<hbm>>
      %dma_start3A_117 = arith.constant 0 : i32
      %dma_start3A_118 = arith.constant 0 : i32
      %dma_start3A_119 = tpu.memref_slice %arg11[%dma_start3A_117, %dma_start3A_118] : memref<128x64xf32, #tpu.memory_space<vmem>> -> memref<113x64xf32, #tpu.memory_space<vmem>>
      %dma_start3A_120 = tpu.memref_slice %arg2[%add3A_91, %mul3A_2] : memref<10000x128xf32, #tpu.memory_space<hbm>> -> memref<113x64xf32, #tpu.memory_space<hbm>>
      tpu.enqueue_dma source(%dma_start3A_120 : memref<113x64xf32, #tpu.memory_space<hbm>>) target(%dma_start3A_119 : memref<113x64xf32, #tpu.memory_space<vmem>>) target_semaphore(%run_scoped3A : memref<!tpu.dma_semaphore, #tpu.memory_space<semaphore_mem>>)
      %dma_wait3A = arith.constant 0 : i32
      %dma_wait3A_121 = arith.constant 0 : i32
      %dma_wait3A_122 = tpu.memref_slice %arg11[%dma_wait3A, %dma_wait3A_121] : memref<128x64xf32, #tpu.memory_space<vmem>> -> memref<113x64xf32, #tpu.memory_space<vmem>>
      %dma_wait3A_123 = tpu.memref_slice %arg2[%add3A_91, %mul3A_2] : memref<10000x128xf32, #tpu.memory_space<hbm>> -> memref<113x64xf32, #tpu.memory_space<hbm>>
      %dma_wait3A_124 = arith.constant 0 : i32
      %dma_wait3A_125 = arith.constant 0 : i32
      %dma_wait3A_126 = tpu.memref_slice %arg11[%dma_wait3A_124, %dma_wait3A_125] : memref<128x64xf32, #tpu.memory_space<vmem>> -> memref<113x64xf32, #tpu.memory_space<vmem>>
      %dma_wait3A_127 = tpu.memref_slice %arg2[%add3A_91, %mul3A_2] : memref<10000x128xf32, #tpu.memory_space<hbm>> -> memref<113x64xf32, #tpu.memory_space<hbm>>
      tpu.wait_dma2 semaphore(%run_scoped3A : memref<!tpu.dma_semaphore, #tpu.memory_space<semaphore_mem>>) src(%dma_wait3A_127 : memref<113x64xf32, #tpu.memory_space<hbm>>) dst(%dma_wait3A_126 : memref<113x64xf32, #tpu.memory_space<vmem>>)
      tpu.yield
    }) : () -> ()
    %scan3A_99 = arith.constant 0 : i32
    %scan3A_100 = arith.constant 0 : i32
    %scan3A_101 = arith.constant 113 : i32
    %scan3A_102 = arith.addi %scan3A_100, %scan3A_101 : i32
    %scan3A_103 = arith.constant 1 : i32
    %scan3A_104 = scf.for %scan3A_114 = %scan3A_100 to %scan3A_102 step %scan3A_103 iter_args(%scan3A_115 = %scan3A_99) -> (i32)  : i32 {
      %add3A_116 = arith.constant 512 : i32
      %add3A_117 = arith.addi %add3A_116, %scan3A_114 : i32
      %get3A = arith.index_cast %add3A_117 : i32 to index
      %get3A_118 = arith.constant 0 : index
      %get3A_119 = tpu.vector_load %arg13[%get3A, %get3A_118] {strides = array<i32>} : memref<625x16xf32, #tpu.memory_space<vmem>>, vector<1x16xf32>,
      %get3A_120 = vector.shape_cast %get3A_119 : vector<1x16xf32> to vector<16xf32>
      %get3A_121 = arith.index_cast %scan3A_114 : i32 to index
      %get3A_122 = arith.constant 0 : index
      %get3A_123 = tpu.vector_load %arg11[%get3A_121, %get3A_122] {strides = array<i32>} : memref<128x64xf32, #tpu.memory_space<vmem>>, vector<1x16xf32>,
      %get3A_124 = vector.shape_cast %get3A_123 : vector<1x16xf32> to vector<16xf32>
      %mul3A_125 = arith.mulf %get3A_120, %get3A_124 : vector<16xf32>
      %swap3A = arith.index_cast %scan3A_114 : i32 to index
      %swap3A_126 = arith.constant 0 : index
      %swap3A_127 = tpu.vector_load %arg11[%swap3A, %swap3A_126] {strides = array<i32>} : memref<128x64xf32, #tpu.memory_space<vmem>>, vector<1x16xf32>,
      %swap3A_128 = vector.shape_cast %swap3A_127 : vector<1x16xf32> to vector<16xf32>
      %swap3A_129 = vector.shape_cast %mul3A_125 : vector<16xf32> to vector<1x16xf32>
      tpu.vector_store %arg11[%swap3A, %swap3A_126], %swap3A_129 {strides = array<i32>} : memref<128x64xf32, #tpu.memory_space<vmem>>, vector<1x16xf32>,
      %get3A_130 = arith.index_cast %scan3A_114 : i32 to index
      %get3A_131 = arith.constant 16 : index
      %get3A_132 = tpu.vector_load %arg11[%get3A_130, %get3A_131] {strides = array<i32>} : memref<128x64xf32, #tpu.memory_space<vmem>>, vector<1x16xf32>,
      %get3A_133 = vector.shape_cast %get3A_132 : vector<1x16xf32> to vector<16xf32>
      %mul3A_134 = arith.mulf %get3A_120, %get3A_133 : vector<16xf32>
      %swap3A_135 = arith.index_cast %scan3A_114 : i32 to index
      %swap3A_136 = arith.constant 16 : index
      %swap3A_137 = tpu.vector_load %arg11[%swap3A_135, %swap3A_136] {strides = array<i32>} : memref<128x64xf32, #tpu.memory_space<vmem>>, vector<1x16xf32>,
      %swap3A_138 = vector.shape_cast %swap3A_137 : vector<1x16xf32> to vector<16xf32>
      %swap3A_139 = vector.shape_cast %mul3A_134 : vector<16xf32> to vector<1x16xf32>
      tpu.vector_store %arg11[%swap3A_135, %swap3A_136], %swap3A_139 {strides = array<i32>} : memref<128x64xf32, #tpu.memory_space<vmem>>, vector<1x16xf32>,
      %get3A_140 = arith.index_cast %scan3A_114 : i32 to index
      %get3A_141 = arith.constant 32 : index
      %get3A_142 = tpu.vector_load %arg11[%get3A_140, %get3A_141] {strides = array<i32>} : memref<128x64xf32, #tpu.memory_space<vmem>>, vector<1x16xf32>,
      %get3A_143 = vector.shape_cast %get3A_142 : vector<1x16xf32> to vector<16xf32>
      %mul3A_144 = arith.mulf %get3A_120, %get3A_143 : vector<16xf32>
      %swap3A_145 = arith.index_cast %scan3A_114 : i32 to index
      %swap3A_146 = arith.constant 32 : index
      %swap3A_147 = tpu.vector_load %arg11[%swap3A_145, %swap3A_146] {strides = array<i32>} : memref<128x64xf32, #tpu.memory_space<vmem>>, vector<1x16xf32>,
      %swap3A_148 = vector.shape_cast %swap3A_147 : vector<1x16xf32> to vector<16xf32>
      %swap3A_149 = vector.shape_cast %mul3A_144 : vector<16xf32> to vector<1x16xf32>
      tpu.vector_store %arg11[%swap3A_145, %swap3A_146], %swap3A_149 {strides = array<i32>} : memref<128x64xf32, #tpu.memory_space<vmem>>, vector<1x16xf32>,
      %get3A_150 = arith.index_cast %scan3A_114 : i32 to index
      %get3A_151 = arith.constant 48 : index
      %get3A_152 = tpu.vector_load %arg11[%get3A_150, %get3A_151] {strides = array<i32>} : memref<128x64xf32, #tpu.memory_space<vmem>>, vector<1x16xf32>,
      %get3A_153 = vector.shape_cast %get3A_152 : vector<1x16xf32> to vector<16xf32>
      %mul3A_154 = arith.mulf %get3A_120, %get3A_153 : vector<16xf32>
      %swap3A_155 = arith.index_cast %scan3A_114 : i32 to index
      %swap3A_156 = arith.constant 48 : index
      %swap3A_157 = tpu.vector_load %arg11[%swap3A_155, %swap3A_156] {strides = array<i32>} : memref<128x64xf32, #tpu.memory_space<vmem>>, vector<1x16xf32>,
      %swap3A_158 = vector.shape_cast %swap3A_157 : vector<1x16xf32> to vector<16xf32>
      %swap3A_159 = vector.shape_cast %mul3A_154 : vector<16xf32> to vector<1x16xf32>
      tpu.vector_store %arg11[%swap3A_155, %swap3A_156], %swap3A_159 {strides = array<i32>} : memref<128x64xf32, #tpu.memory_space<vmem>>, vector<1x16xf32>,
      %scan3A_160 = arith.constant 0 : i32
      scf.yield %scan3A_160 : i32
    }
    %scan3A_105 = arith.constant 113 : i32
    "tpu.region"() ({
      %run_scoped3A = tpu.sem_alloc : memref<!tpu.dma_semaphore, #tpu.memory_space<semaphore_mem>>
      %dma_start3A = arith.constant 0 : i32
      %dma_start3A_114 = arith.constant 0 : i32
      %dma_start3A_115 = tpu.memref_slice %arg11[%dma_start3A, %dma_start3A_114] : memref<128x64xf32, #tpu.memory_space<vmem>> -> memref<113x64xf32, #tpu.memory_space<vmem>>
      %dma_start3A_116 = arith.constant 0 : i32
      %dma_start3A_117 = tpu.memref_slice %arg6[%add3A_91, %dma_start3A_116] : memref<10016x64xf32, #tpu.memory_space<vmem_shared>> -> memref<113x64xf32, #tpu.memory_space<vmem_shared>>
      %dma_start3A_118 = arith.constant 0 : i32
      %dma_start3A_119 = tpu.memref_slice %arg6[%add3A_91, %dma_start3A_118] : memref<10016x64xf32, #tpu.memory_space<vmem_shared>> -> memref<113x64xf32, #tpu.memory_space<vmem_shared>>
      %dma_start3A_120 = arith.constant 0 : i32
      %dma_start3A_121 = arith.constant 0 : i32
      %dma_start3A_122 = tpu.memref_slice %arg11[%dma_start3A_120, %dma_start3A_121] : memref<128x64xf32, #tpu.memory_space<vmem>> -> memref<113x64xf32, #tpu.memory_space<vmem>>
      tpu.enqueue_dma source(%dma_start3A_122 : memref<113x64xf32, #tpu.memory_space<vmem>>) target(%dma_start3A_119 : memref<113x64xf32, #tpu.memory_space<vmem_shared>>) target_semaphore(%run_scoped3A : memref<!tpu.dma_semaphore, #tpu.memory_space<semaphore_mem>>)
      %dma_wait3A = arith.constant 0 : i32
      %dma_wait3A_123 = arith.constant 0 : i32
      %dma_wait3A_124 = tpu.memref_slice %arg11[%dma_wait3A, %dma_wait3A_123] : memref<128x64xf32, #tpu.memory_space<vmem>> -> memref<113x64xf32, #tpu.memory_space<vmem>>
      %dma_wait3A_125 = arith.constant 0 : i32
      %dma_wait3A_126 = tpu.memref_slice %arg6[%add3A_91, %dma_wait3A_125] : memref<10016x64xf32, #tpu.memory_space<vmem_shared>> -> memref<113x64xf32, #tpu.memory_space<vmem_shared>>
      %dma_wait3A_127 = arith.constant 0 : i32
      %dma_wait3A_128 = tpu.memref_slice %arg6[%add3A_91, %dma_wait3A_127] : memref<10016x64xf32, #tpu.memory_space<vmem_shared>> -> memref<113x64xf32, #tpu.memory_space<vmem_shared>>
      %dma_wait3A_129 = arith.constant 0 : i32
      %dma_wait3A_130 = arith.constant 0 : i32
      %dma_wait3A_131 = tpu.memref_slice %arg11[%dma_wait3A_129, %dma_wait3A_130] : memref<128x64xf32, #tpu.memory_space<vmem>> -> memref<113x64xf32, #tpu.memory_space<vmem>>
      tpu.wait_dma2 semaphore(%run_scoped3A : memref<!tpu.dma_semaphore, #tpu.memory_space<semaphore_mem>>) src(%dma_wait3A_131 : memref<113x64xf32, #tpu.memory_space<vmem>>) dst(%dma_wait3A_128 : memref<113x64xf32, #tpu.memory_space<vmem_shared>>)
      tpu.yield
    }) : () -> ()
    %barrier3A_106 = arith.constant 0 : index
    tpu.barrier barrier_id(%barrier3A_106)
    %scan3A_107 = arith.constant 0 : i32
    %scan3A_108 = arith.constant 0 : i32
    %scan3A_109 = arith.constant 4 : i32
    %scan3A_110 = arith.addi %scan3A_108, %scan3A_109 : i32
    %scan3A_111 = arith.constant 1 : i32
    %scan3A_112 = scf.for %scan3A_114 = %scan3A_108 to %scan3A_110 step %scan3A_111 iter_args(%scan3A_115 = %scan3A_107) -> (i32)  : i32 {
      %scan3A_116 = arith.constant 0 : i32
      %scan3A_117 = arith.constant 0 : i32
      %scan3A_118 = arith.constant 8 : i32
      %scan3A_119 = arith.addi %scan3A_117, %scan3A_118 : i32
      %scan3A_120 = arith.constant 1 : i32
      %scan3A_121 = scf.for %scan3A_171 = %scan3A_117 to %scan3A_119 step %scan3A_120 iter_args(%scan3A_172 = %scan3A_116) -> (i32)  : i32 {
        %mul3A_173 = arith.constant 20 : i32
        %mul3A_174 = arith.muli %scan3A_171, %mul3A_173 : i32
        "tpu.region"() ({
          %run_scoped3A = tpu.sem_alloc : memref<!tpu.dma_semaphore, #tpu.memory_space<semaphore_mem>>
          %dma_start3A = arith.constant 0 : i32
          %dma_start3A_183 = tpu.memref_slice %arg3[%arg1, %mul3A_174, %dma_start3A] : memref<16x160x128xi32, #tpu.memory_space<hbm>> -> memref<1x20x128xi32, #tpu.memory_space<hbm>>
          %dma_start3A_184 = tpu.memref_squeeze %dma_start3A_183 : memref<1x20x128xi32, #tpu.memory_space<hbm>> -> memref<20x128xi32, #tpu.memory_space<hbm>>
          %dma_start3A_185 = arith.constant 0 : i32
          %dma_start3A_186 = tpu.memref_slice %arg3[%arg1, %mul3A_174, %dma_start3A_185] : memref<16x160x128xi32, #tpu.memory_space<hbm>> -> memref<1x20x128xi32, #tpu.memory_space<hbm>>
          %dma_start3A_187 = tpu.memref_squeeze %dma_start3A_186 : memref<1x20x128xi32, #tpu.memory_space<hbm>> -> memref<20x128xi32, #tpu.memory_space<hbm>>
          tpu.enqueue_dma source(%dma_start3A_187 : memref<20x128xi32, #tpu.memory_space<hbm>>) target(%arg8 : memref<20x128xi32, #tpu.memory_space<vmem>>) target_semaphore(%run_scoped3A : memref<!tpu.dma_semaphore, #tpu.memory_space<semaphore_mem>>)
          %dma_wait3A = arith.constant 0 : i32
          %dma_wait3A_188 = tpu.memref_slice %arg3[%arg1, %mul3A_174, %dma_wait3A] : memref<16x160x128xi32, #tpu.memory_space<hbm>> -> memref<1x20x128xi32, #tpu.memory_space<hbm>>
          %dma_wait3A_189 = tpu.memref_squeeze %dma_wait3A_188 : memref<1x20x128xi32, #tpu.memory_space<hbm>> -> memref<20x128xi32, #tpu.memory_space<hbm>>
          %dma_wait3A_190 = arith.constant 0 : i32
          %dma_wait3A_191 = tpu.memref_slice %arg3[%arg1, %mul3A_174, %dma_wait3A_190] : memref<16x160x128xi32, #tpu.memory_space<hbm>> -> memref<1x20x128xi32, #tpu.memory_space<hbm>>
          %dma_wait3A_192 = tpu.memref_squeeze %dma_wait3A_191 : memref<1x20x128xi32, #tpu.memory_space<hbm>> -> memref<20x128xi32, #tpu.memory_space<hbm>>
          tpu.wait_dma2 semaphore(%run_scoped3A : memref<!tpu.dma_semaphore, #tpu.memory_space<semaphore_mem>>) src(%dma_wait3A_192 : memref<20x128xi32, #tpu.memory_space<hbm>>) dst(%arg8 : memref<20x128xi32, #tpu.memory_space<vmem>>)
          tpu.yield
        }) : () -> ()
        "tpu.region"() ({
          %run_scoped3A = tpu.sem_alloc : memref<!tpu.dma_semaphore, #tpu.memory_space<semaphore_mem>>
          %dma_start3A = arith.constant 0 : i32
          %dma_start3A_183 = tpu.memref_slice %arg4[%arg1, %mul3A_174, %dma_start3A] : memref<16x160x128xi32, #tpu.memory_space<hbm>> -> memref<1x20x128xi32, #tpu.memory_space<hbm>>
          %dma_start3A_184 = tpu.memref_squeeze %dma_start3A_183 : memref<1x20x128xi32, #tpu.memory_space<hbm>> -> memref<20x128xi32, #tpu.memory_space<hbm>>
          %dma_start3A_185 = arith.constant 0 : i32
          %dma_start3A_186 = tpu.memref_slice %arg4[%arg1, %mul3A_174, %dma_start3A_185] : memref<16x160x128xi32, #tpu.memory_space<hbm>> -> memref<1x20x128xi32, #tpu.memory_space<hbm>>
          %dma_start3A_187 = tpu.memref_squeeze %dma_start3A_186 : memref<1x20x128xi32, #tpu.memory_space<hbm>> -> memref<20x128xi32, #tpu.memory_space<hbm>>
          tpu.enqueue_dma source(%dma_start3A_187 : memref<20x128xi32, #tpu.memory_space<hbm>>) target(%arg9 : memref<20x128xi32, #tpu.memory_space<vmem>>) target_semaphore(%run_scoped3A : memref<!tpu.dma_semaphore, #tpu.memory_space<semaphore_mem>>)
          %dma_wait3A = arith.constant 0 : i32
          %dma_wait3A_188 = tpu.memref_slice %arg4[%arg1, %mul3A_174, %dma_wait3A] : memref<16x160x128xi32, #tpu.memory_space<hbm>> -> memref<1x20x128xi32, #tpu.memory_space<hbm>>
          %dma_wait3A_189 = tpu.memref_squeeze %dma_wait3A_188 : memref<1x20x128xi32, #tpu.memory_space<hbm>> -> memref<20x128xi32, #tpu.memory_space<hbm>>
          %dma_wait3A_190 = arith.constant 0 : i32
          %dma_wait3A_191 = tpu.memref_slice %arg4[%arg1, %mul3A_174, %dma_wait3A_190] : memref<16x160x128xi32, #tpu.memory_space<hbm>> -> memref<1x20x128xi32, #tpu.memory_space<hbm>>
          %dma_wait3A_192 = tpu.memref_squeeze %dma_wait3A_191 : memref<1x20x128xi32, #tpu.memory_space<hbm>> -> memref<20x128xi32, #tpu.memory_space<hbm>>
          tpu.wait_dma2 semaphore(%run_scoped3A : memref<!tpu.dma_semaphore, #tpu.memory_space<semaphore_mem>>) src(%dma_wait3A_192 : memref<20x128xi32, #tpu.memory_space<hbm>>) dst(%arg9 : memref<20x128xi32, #tpu.memory_space<vmem>>)
          tpu.yield
        }) : () -> ()
        %scan3A_175 = arith.constant 0 : i32
        %scan3A_176 = arith.constant 0 : i32
        %scan3A_177 = arith.constant 20 : i32
        %scan3A_178 = arith.addi %scan3A_176, %scan3A_177 : i32
        %scan3A_179 = arith.constant 1 : i32
        %scan3A_180 = scf.for %scan3A_183 = %scan3A_176 to %scan3A_178 step %scan3A_179 iter_args(%scan3A_184 = %scan3A_175) -> (i32)  : i32 {
          "tpu.region"() ({
            %run_scoped3A = tpu.sem_alloc : memref<!tpu.dma_semaphore, #tpu.memory_space<semaphore_mem>>
            %dma_start3A = arith.constant 0 : i32
            %dma_start3A_186 = tpu.memref_slice %arg8[%scan3A_183, %dma_start3A] : memref<20x128xi32, #tpu.memory_space<vmem>> -> memref<1x128xi32, #tpu.memory_space<vmem>>
            %dma_start3A_187 = tpu.memref_squeeze %dma_start3A_186 : memref<1x128xi32, #tpu.memory_space<vmem>> -> memref<128xi32, #tpu.memory_space<vmem>>
            %dma_start3A_188 = arith.constant 0 : i32
            %dma_start3A_189 = arith.constant 0 : i32
            %dma_start3A_190 = tpu.memref_slice %arg6[%dma_start3A_188, %dma_start3A_189] : memref<10016x64xf32, #tpu.memory_space<vmem_shared>> -> memref<10016x64xf32, #tpu.memory_space<vmem_shared>>
            tpu.enqueue_indirect_dma source(%dma_start3A_190 : memref<10016x64xf32, #tpu.memory_space<vmem_shared>>) target(%arg10 : memref<128x64xf32, #tpu.memory_space<vmem>>) offsets(%dma_start3A_187 : memref<128xi32, #tpu.memory_space<vmem>>) semaphore(%run_scoped3A : memref<!tpu.dma_semaphore, #tpu.memory_space<semaphore_mem>>)
            %dma_wait3A = arith.constant 0 : i32
            %dma_wait3A_191 = tpu.memref_slice %arg8[%scan3A_183, %dma_wait3A] : memref<20x128xi32, #tpu.memory_space<vmem>> -> memref<1x128xi32, #tpu.memory_space<vmem>>
            %dma_wait3A_192 = tpu.memref_squeeze %dma_wait3A_191 : memref<1x128xi32, #tpu.memory_space<vmem>> -> memref<128xi32, #tpu.memory_space<vmem>>
            %dma_wait3A_193 = arith.constant 0 : i32
            %dma_wait3A_194 = arith.constant 0 : i32
            %dma_wait3A_195 = tpu.memref_slice %arg6[%dma_wait3A_193, %dma_wait3A_194] : memref<10016x64xf32, #tpu.memory_space<vmem_shared>> -> memref<10016x64xf32, #tpu.memory_space<vmem_shared>>
            tpu.wait_indirect_dma semaphore(%run_scoped3A : memref<!tpu.dma_semaphore, #tpu.memory_space<semaphore_mem>>) src(%dma_wait3A_195 : memref<10016x64xf32, #tpu.memory_space<vmem_shared>>) dst(%arg10 : memref<128x64xf32, #tpu.memory_space<vmem>>)
            tpu.yield
          }) : () -> ()
          "tpu.region"() ({
            %run_scoped3A = tpu.sem_alloc : memref<!tpu.dma_semaphore, #tpu.memory_space<semaphore_mem>>
            %dma_start3A = arith.constant 0 : i32
            %dma_start3A_186 = tpu.memref_slice %arg9[%scan3A_183, %dma_start3A] : memref<20x128xi32, #tpu.memory_space<vmem>> -> memref<1x128xi32, #tpu.memory_space<vmem>>
            %dma_start3A_187 = tpu.memref_squeeze %dma_start3A_186 : memref<1x128xi32, #tpu.memory_space<vmem>> -> memref<128xi32, #tpu.memory_space<vmem>>
            %dma_start3A_188 = arith.constant 0 : i32
            %dma_start3A_189 = arith.constant 0 : i32
            %dma_start3A_190 = tpu.memref_slice %arg7[%dma_start3A_188, %dma_start3A_189] : memref<10016x64xf32, #tpu.memory_space<vmem_shared>> -> memref<10016x64xf32, #tpu.memory_space<vmem_shared>>
            tpu.enqueue_indirect_dma source(%arg10 : memref<128x64xf32, #tpu.memory_space<vmem>>) target(%dma_start3A_190 : memref<10016x64xf32, #tpu.memory_space<vmem_shared>>) offsets(%dma_start3A_187 : memref<128xi32, #tpu.memory_space<vmem>>) semaphore(%run_scoped3A : memref<!tpu.dma_semaphore, #tpu.memory_space<semaphore_mem>>) {add = true}
            %dma_wait3A = arith.constant 0 : i32
            %dma_wait3A_191 = tpu.memref_slice %arg9[%scan3A_183, %dma_wait3A] : memref<20x128xi32, #tpu.memory_space<vmem>> -> memref<1x128xi32, #tpu.memory_space<vmem>>
            %dma_wait3A_192 = tpu.memref_squeeze %dma_wait3A_191 : memref<1x128xi32, #tpu.memory_space<vmem>> -> memref<128xi32, #tpu.memory_space<vmem>>
            %dma_wait3A_193 = arith.constant 0 : i32
            %dma_wait3A_194 = arith.constant 0 : i32
            %dma_wait3A_195 = tpu.memref_slice %arg7[%dma_wait3A_193, %dma_wait3A_194] : memref<10016x64xf32, #tpu.memory_space<vmem_shared>> -> memref<10016x64xf32, #tpu.memory_space<vmem_shared>>
            tpu.wait_indirect_dma semaphore(%run_scoped3A : memref<!tpu.dma_semaphore, #tpu.memory_space<semaphore_mem>>) src(%arg10 : memref<128x64xf32, #tpu.memory_space<vmem>>) dst(%dma_wait3A_195 : memref<10016x64xf32, #tpu.memory_space<vmem_shared>>)
            tpu.yield
          }) : () -> ()
          %scan3A_185 = arith.constant 0 : i32
          scf.yield %scan3A_185 : i32
        }
        %scan3A_181 = arith.constant 20 : i32
        %scan3A_182 = arith.constant 0 : i32
        scf.yield %scan3A_182 : i32
      }
      %scan3A_122 = arith.constant 8 : i32
      %barrier3A_123 = arith.constant 0 : index
      tpu.barrier barrier_id(%barrier3A_123)
      %add3A_124 = arith.constant 0 : i32
      %add3A_125 = arith.addi %mul3A_0, %add3A_124 : i32
      "tpu.region"() ({
        %run_scoped3A = tpu.sem_alloc : memref<!tpu.dma_semaphore, #tpu.memory_space<semaphore_mem>>
        %dma_start3A = arith.constant 0 : i32
        %dma_start3A_171 = arith.constant 0 : i32
        %dma_start3A_172 = tpu.memref_slice %arg11[%dma_start3A, %dma_start3A_171] : memref<128x64xf32, #tpu.memory_space<vmem>> -> memref<128x64xf32, #tpu.memory_space<vmem>>
        %dma_start3A_173 = arith.constant 0 : i32
        %dma_start3A_174 = tpu.memref_slice %arg7[%add3A_125, %dma_start3A_173] : memref<10016x64xf32, #tpu.memory_space<vmem_shared>> -> memref<128x64xf32, #tpu.memory_space<vmem_shared>>
        %dma_start3A_175 = arith.constant 0 : i32
        %dma_start3A_176 = arith.constant 0 : i32
        %dma_start3A_177 = tpu.memref_slice %arg11[%dma_start3A_175, %dma_start3A_176] : memref<128x64xf32, #tpu.memory_space<vmem>> -> memref<128x64xf32, #tpu.memory_space<vmem>>
        %dma_start3A_178 = arith.constant 0 : i32
        %dma_start3A_179 = tpu.memref_slice %arg7[%add3A_125, %dma_start3A_178] : memref<10016x64xf32, #tpu.memory_space<vmem_shared>> -> memref<128x64xf32, #tpu.memory_space<vmem_shared>>
        tpu.enqueue_dma source(%dma_start3A_179 : memref<128x64xf32, #tpu.memory_space<vmem_shared>>) target(%dma_start3A_177 : memref<128x64xf32, #tpu.memory_space<vmem>>) target_semaphore(%run_scoped3A : memref<!tpu.dma_semaphore, #tpu.memory_space<semaphore_mem>>)
        %dma_wait3A = arith.constant 0 : i32
        %dma_wait3A_180 = arith.constant 0 : i32
        %dma_wait3A_181 = tpu.memref_slice %arg11[%dma_wait3A, %dma_wait3A_180] : memref<128x64xf32, #tpu.memory_space<vmem>> -> memref<128x64xf32, #tpu.memory_space<vmem>>
        %dma_wait3A_182 = arith.constant 0 : i32
        %dma_wait3A_183 = tpu.memref_slice %arg7[%add3A_125, %dma_wait3A_182] : memref<10016x64xf32, #tpu.memory_space<vmem_shared>> -> memref<128x64xf32, #tpu.memory_space<vmem_shared>>
        %dma_wait3A_184 = arith.constant 0 : i32
        %dma_wait3A_185 = arith.constant 0 : i32
        %dma_wait3A_186 = tpu.memref_slice %arg11[%dma_wait3A_184, %dma_wait3A_185] : memref<128x64xf32, #tpu.memory_space<vmem>> -> memref<128x64xf32, #tpu.memory_space<vmem>>
        %dma_wait3A_187 = arith.constant 0 : i32
        %dma_wait3A_188 = tpu.memref_slice %arg7[%add3A_125, %dma_wait3A_187] : memref<10016x64xf32, #tpu.memory_space<vmem_shared>> -> memref<128x64xf32, #tpu.memory_space<vmem_shared>>
        tpu.wait_dma2 semaphore(%run_scoped3A : memref<!tpu.dma_semaphore, #tpu.memory_space<semaphore_mem>>) src(%dma_wait3A_188 : memref<128x64xf32, #tpu.memory_space<vmem_shared>>) dst(%dma_wait3A_186 : memref<128x64xf32, #tpu.memory_space<vmem>>)
        tpu.yield
      }) : () -> ()
      "tpu.region"() ({
        %run_scoped3A = tpu.sem_alloc : memref<!tpu.dma_semaphore, #tpu.memory_space<semaphore_mem>>
        %dma_start3A = arith.constant 0 : i32
        %dma_start3A_171 = arith.constant 0 : i32
        %dma_start3A_172 = tpu.memref_slice %arg12[%dma_start3A, %dma_start3A_171] : memref<128x64xf32, #tpu.memory_space<vmem>> -> memref<128x64xf32, #tpu.memory_space<vmem>>
        %dma_start3A_173 = arith.constant 0 : i32
        %dma_start3A_174 = tpu.memref_slice %arg7[%add3A_125, %dma_start3A_173] : memref<10016x64xf32, #tpu.memory_space<vmem_shared>> -> memref<128x64xf32, #tpu.memory_space<vmem_shared>>
        %dma_start3A_175 = arith.constant 0 : i32
        %dma_start3A_176 = tpu.memref_slice %arg7[%add3A_125, %dma_start3A_175] : memref<10016x64xf32, #tpu.memory_space<vmem_shared>> -> memref<128x64xf32, #tpu.memory_space<vmem_shared>>
        %dma_start3A_177 = arith.constant 0 : i32
        %dma_start3A_178 = arith.constant 0 : i32
        %dma_start3A_179 = tpu.memref_slice %arg12[%dma_start3A_177, %dma_start3A_178] : memref<128x64xf32, #tpu.memory_space<vmem>> -> memref<128x64xf32, #tpu.memory_space<vmem>>
        tpu.enqueue_dma source(%dma_start3A_179 : memref<128x64xf32, #tpu.memory_space<vmem>>) target(%dma_start3A_176 : memref<128x64xf32, #tpu.memory_space<vmem_shared>>) target_semaphore(%run_scoped3A : memref<!tpu.dma_semaphore, #tpu.memory_space<semaphore_mem>>)
        %dma_wait3A = arith.constant 0 : i32
        %dma_wait3A_180 = arith.constant 0 : i32
        %dma_wait3A_181 = tpu.memref_slice %arg12[%dma_wait3A, %dma_wait3A_180] : memref<128x64xf32, #tpu.memory_space<vmem>> -> memref<128x64xf32, #tpu.memory_space<vmem>>
        %dma_wait3A_182 = arith.constant 0 : i32
        %dma_wait3A_183 = tpu.memref_slice %arg7[%add3A_125, %dma_wait3A_182] : memref<10016x64xf32, #tpu.memory_space<vmem_shared>> -> memref<128x64xf32, #tpu.memory_space<vmem_shared>>
        %dma_wait3A_184 = arith.constant 0 : i32
        %dma_wait3A_185 = tpu.memref_slice %arg7[%add3A_125, %dma_wait3A_184] : memref<10016x64xf32, #tpu.memory_space<vmem_shared>> -> memref<128x64xf32, #tpu.memory_space<vmem_shared>>
        %dma_wait3A_186 = arith.constant 0 : i32
        %dma_wait3A_187 = arith.constant 0 : i32
        %dma_wait3A_188 = tpu.memref_slice %arg12[%dma_wait3A_186, %dma_wait3A_187] : memref<128x64xf32, #tpu.memory_space<vmem>> -> memref<128x64xf32, #tpu.memory_space<vmem>>
        tpu.wait_dma2 semaphore(%run_scoped3A : memref<!tpu.dma_semaphore, #tpu.memory_space<semaphore_mem>>) src(%dma_wait3A_188 : memref<128x64xf32, #tpu.memory_space<vmem>>) dst(%dma_wait3A_185 : memref<128x64xf32, #tpu.memory_space<vmem_shared>>)
        tpu.yield
      }) : () -> ()
      %scan3A_126 = arith.constant 0 : i32
      %scan3A_127 = arith.constant 0 : i32
      %scan3A_128 = arith.constant 128 : i32
      %scan3A_129 = arith.addi %scan3A_127, %scan3A_128 : i32
      %scan3A_130 = arith.constant 1 : i32
      %scan3A_131 = scf.for %scan3A_171 = %scan3A_127 to %scan3A_129 step %scan3A_130 iter_args(%scan3A_172 = %scan3A_126) -> (i32)  : i32 {
        %add3A_173 = arith.constant 0 : i32
        %add3A_174 = arith.addi %add3A_173, %scan3A_171 : i32
        %get3A = arith.index_cast %add3A_174 : i32 to index
        %get3A_175 = arith.constant 0 : index
        %get3A_176 = tpu.vector_load %arg13[%get3A, %get3A_175] {strides = array<i32>} : memref<625x16xf32, #tpu.memory_space<vmem>>, vector<1x16xf32>,
        %get3A_177 = vector.shape_cast %get3A_176 : vector<1x16xf32> to vector<16xf32>
        %get3A_178 = arith.index_cast %scan3A_171 : i32 to index
        %get3A_179 = arith.constant 0 : index
        %get3A_180 = tpu.vector_load %arg11[%get3A_178, %get3A_179] {strides = array<i32>} : memref<128x64xf32, #tpu.memory_space<vmem>>, vector<1x16xf32>,
        %get3A_181 = vector.shape_cast %get3A_180 : vector<1x16xf32> to vector<16xf32>
        %mul3A_182 = arith.mulf %get3A_177, %get3A_181 : vector<16xf32>
        %swap3A = arith.index_cast %scan3A_171 : i32 to index
        %swap3A_183 = arith.constant 0 : index
        %swap3A_184 = tpu.vector_load %arg11[%swap3A, %swap3A_183] {strides = array<i32>} : memref<128x64xf32, #tpu.memory_space<vmem>>, vector<1x16xf32>,
        %swap3A_185 = vector.shape_cast %swap3A_184 : vector<1x16xf32> to vector<16xf32>
        %swap3A_186 = vector.shape_cast %mul3A_182 : vector<16xf32> to vector<1x16xf32>
        tpu.vector_store %arg11[%swap3A, %swap3A_183], %swap3A_186 {strides = array<i32>} : memref<128x64xf32, #tpu.memory_space<vmem>>, vector<1x16xf32>,
        %mul3A_187 = arith.mulf %get3A_177, %mul3A_182 : vector<16xf32>
        %swap3A_188 = arith.index_cast %scan3A_171 : i32 to index
        %swap3A_189 = arith.constant 0 : index
        %swap3A_190 = tpu.vector_load %arg10[%swap3A_188, %swap3A_189] {strides = array<i32>} : memref<128x64xf32, #tpu.memory_space<vmem>>, vector<1x16xf32>,
        %swap3A_191 = vector.shape_cast %swap3A_190 : vector<1x16xf32> to vector<16xf32>
        %swap3A_192 = vector.shape_cast %mul3A_187 : vector<16xf32> to vector<1x16xf32>
        tpu.vector_store %arg10[%swap3A_188, %swap3A_189], %swap3A_192 {strides = array<i32>} : memref<128x64xf32, #tpu.memory_space<vmem>>, vector<1x16xf32>,
        %get3A_193 = arith.index_cast %scan3A_171 : i32 to index
        %get3A_194 = arith.constant 16 : index
        %get3A_195 = tpu.vector_load %arg11[%get3A_193, %get3A_194] {strides = array<i32>} : memref<128x64xf32, #tpu.memory_space<vmem>>, vector<1x16xf32>,
        %get3A_196 = vector.shape_cast %get3A_195 : vector<1x16xf32> to vector<16xf32>
        %mul3A_197 = arith.mulf %get3A_177, %get3A_196 : vector<16xf32>
        %swap3A_198 = arith.index_cast %scan3A_171 : i32 to index
        %swap3A_199 = arith.constant 16 : index
        %swap3A_200 = tpu.vector_load %arg11[%swap3A_198, %swap3A_199] {strides = array<i32>} : memref<128x64xf32, #tpu.memory_space<vmem>>, vector<1x16xf32>,
        %swap3A_201 = vector.shape_cast %swap3A_200 : vector<1x16xf32> to vector<16xf32>
        %swap3A_202 = vector.shape_cast %mul3A_197 : vector<16xf32> to vector<1x16xf32>
        tpu.vector_store %arg11[%swap3A_198, %swap3A_199], %swap3A_202 {strides = array<i32>} : memref<128x64xf32, #tpu.memory_space<vmem>>, vector<1x16xf32>,
        %mul3A_203 = arith.mulf %get3A_177, %mul3A_197 : vector<16xf32>
        %swap3A_204 = arith.index_cast %scan3A_171 : i32 to index
        %swap3A_205 = arith.constant 16 : index
        %swap3A_206 = tpu.vector_load %arg10[%swap3A_204, %swap3A_205] {strides = array<i32>} : memref<128x64xf32, #tpu.memory_space<vmem>>, vector<1x16xf32>,
        %swap3A_207 = vector.shape_cast %swap3A_206 : vector<1x16xf32> to vector<16xf32>
        %swap3A_208 = vector.shape_cast %mul3A_203 : vector<16xf32> to vector<1x16xf32>
        tpu.vector_store %arg10[%swap3A_204, %swap3A_205], %swap3A_208 {strides = array<i32>} : memref<128x64xf32, #tpu.memory_space<vmem>>, vector<1x16xf32>,
        %get3A_209 = arith.index_cast %scan3A_171 : i32 to index
        %get3A_210 = arith.constant 32 : index
        %get3A_211 = tpu.vector_load %arg11[%get3A_209, %get3A_210] {strides = array<i32>} : memref<128x64xf32, #tpu.memory_space<vmem>>, vector<1x16xf32>,
        %get3A_212 = vector.shape_cast %get3A_211 : vector<1x16xf32> to vector<16xf32>
        %mul3A_213 = arith.mulf %get3A_177, %get3A_212 : vector<16xf32>
        %swap3A_214 = arith.index_cast %scan3A_171 : i32 to index
        %swap3A_215 = arith.constant 32 : index
        %swap3A_216 = tpu.vector_load %arg11[%swap3A_214, %swap3A_215] {strides = array<i32>} : memref<128x64xf32, #tpu.memory_space<vmem>>, vector<1x16xf32>,
        %swap3A_217 = vector.shape_cast %swap3A_216 : vector<1x16xf32> to vector<16xf32>
        %swap3A_218 = vector.shape_cast %mul3A_213 : vector<16xf32> to vector<1x16xf32>
        tpu.vector_store %arg11[%swap3A_214, %swap3A_215], %swap3A_218 {strides = array<i32>} : memref<128x64xf32, #tpu.memory_space<vmem>>, vector<1x16xf32>,
        %mul3A_219 = arith.mulf %get3A_177, %mul3A_213 : vector<16xf32>
        %swap3A_220 = arith.index_cast %scan3A_171 : i32 to index
        %swap3A_221 = arith.constant 32 : index
        %swap3A_222 = tpu.vector_load %arg10[%swap3A_220, %swap3A_221] {strides = array<i32>} : memref<128x64xf32, #tpu.memory_space<vmem>>, vector<1x16xf32>,
        %swap3A_223 = vector.shape_cast %swap3A_222 : vector<1x16xf32> to vector<16xf32>
        %swap3A_224 = vector.shape_cast %mul3A_219 : vector<16xf32> to vector<1x16xf32>
        tpu.vector_store %arg10[%swap3A_220, %swap3A_221], %swap3A_224 {strides = array<i32>} : memref<128x64xf32, #tpu.memory_space<vmem>>, vector<1x16xf32>,
        %get3A_225 = arith.index_cast %scan3A_171 : i32 to index
        %get3A_226 = arith.constant 48 : index
        %get3A_227 = tpu.vector_load %arg11[%get3A_225, %get3A_226] {strides = array<i32>} : memref<128x64xf32, #tpu.memory_space<vmem>>, vector<1x16xf32>,
        %get3A_228 = vector.shape_cast %get3A_227 : vector<1x16xf32> to vector<16xf32>
        %mul3A_229 = arith.mulf %get3A_177, %get3A_228 : vector<16xf32>
        %swap3A_230 = arith.index_cast %scan3A_171 : i32 to index
        %swap3A_231 = arith.constant 48 : index
        %swap3A_232 = tpu.vector_load %arg11[%swap3A_230, %swap3A_231] {strides = array<i32>} : memref<128x64xf32, #tpu.memory_space<vmem>>, vector<1x16xf32>,
        %swap3A_233 = vector.shape_cast %swap3A_232 : vector<1x16xf32> to vector<16xf32>
        %swap3A_234 = vector.shape_cast %mul3A_229 : vector<16xf32> to vector<1x16xf32>
        tpu.vector_store %arg11[%swap3A_230, %swap3A_231], %swap3A_234 {strides = array<i32>} : memref<128x64xf32, #tpu.memory_space<vmem>>, vector<1x16xf32>,
        %mul3A_235 = arith.mulf %get3A_177, %mul3A_229 : vector<16xf32>
        %swap3A_236 = arith.index_cast %scan3A_171 : i32 to index
        %swap3A_237 = arith.constant 48 : index
        %swap3A_238 = tpu.vector_load %arg10[%swap3A_236, %swap3A_237] {strides = array<i32>} : memref<128x64xf32, #tpu.memory_space<vmem>>, vector<1x16xf32>,
        %swap3A_239 = vector.shape_cast %swap3A_238 : vector<1x16xf32> to vector<16xf32>
        %swap3A_240 = vector.shape_cast %mul3A_235 : vector<16xf32> to vector<1x16xf32>
        tpu.vector_store %arg10[%swap3A_236, %swap3A_237], %swap3A_240 {strides = array<i32>} : memref<128x64xf32, #tpu.memory_space<vmem>>, vector<1x16xf32>,
        %scan3A_241 = arith.constant 0 : i32
        scf.yield %scan3A_241 : i32
      }
      %scan3A_132 = arith.constant 128 : i32
      "tpu.region"() ({
        %run_scoped3A = tpu.sem_alloc : memref<!tpu.dma_semaphore, #tpu.memory_space<semaphore_mem>>
        %dma_start3A = arith.constant 0 : i32
        %dma_start3A_171 = arith.constant 0 : i32
        %dma_start3A_172 = tpu.memref_slice %arg11[%dma_start3A, %dma_start3A_171] : memref<128x64xf32, #tpu.memory_space<vmem>> -> memref<128x64xf32, #tpu.memory_space<vmem>>
        %dma_start3A_173 = tpu.memref_slice %arg5[%scan3A_114, %add3A_125, %mul3A_2] : memref<4x10000x128xf32, #tpu.memory_space<hbm>> -> memref<1x128x64xf32, #tpu.memory_space<hbm>>
        %dma_start3A_174 = tpu.memref_squeeze %dma_start3A_173 : memref<1x128x64xf32, #tpu.memory_space<hbm>> -> memref<128x64xf32, #tpu.memory_space<hbm>>
        %dma_start3A_175 = tpu.memref_slice %arg5[%scan3A_114, %add3A_125, %mul3A_2] : memref<4x10000x128xf32, #tpu.memory_space<hbm>> -> memref<1x128x64xf32, #tpu.memory_space<hbm>>
        %dma_start3A_176 = tpu.memref_squeeze %dma_start3A_175 : memref<1x128x64xf32, #tpu.memory_space<hbm>> -> memref<128x64xf32, #tpu.memory_space<hbm>>
        %dma_start3A_177 = arith.constant 0 : i32
        %dma_start3A_178 = arith.constant 0 : i32
        %dma_start3A_179 = tpu.memref_slice %arg11[%dma_start3A_177, %dma_start3A_178] : memref<128x64xf32, #tpu.memory_space<vmem>> -> memref<128x64xf32, #tpu.memory_space<vmem>>
        tpu.enqueue_dma source(%dma_start3A_179 : memref<128x64xf32, #tpu.memory_space<vmem>>) target(%dma_start3A_176 : memref<128x64xf32, #tpu.memory_space<hbm>>) target_semaphore(%run_scoped3A : memref<!tpu.dma_semaphore, #tpu.memory_space<semaphore_mem>>)
        %dma_wait3A = arith.constant 0 : i32
        %dma_wait3A_180 = arith.constant 0 : i32
        %dma_wait3A_181 = tpu.memref_slice %arg11[%dma_wait3A, %dma_wait3A_180] : memref<128x64xf32, #tpu.memory_space<vmem>> -> memref<128x64xf32, #tpu.memory_space<vmem>>
        %dma_wait3A_182 = tpu.memref_slice %arg5[%scan3A_114, %add3A_125, %mul3A_2] : memref<4x10000x128xf32, #tpu.memory_space<hbm>> -> memref<1x128x64xf32, #tpu.memory_space<hbm>>
        %dma_wait3A_183 = tpu.memref_squeeze %dma_wait3A_182 : memref<1x128x64xf32, #tpu.memory_space<hbm>> -> memref<128x64xf32, #tpu.memory_space<hbm>>
        %dma_wait3A_184 = tpu.memref_slice %arg5[%scan3A_114, %add3A_125, %mul3A_2] : memref<4x10000x128xf32, #tpu.memory_space<hbm>> -> memref<1x128x64xf32, #tpu.memory_space<hbm>>
        %dma_wait3A_185 = tpu.memref_squeeze %dma_wait3A_184 : memref<1x128x64xf32, #tpu.memory_space<hbm>> -> memref<128x64xf32, #tpu.memory_space<hbm>>
        %dma_wait3A_186 = arith.constant 0 : i32
        %dma_wait3A_187 = arith.constant 0 : i32
        %dma_wait3A_188 = tpu.memref_slice %arg11[%dma_wait3A_186, %dma_wait3A_187] : memref<128x64xf32, #tpu.memory_space<vmem>> -> memref<128x64xf32, #tpu.memory_space<vmem>>
        tpu.wait_dma2 semaphore(%run_scoped3A : memref<!tpu.dma_semaphore, #tpu.memory_space<semaphore_mem>>) src(%dma_wait3A_188 : memref<128x64xf32, #tpu.memory_space<vmem>>) dst(%dma_wait3A_185 : memref<128x64xf32, #tpu.memory_space<hbm>>)
        tpu.yield
      }) : () -> ()
      "tpu.region"() ({
        %run_scoped3A = tpu.sem_alloc : memref<!tpu.dma_semaphore, #tpu.memory_space<semaphore_mem>>
        %dma_start3A = arith.constant 0 : i32
        %dma_start3A_171 = arith.constant 0 : i32
        %dma_start3A_172 = tpu.memref_slice %arg10[%dma_start3A, %dma_start3A_171] : memref<128x64xf32, #tpu.memory_space<vmem>> -> memref<128x64xf32, #tpu.memory_space<vmem>>
        %dma_start3A_173 = arith.constant 0 : i32
        %dma_start3A_174 = tpu.memref_slice %arg6[%add3A_125, %dma_start3A_173] : memref<10016x64xf32, #tpu.memory_space<vmem_shared>> -> memref<128x64xf32, #tpu.memory_space<vmem_shared>>
        %dma_start3A_175 = arith.constant 0 : i32
        %dma_start3A_176 = tpu.memref_slice %arg6[%add3A_125, %dma_start3A_175] : memref<10016x64xf32, #tpu.memory_space<vmem_shared>> -> memref<128x64xf32, #tpu.memory_space<vmem_shared>>
        %dma_start3A_177 = arith.constant 0 : i32
        %dma_start3A_178 = arith.constant 0 : i32
        %dma_start3A_179 = tpu.memref_slice %arg10[%dma_start3A_177, %dma_start3A_178] : memref<128x64xf32, #tpu.memory_space<vmem>> -> memref<128x64xf32, #tpu.memory_space<vmem>>
        tpu.enqueue_dma source(%dma_start3A_179 : memref<128x64xf32, #tpu.memory_space<vmem>>) target(%dma_start3A_176 : memref<128x64xf32, #tpu.memory_space<vmem_shared>>) target_semaphore(%run_scoped3A : memref<!tpu.dma_semaphore, #tpu.memory_space<semaphore_mem>>)
        %dma_wait3A = arith.constant 0 : i32
        %dma_wait3A_180 = arith.constant 0 : i32
        %dma_wait3A_181 = tpu.memref_slice %arg10[%dma_wait3A, %dma_wait3A_180] : memref<128x64xf32, #tpu.memory_space<vmem>> -> memref<128x64xf32, #tpu.memory_space<vmem>>
        %dma_wait3A_182 = arith.constant 0 : i32
        %dma_wait3A_183 = tpu.memref_slice %arg6[%add3A_125, %dma_wait3A_182] : memref<10016x64xf32, #tpu.memory_space<vmem_shared>> -> memref<128x64xf32, #tpu.memory_space<vmem_shared>>
        %dma_wait3A_184 = arith.constant 0 : i32
        %dma_wait3A_185 = tpu.memref_slice %arg6[%add3A_125, %dma_wait3A_184] : memref<10016x64xf32, #tpu.memory_space<vmem_shared>> -> memref<128x64xf32, #tpu.memory_space<vmem_shared>>
        %dma_wait3A_186 = arith.constant 0 : i32
        %dma_wait3A_187 = arith.constant 0 : i32
        %dma_wait3A_188 = tpu.memref_slice %arg10[%dma_wait3A_186, %dma_wait3A_187] : memref<128x64xf32, #tpu.memory_space<vmem>> -> memref<128x64xf32, #tpu.memory_space<vmem>>
        tpu.wait_dma2 semaphore(%run_scoped3A : memref<!tpu.dma_semaphore, #tpu.memory_space<semaphore_mem>>) src(%dma_wait3A_188 : memref<128x64xf32, #tpu.memory_space<vmem>>) dst(%dma_wait3A_185 : memref<128x64xf32, #tpu.memory_space<vmem_shared>>)
        tpu.yield
      }) : () -> ()
      %add3A_133 = arith.constant 128 : i32
      %add3A_134 = arith.addi %mul3A_0, %add3A_133 : i32
      "tpu.region"() ({
        %run_scoped3A = tpu.sem_alloc : memref<!tpu.dma_semaphore, #tpu.memory_space<semaphore_mem>>
        %dma_start3A = arith.constant 0 : i32
        %dma_start3A_171 = arith.constant 0 : i32
        %dma_start3A_172 = tpu.memref_slice %arg11[%dma_start3A, %dma_start3A_171] : memref<128x64xf32, #tpu.memory_space<vmem>> -> memref<128x64xf32, #tpu.memory_space<vmem>>
        %dma_start3A_173 = arith.constant 0 : i32
        %dma_start3A_174 = tpu.memref_slice %arg7[%add3A_134, %dma_start3A_173] : memref<10016x64xf32, #tpu.memory_space<vmem_shared>> -> memref<128x64xf32, #tpu.memory_space<vmem_shared>>
        %dma_start3A_175 = arith.constant 0 : i32
        %dma_start3A_176 = arith.constant 0 : i32
        %dma_start3A_177 = tpu.memref_slice %arg11[%dma_start3A_175, %dma_start3A_176] : memref<128x64xf32, #tpu.memory_space<vmem>> -> memref<128x64xf32, #tpu.memory_space<vmem>>
        %dma_start3A_178 = arith.constant 0 : i32
        %dma_start3A_179 = tpu.memref_slice %arg7[%add3A_134, %dma_start3A_178] : memref<10016x64xf32, #tpu.memory_space<vmem_shared>> -> memref<128x64xf32, #tpu.memory_space<vmem_shared>>
        tpu.enqueue_dma source(%dma_start3A_179 : memref<128x64xf32, #tpu.memory_space<vmem_shared>>) target(%dma_start3A_177 : memref<128x64xf32, #tpu.memory_space<vmem>>) target_semaphore(%run_scoped3A : memref<!tpu.dma_semaphore, #tpu.memory_space<semaphore_mem>>)
        %dma_wait3A = arith.constant 0 : i32
        %dma_wait3A_180 = arith.constant 0 : i32
        %dma_wait3A_181 = tpu.memref_slice %arg11[%dma_wait3A, %dma_wait3A_180] : memref<128x64xf32, #tpu.memory_space<vmem>> -> memref<128x64xf32, #tpu.memory_space<vmem>>
        %dma_wait3A_182 = arith.constant 0 : i32
        %dma_wait3A_183 = tpu.memref_slice %arg7[%add3A_134, %dma_wait3A_182] : memref<10016x64xf32, #tpu.memory_space<vmem_shared>> -> memref<128x64xf32, #tpu.memory_space<vmem_shared>>
        %dma_wait3A_184 = arith.constant 0 : i32
        %dma_wait3A_185 = arith.constant 0 : i32
        %dma_wait3A_186 = tpu.memref_slice %arg11[%dma_wait3A_184, %dma_wait3A_185] : memref<128x64xf32, #tpu.memory_space<vmem>> -> memref<128x64xf32, #tpu.memory_space<vmem>>
        %dma_wait3A_187 = arith.constant 0 : i32
        %dma_wait3A_188 = tpu.memref_slice %arg7[%add3A_134, %dma_wait3A_187] : memref<10016x64xf32, #tpu.memory_space<vmem_shared>> -> memref<128x64xf32, #tpu.memory_space<vmem_shared>>
        tpu.wait_dma2 semaphore(%run_scoped3A : memref<!tpu.dma_semaphore, #tpu.memory_space<semaphore_mem>>) src(%dma_wait3A_188 : memref<128x64xf32, #tpu.memory_space<vmem_shared>>) dst(%dma_wait3A_186 : memref<128x64xf32, #tpu.memory_space<vmem>>)
        tpu.yield
      }) : () -> ()
      "tpu.region"() ({
        %run_scoped3A = tpu.sem_alloc : memref<!tpu.dma_semaphore, #tpu.memory_space<semaphore_mem>>
        %dma_start3A = arith.constant 0 : i32
        %dma_start3A_171 = arith.constant 0 : i32
        %dma_start3A_172 = tpu.memref_slice %arg12[%dma_start3A, %dma_start3A_171] : memref<128x64xf32, #tpu.memory_space<vmem>> -> memref<128x64xf32, #tpu.memory_space<vmem>>
        %dma_start3A_173 = arith.constant 0 : i32
        %dma_start3A_174 = tpu.memref_slice %arg7[%add3A_134, %dma_start3A_173] : memref<10016x64xf32, #tpu.memory_space<vmem_shared>> -> memref<128x64xf32, #tpu.memory_space<vmem_shared>>
        %dma_start3A_175 = arith.constant 0 : i32
        %dma_start3A_176 = tpu.memref_slice %arg7[%add3A_134, %dma_start3A_175] : memref<10016x64xf32, #tpu.memory_space<vmem_shared>> -> memref<128x64xf32, #tpu.memory_space<vmem_shared>>
        %dma_start3A_177 = arith.constant 0 : i32
        %dma_start3A_178 = arith.constant 0 : i32
        %dma_start3A_179 = tpu.memref_slice %arg12[%dma_start3A_177, %dma_start3A_178] : memref<128x64xf32, #tpu.memory_space<vmem>> -> memref<128x64xf32, #tpu.memory_space<vmem>>
        tpu.enqueue_dma source(%dma_start3A_179 : memref<128x64xf32, #tpu.memory_space<vmem>>) target(%dma_start3A_176 : memref<128x64xf32, #tpu.memory_space<vmem_shared>>) target_semaphore(%run_scoped3A : memref<!tpu.dma_semaphore, #tpu.memory_space<semaphore_mem>>)
        %dma_wait3A = arith.constant 0 : i32
        %dma_wait3A_180 = arith.constant 0 : i32
        %dma_wait3A_181 = tpu.memref_slice %arg12[%dma_wait3A, %dma_wait3A_180] : memref<128x64xf32, #tpu.memory_space<vmem>> -> memref<128x64xf32, #tpu.memory_space<vmem>>
        %dma_wait3A_182 = arith.constant 0 : i32
        %dma_wait3A_183 = tpu.memref_slice %arg7[%add3A_134, %dma_wait3A_182] : memref<10016x64xf32, #tpu.memory_space<vmem_shared>> -> memref<128x64xf32, #tpu.memory_space<vmem_shared>>
        %dma_wait3A_184 = arith.constant 0 : i32
        %dma_wait3A_185 = tpu.memref_slice %arg7[%add3A_134, %dma_wait3A_184] : memref<10016x64xf32, #tpu.memory_space<vmem_shared>> -> memref<128x64xf32, #tpu.memory_space<vmem_shared>>
        %dma_wait3A_186 = arith.constant 0 : i32
        %dma_wait3A_187 = arith.constant 0 : i32
        %dma_wait3A_188 = tpu.memref_slice %arg12[%dma_wait3A_186, %dma_wait3A_187] : memref<128x64xf32, #tpu.memory_space<vmem>> -> memref<128x64xf32, #tpu.memory_space<vmem>>
        tpu.wait_dma2 semaphore(%run_scoped3A : memref<!tpu.dma_semaphore, #tpu.memory_space<semaphore_mem>>) src(%dma_wait3A_188 : memref<128x64xf32, #tpu.memory_space<vmem>>) dst(%dma_wait3A_185 : memref<128x64xf32, #tpu.memory_space<vmem_shared>>)
        tpu.yield
      }) : () -> ()
      %scan3A_135 = arith.constant 0 : i32
      %scan3A_136 = arith.constant 0 : i32
      %scan3A_137 = arith.constant 128 : i32
      %scan3A_138 = arith.addi %scan3A_136, %scan3A_137 : i32
      %scan3A_139 = arith.constant 1 : i32
      %scan3A_140 = scf.for %scan3A_171 = %scan3A_136 to %scan3A_138 step %scan3A_139 iter_args(%scan3A_172 = %scan3A_135) -> (i32)  : i32 {
        %add3A_173 = arith.constant 128 : i32
        %add3A_174 = arith.addi %add3A_173, %scan3A_171 : i32
        %get3A = arith.index_cast %add3A_174 : i32 to index
        %get3A_175 = arith.constant 0 : index
        %get3A_176 = tpu.vector_load %arg13[%get3A, %get3A_175] {strides = array<i32>} : memref<625x16xf32, #tpu.memory_space<vmem>>, vector<1x16xf32>,
        %get3A_177 = vector.shape_cast %get3A_176 : vector<1x16xf32> to vector<16xf32>
        %get3A_178 = arith.index_cast %scan3A_171 : i32 to index
        %get3A_179 = arith.constant 0 : index
        %get3A_180 = tpu.vector_load %arg11[%get3A_178, %get3A_179] {strides = array<i32>} : memref<128x64xf32, #tpu.memory_space<vmem>>, vector<1x16xf32>,
        %get3A_181 = vector.shape_cast %get3A_180 : vector<1x16xf32> to vector<16xf32>
        %mul3A_182 = arith.mulf %get3A_177, %get3A_181 : vector<16xf32>
        %swap3A = arith.index_cast %scan3A_171 : i32 to index
        %swap3A_183 = arith.constant 0 : index
        %swap3A_184 = tpu.vector_load %arg11[%swap3A, %swap3A_183] {strides = array<i32>} : memref<128x64xf32, #tpu.memory_space<vmem>>, vector<1x16xf32>,
        %swap3A_185 = vector.shape_cast %swap3A_184 : vector<1x16xf32> to vector<16xf32>
        %swap3A_186 = vector.shape_cast %mul3A_182 : vector<16xf32> to vector<1x16xf32>
        tpu.vector_store %arg11[%swap3A, %swap3A_183], %swap3A_186 {strides = array<i32>} : memref<128x64xf32, #tpu.memory_space<vmem>>, vector<1x16xf32>,
        %mul3A_187 = arith.mulf %get3A_177, %mul3A_182 : vector<16xf32>
        %swap3A_188 = arith.index_cast %scan3A_171 : i32 to index
        %swap3A_189 = arith.constant 0 : index
        %swap3A_190 = tpu.vector_load %arg10[%swap3A_188, %swap3A_189] {strides = array<i32>} : memref<128x64xf32, #tpu.memory_space<vmem>>, vector<1x16xf32>,
        %swap3A_191 = vector.shape_cast %swap3A_190 : vector<1x16xf32> to vector<16xf32>
        %swap3A_192 = vector.shape_cast %mul3A_187 : vector<16xf32> to vector<1x16xf32>
        tpu.vector_store %arg10[%swap3A_188, %swap3A_189], %swap3A_192 {strides = array<i32>} : memref<128x64xf32, #tpu.memory_space<vmem>>, vector<1x16xf32>,
        %get3A_193 = arith.index_cast %scan3A_171 : i32 to index
        %get3A_194 = arith.constant 16 : index
        %get3A_195 = tpu.vector_load %arg11[%get3A_193, %get3A_194] {strides = array<i32>} : memref<128x64xf32, #tpu.memory_space<vmem>>, vector<1x16xf32>,
        %get3A_196 = vector.shape_cast %get3A_195 : vector<1x16xf32> to vector<16xf32>
        %mul3A_197 = arith.mulf %get3A_177, %get3A_196 : vector<16xf32>
        %swap3A_198 = arith.index_cast %scan3A_171 : i32 to index
        %swap3A_199 = arith.constant 16 : index
        %swap3A_200 = tpu.vector_load %arg11[%swap3A_198, %swap3A_199] {strides = array<i32>} : memref<128x64xf32, #tpu.memory_space<vmem>>, vector<1x16xf32>,
        %swap3A_201 = vector.shape_cast %swap3A_200 : vector<1x16xf32> to vector<16xf32>
        %swap3A_202 = vector.shape_cast %mul3A_197 : vector<16xf32> to vector<1x16xf32>
        tpu.vector_store %arg11[%swap3A_198, %swap3A_199], %swap3A_202 {strides = array<i32>} : memref<128x64xf32, #tpu.memory_space<vmem>>, vector<1x16xf32>,
        %mul3A_203 = arith.mulf %get3A_177, %mul3A_197 : vector<16xf32>
        %swap3A_204 = arith.index_cast %scan3A_171 : i32 to index
        %swap3A_205 = arith.constant 16 : index
        %swap3A_206 = tpu.vector_load %arg10[%swap3A_204, %swap3A_205] {strides = array<i32>} : memref<128x64xf32, #tpu.memory_space<vmem>>, vector<1x16xf32>,
        %swap3A_207 = vector.shape_cast %swap3A_206 : vector<1x16xf32> to vector<16xf32>
        %swap3A_208 = vector.shape_cast %mul3A_203 : vector<16xf32> to vector<1x16xf32>
        tpu.vector_store %arg10[%swap3A_204, %swap3A_205], %swap3A_208 {strides = array<i32>} : memref<128x64xf32, #tpu.memory_space<vmem>>, vector<1x16xf32>,
        %get3A_209 = arith.index_cast %scan3A_171 : i32 to index
        %get3A_210 = arith.constant 32 : index
        %get3A_211 = tpu.vector_load %arg11[%get3A_209, %get3A_210] {strides = array<i32>} : memref<128x64xf32, #tpu.memory_space<vmem>>, vector<1x16xf32>,
        %get3A_212 = vector.shape_cast %get3A_211 : vector<1x16xf32> to vector<16xf32>
        %mul3A_213 = arith.mulf %get3A_177, %get3A_212 : vector<16xf32>
        %swap3A_214 = arith.index_cast %scan3A_171 : i32 to index
        %swap3A_215 = arith.constant 32 : index
        %swap3A_216 = tpu.vector_load %arg11[%swap3A_214, %swap3A_215] {strides = array<i32>} : memref<128x64xf32, #tpu.memory_space<vmem>>, vector<1x16xf32>,
        %swap3A_217 = vector.shape_cast %swap3A_216 : vector<1x16xf32> to vector<16xf32>
        %swap3A_218 = vector.shape_cast %mul3A_213 : vector<16xf32> to vector<1x16xf32>
        tpu.vector_store %arg11[%swap3A_214, %swap3A_215], %swap3A_218 {strides = array<i32>} : memref<128x64xf32, #tpu.memory_space<vmem>>, vector<1x16xf32>,
        %mul3A_219 = arith.mulf %get3A_177, %mul3A_213 : vector<16xf32>
        %swap3A_220 = arith.index_cast %scan3A_171 : i32 to index
        %swap3A_221 = arith.constant 32 : index
        %swap3A_222 = tpu.vector_load %arg10[%swap3A_220, %swap3A_221] {strides = array<i32>} : memref<128x64xf32, #tpu.memory_space<vmem>>, vector<1x16xf32>,
        %swap3A_223 = vector.shape_cast %swap3A_222 : vector<1x16xf32> to vector<16xf32>
        %swap3A_224 = vector.shape_cast %mul3A_219 : vector<16xf32> to vector<1x16xf32>
        tpu.vector_store %arg10[%swap3A_220, %swap3A_221], %swap3A_224 {strides = array<i32>} : memref<128x64xf32, #tpu.memory_space<vmem>>, vector<1x16xf32>,
        %get3A_225 = arith.index_cast %scan3A_171 : i32 to index
        %get3A_226 = arith.constant 48 : index
        %get3A_227 = tpu.vector_load %arg11[%get3A_225, %get3A_226] {strides = array<i32>} : memref<128x64xf32, #tpu.memory_space<vmem>>, vector<1x16xf32>,
        %get3A_228 = vector.shape_cast %get3A_227 : vector<1x16xf32> to vector<16xf32>
        %mul3A_229 = arith.mulf %get3A_177, %get3A_228 : vector<16xf32>
        %swap3A_230 = arith.index_cast %scan3A_171 : i32 to index
        %swap3A_231 = arith.constant 48 : index
        %swap3A_232 = tpu.vector_load %arg11[%swap3A_230, %swap3A_231] {strides = array<i32>} : memref<128x64xf32, #tpu.memory_space<vmem>>, vector<1x16xf32>,
        %swap3A_233 = vector.shape_cast %swap3A_232 : vector<1x16xf32> to vector<16xf32>
        %swap3A_234 = vector.shape_cast %mul3A_229 : vector<16xf32> to vector<1x16xf32>
        tpu.vector_store %arg11[%swap3A_230, %swap3A_231], %swap3A_234 {strides = array<i32>} : memref<128x64xf32, #tpu.memory_space<vmem>>, vector<1x16xf32>,
        %mul3A_235 = arith.mulf %get3A_177, %mul3A_229 : vector<16xf32>
        %swap3A_236 = arith.index_cast %scan3A_171 : i32 to index
        %swap3A_237 = arith.constant 48 : index
        %swap3A_238 = tpu.vector_load %arg10[%swap3A_236, %swap3A_237] {strides = array<i32>} : memref<128x64xf32, #tpu.memory_space<vmem>>, vector<1x16xf32>,
        %swap3A_239 = vector.shape_cast %swap3A_238 : vector<1x16xf32> to vector<16xf32>
        %swap3A_240 = vector.shape_cast %mul3A_235 : vector<16xf32> to vector<1x16xf32>
        tpu.vector_store %arg10[%swap3A_236, %swap3A_237], %swap3A_240 {strides = array<i32>} : memref<128x64xf32, #tpu.memory_space<vmem>>, vector<1x16xf32>,
        %scan3A_241 = arith.constant 0 : i32
        scf.yield %scan3A_241 : i32
      }
      %scan3A_141 = arith.constant 128 : i32
      "tpu.region"() ({
        %run_scoped3A = tpu.sem_alloc : memref<!tpu.dma_semaphore, #tpu.memory_space<semaphore_mem>>
        %dma_start3A = arith.constant 0 : i32
        %dma_start3A_171 = arith.constant 0 : i32
        %dma_start3A_172 = tpu.memref_slice %arg11[%dma_start3A, %dma_start3A_171] : memref<128x64xf32, #tpu.memory_space<vmem>> -> memref<128x64xf32, #tpu.memory_space<vmem>>
        %dma_start3A_173 = tpu.memref_slice %arg5[%scan3A_114, %add3A_134, %mul3A_2] : memref<4x10000x128xf32, #tpu.memory_space<hbm>> -> memref<1x128x64xf32, #tpu.memory_space<hbm>>
        %dma_start3A_174 = tpu.memref_squeeze %dma_start3A_173 : memref<1x128x64xf32, #tpu.memory_space<hbm>> -> memref<128x64xf32, #tpu.memory_space<hbm>>
        %dma_start3A_175 = tpu.memref_slice %arg5[%scan3A_114, %add3A_134, %mul3A_2] : memref<4x10000x128xf32, #tpu.memory_space<hbm>> -> memref<1x128x64xf32, #tpu.memory_space<hbm>>
        %dma_start3A_176 = tpu.memref_squeeze %dma_start3A_175 : memref<1x128x64xf32, #tpu.memory_space<hbm>> -> memref<128x64xf32, #tpu.memory_space<hbm>>
        %dma_start3A_177 = arith.constant 0 : i32
        %dma_start3A_178 = arith.constant 0 : i32
        %dma_start3A_179 = tpu.memref_slice %arg11[%dma_start3A_177, %dma_start3A_178] : memref<128x64xf32, #tpu.memory_space<vmem>> -> memref<128x64xf32, #tpu.memory_space<vmem>>
        tpu.enqueue_dma source(%dma_start3A_179 : memref<128x64xf32, #tpu.memory_space<vmem>>) target(%dma_start3A_176 : memref<128x64xf32, #tpu.memory_space<hbm>>) target_semaphore(%run_scoped3A : memref<!tpu.dma_semaphore, #tpu.memory_space<semaphore_mem>>)
        %dma_wait3A = arith.constant 0 : i32
        %dma_wait3A_180 = arith.constant 0 : i32
        %dma_wait3A_181 = tpu.memref_slice %arg11[%dma_wait3A, %dma_wait3A_180] : memref<128x64xf32, #tpu.memory_space<vmem>> -> memref<128x64xf32, #tpu.memory_space<vmem>>
        %dma_wait3A_182 = tpu.memref_slice %arg5[%scan3A_114, %add3A_134, %mul3A_2] : memref<4x10000x128xf32, #tpu.memory_space<hbm>> -> memref<1x128x64xf32, #tpu.memory_space<hbm>>
        %dma_wait3A_183 = tpu.memref_squeeze %dma_wait3A_182 : memref<1x128x64xf32, #tpu.memory_space<hbm>> -> memref<128x64xf32, #tpu.memory_space<hbm>>
        %dma_wait3A_184 = tpu.memref_slice %arg5[%scan3A_114, %add3A_134, %mul3A_2] : memref<4x10000x128xf32, #tpu.memory_space<hbm>> -> memref<1x128x64xf32, #tpu.memory_space<hbm>>
        %dma_wait3A_185 = tpu.memref_squeeze %dma_wait3A_184 : memref<1x128x64xf32, #tpu.memory_space<hbm>> -> memref<128x64xf32, #tpu.memory_space<hbm>>
        %dma_wait3A_186 = arith.constant 0 : i32
        %dma_wait3A_187 = arith.constant 0 : i32
        %dma_wait3A_188 = tpu.memref_slice %arg11[%dma_wait3A_186, %dma_wait3A_187] : memref<128x64xf32, #tpu.memory_space<vmem>> -> memref<128x64xf32, #tpu.memory_space<vmem>>
        tpu.wait_dma2 semaphore(%run_scoped3A : memref<!tpu.dma_semaphore, #tpu.memory_space<semaphore_mem>>) src(%dma_wait3A_188 : memref<128x64xf32, #tpu.memory_space<vmem>>) dst(%dma_wait3A_185 : memref<128x64xf32, #tpu.memory_space<hbm>>)
        tpu.yield
      }) : () -> ()
      "tpu.region"() ({
        %run_scoped3A = tpu.sem_alloc : memref<!tpu.dma_semaphore, #tpu.memory_space<semaphore_mem>>
        %dma_start3A = arith.constant 0 : i32
        %dma_start3A_171 = arith.constant 0 : i32
        %dma_start3A_172 = tpu.memref_slice %arg10[%dma_start3A, %dma_start3A_171] : memref<128x64xf32, #tpu.memory_space<vmem>> -> memref<128x64xf32, #tpu.memory_space<vmem>>
        %dma_start3A_173 = arith.constant 0 : i32
        %dma_start3A_174 = tpu.memref_slice %arg6[%add3A_134, %dma_start3A_173] : memref<10016x64xf32, #tpu.memory_space<vmem_shared>> -> memref<128x64xf32, #tpu.memory_space<vmem_shared>>
        %dma_start3A_175 = arith.constant 0 : i32
        %dma_start3A_176 = tpu.memref_slice %arg6[%add3A_134, %dma_start3A_175] : memref<10016x64xf32, #tpu.memory_space<vmem_shared>> -> memref<128x64xf32, #tpu.memory_space<vmem_shared>>
        %dma_start3A_177 = arith.constant 0 : i32
        %dma_start3A_178 = arith.constant 0 : i32
        %dma_start3A_179 = tpu.memref_slice %arg10[%dma_start3A_177, %dma_start3A_178] : memref<128x64xf32, #tpu.memory_space<vmem>> -> memref<128x64xf32, #tpu.memory_space<vmem>>
        tpu.enqueue_dma source(%dma_start3A_179 : memref<128x64xf32, #tpu.memory_space<vmem>>) target(%dma_start3A_176 : memref<128x64xf32, #tpu.memory_space<vmem_shared>>) target_semaphore(%run_scoped3A : memref<!tpu.dma_semaphore, #tpu.memory_space<semaphore_mem>>)
        %dma_wait3A = arith.constant 0 : i32
        %dma_wait3A_180 = arith.constant 0 : i32
        %dma_wait3A_181 = tpu.memref_slice %arg10[%dma_wait3A, %dma_wait3A_180] : memref<128x64xf32, #tpu.memory_space<vmem>> -> memref<128x64xf32, #tpu.memory_space<vmem>>
        %dma_wait3A_182 = arith.constant 0 : i32
        %dma_wait3A_183 = tpu.memref_slice %arg6[%add3A_134, %dma_wait3A_182] : memref<10016x64xf32, #tpu.memory_space<vmem_shared>> -> memref<128x64xf32, #tpu.memory_space<vmem_shared>>
        %dma_wait3A_184 = arith.constant 0 : i32
        %dma_wait3A_185 = tpu.memref_slice %arg6[%add3A_134, %dma_wait3A_184] : memref<10016x64xf32, #tpu.memory_space<vmem_shared>> -> memref<128x64xf32, #tpu.memory_space<vmem_shared>>
        %dma_wait3A_186 = arith.constant 0 : i32
        %dma_wait3A_187 = arith.constant 0 : i32
        %dma_wait3A_188 = tpu.memref_slice %arg10[%dma_wait3A_186, %dma_wait3A_187] : memref<128x64xf32, #tpu.memory_space<vmem>> -> memref<128x64xf32, #tpu.memory_space<vmem>>
        tpu.wait_dma2 semaphore(%run_scoped3A : memref<!tpu.dma_semaphore, #tpu.memory_space<semaphore_mem>>) src(%dma_wait3A_188 : memref<128x64xf32, #tpu.memory_space<vmem>>) dst(%dma_wait3A_185 : memref<128x64xf32, #tpu.memory_space<vmem_shared>>)
        tpu.yield
      }) : () -> ()
      %add3A_142 = arith.constant 256 : i32
      %add3A_143 = arith.addi %mul3A_0, %add3A_142 : i32
      "tpu.region"() ({
        %run_scoped3A = tpu.sem_alloc : memref<!tpu.dma_semaphore, #tpu.memory_space<semaphore_mem>>
        %dma_start3A = arith.constant 0 : i32
        %dma_start3A_171 = arith.constant 0 : i32
        %dma_start3A_172 = tpu.memref_slice %arg11[%dma_start3A, %dma_start3A_171] : memref<128x64xf32, #tpu.memory_space<vmem>> -> memref<128x64xf32, #tpu.memory_space<vmem>>
        %dma_start3A_173 = arith.constant 0 : i32
        %dma_start3A_174 = tpu.memref_slice %arg7[%add3A_143, %dma_start3A_173] : memref<10016x64xf32, #tpu.memory_space<vmem_shared>> -> memref<128x64xf32, #tpu.memory_space<vmem_shared>>
        %dma_start3A_175 = arith.constant 0 : i32
        %dma_start3A_176 = arith.constant 0 : i32
        %dma_start3A_177 = tpu.memref_slice %arg11[%dma_start3A_175, %dma_start3A_176] : memref<128x64xf32, #tpu.memory_space<vmem>> -> memref<128x64xf32, #tpu.memory_space<vmem>>
        %dma_start3A_178 = arith.constant 0 : i32
        %dma_start3A_179 = tpu.memref_slice %arg7[%add3A_143, %dma_start3A_178] : memref<10016x64xf32, #tpu.memory_space<vmem_shared>> -> memref<128x64xf32, #tpu.memory_space<vmem_shared>>
        tpu.enqueue_dma source(%dma_start3A_179 : memref<128x64xf32, #tpu.memory_space<vmem_shared>>) target(%dma_start3A_177 : memref<128x64xf32, #tpu.memory_space<vmem>>) target_semaphore(%run_scoped3A : memref<!tpu.dma_semaphore, #tpu.memory_space<semaphore_mem>>)
        %dma_wait3A = arith.constant 0 : i32
        %dma_wait3A_180 = arith.constant 0 : i32
        %dma_wait3A_181 = tpu.memref_slice %arg11[%dma_wait3A, %dma_wait3A_180] : memref<128x64xf32, #tpu.memory_space<vmem>> -> memref<128x64xf32, #tpu.memory_space<vmem>>
        %dma_wait3A_182 = arith.constant 0 : i32
        %dma_wait3A_183 = tpu.memref_slice %arg7[%add3A_143, %dma_wait3A_182] : memref<10016x64xf32, #tpu.memory_space<vmem_shared>> -> memref<128x64xf32, #tpu.memory_space<vmem_shared>>
        %dma_wait3A_184 = arith.constant 0 : i32
        %dma_wait3A_185 = arith.constant 0 : i32
        %dma_wait3A_186 = tpu.memref_slice %arg11[%dma_wait3A_184, %dma_wait3A_185] : memref<128x64xf32, #tpu.memory_space<vmem>> -> memref<128x64xf32, #tpu.memory_space<vmem>>
        %dma_wait3A_187 = arith.constant 0 : i32
        %dma_wait3A_188 = tpu.memref_slice %arg7[%add3A_143, %dma_wait3A_187] : memref<10016x64xf32, #tpu.memory_space<vmem_shared>> -> memref<128x64xf32, #tpu.memory_space<vmem_shared>>
        tpu.wait_dma2 semaphore(%run_scoped3A : memref<!tpu.dma_semaphore, #tpu.memory_space<semaphore_mem>>) src(%dma_wait3A_188 : memref<128x64xf32, #tpu.memory_space<vmem_shared>>) dst(%dma_wait3A_186 : memref<128x64xf32, #tpu.memory_space<vmem>>)
        tpu.yield
      }) : () -> ()
      "tpu.region"() ({
        %run_scoped3A = tpu.sem_alloc : memref<!tpu.dma_semaphore, #tpu.memory_space<semaphore_mem>>
        %dma_start3A = arith.constant 0 : i32
        %dma_start3A_171 = arith.constant 0 : i32
        %dma_start3A_172 = tpu.memref_slice %arg12[%dma_start3A, %dma_start3A_171] : memref<128x64xf32, #tpu.memory_space<vmem>> -> memref<128x64xf32, #tpu.memory_space<vmem>>
        %dma_start3A_173 = arith.constant 0 : i32
        %dma_start3A_174 = tpu.memref_slice %arg7[%add3A_143, %dma_start3A_173] : memref<10016x64xf32, #tpu.memory_space<vmem_shared>> -> memref<128x64xf32, #tpu.memory_space<vmem_shared>>
        %dma_start3A_175 = arith.constant 0 : i32
        %dma_start3A_176 = tpu.memref_slice %arg7[%add3A_143, %dma_start3A_175] : memref<10016x64xf32, #tpu.memory_space<vmem_shared>> -> memref<128x64xf32, #tpu.memory_space<vmem_shared>>
        %dma_start3A_177 = arith.constant 0 : i32
        %dma_start3A_178 = arith.constant 0 : i32
        %dma_start3A_179 = tpu.memref_slice %arg12[%dma_start3A_177, %dma_start3A_178] : memref<128x64xf32, #tpu.memory_space<vmem>> -> memref<128x64xf32, #tpu.memory_space<vmem>>
        tpu.enqueue_dma source(%dma_start3A_179 : memref<128x64xf32, #tpu.memory_space<vmem>>) target(%dma_start3A_176 : memref<128x64xf32, #tpu.memory_space<vmem_shared>>) target_semaphore(%run_scoped3A : memref<!tpu.dma_semaphore, #tpu.memory_space<semaphore_mem>>)
        %dma_wait3A = arith.constant 0 : i32
        %dma_wait3A_180 = arith.constant 0 : i32
        %dma_wait3A_181 = tpu.memref_slice %arg12[%dma_wait3A, %dma_wait3A_180] : memref<128x64xf32, #tpu.memory_space<vmem>> -> memref<128x64xf32, #tpu.memory_space<vmem>>
        %dma_wait3A_182 = arith.constant 0 : i32
        %dma_wait3A_183 = tpu.memref_slice %arg7[%add3A_143, %dma_wait3A_182] : memref<10016x64xf32, #tpu.memory_space<vmem_shared>> -> memref<128x64xf32, #tpu.memory_space<vmem_shared>>
        %dma_wait3A_184 = arith.constant 0 : i32
        %dma_wait3A_185 = tpu.memref_slice %arg7[%add3A_143, %dma_wait3A_184] : memref<10016x64xf32, #tpu.memory_space<vmem_shared>> -> memref<128x64xf32, #tpu.memory_space<vmem_shared>>
        %dma_wait3A_186 = arith.constant 0 : i32
        %dma_wait3A_187 = arith.constant 0 : i32
        %dma_wait3A_188 = tpu.memref_slice %arg12[%dma_wait3A_186, %dma_wait3A_187] : memref<128x64xf32, #tpu.memory_space<vmem>> -> memref<128x64xf32, #tpu.memory_space<vmem>>
        tpu.wait_dma2 semaphore(%run_scoped3A : memref<!tpu.dma_semaphore, #tpu.memory_space<semaphore_mem>>) src(%dma_wait3A_188 : memref<128x64xf32, #tpu.memory_space<vmem>>) dst(%dma_wait3A_185 : memref<128x64xf32, #tpu.memory_space<vmem_shared>>)
        tpu.yield
      }) : () -> ()
      %scan3A_144 = arith.constant 0 : i32
      %scan3A_145 = arith.constant 0 : i32
      %scan3A_146 = arith.constant 128 : i32
      %scan3A_147 = arith.addi %scan3A_145, %scan3A_146 : i32
      %scan3A_148 = arith.constant 1 : i32
      %scan3A_149 = scf.for %scan3A_171 = %scan3A_145 to %scan3A_147 step %scan3A_148 iter_args(%scan3A_172 = %scan3A_144) -> (i32)  : i32 {
        %add3A_173 = arith.constant 256 : i32
        %add3A_174 = arith.addi %add3A_173, %scan3A_171 : i32
        %get3A = arith.index_cast %add3A_174 : i32 to index
        %get3A_175 = arith.constant 0 : index
        %get3A_176 = tpu.vector_load %arg13[%get3A, %get3A_175] {strides = array<i32>} : memref<625x16xf32, #tpu.memory_space<vmem>>, vector<1x16xf32>,
        %get3A_177 = vector.shape_cast %get3A_176 : vector<1x16xf32> to vector<16xf32>
        %get3A_178 = arith.index_cast %scan3A_171 : i32 to index
        %get3A_179 = arith.constant 0 : index
        %get3A_180 = tpu.vector_load %arg11[%get3A_178, %get3A_179] {strides = array<i32>} : memref<128x64xf32, #tpu.memory_space<vmem>>, vector<1x16xf32>,
        %get3A_181 = vector.shape_cast %get3A_180 : vector<1x16xf32> to vector<16xf32>
        %mul3A_182 = arith.mulf %get3A_177, %get3A_181 : vector<16xf32>
        %swap3A = arith.index_cast %scan3A_171 : i32 to index
        %swap3A_183 = arith.constant 0 : index
        %swap3A_184 = tpu.vector_load %arg11[%swap3A, %swap3A_183] {strides = array<i32>} : memref<128x64xf32, #tpu.memory_space<vmem>>, vector<1x16xf32>,
        %swap3A_185 = vector.shape_cast %swap3A_184 : vector<1x16xf32> to vector<16xf32>
        %swap3A_186 = vector.shape_cast %mul3A_182 : vector<16xf32> to vector<1x16xf32>
        tpu.vector_store %arg11[%swap3A, %swap3A_183], %swap3A_186 {strides = array<i32>} : memref<128x64xf32, #tpu.memory_space<vmem>>, vector<1x16xf32>,
        %mul3A_187 = arith.mulf %get3A_177, %mul3A_182 : vector<16xf32>
        %swap3A_188 = arith.index_cast %scan3A_171 : i32 to index
        %swap3A_189 = arith.constant 0 : index
        %swap3A_190 = tpu.vector_load %arg10[%swap3A_188, %swap3A_189] {strides = array<i32>} : memref<128x64xf32, #tpu.memory_space<vmem>>, vector<1x16xf32>,
        %swap3A_191 = vector.shape_cast %swap3A_190 : vector<1x16xf32> to vector<16xf32>
        %swap3A_192 = vector.shape_cast %mul3A_187 : vector<16xf32> to vector<1x16xf32>
        tpu.vector_store %arg10[%swap3A_188, %swap3A_189], %swap3A_192 {strides = array<i32>} : memref<128x64xf32, #tpu.memory_space<vmem>>, vector<1x16xf32>,
        %get3A_193 = arith.index_cast %scan3A_171 : i32 to index
        %get3A_194 = arith.constant 16 : index
        %get3A_195 = tpu.vector_load %arg11[%get3A_193, %get3A_194] {strides = array<i32>} : memref<128x64xf32, #tpu.memory_space<vmem>>, vector<1x16xf32>,
        %get3A_196 = vector.shape_cast %get3A_195 : vector<1x16xf32> to vector<16xf32>
        %mul3A_197 = arith.mulf %get3A_177, %get3A_196 : vector<16xf32>
        %swap3A_198 = arith.index_cast %scan3A_171 : i32 to index
        %swap3A_199 = arith.constant 16 : index
        %swap3A_200 = tpu.vector_load %arg11[%swap3A_198, %swap3A_199] {strides = array<i32>} : memref<128x64xf32, #tpu.memory_space<vmem>>, vector<1x16xf32>,
        %swap3A_201 = vector.shape_cast %swap3A_200 : vector<1x16xf32> to vector<16xf32>
        %swap3A_202 = vector.shape_cast %mul3A_197 : vector<16xf32> to vector<1x16xf32>
        tpu.vector_store %arg11[%swap3A_198, %swap3A_199], %swap3A_202 {strides = array<i32>} : memref<128x64xf32, #tpu.memory_space<vmem>>, vector<1x16xf32>,
        %mul3A_203 = arith.mulf %get3A_177, %mul3A_197 : vector<16xf32>
        %swap3A_204 = arith.index_cast %scan3A_171 : i32 to index
        %swap3A_205 = arith.constant 16 : index
        %swap3A_206 = tpu.vector_load %arg10[%swap3A_204, %swap3A_205] {strides = array<i32>} : memref<128x64xf32, #tpu.memory_space<vmem>>, vector<1x16xf32>,
        %swap3A_207 = vector.shape_cast %swap3A_206 : vector<1x16xf32> to vector<16xf32>
        %swap3A_208 = vector.shape_cast %mul3A_203 : vector<16xf32> to vector<1x16xf32>
        tpu.vector_store %arg10[%swap3A_204, %swap3A_205], %swap3A_208 {strides = array<i32>} : memref<128x64xf32, #tpu.memory_space<vmem>>, vector<1x16xf32>,
        %get3A_209 = arith.index_cast %scan3A_171 : i32 to index
        %get3A_210 = arith.constant 32 : index
        %get3A_211 = tpu.vector_load %arg11[%get3A_209, %get3A_210] {strides = array<i32>} : memref<128x64xf32, #tpu.memory_space<vmem>>, vector<1x16xf32>,
        %get3A_212 = vector.shape_cast %get3A_211 : vector<1x16xf32> to vector<16xf32>
        %mul3A_213 = arith.mulf %get3A_177, %get3A_212 : vector<16xf32>
        %swap3A_214 = arith.index_cast %scan3A_171 : i32 to index
        %swap3A_215 = arith.constant 32 : index
        %swap3A_216 = tpu.vector_load %arg11[%swap3A_214, %swap3A_215] {strides = array<i32>} : memref<128x64xf32, #tpu.memory_space<vmem>>, vector<1x16xf32>,
        %swap3A_217 = vector.shape_cast %swap3A_216 : vector<1x16xf32> to vector<16xf32>
        %swap3A_218 = vector.shape_cast %mul3A_213 : vector<16xf32> to vector<1x16xf32>
        tpu.vector_store %arg11[%swap3A_214, %swap3A_215], %swap3A_218 {strides = array<i32>} : memref<128x64xf32, #tpu.memory_space<vmem>>, vector<1x16xf32>,
        %mul3A_219 = arith.mulf %get3A_177, %mul3A_213 : vector<16xf32>
        %swap3A_220 = arith.index_cast %scan3A_171 : i32 to index
        %swap3A_221 = arith.constant 32 : index
        %swap3A_222 = tpu.vector_load %arg10[%swap3A_220, %swap3A_221] {strides = array<i32>} : memref<128x64xf32, #tpu.memory_space<vmem>>, vector<1x16xf32>,
        %swap3A_223 = vector.shape_cast %swap3A_222 : vector<1x16xf32> to vector<16xf32>
        %swap3A_224 = vector.shape_cast %mul3A_219 : vector<16xf32> to vector<1x16xf32>
        tpu.vector_store %arg10[%swap3A_220, %swap3A_221], %swap3A_224 {strides = array<i32>} : memref<128x64xf32, #tpu.memory_space<vmem>>, vector<1x16xf32>,
        %get3A_225 = arith.index_cast %scan3A_171 : i32 to index
        %get3A_226 = arith.constant 48 : index
        %get3A_227 = tpu.vector_load %arg11[%get3A_225, %get3A_226] {strides = array<i32>} : memref<128x64xf32, #tpu.memory_space<vmem>>, vector<1x16xf32>,
        %get3A_228 = vector.shape_cast %get3A_227 : vector<1x16xf32> to vector<16xf32>
        %mul3A_229 = arith.mulf %get3A_177, %get3A_228 : vector<16xf32>
        %swap3A_230 = arith.index_cast %scan3A_171 : i32 to index
        %swap3A_231 = arith.constant 48 : index
        %swap3A_232 = tpu.vector_load %arg11[%swap3A_230, %swap3A_231] {strides = array<i32>} : memref<128x64xf32, #tpu.memory_space<vmem>>, vector<1x16xf32>,
        %swap3A_233 = vector.shape_cast %swap3A_232 : vector<1x16xf32> to vector<16xf32>
        %swap3A_234 = vector.shape_cast %mul3A_229 : vector<16xf32> to vector<1x16xf32>
        tpu.vector_store %arg11[%swap3A_230, %swap3A_231], %swap3A_234 {strides = array<i32>} : memref<128x64xf32, #tpu.memory_space<vmem>>, vector<1x16xf32>,
        %mul3A_235 = arith.mulf %get3A_177, %mul3A_229 : vector<16xf32>
        %swap3A_236 = arith.index_cast %scan3A_171 : i32 to index
        %swap3A_237 = arith.constant 48 : index
        %swap3A_238 = tpu.vector_load %arg10[%swap3A_236, %swap3A_237] {strides = array<i32>} : memref<128x64xf32, #tpu.memory_space<vmem>>, vector<1x16xf32>,
        %swap3A_239 = vector.shape_cast %swap3A_238 : vector<1x16xf32> to vector<16xf32>
        %swap3A_240 = vector.shape_cast %mul3A_235 : vector<16xf32> to vector<1x16xf32>
        tpu.vector_store %arg10[%swap3A_236, %swap3A_237], %swap3A_240 {strides = array<i32>} : memref<128x64xf32, #tpu.memory_space<vmem>>, vector<1x16xf32>,
        %scan3A_241 = arith.constant 0 : i32
        scf.yield %scan3A_241 : i32
      }
      %scan3A_150 = arith.constant 128 : i32
      "tpu.region"() ({
        %run_scoped3A = tpu.sem_alloc : memref<!tpu.dma_semaphore, #tpu.memory_space<semaphore_mem>>
        %dma_start3A = arith.constant 0 : i32
        %dma_start3A_171 = arith.constant 0 : i32
        %dma_start3A_172 = tpu.memref_slice %arg11[%dma_start3A, %dma_start3A_171] : memref<128x64xf32, #tpu.memory_space<vmem>> -> memref<128x64xf32, #tpu.memory_space<vmem>>
        %dma_start3A_173 = tpu.memref_slice %arg5[%scan3A_114, %add3A_143, %mul3A_2] : memref<4x10000x128xf32, #tpu.memory_space<hbm>> -> memref<1x128x64xf32, #tpu.memory_space<hbm>>
        %dma_start3A_174 = tpu.memref_squeeze %dma_start3A_173 : memref<1x128x64xf32, #tpu.memory_space<hbm>> -> memref<128x64xf32, #tpu.memory_space<hbm>>
        %dma_start3A_175 = tpu.memref_slice %arg5[%scan3A_114, %add3A_143, %mul3A_2] : memref<4x10000x128xf32, #tpu.memory_space<hbm>> -> memref<1x128x64xf32, #tpu.memory_space<hbm>>
        %dma_start3A_176 = tpu.memref_squeeze %dma_start3A_175 : memref<1x128x64xf32, #tpu.memory_space<hbm>> -> memref<128x64xf32, #tpu.memory_space<hbm>>
        %dma_start3A_177 = arith.constant 0 : i32
        %dma_start3A_178 = arith.constant 0 : i32
        %dma_start3A_179 = tpu.memref_slice %arg11[%dma_start3A_177, %dma_start3A_178] : memref<128x64xf32, #tpu.memory_space<vmem>> -> memref<128x64xf32, #tpu.memory_space<vmem>>
        tpu.enqueue_dma source(%dma_start3A_179 : memref<128x64xf32, #tpu.memory_space<vmem>>) target(%dma_start3A_176 : memref<128x64xf32, #tpu.memory_space<hbm>>) target_semaphore(%run_scoped3A : memref<!tpu.dma_semaphore, #tpu.memory_space<semaphore_mem>>)
        %dma_wait3A = arith.constant 0 : i32
        %dma_wait3A_180 = arith.constant 0 : i32
        %dma_wait3A_181 = tpu.memref_slice %arg11[%dma_wait3A, %dma_wait3A_180] : memref<128x64xf32, #tpu.memory_space<vmem>> -> memref<128x64xf32, #tpu.memory_space<vmem>>
        %dma_wait3A_182 = tpu.memref_slice %arg5[%scan3A_114, %add3A_143, %mul3A_2] : memref<4x10000x128xf32, #tpu.memory_space<hbm>> -> memref<1x128x64xf32, #tpu.memory_space<hbm>>
        %dma_wait3A_183 = tpu.memref_squeeze %dma_wait3A_182 : memref<1x128x64xf32, #tpu.memory_space<hbm>> -> memref<128x64xf32, #tpu.memory_space<hbm>>
        %dma_wait3A_184 = tpu.memref_slice %arg5[%scan3A_114, %add3A_143, %mul3A_2] : memref<4x10000x128xf32, #tpu.memory_space<hbm>> -> memref<1x128x64xf32, #tpu.memory_space<hbm>>
        %dma_wait3A_185 = tpu.memref_squeeze %dma_wait3A_184 : memref<1x128x64xf32, #tpu.memory_space<hbm>> -> memref<128x64xf32, #tpu.memory_space<hbm>>
        %dma_wait3A_186 = arith.constant 0 : i32
        %dma_wait3A_187 = arith.constant 0 : i32
        %dma_wait3A_188 = tpu.memref_slice %arg11[%dma_wait3A_186, %dma_wait3A_187] : memref<128x64xf32, #tpu.memory_space<vmem>> -> memref<128x64xf32, #tpu.memory_space<vmem>>
        tpu.wait_dma2 semaphore(%run_scoped3A : memref<!tpu.dma_semaphore, #tpu.memory_space<semaphore_mem>>) src(%dma_wait3A_188 : memref<128x64xf32, #tpu.memory_space<vmem>>) dst(%dma_wait3A_185 : memref<128x64xf32, #tpu.memory_space<hbm>>)
        tpu.yield
      }) : () -> ()
      "tpu.region"() ({
        %run_scoped3A = tpu.sem_alloc : memref<!tpu.dma_semaphore, #tpu.memory_space<semaphore_mem>>
        %dma_start3A = arith.constant 0 : i32
        %dma_start3A_171 = arith.constant 0 : i32
        %dma_start3A_172 = tpu.memref_slice %arg10[%dma_start3A, %dma_start3A_171] : memref<128x64xf32, #tpu.memory_space<vmem>> -> memref<128x64xf32, #tpu.memory_space<vmem>>
        %dma_start3A_173 = arith.constant 0 : i32
        %dma_start3A_174 = tpu.memref_slice %arg6[%add3A_143, %dma_start3A_173] : memref<10016x64xf32, #tpu.memory_space<vmem_shared>> -> memref<128x64xf32, #tpu.memory_space<vmem_shared>>
        %dma_start3A_175 = arith.constant 0 : i32
        %dma_start3A_176 = tpu.memref_slice %arg6[%add3A_143, %dma_start3A_175] : memref<10016x64xf32, #tpu.memory_space<vmem_shared>> -> memref<128x64xf32, #tpu.memory_space<vmem_shared>>
        %dma_start3A_177 = arith.constant 0 : i32
        %dma_start3A_178 = arith.constant 0 : i32
        %dma_start3A_179 = tpu.memref_slice %arg10[%dma_start3A_177, %dma_start3A_178] : memref<128x64xf32, #tpu.memory_space<vmem>> -> memref<128x64xf32, #tpu.memory_space<vmem>>
        tpu.enqueue_dma source(%dma_start3A_179 : memref<128x64xf32, #tpu.memory_space<vmem>>) target(%dma_start3A_176 : memref<128x64xf32, #tpu.memory_space<vmem_shared>>) target_semaphore(%run_scoped3A : memref<!tpu.dma_semaphore, #tpu.memory_space<semaphore_mem>>)
        %dma_wait3A = arith.constant 0 : i32
        %dma_wait3A_180 = arith.constant 0 : i32
        %dma_wait3A_181 = tpu.memref_slice %arg10[%dma_wait3A, %dma_wait3A_180] : memref<128x64xf32, #tpu.memory_space<vmem>> -> memref<128x64xf32, #tpu.memory_space<vmem>>
        %dma_wait3A_182 = arith.constant 0 : i32
        %dma_wait3A_183 = tpu.memref_slice %arg6[%add3A_143, %dma_wait3A_182] : memref<10016x64xf32, #tpu.memory_space<vmem_shared>> -> memref<128x64xf32, #tpu.memory_space<vmem_shared>>
        %dma_wait3A_184 = arith.constant 0 : i32
        %dma_wait3A_185 = tpu.memref_slice %arg6[%add3A_143, %dma_wait3A_184] : memref<10016x64xf32, #tpu.memory_space<vmem_shared>> -> memref<128x64xf32, #tpu.memory_space<vmem_shared>>
        %dma_wait3A_186 = arith.constant 0 : i32
        %dma_wait3A_187 = arith.constant 0 : i32
        %dma_wait3A_188 = tpu.memref_slice %arg10[%dma_wait3A_186, %dma_wait3A_187] : memref<128x64xf32, #tpu.memory_space<vmem>> -> memref<128x64xf32, #tpu.memory_space<vmem>>
        tpu.wait_dma2 semaphore(%run_scoped3A : memref<!tpu.dma_semaphore, #tpu.memory_space<semaphore_mem>>) src(%dma_wait3A_188 : memref<128x64xf32, #tpu.memory_space<vmem>>) dst(%dma_wait3A_185 : memref<128x64xf32, #tpu.memory_space<vmem_shared>>)
        tpu.yield
      }) : () -> ()
      %add3A_151 = arith.constant 384 : i32
      %add3A_152 = arith.addi %mul3A_0, %add3A_151 : i32
      "tpu.region"() ({
        %run_scoped3A = tpu.sem_alloc : memref<!tpu.dma_semaphore, #tpu.memory_space<semaphore_mem>>
        %dma_start3A = arith.constant 0 : i32
        %dma_start3A_171 = arith.constant 0 : i32
        %dma_start3A_172 = tpu.memref_slice %arg11[%dma_start3A, %dma_start3A_171] : memref<128x64xf32, #tpu.memory_space<vmem>> -> memref<128x64xf32, #tpu.memory_space<vmem>>
        %dma_start3A_173 = arith.constant 0 : i32
        %dma_start3A_174 = tpu.memref_slice %arg7[%add3A_152, %dma_start3A_173] : memref<10016x64xf32, #tpu.memory_space<vmem_shared>> -> memref<128x64xf32, #tpu.memory_space<vmem_shared>>
        %dma_start3A_175 = arith.constant 0 : i32
        %dma_start3A_176 = arith.constant 0 : i32
        %dma_start3A_177 = tpu.memref_slice %arg11[%dma_start3A_175, %dma_start3A_176] : memref<128x64xf32, #tpu.memory_space<vmem>> -> memref<128x64xf32, #tpu.memory_space<vmem>>
        %dma_start3A_178 = arith.constant 0 : i32
        %dma_start3A_179 = tpu.memref_slice %arg7[%add3A_152, %dma_start3A_178] : memref<10016x64xf32, #tpu.memory_space<vmem_shared>> -> memref<128x64xf32, #tpu.memory_space<vmem_shared>>
        tpu.enqueue_dma source(%dma_start3A_179 : memref<128x64xf32, #tpu.memory_space<vmem_shared>>) target(%dma_start3A_177 : memref<128x64xf32, #tpu.memory_space<vmem>>) target_semaphore(%run_scoped3A : memref<!tpu.dma_semaphore, #tpu.memory_space<semaphore_mem>>)
        %dma_wait3A = arith.constant 0 : i32
        %dma_wait3A_180 = arith.constant 0 : i32
        %dma_wait3A_181 = tpu.memref_slice %arg11[%dma_wait3A, %dma_wait3A_180] : memref<128x64xf32, #tpu.memory_space<vmem>> -> memref<128x64xf32, #tpu.memory_space<vmem>>
        %dma_wait3A_182 = arith.constant 0 : i32
        %dma_wait3A_183 = tpu.memref_slice %arg7[%add3A_152, %dma_wait3A_182] : memref<10016x64xf32, #tpu.memory_space<vmem_shared>> -> memref<128x64xf32, #tpu.memory_space<vmem_shared>>
        %dma_wait3A_184 = arith.constant 0 : i32
        %dma_wait3A_185 = arith.constant 0 : i32
        %dma_wait3A_186 = tpu.memref_slice %arg11[%dma_wait3A_184, %dma_wait3A_185] : memref<128x64xf32, #tpu.memory_space<vmem>> -> memref<128x64xf32, #tpu.memory_space<vmem>>
        %dma_wait3A_187 = arith.constant 0 : i32
        %dma_wait3A_188 = tpu.memref_slice %arg7[%add3A_152, %dma_wait3A_187] : memref<10016x64xf32, #tpu.memory_space<vmem_shared>> -> memref<128x64xf32, #tpu.memory_space<vmem_shared>>
        tpu.wait_dma2 semaphore(%run_scoped3A : memref<!tpu.dma_semaphore, #tpu.memory_space<semaphore_mem>>) src(%dma_wait3A_188 : memref<128x64xf32, #tpu.memory_space<vmem_shared>>) dst(%dma_wait3A_186 : memref<128x64xf32, #tpu.memory_space<vmem>>)
        tpu.yield
      }) : () -> ()
      "tpu.region"() ({
        %run_scoped3A = tpu.sem_alloc : memref<!tpu.dma_semaphore, #tpu.memory_space<semaphore_mem>>
        %dma_start3A = arith.constant 0 : i32
        %dma_start3A_171 = arith.constant 0 : i32
        %dma_start3A_172 = tpu.memref_slice %arg12[%dma_start3A, %dma_start3A_171] : memref<128x64xf32, #tpu.memory_space<vmem>> -> memref<128x64xf32, #tpu.memory_space<vmem>>
        %dma_start3A_173 = arith.constant 0 : i32
        %dma_start3A_174 = tpu.memref_slice %arg7[%add3A_152, %dma_start3A_173] : memref<10016x64xf32, #tpu.memory_space<vmem_shared>> -> memref<128x64xf32, #tpu.memory_space<vmem_shared>>
        %dma_start3A_175 = arith.constant 0 : i32
        %dma_start3A_176 = tpu.memref_slice %arg7[%add3A_152, %dma_start3A_175] : memref<10016x64xf32, #tpu.memory_space<vmem_shared>> -> memref<128x64xf32, #tpu.memory_space<vmem_shared>>
        %dma_start3A_177 = arith.constant 0 : i32
        %dma_start3A_178 = arith.constant 0 : i32
        %dma_start3A_179 = tpu.memref_slice %arg12[%dma_start3A_177, %dma_start3A_178] : memref<128x64xf32, #tpu.memory_space<vmem>> -> memref<128x64xf32, #tpu.memory_space<vmem>>
        tpu.enqueue_dma source(%dma_start3A_179 : memref<128x64xf32, #tpu.memory_space<vmem>>) target(%dma_start3A_176 : memref<128x64xf32, #tpu.memory_space<vmem_shared>>) target_semaphore(%run_scoped3A : memref<!tpu.dma_semaphore, #tpu.memory_space<semaphore_mem>>)
        %dma_wait3A = arith.constant 0 : i32
        %dma_wait3A_180 = arith.constant 0 : i32
        %dma_wait3A_181 = tpu.memref_slice %arg12[%dma_wait3A, %dma_wait3A_180] : memref<128x64xf32, #tpu.memory_space<vmem>> -> memref<128x64xf32, #tpu.memory_space<vmem>>
        %dma_wait3A_182 = arith.constant 0 : i32
        %dma_wait3A_183 = tpu.memref_slice %arg7[%add3A_152, %dma_wait3A_182] : memref<10016x64xf32, #tpu.memory_space<vmem_shared>> -> memref<128x64xf32, #tpu.memory_space<vmem_shared>>
        %dma_wait3A_184 = arith.constant 0 : i32
        %dma_wait3A_185 = tpu.memref_slice %arg7[%add3A_152, %dma_wait3A_184] : memref<10016x64xf32, #tpu.memory_space<vmem_shared>> -> memref<128x64xf32, #tpu.memory_space<vmem_shared>>
        %dma_wait3A_186 = arith.constant 0 : i32
        %dma_wait3A_187 = arith.constant 0 : i32
        %dma_wait3A_188 = tpu.memref_slice %arg12[%dma_wait3A_186, %dma_wait3A_187] : memref<128x64xf32, #tpu.memory_space<vmem>> -> memref<128x64xf32, #tpu.memory_space<vmem>>
        tpu.wait_dma2 semaphore(%run_scoped3A : memref<!tpu.dma_semaphore, #tpu.memory_space<semaphore_mem>>) src(%dma_wait3A_188 : memref<128x64xf32, #tpu.memory_space<vmem>>) dst(%dma_wait3A_185 : memref<128x64xf32, #tpu.memory_space<vmem_shared>>)
        tpu.yield
      }) : () -> ()
      %scan3A_153 = arith.constant 0 : i32
      %scan3A_154 = arith.constant 0 : i32
      %scan3A_155 = arith.constant 128 : i32
      %scan3A_156 = arith.addi %scan3A_154, %scan3A_155 : i32
      %scan3A_157 = arith.constant 1 : i32
      %scan3A_158 = scf.for %scan3A_171 = %scan3A_154 to %scan3A_156 step %scan3A_157 iter_args(%scan3A_172 = %scan3A_153) -> (i32)  : i32 {
        %add3A_173 = arith.constant 384 : i32
        %add3A_174 = arith.addi %add3A_173, %scan3A_171 : i32
        %get3A = arith.index_cast %add3A_174 : i32 to index
        %get3A_175 = arith.constant 0 : index
        %get3A_176 = tpu.vector_load %arg13[%get3A, %get3A_175] {strides = array<i32>} : memref<625x16xf32, #tpu.memory_space<vmem>>, vector<1x16xf32>,
        %get3A_177 = vector.shape_cast %get3A_176 : vector<1x16xf32> to vector<16xf32>
        %get3A_178 = arith.index_cast %scan3A_171 : i32 to index
        %get3A_179 = arith.constant 0 : index
        %get3A_180 = tpu.vector_load %arg11[%get3A_178, %get3A_179] {strides = array<i32>} : memref<128x64xf32, #tpu.memory_space<vmem>>, vector<1x16xf32>,
        %get3A_181 = vector.shape_cast %get3A_180 : vector<1x16xf32> to vector<16xf32>
        %mul3A_182 = arith.mulf %get3A_177, %get3A_181 : vector<16xf32>
        %swap3A = arith.index_cast %scan3A_171 : i32 to index
        %swap3A_183 = arith.constant 0 : index
        %swap3A_184 = tpu.vector_load %arg11[%swap3A, %swap3A_183] {strides = array<i32>} : memref<128x64xf32, #tpu.memory_space<vmem>>, vector<1x16xf32>,
        %swap3A_185 = vector.shape_cast %swap3A_184 : vector<1x16xf32> to vector<16xf32>
        %swap3A_186 = vector.shape_cast %mul3A_182 : vector<16xf32> to vector<1x16xf32>
        tpu.vector_store %arg11[%swap3A, %swap3A_183], %swap3A_186 {strides = array<i32>} : memref<128x64xf32, #tpu.memory_space<vmem>>, vector<1x16xf32>,
        %mul3A_187 = arith.mulf %get3A_177, %mul3A_182 : vector<16xf32>
        %swap3A_188 = arith.index_cast %scan3A_171 : i32 to index
        %swap3A_189 = arith.constant 0 : index
        %swap3A_190 = tpu.vector_load %arg10[%swap3A_188, %swap3A_189] {strides = array<i32>} : memref<128x64xf32, #tpu.memory_space<vmem>>, vector<1x16xf32>,
        %swap3A_191 = vector.shape_cast %swap3A_190 : vector<1x16xf32> to vector<16xf32>
        %swap3A_192 = vector.shape_cast %mul3A_187 : vector<16xf32> to vector<1x16xf32>
        tpu.vector_store %arg10[%swap3A_188, %swap3A_189], %swap3A_192 {strides = array<i32>} : memref<128x64xf32, #tpu.memory_space<vmem>>, vector<1x16xf32>,
        %get3A_193 = arith.index_cast %scan3A_171 : i32 to index
        %get3A_194 = arith.constant 16 : index
        %get3A_195 = tpu.vector_load %arg11[%get3A_193, %get3A_194] {strides = array<i32>} : memref<128x64xf32, #tpu.memory_space<vmem>>, vector<1x16xf32>,
        %get3A_196 = vector.shape_cast %get3A_195 : vector<1x16xf32> to vector<16xf32>
        %mul3A_197 = arith.mulf %get3A_177, %get3A_196 : vector<16xf32>
        %swap3A_198 = arith.index_cast %scan3A_171 : i32 to index
        %swap3A_199 = arith.constant 16 : index
        %swap3A_200 = tpu.vector_load %arg11[%swap3A_198, %swap3A_199] {strides = array<i32>} : memref<128x64xf32, #tpu.memory_space<vmem>>, vector<1x16xf32>,
        %swap3A_201 = vector.shape_cast %swap3A_200 : vector<1x16xf32> to vector<16xf32>
        %swap3A_202 = vector.shape_cast %mul3A_197 : vector<16xf32> to vector<1x16xf32>
        tpu.vector_store %arg11[%swap3A_198, %swap3A_199], %swap3A_202 {strides = array<i32>} : memref<128x64xf32, #tpu.memory_space<vmem>>, vector<1x16xf32>,
        %mul3A_203 = arith.mulf %get3A_177, %mul3A_197 : vector<16xf32>
        %swap3A_204 = arith.index_cast %scan3A_171 : i32 to index
        %swap3A_205 = arith.constant 16 : index
        %swap3A_206 = tpu.vector_load %arg10[%swap3A_204, %swap3A_205] {strides = array<i32>} : memref<128x64xf32, #tpu.memory_space<vmem>>, vector<1x16xf32>,
        %swap3A_207 = vector.shape_cast %swap3A_206 : vector<1x16xf32> to vector<16xf32>
        %swap3A_208 = vector.shape_cast %mul3A_203 : vector<16xf32> to vector<1x16xf32>
        tpu.vector_store %arg10[%swap3A_204, %swap3A_205], %swap3A_208 {strides = array<i32>} : memref<128x64xf32, #tpu.memory_space<vmem>>, vector<1x16xf32>,
        %get3A_209 = arith.index_cast %scan3A_171 : i32 to index
        %get3A_210 = arith.constant 32 : index
        %get3A_211 = tpu.vector_load %arg11[%get3A_209, %get3A_210] {strides = array<i32>} : memref<128x64xf32, #tpu.memory_space<vmem>>, vector<1x16xf32>,
        %get3A_212 = vector.shape_cast %get3A_211 : vector<1x16xf32> to vector<16xf32>
        %mul3A_213 = arith.mulf %get3A_177, %get3A_212 : vector<16xf32>
        %swap3A_214 = arith.index_cast %scan3A_171 : i32 to index
        %swap3A_215 = arith.constant 32 : index
        %swap3A_216 = tpu.vector_load %arg11[%swap3A_214, %swap3A_215] {strides = array<i32>} : memref<128x64xf32, #tpu.memory_space<vmem>>, vector<1x16xf32>,
        %swap3A_217 = vector.shape_cast %swap3A_216 : vector<1x16xf32> to vector<16xf32>
        %swap3A_218 = vector.shape_cast %mul3A_213 : vector<16xf32> to vector<1x16xf32>
        tpu.vector_store %arg11[%swap3A_214, %swap3A_215], %swap3A_218 {strides = array<i32>} : memref<128x64xf32, #tpu.memory_space<vmem>>, vector<1x16xf32>,
        %mul3A_219 = arith.mulf %get3A_177, %mul3A_213 : vector<16xf32>
        %swap3A_220 = arith.index_cast %scan3A_171 : i32 to index
        %swap3A_221 = arith.constant 32 : index
        %swap3A_222 = tpu.vector_load %arg10[%swap3A_220, %swap3A_221] {strides = array<i32>} : memref<128x64xf32, #tpu.memory_space<vmem>>, vector<1x16xf32>,
        %swap3A_223 = vector.shape_cast %swap3A_222 : vector<1x16xf32> to vector<16xf32>
        %swap3A_224 = vector.shape_cast %mul3A_219 : vector<16xf32> to vector<1x16xf32>
        tpu.vector_store %arg10[%swap3A_220, %swap3A_221], %swap3A_224 {strides = array<i32>} : memref<128x64xf32, #tpu.memory_space<vmem>>, vector<1x16xf32>,
        %get3A_225 = arith.index_cast %scan3A_171 : i32 to index
        %get3A_226 = arith.constant 48 : index
        %get3A_227 = tpu.vector_load %arg11[%get3A_225, %get3A_226] {strides = array<i32>} : memref<128x64xf32, #tpu.memory_space<vmem>>, vector<1x16xf32>,
        %get3A_228 = vector.shape_cast %get3A_227 : vector<1x16xf32> to vector<16xf32>
        %mul3A_229 = arith.mulf %get3A_177, %get3A_228 : vector<16xf32>
        %swap3A_230 = arith.index_cast %scan3A_171 : i32 to index
        %swap3A_231 = arith.constant 48 : index
        %swap3A_232 = tpu.vector_load %arg11[%swap3A_230, %swap3A_231] {strides = array<i32>} : memref<128x64xf32, #tpu.memory_space<vmem>>, vector<1x16xf32>,
        %swap3A_233 = vector.shape_cast %swap3A_232 : vector<1x16xf32> to vector<16xf32>
        %swap3A_234 = vector.shape_cast %mul3A_229 : vector<16xf32> to vector<1x16xf32>
        tpu.vector_store %arg11[%swap3A_230, %swap3A_231], %swap3A_234 {strides = array<i32>} : memref<128x64xf32, #tpu.memory_space<vmem>>, vector<1x16xf32>,
        %mul3A_235 = arith.mulf %get3A_177, %mul3A_229 : vector<16xf32>
        %swap3A_236 = arith.index_cast %scan3A_171 : i32 to index
        %swap3A_237 = arith.constant 48 : index
        %swap3A_238 = tpu.vector_load %arg10[%swap3A_236, %swap3A_237] {strides = array<i32>} : memref<128x64xf32, #tpu.memory_space<vmem>>, vector<1x16xf32>,
        %swap3A_239 = vector.shape_cast %swap3A_238 : vector<1x16xf32> to vector<16xf32>
        %swap3A_240 = vector.shape_cast %mul3A_235 : vector<16xf32> to vector<1x16xf32>
        tpu.vector_store %arg10[%swap3A_236, %swap3A_237], %swap3A_240 {strides = array<i32>} : memref<128x64xf32, #tpu.memory_space<vmem>>, vector<1x16xf32>,
        %scan3A_241 = arith.constant 0 : i32
        scf.yield %scan3A_241 : i32
      }
      %scan3A_159 = arith.constant 128 : i32
      "tpu.region"() ({
        %run_scoped3A = tpu.sem_alloc : memref<!tpu.dma_semaphore, #tpu.memory_space<semaphore_mem>>
        %dma_start3A = arith.constant 0 : i32
        %dma_start3A_171 = arith.constant 0 : i32
        %dma_start3A_172 = tpu.memref_slice %arg11[%dma_start3A, %dma_start3A_171] : memref<128x64xf32, #tpu.memory_space<vmem>> -> memref<128x64xf32, #tpu.memory_space<vmem>>
        %dma_start3A_173 = tpu.memref_slice %arg5[%scan3A_114, %add3A_152, %mul3A_2] : memref<4x10000x128xf32, #tpu.memory_space<hbm>> -> memref<1x128x64xf32, #tpu.memory_space<hbm>>
        %dma_start3A_174 = tpu.memref_squeeze %dma_start3A_173 : memref<1x128x64xf32, #tpu.memory_space<hbm>> -> memref<128x64xf32, #tpu.memory_space<hbm>>
        %dma_start3A_175 = tpu.memref_slice %arg5[%scan3A_114, %add3A_152, %mul3A_2] : memref<4x10000x128xf32, #tpu.memory_space<hbm>> -> memref<1x128x64xf32, #tpu.memory_space<hbm>>
        %dma_start3A_176 = tpu.memref_squeeze %dma_start3A_175 : memref<1x128x64xf32, #tpu.memory_space<hbm>> -> memref<128x64xf32, #tpu.memory_space<hbm>>
        %dma_start3A_177 = arith.constant 0 : i32
        %dma_start3A_178 = arith.constant 0 : i32
        %dma_start3A_179 = tpu.memref_slice %arg11[%dma_start3A_177, %dma_start3A_178] : memref<128x64xf32, #tpu.memory_space<vmem>> -> memref<128x64xf32, #tpu.memory_space<vmem>>
        tpu.enqueue_dma source(%dma_start3A_179 : memref<128x64xf32, #tpu.memory_space<vmem>>) target(%dma_start3A_176 : memref<128x64xf32, #tpu.memory_space<hbm>>) target_semaphore(%run_scoped3A : memref<!tpu.dma_semaphore, #tpu.memory_space<semaphore_mem>>)
        %dma_wait3A = arith.constant 0 : i32
        %dma_wait3A_180 = arith.constant 0 : i32
        %dma_wait3A_181 = tpu.memref_slice %arg11[%dma_wait3A, %dma_wait3A_180] : memref<128x64xf32, #tpu.memory_space<vmem>> -> memref<128x64xf32, #tpu.memory_space<vmem>>
        %dma_wait3A_182 = tpu.memref_slice %arg5[%scan3A_114, %add3A_152, %mul3A_2] : memref<4x10000x128xf32, #tpu.memory_space<hbm>> -> memref<1x128x64xf32, #tpu.memory_space<hbm>>
        %dma_wait3A_183 = tpu.memref_squeeze %dma_wait3A_182 : memref<1x128x64xf32, #tpu.memory_space<hbm>> -> memref<128x64xf32, #tpu.memory_space<hbm>>
        %dma_wait3A_184 = tpu.memref_slice %arg5[%scan3A_114, %add3A_152, %mul3A_2] : memref<4x10000x128xf32, #tpu.memory_space<hbm>> -> memref<1x128x64xf32, #tpu.memory_space<hbm>>
        %dma_wait3A_185 = tpu.memref_squeeze %dma_wait3A_184 : memref<1x128x64xf32, #tpu.memory_space<hbm>> -> memref<128x64xf32, #tpu.memory_space<hbm>>
        %dma_wait3A_186 = arith.constant 0 : i32
        %dma_wait3A_187 = arith.constant 0 : i32
        %dma_wait3A_188 = tpu.memref_slice %arg11[%dma_wait3A_186, %dma_wait3A_187] : memref<128x64xf32, #tpu.memory_space<vmem>> -> memref<128x64xf32, #tpu.memory_space<vmem>>
        tpu.wait_dma2 semaphore(%run_scoped3A : memref<!tpu.dma_semaphore, #tpu.memory_space<semaphore_mem>>) src(%dma_wait3A_188 : memref<128x64xf32, #tpu.memory_space<vmem>>) dst(%dma_wait3A_185 : memref<128x64xf32, #tpu.memory_space<hbm>>)
        tpu.yield
      }) : () -> ()
      "tpu.region"() ({
        %run_scoped3A = tpu.sem_alloc : memref<!tpu.dma_semaphore, #tpu.memory_space<semaphore_mem>>
        %dma_start3A = arith.constant 0 : i32
        %dma_start3A_171 = arith.constant 0 : i32
        %dma_start3A_172 = tpu.memref_slice %arg10[%dma_start3A, %dma_start3A_171] : memref<128x64xf32, #tpu.memory_space<vmem>> -> memref<128x64xf32, #tpu.memory_space<vmem>>
        %dma_start3A_173 = arith.constant 0 : i32
        %dma_start3A_174 = tpu.memref_slice %arg6[%add3A_152, %dma_start3A_173] : memref<10016x64xf32, #tpu.memory_space<vmem_shared>> -> memref<128x64xf32, #tpu.memory_space<vmem_shared>>
        %dma_start3A_175 = arith.constant 0 : i32
        %dma_start3A_176 = tpu.memref_slice %arg6[%add3A_152, %dma_start3A_175] : memref<10016x64xf32, #tpu.memory_space<vmem_shared>> -> memref<128x64xf32, #tpu.memory_space<vmem_shared>>
        %dma_start3A_177 = arith.constant 0 : i32
        %dma_start3A_178 = arith.constant 0 : i32
        %dma_start3A_179 = tpu.memref_slice %arg10[%dma_start3A_177, %dma_start3A_178] : memref<128x64xf32, #tpu.memory_space<vmem>> -> memref<128x64xf32, #tpu.memory_space<vmem>>
        tpu.enqueue_dma source(%dma_start3A_179 : memref<128x64xf32, #tpu.memory_space<vmem>>) target(%dma_start3A_176 : memref<128x64xf32, #tpu.memory_space<vmem_shared>>) target_semaphore(%run_scoped3A : memref<!tpu.dma_semaphore, #tpu.memory_space<semaphore_mem>>)
        %dma_wait3A = arith.constant 0 : i32
        %dma_wait3A_180 = arith.constant 0 : i32
        %dma_wait3A_181 = tpu.memref_slice %arg10[%dma_wait3A, %dma_wait3A_180] : memref<128x64xf32, #tpu.memory_space<vmem>> -> memref<128x64xf32, #tpu.memory_space<vmem>>
        %dma_wait3A_182 = arith.constant 0 : i32
        %dma_wait3A_183 = tpu.memref_slice %arg6[%add3A_152, %dma_wait3A_182] : memref<10016x64xf32, #tpu.memory_space<vmem_shared>> -> memref<128x64xf32, #tpu.memory_space<vmem_shared>>
        %dma_wait3A_184 = arith.constant 0 : i32
        %dma_wait3A_185 = tpu.memref_slice %arg6[%add3A_152, %dma_wait3A_184] : memref<10016x64xf32, #tpu.memory_space<vmem_shared>> -> memref<128x64xf32, #tpu.memory_space<vmem_shared>>
        %dma_wait3A_186 = arith.constant 0 : i32
        %dma_wait3A_187 = arith.constant 0 : i32
        %dma_wait3A_188 = tpu.memref_slice %arg10[%dma_wait3A_186, %dma_wait3A_187] : memref<128x64xf32, #tpu.memory_space<vmem>> -> memref<128x64xf32, #tpu.memory_space<vmem>>
        tpu.wait_dma2 semaphore(%run_scoped3A : memref<!tpu.dma_semaphore, #tpu.memory_space<semaphore_mem>>) src(%dma_wait3A_188 : memref<128x64xf32, #tpu.memory_space<vmem>>) dst(%dma_wait3A_185 : memref<128x64xf32, #tpu.memory_space<vmem_shared>>)
        tpu.yield
      }) : () -> ()
      %add3A_160 = arith.constant 512 : i32
      %add3A_161 = arith.addi %mul3A_0, %add3A_160 : i32
      "tpu.region"() ({
        %run_scoped3A = tpu.sem_alloc : memref<!tpu.dma_semaphore, #tpu.memory_space<semaphore_mem>>
        %dma_start3A = arith.constant 0 : i32
        %dma_start3A_171 = arith.constant 0 : i32
        %dma_start3A_172 = tpu.memref_slice %arg11[%dma_start3A, %dma_start3A_171] : memref<128x64xf32, #tpu.memory_space<vmem>> -> memref<113x64xf32, #tpu.memory_space<vmem>>
        %dma_start3A_173 = arith.constant 0 : i32
        %dma_start3A_174 = tpu.memref_slice %arg7[%add3A_161, %dma_start3A_173] : memref<10016x64xf32, #tpu.memory_space<vmem_shared>> -> memref<113x64xf32, #tpu.memory_space<vmem_shared>>
        %dma_start3A_175 = arith.constant 0 : i32
        %dma_start3A_176 = arith.constant 0 : i32
        %dma_start3A_177 = tpu.memref_slice %arg11[%dma_start3A_175, %dma_start3A_176] : memref<128x64xf32, #tpu.memory_space<vmem>> -> memref<113x64xf32, #tpu.memory_space<vmem>>
        %dma_start3A_178 = arith.constant 0 : i32
        %dma_start3A_179 = tpu.memref_slice %arg7[%add3A_161, %dma_start3A_178] : memref<10016x64xf32, #tpu.memory_space<vmem_shared>> -> memref<113x64xf32, #tpu.memory_space<vmem_shared>>
        tpu.enqueue_dma source(%dma_start3A_179 : memref<113x64xf32, #tpu.memory_space<vmem_shared>>) target(%dma_start3A_177 : memref<113x64xf32, #tpu.memory_space<vmem>>) target_semaphore(%run_scoped3A : memref<!tpu.dma_semaphore, #tpu.memory_space<semaphore_mem>>)
        %dma_wait3A = arith.constant 0 : i32
        %dma_wait3A_180 = arith.constant 0 : i32
        %dma_wait3A_181 = tpu.memref_slice %arg11[%dma_wait3A, %dma_wait3A_180] : memref<128x64xf32, #tpu.memory_space<vmem>> -> memref<113x64xf32, #tpu.memory_space<vmem>>
        %dma_wait3A_182 = arith.constant 0 : i32
        %dma_wait3A_183 = tpu.memref_slice %arg7[%add3A_161, %dma_wait3A_182] : memref<10016x64xf32, #tpu.memory_space<vmem_shared>> -> memref<113x64xf32, #tpu.memory_space<vmem_shared>>
        %dma_wait3A_184 = arith.constant 0 : i32
        %dma_wait3A_185 = arith.constant 0 : i32
        %dma_wait3A_186 = tpu.memref_slice %arg11[%dma_wait3A_184, %dma_wait3A_185] : memref<128x64xf32, #tpu.memory_space<vmem>> -> memref<113x64xf32, #tpu.memory_space<vmem>>
        %dma_wait3A_187 = arith.constant 0 : i32
        %dma_wait3A_188 = tpu.memref_slice %arg7[%add3A_161, %dma_wait3A_187] : memref<10016x64xf32, #tpu.memory_space<vmem_shared>> -> memref<113x64xf32, #tpu.memory_space<vmem_shared>>
        tpu.wait_dma2 semaphore(%run_scoped3A : memref<!tpu.dma_semaphore, #tpu.memory_space<semaphore_mem>>) src(%dma_wait3A_188 : memref<113x64xf32, #tpu.memory_space<vmem_shared>>) dst(%dma_wait3A_186 : memref<113x64xf32, #tpu.memory_space<vmem>>)
        tpu.yield
      }) : () -> ()
      "tpu.region"() ({
        %run_scoped3A = tpu.sem_alloc : memref<!tpu.dma_semaphore, #tpu.memory_space<semaphore_mem>>
        %dma_start3A = arith.constant 0 : i32
        %dma_start3A_171 = arith.constant 0 : i32
        %dma_start3A_172 = tpu.memref_slice %arg12[%dma_start3A, %dma_start3A_171] : memref<128x64xf32, #tpu.memory_space<vmem>> -> memref<113x64xf32, #tpu.memory_space<vmem>>
        %dma_start3A_173 = arith.constant 0 : i32
        %dma_start3A_174 = tpu.memref_slice %arg7[%add3A_161, %dma_start3A_173] : memref<10016x64xf32, #tpu.memory_space<vmem_shared>> -> memref<113x64xf32, #tpu.memory_space<vmem_shared>>
        %dma_start3A_175 = arith.constant 0 : i32
        %dma_start3A_176 = tpu.memref_slice %arg7[%add3A_161, %dma_start3A_175] : memref<10016x64xf32, #tpu.memory_space<vmem_shared>> -> memref<113x64xf32, #tpu.memory_space<vmem_shared>>
        %dma_start3A_177 = arith.constant 0 : i32
        %dma_start3A_178 = arith.constant 0 : i32
        %dma_start3A_179 = tpu.memref_slice %arg12[%dma_start3A_177, %dma_start3A_178] : memref<128x64xf32, #tpu.memory_space<vmem>> -> memref<113x64xf32, #tpu.memory_space<vmem>>
        tpu.enqueue_dma source(%dma_start3A_179 : memref<113x64xf32, #tpu.memory_space<vmem>>) target(%dma_start3A_176 : memref<113x64xf32, #tpu.memory_space<vmem_shared>>) target_semaphore(%run_scoped3A : memref<!tpu.dma_semaphore, #tpu.memory_space<semaphore_mem>>)
        %dma_wait3A = arith.constant 0 : i32
        %dma_wait3A_180 = arith.constant 0 : i32
        %dma_wait3A_181 = tpu.memref_slice %arg12[%dma_wait3A, %dma_wait3A_180] : memref<128x64xf32, #tpu.memory_space<vmem>> -> memref<113x64xf32, #tpu.memory_space<vmem>>
        %dma_wait3A_182 = arith.constant 0 : i32
        %dma_wait3A_183 = tpu.memref_slice %arg7[%add3A_161, %dma_wait3A_182] : memref<10016x64xf32, #tpu.memory_space<vmem_shared>> -> memref<113x64xf32, #tpu.memory_space<vmem_shared>>
        %dma_wait3A_184 = arith.constant 0 : i32
        %dma_wait3A_185 = tpu.memref_slice %arg7[%add3A_161, %dma_wait3A_184] : memref<10016x64xf32, #tpu.memory_space<vmem_shared>> -> memref<113x64xf32, #tpu.memory_space<vmem_shared>>
        %dma_wait3A_186 = arith.constant 0 : i32
        %dma_wait3A_187 = arith.constant 0 : i32
        %dma_wait3A_188 = tpu.memref_slice %arg12[%dma_wait3A_186, %dma_wait3A_187] : memref<128x64xf32, #tpu.memory_space<vmem>> -> memref<113x64xf32, #tpu.memory_space<vmem>>
        tpu.wait_dma2 semaphore(%run_scoped3A : memref<!tpu.dma_semaphore, #tpu.memory_space<semaphore_mem>>) src(%dma_wait3A_188 : memref<113x64xf32, #tpu.memory_space<vmem>>) dst(%dma_wait3A_185 : memref<113x64xf32, #tpu.memory_space<vmem_shared>>)
        tpu.yield
      }) : () -> ()
      %scan3A_162 = arith.constant 0 : i32
      %scan3A_163 = arith.constant 0 : i32
      %scan3A_164 = arith.constant 113 : i32
      %scan3A_165 = arith.addi %scan3A_163, %scan3A_164 : i32
      %scan3A_166 = arith.constant 1 : i32
      %scan3A_167 = scf.for %scan3A_171 = %scan3A_163 to %scan3A_165 step %scan3A_166 iter_args(%scan3A_172 = %scan3A_162) -> (i32)  : i32 {
        %add3A_173 = arith.constant 512 : i32
        %add3A_174 = arith.addi %add3A_173, %scan3A_171 : i32
        %get3A = arith.index_cast %add3A_174 : i32 to index
        %get3A_175 = arith.constant 0 : index
        %get3A_176 = tpu.vector_load %arg13[%get3A, %get3A_175] {strides = array<i32>} : memref<625x16xf32, #tpu.memory_space<vmem>>, vector<1x16xf32>,
        %get3A_177 = vector.shape_cast %get3A_176 : vector<1x16xf32> to vector<16xf32>
        %get3A_178 = arith.index_cast %scan3A_171 : i32 to index
        %get3A_179 = arith.constant 0 : index
        %get3A_180 = tpu.vector_load %arg11[%get3A_178, %get3A_179] {strides = array<i32>} : memref<128x64xf32, #tpu.memory_space<vmem>>, vector<1x16xf32>,
        %get3A_181 = vector.shape_cast %get3A_180 : vector<1x16xf32> to vector<16xf32>
        %mul3A_182 = arith.mulf %get3A_177, %get3A_181 : vector<16xf32>
        %swap3A = arith.index_cast %scan3A_171 : i32 to index
        %swap3A_183 = arith.constant 0 : index
        %swap3A_184 = tpu.vector_load %arg11[%swap3A, %swap3A_183] {strides = array<i32>} : memref<128x64xf32, #tpu.memory_space<vmem>>, vector<1x16xf32>,
        %swap3A_185 = vector.shape_cast %swap3A_184 : vector<1x16xf32> to vector<16xf32>
        %swap3A_186 = vector.shape_cast %mul3A_182 : vector<16xf32> to vector<1x16xf32>
        tpu.vector_store %arg11[%swap3A, %swap3A_183], %swap3A_186 {strides = array<i32>} : memref<128x64xf32, #tpu.memory_space<vmem>>, vector<1x16xf32>,
        %mul3A_187 = arith.mulf %get3A_177, %mul3A_182 : vector<16xf32>
        %swap3A_188 = arith.index_cast %scan3A_171 : i32 to index
        %swap3A_189 = arith.constant 0 : index
        %swap3A_190 = tpu.vector_load %arg10[%swap3A_188, %swap3A_189] {strides = array<i32>} : memref<128x64xf32, #tpu.memory_space<vmem>>, vector<1x16xf32>,
        %swap3A_191 = vector.shape_cast %swap3A_190 : vector<1x16xf32> to vector<16xf32>
        %swap3A_192 = vector.shape_cast %mul3A_187 : vector<16xf32> to vector<1x16xf32>
        tpu.vector_store %arg10[%swap3A_188, %swap3A_189], %swap3A_192 {strides = array<i32>} : memref<128x64xf32, #tpu.memory_space<vmem>>, vector<1x16xf32>,
        %get3A_193 = arith.index_cast %scan3A_171 : i32 to index
        %get3A_194 = arith.constant 16 : index
        %get3A_195 = tpu.vector_load %arg11[%get3A_193, %get3A_194] {strides = array<i32>} : memref<128x64xf32, #tpu.memory_space<vmem>>, vector<1x16xf32>,
        %get3A_196 = vector.shape_cast %get3A_195 : vector<1x16xf32> to vector<16xf32>
        %mul3A_197 = arith.mulf %get3A_177, %get3A_196 : vector<16xf32>
        %swap3A_198 = arith.index_cast %scan3A_171 : i32 to index
        %swap3A_199 = arith.constant 16 : index
        %swap3A_200 = tpu.vector_load %arg11[%swap3A_198, %swap3A_199] {strides = array<i32>} : memref<128x64xf32, #tpu.memory_space<vmem>>, vector<1x16xf32>,
        %swap3A_201 = vector.shape_cast %swap3A_200 : vector<1x16xf32> to vector<16xf32>
        %swap3A_202 = vector.shape_cast %mul3A_197 : vector<16xf32> to vector<1x16xf32>
        tpu.vector_store %arg11[%swap3A_198, %swap3A_199], %swap3A_202 {strides = array<i32>} : memref<128x64xf32, #tpu.memory_space<vmem>>, vector<1x16xf32>,
        %mul3A_203 = arith.mulf %get3A_177, %mul3A_197 : vector<16xf32>
        %swap3A_204 = arith.index_cast %scan3A_171 : i32 to index
        %swap3A_205 = arith.constant 16 : index
        %swap3A_206 = tpu.vector_load %arg10[%swap3A_204, %swap3A_205] {strides = array<i32>} : memref<128x64xf32, #tpu.memory_space<vmem>>, vector<1x16xf32>,
        %swap3A_207 = vector.shape_cast %swap3A_206 : vector<1x16xf32> to vector<16xf32>
        %swap3A_208 = vector.shape_cast %mul3A_203 : vector<16xf32> to vector<1x16xf32>
        tpu.vector_store %arg10[%swap3A_204, %swap3A_205], %swap3A_208 {strides = array<i32>} : memref<128x64xf32, #tpu.memory_space<vmem>>, vector<1x16xf32>,
        %get3A_209 = arith.index_cast %scan3A_171 : i32 to index
        %get3A_210 = arith.constant 32 : index
        %get3A_211 = tpu.vector_load %arg11[%get3A_209, %get3A_210] {strides = array<i32>} : memref<128x64xf32, #tpu.memory_space<vmem>>, vector<1x16xf32>,
        %get3A_212 = vector.shape_cast %get3A_211 : vector<1x16xf32> to vector<16xf32>
        %mul3A_213 = arith.mulf %get3A_177, %get3A_212 : vector<16xf32>
        %swap3A_214 = arith.index_cast %scan3A_171 : i32 to index
        %swap3A_215 = arith.constant 32 : index
        %swap3A_216 = tpu.vector_load %arg11[%swap3A_214, %swap3A_215] {strides = array<i32>} : memref<128x64xf32, #tpu.memory_space<vmem>>, vector<1x16xf32>,
        %swap3A_217 = vector.shape_cast %swap3A_216 : vector<1x16xf32> to vector<16xf32>
        %swap3A_218 = vector.shape_cast %mul3A_213 : vector<16xf32> to vector<1x16xf32>
        tpu.vector_store %arg11[%swap3A_214, %swap3A_215], %swap3A_218 {strides = array<i32>} : memref<128x64xf32, #tpu.memory_space<vmem>>, vector<1x16xf32>,
        %mul3A_219 = arith.mulf %get3A_177, %mul3A_213 : vector<16xf32>
        %swap3A_220 = arith.index_cast %scan3A_171 : i32 to index
        %swap3A_221 = arith.constant 32 : index
        %swap3A_222 = tpu.vector_load %arg10[%swap3A_220, %swap3A_221] {strides = array<i32>} : memref<128x64xf32, #tpu.memory_space<vmem>>, vector<1x16xf32>,
        %swap3A_223 = vector.shape_cast %swap3A_222 : vector<1x16xf32> to vector<16xf32>
        %swap3A_224 = vector.shape_cast %mul3A_219 : vector<16xf32> to vector<1x16xf32>
        tpu.vector_store %arg10[%swap3A_220, %swap3A_221], %swap3A_224 {strides = array<i32>} : memref<128x64xf32, #tpu.memory_space<vmem>>, vector<1x16xf32>,
        %get3A_225 = arith.index_cast %scan3A_171 : i32 to index
        %get3A_226 = arith.constant 48 : index
        %get3A_227 = tpu.vector_load %arg11[%get3A_225, %get3A_226] {strides = array<i32>} : memref<128x64xf32, #tpu.memory_space<vmem>>, vector<1x16xf32>,
        %get3A_228 = vector.shape_cast %get3A_227 : vector<1x16xf32> to vector<16xf32>
        %mul3A_229 = arith.mulf %get3A_177, %get3A_228 : vector<16xf32>
        %swap3A_230 = arith.index_cast %scan3A_171 : i32 to index
        %swap3A_231 = arith.constant 48 : index
        %swap3A_232 = tpu.vector_load %arg11[%swap3A_230, %swap3A_231] {strides = array<i32>} : memref<128x64xf32, #tpu.memory_space<vmem>>, vector<1x16xf32>,
        %swap3A_233 = vector.shape_cast %swap3A_232 : vector<1x16xf32> to vector<16xf32>
        %swap3A_234 = vector.shape_cast %mul3A_229 : vector<16xf32> to vector<1x16xf32>
        tpu.vector_store %arg11[%swap3A_230, %swap3A_231], %swap3A_234 {strides = array<i32>} : memref<128x64xf32, #tpu.memory_space<vmem>>, vector<1x16xf32>,
        %mul3A_235 = arith.mulf %get3A_177, %mul3A_229 : vector<16xf32>
        %swap3A_236 = arith.index_cast %scan3A_171 : i32 to index
        %swap3A_237 = arith.constant 48 : index
        %swap3A_238 = tpu.vector_load %arg10[%swap3A_236, %swap3A_237] {strides = array<i32>} : memref<128x64xf32, #tpu.memory_space<vmem>>, vector<1x16xf32>,
        %swap3A_239 = vector.shape_cast %swap3A_238 : vector<1x16xf32> to vector<16xf32>
        %swap3A_240 = vector.shape_cast %mul3A_235 : vector<16xf32> to vector<1x16xf32>
        tpu.vector_store %arg10[%swap3A_236, %swap3A_237], %swap3A_240 {strides = array<i32>} : memref<128x64xf32, #tpu.memory_space<vmem>>, vector<1x16xf32>,
        %scan3A_241 = arith.constant 0 : i32
        scf.yield %scan3A_241 : i32
      }
      %scan3A_168 = arith.constant 113 : i32
      "tpu.region"() ({
        %run_scoped3A = tpu.sem_alloc : memref<!tpu.dma_semaphore, #tpu.memory_space<semaphore_mem>>
        %dma_start3A = arith.constant 0 : i32
        %dma_start3A_171 = arith.constant 0 : i32
        %dma_start3A_172 = tpu.memref_slice %arg11[%dma_start3A, %dma_start3A_171] : memref<128x64xf32, #tpu.memory_space<vmem>> -> memref<113x64xf32, #tpu.memory_space<vmem>>
        %dma_start3A_173 = tpu.memref_slice %arg5[%scan3A_114, %add3A_161, %mul3A_2] : memref<4x10000x128xf32, #tpu.memory_space<hbm>> -> memref<1x113x64xf32, #tpu.memory_space<hbm>>
        %dma_start3A_174 = tpu.memref_squeeze %dma_start3A_173 : memref<1x113x64xf32, #tpu.memory_space<hbm>> -> memref<113x64xf32, #tpu.memory_space<hbm>>
        %dma_start3A_175 = tpu.memref_slice %arg5[%scan3A_114, %add3A_161, %mul3A_2] : memref<4x10000x128xf32, #tpu.memory_space<hbm>> -> memref<1x113x64xf32, #tpu.memory_space<hbm>>
        %dma_start3A_176 = tpu.memref_squeeze %dma_start3A_175 : memref<1x113x64xf32, #tpu.memory_space<hbm>> -> memref<113x64xf32, #tpu.memory_space<hbm>>
        %dma_start3A_177 = arith.constant 0 : i32
        %dma_start3A_178 = arith.constant 0 : i32
        %dma_start3A_179 = tpu.memref_slice %arg11[%dma_start3A_177, %dma_start3A_178] : memref<128x64xf32, #tpu.memory_space<vmem>> -> memref<113x64xf32, #tpu.memory_space<vmem>>
        tpu.enqueue_dma source(%dma_start3A_179 : memref<113x64xf32, #tpu.memory_space<vmem>>) target(%dma_start3A_176 : memref<113x64xf32, #tpu.memory_space<hbm>>) target_semaphore(%run_scoped3A : memref<!tpu.dma_semaphore, #tpu.memory_space<semaphore_mem>>)
        %dma_wait3A = arith.constant 0 : i32
        %dma_wait3A_180 = arith.constant 0 : i32
        %dma_wait3A_181 = tpu.memref_slice %arg11[%dma_wait3A, %dma_wait3A_180] : memref<128x64xf32, #tpu.memory_space<vmem>> -> memref<113x64xf32, #tpu.memory_space<vmem>>
        %dma_wait3A_182 = tpu.memref_slice %arg5[%scan3A_114, %add3A_161, %mul3A_2] : memref<4x10000x128xf32, #tpu.memory_space<hbm>> -> memref<1x113x64xf32, #tpu.memory_space<hbm>>
        %dma_wait3A_183 = tpu.memref_squeeze %dma_wait3A_182 : memref<1x113x64xf32, #tpu.memory_space<hbm>> -> memref<113x64xf32, #tpu.memory_space<hbm>>
        %dma_wait3A_184 = tpu.memref_slice %arg5[%scan3A_114, %add3A_161, %mul3A_2] : memref<4x10000x128xf32, #tpu.memory_space<hbm>> -> memref<1x113x64xf32, #tpu.memory_space<hbm>>
        %dma_wait3A_185 = tpu.memref_squeeze %dma_wait3A_184 : memref<1x113x64xf32, #tpu.memory_space<hbm>> -> memref<113x64xf32, #tpu.memory_space<hbm>>
        %dma_wait3A_186 = arith.constant 0 : i32
        %dma_wait3A_187 = arith.constant 0 : i32
        %dma_wait3A_188 = tpu.memref_slice %arg11[%dma_wait3A_186, %dma_wait3A_187] : memref<128x64xf32, #tpu.memory_space<vmem>> -> memref<113x64xf32, #tpu.memory_space<vmem>>
        tpu.wait_dma2 semaphore(%run_scoped3A : memref<!tpu.dma_semaphore, #tpu.memory_space<semaphore_mem>>) src(%dma_wait3A_188 : memref<113x64xf32, #tpu.memory_space<vmem>>) dst(%dma_wait3A_185 : memref<113x64xf32, #tpu.memory_space<hbm>>)
        tpu.yield
      }) : () -> ()
      "tpu.region"() ({
        %run_scoped3A = tpu.sem_alloc : memref<!tpu.dma_semaphore, #tpu.memory_space<semaphore_mem>>
        %dma_start3A = arith.constant 0 : i32
        %dma_start3A_171 = arith.constant 0 : i32
        %dma_start3A_172 = tpu.memref_slice %arg10[%dma_start3A, %dma_start3A_171] : memref<128x64xf32, #tpu.memory_space<vmem>> -> memref<113x64xf32, #tpu.memory_space<vmem>>
        %dma_start3A_173 = arith.constant 0 : i32
        %dma_start3A_174 = tpu.memref_slice %arg6[%add3A_161, %dma_start3A_173] : memref<10016x64xf32, #tpu.memory_space<vmem_shared>> -> memref<113x64xf32, #tpu.memory_space<vmem_shared>>
        %dma_start3A_175 = arith.constant 0 : i32
        %dma_start3A_176 = tpu.memref_slice %arg6[%add3A_161, %dma_start3A_175] : memref<10016x64xf32, #tpu.memory_space<vmem_shared>> -> memref<113x64xf32, #tpu.memory_space<vmem_shared>>
        %dma_start3A_177 = arith.constant 0 : i32
        %dma_start3A_178 = arith.constant 0 : i32
        %dma_start3A_179 = tpu.memref_slice %arg10[%dma_start3A_177, %dma_start3A_178] : memref<128x64xf32, #tpu.memory_space<vmem>> -> memref<113x64xf32, #tpu.memory_space<vmem>>
        tpu.enqueue_dma source(%dma_start3A_179 : memref<113x64xf32, #tpu.memory_space<vmem>>) target(%dma_start3A_176 : memref<113x64xf32, #tpu.memory_space<vmem_shared>>) target_semaphore(%run_scoped3A : memref<!tpu.dma_semaphore, #tpu.memory_space<semaphore_mem>>)
        %dma_wait3A = arith.constant 0 : i32
        %dma_wait3A_180 = arith.constant 0 : i32
        %dma_wait3A_181 = tpu.memref_slice %arg10[%dma_wait3A, %dma_wait3A_180] : memref<128x64xf32, #tpu.memory_space<vmem>> -> memref<113x64xf32, #tpu.memory_space<vmem>>
        %dma_wait3A_182 = arith.constant 0 : i32
        %dma_wait3A_183 = tpu.memref_slice %arg6[%add3A_161, %dma_wait3A_182] : memref<10016x64xf32, #tpu.memory_space<vmem_shared>> -> memref<113x64xf32, #tpu.memory_space<vmem_shared>>
        %dma_wait3A_184 = arith.constant 0 : i32
        %dma_wait3A_185 = tpu.memref_slice %arg6[%add3A_161, %dma_wait3A_184] : memref<10016x64xf32, #tpu.memory_space<vmem_shared>> -> memref<113x64xf32, #tpu.memory_space<vmem_shared>>
        %dma_wait3A_186 = arith.constant 0 : i32
        %dma_wait3A_187 = arith.constant 0 : i32
        %dma_wait3A_188 = tpu.memref_slice %arg10[%dma_wait3A_186, %dma_wait3A_187] : memref<128x64xf32, #tpu.memory_space<vmem>> -> memref<113x64xf32, #tpu.memory_space<vmem>>
        tpu.wait_dma2 semaphore(%run_scoped3A : memref<!tpu.dma_semaphore, #tpu.memory_space<semaphore_mem>>) src(%dma_wait3A_188 : memref<113x64xf32, #tpu.memory_space<vmem>>) dst(%dma_wait3A_185 : memref<113x64xf32, #tpu.memory_space<vmem_shared>>)
        tpu.yield
      }) : () -> ()
      %barrier3A_169 = arith.constant 0 : index
      tpu.barrier barrier_id(%barrier3A_169)
      %scan3A_170 = arith.constant 0 : i32
      scf.yield %scan3A_170 : i32
    }
    %scan3A_113 = arith.constant 4 : i32
    return
  }
}

module attributes {stable_mosaic.version = 14 : i64} {
  func.func @_mlp_body(%arg0: i32, %arg1: memref<4x1000x128xf32, #tpu.memory_space<vmem>>, %arg2: memref<1000x128xf32, #tpu.memory_space<vmem>>, %arg3: memref<128x128xf32, #tpu.memory_space<vmem>>, %arg4: memref<1x128xf32, #tpu.memory_space<vmem>>, %arg5: memref<64x128xf32, #tpu.memory_space<vmem>>, %arg6: memref<1x64xf32, #tpu.memory_space<vmem>>, %arg7: memref<1000x64xf32, #tpu.memory_space<vmem>>) attributes {dimension_semantics = [#tpu.dimension_semantics<arbitrary>], iteration_bounds = array<i64: 10>, scalar_prefetch = 0 : i64, scratch_operands = 0 : i64, tpu.core_type = #tpu.core_type<tc>, window_params = [{transform_indices = @transform_0, window_bounds = array<i64: 4, 1000, 128>}, {transform_indices = @transform_1, window_bounds = array<i64: 1000, 128>}, {pipeline_mode = #tpu.pipeline_mode<synchronous>, transform_indices = @transform_2, window_bounds = array<i64: 128, 128>}, {pipeline_mode = #tpu.pipeline_mode<synchronous>, transform_indices = @transform_3, window_bounds = array<i64: 1, 128>}, {pipeline_mode = #tpu.pipeline_mode<synchronous>, transform_indices = @transform_4, window_bounds = array<i64: 64, 128>}, {pipeline_mode = #tpu.pipeline_mode<synchronous>, transform_indices = @transform_5, window_bounds = array<i64: 1, 64>}, {transform_indices = @transform_6, window_bounds = array<i64: 1000, 64>}]} {
    %get3A = arith.constant 0 : index
    %get3A_0 = arith.constant 0 : index
    %get3A_1 = vector.load %arg2[%get3A, %get3A_0] : memref<1000x128xf32, #tpu.memory_space<vmem>>, vector<1000x128xf32>
    %get3A_2 = arith.constant 0 : index
    %get3A_3 = arith.constant 0 : index
    %get3A_4 = arith.constant 0 : index
    %get3A_5 = vector.load %arg1[%get3A_2, %get3A_3, %get3A_4] : memref<4x1000x128xf32, #tpu.memory_space<vmem>>, vector<1x1000x128xf32>
    %get3A_6 = vector.shape_cast %get3A_5 : vector<1x1000x128xf32> to vector<1000x128xf32>
    %add3A = arith.addf %get3A_1, %get3A_6 : vector<1000x128xf32>
    %get3A_7 = arith.constant 1 : index
    %get3A_8 = arith.constant 0 : index
    %get3A_9 = arith.constant 0 : index
    %get3A_10 = vector.load %arg1[%get3A_7, %get3A_8, %get3A_9] : memref<4x1000x128xf32, #tpu.memory_space<vmem>>, vector<1x1000x128xf32>
    %get3A_11 = vector.shape_cast %get3A_10 : vector<1x1000x128xf32> to vector<1000x128xf32>
    %add3A_12 = arith.addf %add3A, %get3A_11 : vector<1000x128xf32>
    %get3A_13 = arith.constant 2 : index
    %get3A_14 = arith.constant 0 : index
    %get3A_15 = arith.constant 0 : index
    %get3A_16 = vector.load %arg1[%get3A_13, %get3A_14, %get3A_15] : memref<4x1000x128xf32, #tpu.memory_space<vmem>>, vector<1x1000x128xf32>
    %get3A_17 = vector.shape_cast %get3A_16 : vector<1x1000x128xf32> to vector<1000x128xf32>
    %add3A_18 = arith.addf %add3A_12, %get3A_17 : vector<1000x128xf32>
    %get3A_19 = arith.constant 3 : index
    %get3A_20 = arith.constant 0 : index
    %get3A_21 = arith.constant 0 : index
    %get3A_22 = vector.load %arg1[%get3A_19, %get3A_20, %get3A_21] : memref<4x1000x128xf32, #tpu.memory_space<vmem>>, vector<1x1000x128xf32>
    %get3A_23 = vector.shape_cast %get3A_22 : vector<1x1000x128xf32> to vector<1000x128xf32>
    %add3A_24 = arith.addf %add3A_18, %get3A_23 : vector<1000x128xf32>
    %mul3A = arith.constant 2.000000e-01 : f32
    %mul3A_25 = vector.broadcast %mul3A : f32 to vector<1000x128xf32>
    %mul3A_26 = arith.mulf %add3A_24, %mul3A_25 : vector<1000x128xf32>
    %get3A_27 = arith.constant 0 : index
    %get3A_28 = arith.constant 0 : index
    %get3A_29 = vector.load %arg3[%get3A_27, %get3A_28] : memref<128x128xf32, #tpu.memory_space<vmem>>, vector<128x128xf32>
    %dot_general3A = arith.constant dense<0.000000e+00> : vector<1000x128xf32>
    %dot_general3A_30 = tpu.matmul %mul3A_26, %get3A_29, %dot_general3A {dimension_numbers = #tpu.dot_dimension_numbers<[1], [1], [0], [0], [0, 0, 1, 0], [], []>, precision = #tpu.contract_precision<fp32>, transpose_lhs_hint = false} : vector<1000x128xf32>, vector<128x128xf32>, vector<1000x128xf32> -> vector<1000x128xf32>
    %get3A_31 = arith.constant 0 : index
    %get3A_32 = arith.constant 0 : index
    %get3A_33 = vector.load %arg4[%get3A_31, %get3A_32] : memref<1x128xf32, #tpu.memory_space<vmem>>, vector<1x128xf32>
    %add3A_34 = vector.broadcast %get3A_33 : vector<1x128xf32> to vector<1000x128xf32>
    %add3A_35 = arith.addf %dot_general3A_30, %add3A_34 : vector<1000x128xf32>
    %max3A = arith.constant 0.000000e+00 : f32
    %max3A_36 = vector.broadcast %max3A : f32 to vector<1000x128xf32>
    %max3A_37 = arith.maximumf %add3A_35, %max3A_36 : vector<1000x128xf32>
    %get3A_38 = arith.constant 0 : index
    %get3A_39 = arith.constant 0 : index
    %get3A_40 = vector.load %arg5[%get3A_38, %get3A_39] : memref<64x128xf32, #tpu.memory_space<vmem>>, vector<64x128xf32>
    %dot_general3A_41 = arith.constant dense<0.000000e+00> : vector<1000x64xf32>
    %dot_general3A_42 = tpu.matmul %max3A_37, %get3A_40, %dot_general3A_41 {dimension_numbers = #tpu.dot_dimension_numbers<[1], [1], [0], [0], [0, 0, 1, 0], [], []>, precision = #tpu.contract_precision<fp32>, transpose_lhs_hint = false} : vector<1000x128xf32>, vector<64x128xf32>, vector<1000x64xf32> -> vector<1000x64xf32>
    %get3A_43 = arith.constant 0 : index
    %get3A_44 = arith.constant 0 : index
    %get3A_45 = vector.load %arg6[%get3A_43, %get3A_44] : memref<1x64xf32, #tpu.memory_space<vmem>>, vector<1x64xf32>
    %add3A_46 = vector.broadcast %get3A_45 : vector<1x64xf32> to vector<1000x64xf32>
    %add3A_47 = arith.addf %dot_general3A_42, %add3A_46 : vector<1000x64xf32>
    %reduce_max3A = arith.constant dense<0xFF800000> : vector<1000xf32>
    %reduce_max3A_48 = vector.multi_reduction <maximumf>, %add3A_47, %reduce_max3A [1] : vector<1000x64xf32> to vector<1000xf32>
    %broadcast_in_dim3A = vector.shape_cast %reduce_max3A_48 : vector<1000xf32> to vector<1000x1xf32>
    %sub3A = vector.broadcast %broadcast_in_dim3A : vector<1000x1xf32> to vector<1000x64xf32>
    %sub3A_49 = arith.subf %add3A_47, %sub3A : vector<1000x64xf32>
    %exp3A = math.exp %sub3A_49 : vector<1000x64xf32>
    %reduce_sum3A = arith.constant dense<0.000000e+00> : vector<1000xf32>
    %reduce_sum3A_50 = vector.multi_reduction <add>, %exp3A, %reduce_sum3A [1] : vector<1000x64xf32> to vector<1000xf32>
    %broadcast_in_dim3A_51 = vector.shape_cast %reduce_sum3A_50 : vector<1000xf32> to vector<1000x1xf32>
    %log3A = math.log %broadcast_in_dim3A_51 : vector<1000x1xf32>
    %sub3A_52 = vector.broadcast %log3A : vector<1000x1xf32> to vector<1000x64xf32>
    %sub3A_53 = arith.subf %sub3A_49, %sub3A_52 : vector<1000x64xf32>
    %swap3A = arith.constant 0 : index
    %swap3A_54 = arith.constant 0 : index
    %swap3A_55 = vector.load %arg7[%swap3A, %swap3A_54] : memref<1000x64xf32, #tpu.memory_space<vmem>>, vector<1000x64xf32>
    tpu.vector_store %arg7[%swap3A, %swap3A_54], %sub3A_53 {strides = array<i32>} : memref<1000x64xf32, #tpu.memory_space<vmem>>, vector<1000x64xf32>,
    return
  }
  func.func @transform_0(%arg0: i32) -> (i32, i32, i32) {
    %c0_i32 = arith.constant 0 : i32
    %c0_i32_0 = arith.constant 0 : i32
    %c0_i32_1 = arith.constant 0 : i32
    return %c0_i32, %arg0, %c0_i32_0 : i32, i32, i32
  }
  func.func @transform_1(%arg0: i32) -> (i32, i32) {
    %c0_i32 = arith.constant 0 : i32
    %c0_i32_0 = arith.constant 0 : i32
    return %arg0, %c0_i32 : i32, i32
  }
  func.func @transform_2(%arg0: i32) -> (i32, i32) {
    %c0_i32 = arith.constant 0 : i32
    %c0_i32_0 = arith.constant 0 : i32
    %c0_i32_1 = arith.constant 0 : i32
    return %c0_i32, %c0_i32_0 : i32, i32
  }
  func.func @transform_3(%arg0: i32) -> (i32, i32) {
    %c0_i32 = arith.constant 0 : i32
    %c0_i32_0 = arith.constant 0 : i32
    %c0_i32_1 = arith.constant 0 : i32
    return %c0_i32, %c0_i32_0 : i32, i32
  }
  func.func @transform_4(%arg0: i32) -> (i32, i32) {
    %c0_i32 = arith.constant 0 : i32
    %c0_i32_0 = arith.constant 0 : i32
    %c0_i32_1 = arith.constant 0 : i32
    return %c0_i32, %c0_i32_0 : i32, i32
  }
  func.func @transform_5(%arg0: i32) -> (i32, i32) {
    %c0_i32 = arith.constant 0 : i32
    %c0_i32_0 = arith.constant 0 : i32
    %c0_i32_1 = arith.constant 0 : i32
    return %c0_i32, %c0_i32_0 : i32, i32
  }
  func.func @transform_6(%arg0: i32) -> (i32, i32) {
    %c0_i32 = arith.constant 0 : i32
    %c0_i32_0 = arith.constant 0 : i32
    return %arg0, %c0_i32 : i32, i32
  }
}

</mosaic_0001>

<sc_bundles>
// kernel: kernel.4.cloned.1.call-start
scs
__scs_entry_jumppad:
0x0: {  	(pc) =	sbr.rel $0x88, $3  }
0x1: {  	(tag) =	ssettag $0x0;
	lr =	simm.s32 $0x1  }
0x2: {  	[smem:$0x3F9B] =	sst lr;
	_ =	strace $0xD0000000  }
0x3: {  	_ = 	snop  }
0x4: {  	_ = 	snop  }
0x5: {  	_ = 	snop  }
0x6: {  	_ = 	snop  }
0x7: {  	_ = 	snop  }
__scs_overlays_trampoline_lowered:
0x8: {  	[smem:$0x3FAA] =	sst s0  }
0x9: {  	[smem:$0x3FAB] =	sst s1  }
0xa: {  	[smem:$0x3FAC] =	sst s2  }
0xb: {  	[smem:$0x3FAD] =	sst s3  }
0xc: {  	[smem:$0x3FAE] =	sst s4  }
0xd: {  	[smem:$0x3FAF] =	sst s5  }
0xe: {  	[smem:$0x3FB0] =	sst s6  }
0xf: {  	[smem:$0x3FB1] =	sst s7  }
0x10: {  	[smem:$0x3FB2] =	sst s8  }
0x11: {  	[smem:$0x3FB3] =	sst s9;
	s0 =	simm.s32 @!p0 $0x0  }
0x12: {  	s1 =	sld [smem:$0x3F99];
	s0 =	simm.s32 @p0 $0x1  }
0x13: {  	[smem:$0x3FB4] =	sst s0;
	s0 =	simm.s32 @!p1 $0x0  }
0x14: {  	s2 =	sld [smem:$0x3F98];
	s0 =	simm.s32 @p1 $0x1  }
0x15: {  	[smem:$0x3FB5] =	sst s0;
	s0 =	simm.s32 @!p2 $0x0  }
0x16: {  	s3 =	sld [smem:$0x3FDB];
	s0 =	simm.s32 @p2 $0x1  }
0x17: {  	s4 =	simm.s32 $0x1BF5;
	[smem:$0x3FB7] =	sst s0  }
0x18: {  	s0 =	sld [smem:$0x3F9A];
	_ =	swait.ge [sflag:s4], $0x0  }
0x19: {  	s7 =	sld [smem:$0x3F9B]  }
0x1a: {  	s8 =	sadd.s32 $0xFFFFE003, lr  }
0x1b: {  	s9 =	sadd.s32 $0xFFFFFEF7, lr;
	s5 =	simm.s32 $0xFFFFFFFF;
	p2 =	slt.u32 s8, $0xFFFFF086  }
0x1c: {  	p1 =	slt.u32 s9, $0xF7A;
	s5 =	simm.s32 @!p2 $0x0  }
0x1d: {  	s5 =	simm.s32 @p1 $0x1;
	p0 =	seq.s32 s7, s2  }
0x1e: {  	s7 =	smul.u32 @!p0 $0xF7A, s2;
	p2 =	seq.s32 @!p0 s5, $0x0  }
0x1f: {  	s9 =	smul.u32 $0xF7A, s1;
	s8 =	simm.s32 @!p0 $0x1BF5;
	p2 =	por !p2, p0  }
0x20: {  	[sflag:s8] =	ssyncset.s32 @!p0 $0xFFFFF086;
	s6 =	sadd.s32 @!p0 s3, s7;
	s7 =	simm.s32 @!p0 $0x108  }
0x21: {  	s3 =	sadd.s32 s3, s9;
	s6 =	sadd.s32 @!p0 $0x88, s6;
	s7 =	simm.s32 @p2 $0x1082  }
0x22: {  	[simem:s7], [sflag:s8] =	dma.local @!p0 [hbm:s6], $0xF7A  }
0x23: {  	s9 =	sor.u32 $0xD0000000, s2;
	s6 =	simm.s32 $0x108;
	_ =	swait.ge @!p0 [sflag:s8], $0x0  }
0x24: {  	s3 =	sadd.s32 $0x88, s3;
	s6 =	simm.s32 @!p1 $0x1082;
	[sflag:s4] =	ssyncset.s32 $0xFFFFF086  }
0x25: {  	[simem:s6], [sflag:s4] =	dma.local [hbm:s3], $0xF7A  }
0x26: {  	[smem:$0x3F9B] =	sst s1;
	(tag) =	ssettag s2;
	_ =	strace s9  }
0x27: {  	s1 =	sld [smem:$0x3FAB]  }
0x28: {  	s2 =	sld [smem:$0x3FAC]  }
0x29: {  	s4 =	sld [smem:$0x3FAE]  }
0x2a: {  	p0 =	seq.s32 s5, $0x0;
	s5 =	sld [smem:$0x3FAF]  }
0x2b: {  	s6 =	sld [smem:$0x3FB0]  }
0x2c: {  	s7 =	sld [smem:$0x3FB1]  }
0x2d: {  	s3 =	simm.s32 $0x108;
	s8 =	sld [smem:$0x3FB2]  }
0x2e: {  	s3 =	simm.s32 @!p0 $0x1082;
	s9 =	sld [smem:$0x3FB3]  }
0x2f: {  	lr =	sadd.s32 s0, s3;
	s0 =	sld [smem:$0x3FAA]  }
0x30: {  	s3 =	sld [smem:$0x3FAD]  }
0x31: {  	[smem:$0x3FB6] =	sst s10  }
0x32: {  	s10 =	sld [smem:$0x3FB4];
	_ =	sdelay $0x3  }
0x33: {  	p0 =	seq.s32 s10, $0x1;
	s10 =	sld [smem:$0x3FB6];
	_ =	sdelay $0x3  }
0x34: {  	[smem:$0x3FB6] =	sst s10  }
0x35: {  	s10 =	sld [smem:$0x3FB5];
	_ =	sdelay $0x3  }
0x36: {  	p1 =	seq.s32 s10, $0x1;
	s10 =	sld [smem:$0x3FB6];
	_ =	sdelay $0x3  }
0x37: {  	[smem:$0x3FB6] =	sst s10  }
0x38: {  	s10 =	sld [smem:$0x3FB7]  }
0x39: {  	_ = 	snop;
	(pc) =	sbr.ind lr, $3  }
0x3a: {  	_ = 	snop  }
0x3b: {  	_ = 	snop  }
0x3c: {  	p2 =	seq.s32 s10, $0x1;
	s10 =	sld [smem:$0x3FB6]  }
0x3d: {  	_ =	shalt  }
0x3e: {  	_ =	shalt  }
0x3f: {  	_ =	shalt  }
0x40: {  	_ =	shalt  }
0x41: {  	_ =	shalt  }
0x42: {  	_ =	shalt  }
0x43: {  	_ =	shalt  }
0x44: {  	_ =	shalt  }
0x45: {  	_ =	shalt  }
0x46: {  	_ =	shalt  }
0x47: {  	_ =	shalt  }
0x48: {  	_ =	shalt  }
0x49: {  	_ =	shalt  }
0x4a: {  	_ =	shalt  }
0x4b: {  	_ =	shalt  }
0x4c: {  	_ =	shalt  }
0x4d: {  	_ =	shalt  }
0x4e: {  	_ =	shalt  }
0x4f: {  	_ =	shalt  }
0x50: {  	_ =	shalt  }
0x51: {  	_ =	shalt  }
0x52: {  	_ =	shalt  }
0x53: {  	_ =	shalt  }
0x54: {  	_ =	shalt  }
0x55: {  	_ =	shalt  }
0x56: {  	_ =	shalt  }
0x57: {  	_ =	shalt  }
0x58: {  	_ =	shalt  }
0x59: {  	_ =	shalt  }
0x5a: {  	_ =	shalt  }
0x5b: {  	_ =	shalt  }
0x5c: {  	_ =	shalt  }
0x5d: {  	_ =	shalt  }
0x5e: {  	_ =	shalt  }
0x5f: {  	_ =	shalt  }
0x60: {  	_ =	shalt  }
0x61: {  	_ =	shalt  }
0x62: {  	_ =	shalt  }
0x63: {  	_ =	shalt  }
0x64: {  	_ =	shalt  }
0x65: {  	_ =	shalt  }
0x66: {  	_ =	shalt  }
0x67: {  	_ =	shalt  }
0x68: {  	_ =	shalt  }
0x69: {  	_ =	shalt  }
0x6a: {  	_ =	shalt  }
0x6b: {  	_ =	shalt  }
0x6c: {  	_ =	shalt  }
0x6d: {  	_ =	shalt  }
0x6e: {  	_ =	shalt  }
0x6f: {  	_ =	shalt  }
0x70: {  	_ =	shalt  }
0x71: {  	_ =	shalt  }
0x72: {  	_ =	shalt  }
0x73: {  	_ =	shalt  }
0x74: {  	_ =	shalt  }
0x75: {  	_ =	shalt  }
0x76: {  	_ =	shalt  }
0x77: {  	_ =	shalt  }
0x78: {  	_ =	shalt  }
0x79: {  	_ =	shalt  }
0x7a: {  	_ =	shalt  }
0x7b: {  	_ =	shalt  }
0x7c: {  	_ =	shalt  }
0x7d: {  	_ =	shalt  }
0x7e: {  	_ =	shalt  }
0x7f: {  	_ =	shalt  }
0x80: {  	_ =	shalt  }
0x81: {  	_ =	shalt  }
0x82: {  	_ =	shalt  }
0x83: {  	_ =	shalt  }
0x84: {  	_ =	shalt  }
0x85: {  	_ =	shalt  }
0x86: {  	_ =	shalt  }
0x87: {  	_ =	shalt  }
.Lfunc_end0:
.L_simem_size_0:
called_computation_lowered:
.L_overlay_start_0:
0x88: {  	s2 =	sld [smem:$0x3FD9]  }
0x89: {  	s3 =	sld [smem:$0x3FFE];
	_ =	sdelay $0x1  }
0x8a: {  	s1 =	srdreg.scid  }
0x8b: {  	s0 =	sand.u32 $0x1, s1  }
0x8c: {  	s17 =	sshll.u32 s0, $0xA;
	s2 =	sadd.s32 s3, s2  }
0x8d: {  	s2 =	sadd.s32 s2, s17  }
0x8e: {  	[smem:$0x3FC2] =	sst s2  }
0x8f: {  	_ = 	snop  }
0x90: {  	s2 =	sld [smem:$0x3FC9]  }
0x91: {  	s18 =	sld [smem:$0x3FD0];
	(tm) =	ssettm $0x1  }
0x92: {  	s4 =	sld [smem:$0x3FFB];
	_ =	sdelay $0x3  }
0x93: {  	_ =	strace s4  }
0x94: {  	s4 =	sld [smem:$0x3FFC];
	_ =	sdelay $0x3  }
0x95: {  	_ =	strace s4  }
0x96: {  	s4 =	sld [smem:$0x3FFD];
	_ =	sdelay $0x3  }
0x97: {  	_ =	strace s4  }
0x98: {  	_ =	strace $0x8FFFFFFF  }
0x99: {  	s19 =	sld [smem:$0x3FDB];
	_ =	sdelay $0x1  }
0x9a: {  	s5 =	simm.s32 $_scs_section_size  }
0x9b: {  	s6 =	simm.s32 $_size__tile_overlayer_lowered;
	s7 =	simm.s32 $_tile_overlayer_lowered  }
0x9c: {  	s22 =	simm.s32 $0x1BFF;
	s21 =	sshll.u32 s7, $0x1;
	s4 =	sadd.s32 s5, s19  }
0x9d: {  	s8 =	simm.s32 $0x0;
	s20 =	sshll.u32 s6, $0x1;
	s6 =	sadd.s32 s21, s4  }
0x9e: {  	[timem:s8], [sflag:s22] =	dma.local [hbm:s6], s20  }
0x9f: {  	_ =	swait.ge [sflag:s22], s20  }
0xa0: {  	s5 =	ssub.s32 $0x0, s20;
	[sflag:s22] =	ssyncset.done $0x0  }
0xa1: {  	[sflag:s22] =	ssyncadd.s32 s5;
	_ =	sdelay $0x1  }
0xa2: {  	s23 =	simm.s32 $0x1B8B  }
0xa3: {  	_ =	swait.ge [sflag:s23], $0x1  }
0xa4: {  	[sflag:s23] =	ssyncset.done $0x0  }
0xa5: {  	s25 =	simm.s32 $0x1B8E;
	s24 =	sld [smem:$0x3FFE];
	[sflag:s23] =	ssyncadd.s32 $0xFFFFFFFF  }
0xa6: {  	s26 =	simm.s32 $execute0_lowered;
	[smem:$0x3FD2] =	sst s25  }
0xa7: {  	s6 =	sshll.u32 s26, $0x1;
	_ =	strace $0x80000046;
	[dreg:$0x1] =	wrdreg $0xFFFFFFFF  }
0xa8: {  	s28 =	simm.s32 $_size_execute0_lowered;
	s4 =	sadd.s32 s4, s6;
	[dreg:$0x0] =	wrdreg $0x0  }
0xa9: {  	s6 =	sshll.u32 s28, $0x1;
	[dreg:$0x2] =	wrdreg s4  }
0xaa: {  	[dreg:$0x3] =	wrdreg s6  }
0xab: {  	[dreg:$0x4] =	wrdreg $0xC0  }
0xac: {  	_ =	task [dreg:s8], $0x5FFFF  }
0xad: {  	[dreg:$0x1] =	wrdreg $0xFFFFFFFF  }
0xae: {  	[dreg:$0x0] =	wrdreg $0x60  }
0xaf: {  	[dreg:$0x2] =	wrdreg s2  }
0xb0: {  	[dreg:$0x3] =	wrdreg s18  }
0xb1: {  	[dreg:$0x4] =	wrdreg s24  }
0xb2: {  	[dreg:$0x5] =	wrdreg $0x9C800  }
0xb3: {  	[dreg:$0x6] =	wrdreg $0x0  }
0xb4: {  	[dreg:$0x7] =	wrdreg $0x9  }
0xb5: {  	_ =	task.clear_ibuf [dreg:s8], $0x8FFFF;
	_ =	strace $0x90000046  }
0xb6: {  	s29 =	simm.s32 $0x9;
	_ =	strace $0x80000048  }
0xb7: {  	_ =	swait.ge [sflag:s29], $0x1  }
0xb8: {  	[sflag:s29] =	ssyncadd.s32 $0xFFFFFFFF  }
0xb9: {  	_ =	strace $0x90000048  }
0xba: {  	_ =	sfence  }
0xbb: {  	s30 =	sld [smem:$0x0];
	_ =	sdelay $0x2  }
0xbc: {  	s31 =	sshll.u32 s1, $0xD;
	s1 =	sshrl.u32 s1, $0x2  }
0xbd: {  	s3 =	sand.u32 $0x4000, s31;
	s1 =	sadd.s32 s1, s30  }
0xbe: {  	s0 =	sor.u32 s3, s0;
	s1 =	sshll.u32 s1, $0x11  }
0xbf: {  	s0 =	sor.u32 s1, s0  }
0xc0: {  	s0 =	sadd.s32 $0x8F2B, s0  }
0xc1: {  	[sflag:s0] =	ssyncadd.remote.s32 $0x1  }
0xc2: {  	_ =	sfence.sel $0xFFFF  }
0xc3: {  	[dreg:$0x0] =	wrdreg $0xFFFFFFFF;
	(pc) =	sbr.abs _section_cstart, $3  }
0xc4: {  	[dreg:$0x1] =	wrdreg $0xFFFFFFFF  }
0xc5: {  	_ =	task.clear_ibuf [dreg:s8], $0x2FFFF;
	_ =	strace $0x9FFFFFFF  }
0xc6: {  	(tm) =	ssettm $0x7FFFFFFF  }
0xc7: {  	_ =	shalt  }
tec
execute0_lowered:
.L_overlay_start_1:
0x0: {  	(tag) =	ssettag $0x1  }
0x1: {  	s0 =	rddreg [dreg:$0x0]  }
0x2: {  	s1 =	rddreg [dreg:$0x2]  }
0x3: {  	s2 =	rddreg [dreg:$0x3];
	s14 =	stileid.u32  }
0x4: {  	s3 =	rddreg [dreg:$0x4];
	s29 =	simm.s32 $0x0;
	s7 =	smul.u32 $0x271, s14  }
0x5: {  	s4 =	srdreg.scid;
	s28 =	simm.s32 $0x14900;
	s8 =	smul.u32 $0x9C40, s14  }
0x6: {  	[smem:$0x7FF] =	sst s29;
	s4 =	sand.u32 $0x1, s4;
	s9 =	smul.u32 $0x13880, s14  }
0x7: {  	s6 =	sadd.s32 $0xC00, s1;
	s1 =	sadd.s32 $0xAC00, s1;
	s31 =	smul.u32 $0x5000, s14  }
0x8: {  	_ =	strace $0x80000047;
	s5 =	ssub.s32 $0x2, s4;
	[dreg:$0x1d] =	wrdreg s1  }
0x9: {  	s4 =	sshll.u32 s4, $0x6;
	[dreg:$0x1b] =	wrdreg s6;
	s16 =	sshrl.u32 s5, $0x1  }
0xa: {  	s17 =	sadd.s32 $0x80, s7;
	s10 =	sadd.s32 s8, s2;
	s11 =	sadd.s32 $0x100, s7  }
0xb: {  	s12 =	sor.u32 s4, s9;
	s18 =	sadd.s32 $0x180, s7;
	s9 =	simm.s32 $0x14380  }
0xc: {  	s1 =	ssub.s32 s5, s16;
	[dreg:$0x6] =	wrdreg s10;
	s10 =	sshll.u32 s17, $0x6  }
0xd: {  	s5 =	sshll.u32 s17, $0x7;
	[dreg:$0x7] =	wrdreg s12;
	s12 =	sshrl.u32 s12, $0x3  }
0xe: {  	s21 =	sshll.u32 s11, $0x7;
	s22 =	sshll.u32 s18, $0x7;
	s17 =	sshll.u32 s11, $0x6  }
0xf: {  	s18 =	sshll.u32 s18, $0x6;
	s11 =	simm.s32 $0x14300;
	s13 =	sor.u32 s4, s5  }
0x10: {  	s5 =	sadd.s32 $0x200, s7;
	s19 =	sadd.s32 s0, s12;
	s23 =	sor.u32 s4, s21  }
0x11: {  	s16 =	sor.u32 s4, s22;
	s21 =	sadd.s32 s17, s2;
	[dreg:$0x9] =	wrdreg s19  }
0x12: {  	s22 =	sadd.s32 s18, s2;
	s1 =	smax.u32 s1, $0x1;
	[dreg:$0x8] =	wrdreg s13  }
0x13: {  	s20 =	sshrl.u32 s13, $0x3;
	s24 =	sshll.u32 s5, $0x7;
	[dreg:$0xb] =	wrdreg s23  }
0x14: {  	s25 =	sshrl.u32 s23, $0x3;
	[dreg:$0xc] =	wrdreg s16;
	s26 =	sshrl.u32 s16, $0x3  }
0x15: {  	s16 =	sadd.s32 s10, s2;
	s5 =	sshll.u32 s5, $0x6;
	[dreg:$0x14] =	wrdreg s21  }
0x16: {  	s19 =	sadd.s32 s8, s3;
	[dreg:$0x16] =	wrdreg s22;
	s23 =	sadd.s32 s18, s3  }
0x17: {  	[dreg:$0x1a] =	wrdreg s1;
	s13 =	simm.s32 $0x14500;
	s18 =	simm.s32 $0x14680  }
0x18: {  	s21 =	simm.s32 $0x14780;
	s8 =	simm.s32 $0x14980;
	[dreg:$0x11] =	wrdreg s16  }
0x19: {  	s22 =	simm.s32 $0x14A80;
	s7 =	sadd.s32 s0, s20;
	[dreg:$0x12] =	wrdreg s19  }
0x1a: {  	s4 =	sor.u32 s4, s24;
	s12 =	sadd.s32 s0, s25;
	[dreg:$0x17] =	wrdreg s23  }
0x1b: {  	s15 =	sadd.s32 s0, s26;
	s20 =	sadd.s32 s10, s3;
	[dreg:$0xa] =	wrdreg s7  }
0x1c: {  	s24 =	smul.u32 $0xA00, s14;
	s25 =	sadd.s32 s5, s2;
	[dreg:$0xe] =	wrdreg s12  }
0x1d: {  	s26 =	sadd.s32 s5, s3;
	s16 =	simm.s32 $0x14D00;
	[dreg:$0xf] =	wrdreg s15  }
0x1e: {  	s14 =	simm.s32 $0x14400;
	s10 =	simm.s32 $0x14580;
	[dreg:$0xd] =	wrdreg s4  }
0x1f: {  	s23 =	simm.s32 $0x14800;
	s19 =	simm.s32 $0x14A00;
	[dreg:$0x13] =	wrdreg s20  }
0x20: {  	s5 =	simm.s32 $0x0;
	s4 =	sshrl.u32 s4, $0x3;
	[dreg:$0x18] =	wrdreg s25  }
0x21: {  	[dreg:$0x19] =	wrdreg s26;
	s12 =	simm.s32 $0x80;
	s15 =	simm.s32 $0x14600  }
0x22: {  	s20 =	simm.s32 $0x14700;
	s25 =	simm.s32 $0x14880;
	s26 =	simm.s32 $0x14B80  }
0x23: {  	s0 =	sadd.s32 s0, s4;
	s30 =	sadd.s32 s24, s6;
	s4 =	simm.s32 $0x1  }
0x24: {  	s24 =	simm.s32 $0x14B00;
	[dreg:$0x10] =	wrdreg s0;
	s0 =	sadd.s32 s17, s3  }
0x25: {  	v0 =	vimm.f32 $0.0e+00;
	v1 =	vimm.f32 $1.000000000e+00;
	v2 =	vimm.f32 $6.999999880e-01;
	s17 =	simm.s32 $0x14480;
	[dreg:$0x15] =	wrdreg s0;
	s0 =	simm.s32 $0x14C00  }
.LBB2_1:
0x26: {  	[dreg:$0x1c] =	wrdreg s5;
	s1 =	simm.s32 $0x0;
	s5 =	simm.s32 $0x100  }
.LBB2_2:
0x27: {  	p0 =	sne.s32 s5, $0x7F00;
	[tilespmem:s1+$0x14D30] =	vst v1  }
0x28: {  	[tilespmem:s1+$0x18D00] =	vst v0  }
0x29: {  	[tilespmem:s1+$0x14D00] =	vst v1  }
.Ltmp0:
0x2a: {  	[tilespmem:s1+$0x18D10] =	vst v0;
	(pc) =	sbr.rel @p0 .LBB2_2-.Ltmp0, $4  }
0x2b: {  	[tilespmem:s1+$0x14D10] =	vst v1  }
0x2c: {  	[tilespmem:s1+$0x18D20] =	vst v0  }
0x2d: {  	[tilespmem:s1+$0x14D20] =	vst v1  }
0x2e: {  	[tilespmem:s1+$0x18D30] =	vst v0;
	s1 =	sshra.s32 s5, $0x2;
	s5 =	sadd.s32 $0x100, s5  }
0x2f: {  	[tilespmem:s1+$0x14D30] =	vst v1  }
0x30: {  	[tilespmem:s1+$0x18D00] =	vst v0  }
0x31: {  	[tilespmem:s1+$0x14D00] =	vst v1  }
0x32: {  	[tilespmem:s1+$0x18D10] =	vst v0  }
0x33: {  	[tilespmem:s1+$0x14D10] =	vst v1  }
0x34: {  	[tilespmem:s1+$0x18D20] =	vst v0  }
0x35: {  	[tilespmem:s1+$0x14D20] =	vst v1  }
0x36: {  	[tilespmem:s1+$0x18D30] =	vst v0;
	s6 =	rddreg [dreg:$0x6];
	s5 =	simm.s32 $0x18D00  }
0x37: {  	[spmem:s6] =	stream.linear.scatter [tilespmem:s5], [sflag:$0x1], $0x2000, $0x38;
	[tilespmem:$0x1D410] =	vst v63  }
0x38: {  	_ =	swait.ge [sflag:s4], $0x2000  }
0x39: {  	[sflag:s4] =	ssyncset.done $0x0  }
0x3a: {  	s7 =	rddreg [dreg:$0x11];
	[sflag:s4] =	ssyncadd.s32 $0xFFFFE000  }
0x3b: {  	[spmem:s7] =	stream.linear.scatter [tilespmem:s5], [sflag:$0x1], $0x2000, $0x38;
	[tilespmem:$0x1D410] =	vst v63  }
0x3c: {  	_ =	swait.ge [sflag:s4], $0x2000  }
0x3d: {  	[sflag:s4] =	ssyncset.done $0x0  }
0x3e: {  	s6 =	rddreg [dreg:$0x14];
	[sflag:s4] =	ssyncadd.s32 $0xFFFFE000  }
0x3f: {  	[spmem:s6] =	stream.linear.scatter [tilespmem:s5], [sflag:$0x1], $0x2000, $0x38;
	[tilespmem:$0x1D410] =	vst v63  }
0x40: {  	_ =	swait.ge [sflag:s4], $0x2000  }
0x41: {  	[sflag:s4] =	ssyncset.done $0x0  }
0x42: {  	s7 =	rddreg [dreg:$0x16];
	[sflag:s4] =	ssyncadd.s32 $0xFFFFE000  }
0x43: {  	[spmem:s7] =	stream.linear.scatter [tilespmem:s5], [sflag:$0x1], $0x2000, $0x38;
	[tilespmem:$0x1D410] =	vst v63  }
0x44: {  	_ =	swait.ge [sflag:s4], $0x2000  }
0x45: {  	[sflag:s4] =	ssyncset.done $0x0  }
0x46: {  	s6 =	rddreg [dreg:$0x18];
	[sflag:s4] =	ssyncadd.s32 $0xFFFFE000  }
0x47: {  	[spmem:s6] =	stream.linear.scatter [tilespmem:s5], [sflag:$0x1], $0x1C40, $0x38;
	[tilespmem:$0x1D410] =	vst v63  }
0x48: {  	_ =	swait.ge [sflag:s4], $0x1C40  }
0x49: {  	[sflag:s4] =	ssyncset.done $0x0  }
0x4a: {  	[sflag:s4] =	ssyncadd.s32 $0xFFFFE3C0  }
0x4b: {  	s7 =	sadd.s32 $0x0, s30;
	[bflag:$0x0] =	sbarrier.arrive $0xFFFF  }
0x4c: {  	[tilespmem:s11], [sflag:$0x1] =	stream.linear.gather [hbm4b:s7+s29], $0xA00, $0x38;
	[tilespmem:$0x1D410] =	vst v63  }
0x4d: {  	_ =	swait.ge [sflag:s4], $0xA00  }
0x4e: {  	[sflag:s4] =	ssyncset.done $0x0  }
0x4f: {  	[sflag:s4] =	ssyncadd.s32 $0xFFFFF600  }
0x50: {  	[spmem:s2] =	stream.indirect.scatter.add.f32 [tilespmem:s16], [sflag:$0x1], $0x40, s11, s12, $0xb8;
	[tilespmem:$0x1D410] =	vst v63  }
0x51: {  	_ =	swait.ge [sflag:s4], $0x2000  }
0x52: {  	[sflag:s4] =	ssyncset.done $0x0  }
0x53: {  	[sflag:s4] =	ssyncadd.s32 $0xFFFFE000  }
0x54: {  	[spmem:s2] =	stream.indirect.scatter.add.f32 [tilespmem:s16], [sflag:$0x1], $0x40, s9, s12, $0xb8;
	[tilespmem:$0x1D410] =	vst v63  }
0x55: {  	_ =	swait.ge [sflag:s4], $0x2000  }
0x56: {  	[sflag:s4] =	ssyncset.done $0x0  }
0x57: {  	[sflag:s4] =	ssyncadd.s32 $0xFFFFE000  }
0x58: {  	[spmem:s2] =	stream.indirect.scatter.add.f32 [tilespmem:s16], [sflag:$0x1], $0x40, s14, s12, $0xb8;
	[tilespmem:$0x1D410] =	vst v63  }
0x59: {  	_ =	swait.ge [sflag:s4], $0x2000  }
0x5a: {  	[sflag:s4] =	ssyncset.done $0x0  }
0x5b: {  	[sflag:s4] =	ssyncadd.s32 $0xFFFFE000  }
0x5c: {  	[spmem:s2] =	stream.indirect.scatter.add.f32 [tilespmem:s16], [sflag:$0x1], $0x40, s17, s12, $0xb8;
	[tilespmem:$0x1D410] =	vst v63  }
0x5d: {  	_ =	swait.ge [sflag:s4], $0x2000  }
0x5e: {  	[sflag:s4] =	ssyncset.done $0x0  }
0x5f: {  	[sflag:s4] =	ssyncadd.s32 $0xFFFFE000  }
0x60: {  	[spmem:s2] =	stream.indirect.scatter.add.f32 [tilespmem:s16], [sflag:$0x1], $0x40, s13, s12, $0xb8;
	[tilespmem:$0x1D410] =	vst v63  }
0x61: {  	_ =	swait.ge [sflag:s4], $0x2000  }
0x62: {  	[sflag:s4] =	ssyncset.done $0x0  }
0x63: {  	[sflag:s4] =	ssyncadd.s32 $0xFFFFE000  }
0x64: {  	[spmem:s2] =	stream.indirect.scatter.add.f32 [tilespmem:s16], [sflag:$0x1], $0x40, s10, s12, $0xb8;
	[tilespmem:$0x1D410] =	vst v63  }
0x65: {  	_ =	swait.ge [sflag:s4], $0x2000  }
0x66: {  	[sflag:s4] =	ssyncset.done $0x0  }
0x67: {  	[sflag:s4] =	ssyncadd.s32 $0xFFFFE000  }
0x68: {  	[spmem:s2] =	stream.indirect.scatter.add.f32 [tilespmem:s16], [sflag:$0x1], $0x40, s15, s12, $0xb8;
	[tilespmem:$0x1D410] =	vst v63  }
0x69: {  	_ =	swait.ge [sflag:s4], $0x2000  }
0x6a: {  	[sflag:s4] =	ssyncset.done $0x0  }
0x6b: {  	[sflag:s4] =	ssyncadd.s32 $0xFFFFE000  }
0x6c: {  	[spmem:s2] =	stream.indirect.scatter.add.f32 [tilespmem:s16], [sflag:$0x1], $0x40, s18, s12, $0xb8;
	[tilespmem:$0x1D410] =	vst v63  }
0x6d: {  	_ =	swait.ge [sflag:s4], $0x2000  }
0x6e: {  	[sflag:s4] =	ssyncset.done $0x0  }
0x6f: {  	[sflag:s4] =	ssyncadd.s32 $0xFFFFE000  }
0x70: {  	[spmem:s2] =	stream.indirect.scatter.add.f32 [tilespmem:s16], [sflag:$0x1], $0x40, s20, s12, $0xb8;
	[tilespmem:$0x1D410] =	vst v63  }
0x71: {  	_ =	swait.ge [sflag:s4], $0x2000  }
0x72: {  	[sflag:s4] =	ssyncset.done $0x0  }
0x73: {  	[sflag:s4] =	ssyncadd.s32 $0xFFFFE000  }
0x74: {  	[spmem:s2] =	stream.indirect.scatter.add.f32 [tilespmem:s16], [sflag:$0x1], $0x40, s21, s12, $0xb8;
	[tilespmem:$0x1D410] =	vst v63  }
0x75: {  	_ =	swait.ge [sflag:s4], $0x2000  }
0x76: {  	[sflag:s4] =	ssyncset.done $0x0  }
0x77: {  	[sflag:s4] =	ssyncadd.s32 $0xFFFFE000  }
0x78: {  	[spmem:s2] =	stream.indirect.scatter.add.f32 [tilespmem:s16], [sflag:$0x1], $0x40, s23, s12, $0xb8;
	[tilespmem:$0x1D410] =	vst v63  }
0x79: {  	_ =	swait.ge [sflag:s4], $0x2000  }
0x7a: {  	[sflag:s4] =	ssyncset.done $0x0  }
0x7b: {  	[sflag:s4] =	ssyncadd.s32 $0xFFFFE000  }
0x7c: {  	[spmem:s2] =	stream.indirect.scatter.add.f32 [tilespmem:s16], [sflag:$0x1], $0x40, s25, s12, $0xb8;
	[tilespmem:$0x1D410] =	vst v63  }
0x7d: {  	_ =	swait.ge [sflag:s4], $0x2000  }
0x7e: {  	[sflag:s4] =	ssyncset.done $0x0  }
0x7f: {  	[sflag:s4] =	ssyncadd.s32 $0xFFFFE000  }
0x80: {  	[spmem:s2] =	stream.indirect.scatter.add.f32 [tilespmem:s16], [sflag:$0x1], $0x40, s28, s12, $0xb8;
	[tilespmem:$0x1D410] =	vst v63  }
0x81: {  	_ =	swait.ge [sflag:s4], $0x2000  }
0x82: {  	[sflag:s4] =	ssyncset.done $0x0  }
0x83: {  	[sflag:s4] =	ssyncadd.s32 $0xFFFFE000  }
0x84: {  	[spmem:s2] =	stream.indirect.scatter.add.f32 [tilespmem:s16], [sflag:$0x1], $0x40, s8, s12, $0xb8;
	[tilespmem:$0x1D410] =	vst v63  }
0x85: {  	_ =	swait.ge [sflag:s4], $0x2000  }
0x86: {  	[sflag:s4] =	ssyncset.done $0x0  }
0x87: {  	[sflag:s4] =	ssyncadd.s32 $0xFFFFE000  }
0x88: {  	[spmem:s2] =	stream.indirect.scatter.add.f32 [tilespmem:s16], [sflag:$0x1], $0x40, s19, s12, $0xb8;
	[tilespmem:$0x1D410] =	vst v63  }
0x89: {  	_ =	swait.ge [sflag:s4], $0x2000  }
0x8a: {  	[sflag:s4] =	ssyncset.done $0x0  }
0x8b: {  	[sflag:s4] =	ssyncadd.s32 $0xFFFFE000  }
0x8c: {  	[spmem:s2] =	stream.indirect.scatter.add.f32 [tilespmem:s16], [sflag:$0x1], $0x40, s22, s12, $0xb8;
	[tilespmem:$0x1D410] =	vst v63  }
0x8d: {  	_ =	swait.ge [sflag:s4], $0x2000  }
0x8e: {  	[sflag:s4] =	ssyncset.done $0x0  }
0x8f: {  	[sflag:s4] =	ssyncadd.s32 $0xFFFFE000  }
0x90: {  	[spmem:s2] =	stream.indirect.scatter.add.f32 [tilespmem:s16], [sflag:$0x1], $0x40, s24, s12, $0xb8;
	[tilespmem:$0x1D410] =	vst v63  }
0x91: {  	_ =	swait.ge [sflag:s4], $0x2000  }
0x92: {  	s1 =	simm.s32 $0x140;
	[sflag:s4] =	ssyncset.done $0x0  }
0x93: {  	s6 =	simm.s32 $0x14C80;
	s7 =	simm.s32 $0x14C00;
	[sflag:s4] =	ssyncadd.s32 $0xFFFFE000  }
0x94: {  	[spmem:s2] =	stream.indirect.scatter.add.f32 [tilespmem:s16], [sflag:$0x1], $0x40, s26, s12, $0xb8;
	[tilespmem:$0x1D410] =	vst v63  }
0x95: {  	s17 =	simm.s32 $0x280;
	s13 =	simm.s32 $0x14500;
	_ =	swait.ge [sflag:s4], $0x2000  }
0x96: {  	s10 =	simm.s32 $0x14580;
	s15 =	simm.s32 $0x14600;
	[sflag:s4] =	ssyncset.done $0x0  }
0x97: {  	s20 =	simm.s32 $0x14680;
	s21 =	simm.s32 $0x14700;
	[sflag:s4] =	ssyncadd.s32 $0xFFFFE000  }
0x98: {  	[spmem:s2] =	stream.indirect.scatter.add.f32 [tilespmem:s16], [sflag:$0x1], $0x40, s0, s12, $0xb8;
	[tilespmem:$0x1D410] =	vst v63  }
0x99: {  	s23 =	simm.s32 $0x14780;
	s25 =	simm.s32 $0x14800;
	_ =	swait.ge [sflag:s4], $0x2000  }
0x9a: {  	s28 =	simm.s32 $0x14880;
	s8 =	simm.s32 $0x14900;
	[sflag:s4] =	ssyncset.done $0x0  }
0x9b: {  	s19 =	simm.s32 $0x14980;
	s26 =	simm.s32 $0x14C80;
	[sflag:s4] =	ssyncadd.s32 $0xFFFFE000  }
0x9c: {  	[spmem:s2] =	stream.indirect.scatter.add.f32 [tilespmem:s16], [sflag:$0x1], $0x40, s26, s12, $0xb8;
	[tilespmem:$0x1D410] =	vst v63  }
0x9d: {  	s22 =	simm.s32 $0x14A00;
	s24 =	simm.s32 $0x14A80;
	_ =	swait.ge [sflag:s4], $0x2000  }
0x9e: {  	s0 =	simm.s32 $0x14B80;
	s26 =	simm.s32 $0x14B00;
	[sflag:s4] =	ssyncset.done $0x0  }
.LBB2_4:
0x9f: {  	s18 =	sadd.s32 s1, s30  }
0xa0: {  	[sflag:s4] =	ssyncadd.s32 $0xFFFFE000;
	s1 =	smov.u32 s17;
	s5 =	sadd.s32 $0x140, s17  }
0xa1: {  	[tilespmem:s11], [sflag:$0x1] =	stream.linear.gather [hbm4b:s18+s29], $0xA00, $0x38;
	[tilespmem:$0x1D410] =	vst v63  }
0xa2: {  	s18 =	simm.s32 $0x14480  }
0xa3: {  	p0 =	sne.s32 s17, $0x8C0;
	_ =	swait.ge [sflag:s4], $0xA00  }
0xa4: {  	[sflag:s4] =	ssyncset.done $0x0  }
0xa5: {  	[sflag:s4] =	ssyncadd.s32 $0xFFFFF600  }
0xa6: {  	[spmem:s2] =	stream.indirect.scatter.add.f32 [tilespmem:s16], [sflag:$0x1], $0x40, s11, s12, $0xb8;
	[tilespmem:$0x1D410] =	vst v63  }
0xa7: {  	_ =	swait.ge [sflag:s4], $0x2000  }
0xa8: {  	[sflag:s4] =	ssyncset.done $0x0  }
0xa9: {  	[sflag:s4] =	ssyncadd.s32 $0xFFFFE000  }
0xaa: {  	[spmem:s2] =	stream.indirect.scatter.add.f32 [tilespmem:s16], [sflag:$0x1], $0x40, s9, s12, $0xb8;
	[tilespmem:$0x1D410] =	vst v63  }
0xab: {  	_ =	swait.ge [sflag:s4], $0x2000  }
0xac: {  	[sflag:s4] =	ssyncset.done $0x0  }
0xad: {  	[sflag:s4] =	ssyncadd.s32 $0xFFFFE000  }
0xae: {  	[spmem:s2] =	stream.indirect.scatter.add.f32 [tilespmem:s16], [sflag:$0x1], $0x40, s14, s12, $0xb8;
	[tilespmem:$0x1D410] =	vst v63  }
0xaf: {  	_ =	swait.ge [sflag:s4], $0x2000  }
0xb0: {  	[sflag:s4] =	ssyncset.done $0x0  }
0xb1: {  	[sflag:s4] =	ssyncadd.s32 $0xFFFFE000  }
0xb2: {  	[spmem:s2] =	stream.indirect.scatter.add.f32 [tilespmem:s16], [sflag:$0x1], $0x40, s18, s12, $0xb8;
	[tilespmem:$0x1D410] =	vst v63  }
0xb3: {  	_ =	swait.ge [sflag:s4], $0x2000  }
0xb4: {  	[sflag:s4] =	ssyncset.done $0x0  }
0xb5: {  	[sflag:s4] =	ssyncadd.s32 $0xFFFFE000  }
0xb6: {  	[spmem:s2] =	stream.indirect.scatter.add.f32 [tilespmem:s16], [sflag:$0x1], $0x40, s13, s12, $0xb8;
	[tilespmem:$0x1D410] =	vst v63  }
0xb7: {  	_ =	swait.ge [sflag:s4], $0x2000  }
0xb8: {  	[sflag:s4] =	ssyncset.done $0x0  }
0xb9: {  	[sflag:s4] =	ssyncadd.s32 $0xFFFFE000  }
0xba: {  	[spmem:s2] =	stream.indirect.scatter.add.f32 [tilespmem:s16], [sflag:$0x1], $0x40, s10, s12, $0xb8;
	[tilespmem:$0x1D410] =	vst v63  }
0xbb: {  	_ =	swait.ge [sflag:s4], $0x2000  }
0xbc: {  	[sflag:s4] =	ssyncset.done $0x0  }
0xbd: {  	[sflag:s4] =	ssyncadd.s32 $0xFFFFE000  }
0xbe: {  	[spmem:s2] =	stream.indirect.scatter.add.f32 [tilespmem:s16], [sflag:$0x1], $0x40, s15, s12, $0xb8;
	[tilespmem:$0x1D410] =	vst v63  }
0xbf: {  	_ =	swait.ge [sflag:s4], $0x2000  }
0xc0: {  	[sflag:s4] =	ssyncset.done $0x0  }
0xc1: {  	[sflag:s4] =	ssyncadd.s32 $0xFFFFE000  }
0xc2: {  	[spmem:s2] =	stream.indirect.scatter.add.f32 [tilespmem:s16], [sflag:$0x1], $0x40, s20, s12, $0xb8;
	[tilespmem:$0x1D410] =	vst v63  }
0xc3: {  	_ =	swait.ge [sflag:s4], $0x2000  }
0xc4: {  	[sflag:s4] =	ssyncset.done $0x0  }
0xc5: {  	[sflag:s4] =	ssyncadd.s32 $0xFFFFE000  }
0xc6: {  	[spmem:s2] =	stream.indirect.scatter.add.f32 [tilespmem:s16], [sflag:$0x1], $0x40, s21, s12, $0xb8;
	[tilespmem:$0x1D410] =	vst v63  }
0xc7: {  	_ =	swait.ge [sflag:s4], $0x2000  }
0xc8: {  	[sflag:s4] =	ssyncset.done $0x0  }
0xc9: {  	[sflag:s4] =	ssyncadd.s32 $0xFFFFE000  }
0xca: {  	[spmem:s2] =	stream.indirect.scatter.add.f32 [tilespmem:s16], [sflag:$0x1], $0x40, s23, s12, $0xb8;
	[tilespmem:$0x1D410] =	vst v63  }
0xcb: {  	_ =	swait.ge [sflag:s4], $0x2000  }
0xcc: {  	[sflag:s4] =	ssyncset.done $0x0  }
0xcd: {  	[sflag:s4] =	ssyncadd.s32 $0xFFFFE000  }
0xce: {  	[spmem:s2] =	stream.indirect.scatter.add.f32 [tilespmem:s16], [sflag:$0x1], $0x40, s25, s12, $0xb8;
	[tilespmem:$0x1D410] =	vst v63  }
0xcf: {  	_ =	swait.ge [sflag:s4], $0x2000  }
0xd0: {  	[sflag:s4] =	ssyncset.done $0x0  }
0xd1: {  	[sflag:s4] =	ssyncadd.s32 $0xFFFFE000  }
0xd2: {  	[spmem:s2] =	stream.indirect.scatter.add.f32 [tilespmem:s16], [sflag:$0x1], $0x40, s28, s12, $0xb8;
	[tilespmem:$0x1D410] =	vst v63  }
0xd3: {  	_ =	swait.ge [sflag:s4], $0x2000  }
0xd4: {  	[sflag:s4] =	ssyncset.done $0x0  }
0xd5: {  	[sflag:s4] =	ssyncadd.s32 $0xFFFFE000  }
0xd6: {  	[spmem:s2] =	stream.indirect.scatter.add.f32 [tilespmem:s16], [sflag:$0x1], $0x40, s8, s12, $0xb8;
	[tilespmem:$0x1D410] =	vst v63  }
0xd7: {  	_ =	swait.ge [sflag:s4], $0x2000  }
0xd8: {  	[sflag:s4] =	ssyncset.done $0x0  }
0xd9: {  	[sflag:s4] =	ssyncadd.s32 $0xFFFFE000  }
0xda: {  	[spmem:s2] =	stream.indirect.scatter.add.f32 [tilespmem:s16], [sflag:$0x1], $0x40, s19, s12, $0xb8;
	[tilespmem:$0x1D410] =	vst v63  }
0xdb: {  	_ =	swait.ge [sflag:s4], $0x2000  }
0xdc: {  	[sflag:s4] =	ssyncset.done $0x0  }
0xdd: {  	[sflag:s4] =	ssyncadd.s32 $0xFFFFE000  }
0xde: {  	[spmem:s2] =	stream.indirect.scatter.add.f32 [tilespmem:s16], [sflag:$0x1], $0x40, s22, s12, $0xb8;
	[tilespmem:$0x1D410] =	vst v63  }
0xdf: {  	_ =	swait.ge [sflag:s4], $0x2000  }
0xe0: {  	[sflag:s4] =	ssyncset.done $0x0  }
0xe1: {  	[sflag:s4] =	ssyncadd.s32 $0xFFFFE000  }
0xe2: {  	[spmem:s2] =	stream.indirect.scatter.add.f32 [tilespmem:s16], [sflag:$0x1], $0x40, s24, s12, $0xb8;
	[tilespmem:$0x1D410] =	vst v63  }
0xe3: {  	_ =	swait.ge [sflag:s4], $0x2000  }
0xe4: {  	[sflag:s4] =	ssyncset.done $0x0  }
0xe5: {  	[sflag:s4] =	ssyncadd.s32 $0xFFFFE000  }
0xe6: {  	[spmem:s2] =	stream.indirect.scatter.add.f32 [tilespmem:s16], [sflag:$0x1], $0x40, s26, s12, $0xb8;
	[tilespmem:$0x1D410] =	vst v63  }
0xe7: {  	_ =	swait.ge [sflag:s4], $0x2000  }
0xe8: {  	[sflag:s4] =	ssyncset.done $0x0  }
0xe9: {  	[sflag:s4] =	ssyncadd.s32 $0xFFFFE000  }
0xea: {  	[spmem:s2] =	stream.indirect.scatter.add.f32 [tilespmem:s16], [sflag:$0x1], $0x40, s0, s12, $0xb8;
	[tilespmem:$0x1D410] =	vst v63  }
0xeb: {  	_ =	swait.ge [sflag:s4], $0x2000  }
0xec: {  	[sflag:s4] =	ssyncset.done $0x0  }
0xed: {  	[sflag:s4] =	ssyncadd.s32 $0xFFFFE000  }
0xee: {  	[spmem:s2] =	stream.indirect.scatter.add.f32 [tilespmem:s16], [sflag:$0x1], $0x40, s7, s12, $0xb8;
	[tilespmem:$0x1D410] =	vst v63  }
0xef: {  	_ =	swait.ge [sflag:s4], $0x2000  }
.Ltmp1:
0xf0: {  	[sflag:s4] =	ssyncset.done $0x0;
	(pc) =	sbr.rel @p0 .LBB2_4-.Ltmp1, $4  }
0xf1: {  	[sflag:s4] =	ssyncadd.s32 $0xFFFFE000  }
0xf2: {  	[spmem:s2] =	stream.indirect.scatter.add.f32 [tilespmem:s16], [sflag:$0x1], $0x40, s6, s12, $0xb8;
	[tilespmem:$0x1D410] =	vst v63  }
0xf3: {  	_ =	swait.ge [sflag:s4], $0x2000  }
0xf4: {  	s17 =	smov.u32 s5;
	[sflag:s4] =	ssyncset.done $0x0  }
0xf5: {  	s1 =	sadd.s32 s1, s30;
	[sflag:s4] =	ssyncadd.s32 $0xFFFFE000  }
0xf6: {  	[tilespmem:s11], [sflag:$0x1] =	stream.linear.gather [hbm4b:s1+s29], $0xA00, $0x38;
	[tilespmem:$0x1D410] =	vst v63  }
0xf7: {  	_ =	swait.ge [sflag:s4], $0xA00  }
0xf8: {  	[sflag:s4] =	ssyncset.done $0x0  }
0xf9: {  	[sflag:s4] =	ssyncadd.s32 $0xFFFFF600  }
0xfa: {  	[spmem:s2] =	stream.indirect.scatter.add.f32 [tilespmem:s16], [sflag:$0x1], $0x40, s11, s12, $0xb8;
	[tilespmem:$0x1D410] =	vst v63  }
0xfb: {  	_ =	swait.ge [sflag:s4], $0x2000  }
0xfc: {  	[sflag:s4] =	ssyncset.done $0x0  }
0xfd: {  	[sflag:s4] =	ssyncadd.s32 $0xFFFFE000  }
0xfe: {  	[spmem:s2] =	stream.indirect.scatter.add.f32 [tilespmem:s16], [sflag:$0x1], $0x40, s9, s12, $0xb8;
	[tilespmem:$0x1D410] =	vst v63  }
0xff: {  	_ =	swait.ge [sflag:s4], $0x2000  }
0x100: {  	[sflag:s4] =	ssyncset.done $0x0  }
0x101: {  	[sflag:s4] =	ssyncadd.s32 $0xFFFFE000  }
0x102: {  	[spmem:s2] =	stream.indirect.scatter.add.f32 [tilespmem:s16], [sflag:$0x1], $0x40, s14, s12, $0xb8;
	[tilespmem:$0x1D410] =	vst v63  }
0x103: {  	_ =	swait.ge [sflag:s4], $0x2000  }
0x104: {  	[sflag:s4] =	ssyncset.done $0x0  }
0x105: {  	[sflag:s4] =	ssyncadd.s32 $0xFFFFE000  }
0x106: {  	[spmem:s2] =	stream.indirect.scatter.add.f32 [tilespmem:s16], [sflag:$0x1], $0x40, s18, s12, $0xb8;
	[tilespmem:$0x1D410] =	vst v63  }
0x107: {  	_ =	swait.ge [sflag:s4], $0x2000  }
0x108: {  	[sflag:s4] =	ssyncset.done $0x0  }
0x109: {  	[sflag:s4] =	ssyncadd.s32 $0xFFFFE000  }
0x10a: {  	[spmem:s2] =	stream.indirect.scatter.add.f32 [tilespmem:s16], [sflag:$0x1], $0x40, s13, s12, $0xb8;
	[tilespmem:$0x1D410] =	vst v63  }
0x10b: {  	_ =	swait.ge [sflag:s4], $0x2000  }
0x10c: {  	[sflag:s4] =	ssyncset.done $0x0  }
0x10d: {  	[sflag:s4] =	ssyncadd.s32 $0xFFFFE000  }
0x10e: {  	[spmem:s2] =	stream.indirect.scatter.add.f32 [tilespmem:s16], [sflag:$0x1], $0x40, s10, s12, $0xb8;
	[tilespmem:$0x1D410] =	vst v63  }
0x10f: {  	_ =	swait.ge [sflag:s4], $0x2000  }
0x110: {  	[sflag:s4] =	ssyncset.done $0x0  }
0x111: {  	[sflag:s4] =	ssyncadd.s32 $0xFFFFE000  }
0x112: {  	[spmem:s2] =	stream.indirect.scatter.add.f32 [tilespmem:s16], [sflag:$0x1], $0x40, s15, s12, $0xb8;
	[tilespmem:$0x1D410] =	vst v63  }
0x113: {  	_ =	swait.ge [sflag:s4], $0x2000  }
0x114: {  	[sflag:s4] =	ssyncset.done $0x0  }
0x115: {  	[sflag:s4] =	ssyncadd.s32 $0xFFFFE000  }
0x116: {  	[spmem:s2] =	stream.indirect.scatter.add.f32 [tilespmem:s16], [sflag:$0x1], $0x40, s20, s12, $0xb8;
	[tilespmem:$0x1D410] =	vst v63  }
0x117: {  	_ =	swait.ge [sflag:s4], $0x2000  }
0x118: {  	[sflag:s4] =	ssyncset.done $0x0  }
0x119: {  	[sflag:s4] =	ssyncadd.s32 $0xFFFFE000  }
0x11a: {  	[spmem:s2] =	stream.indirect.scatter.add.f32 [tilespmem:s16], [sflag:$0x1], $0x40, s21, s12, $0xb8;
	[tilespmem:$0x1D410] =	vst v63  }
0x11b: {  	_ =	swait.ge [sflag:s4], $0x2000  }
0x11c: {  	[sflag:s4] =	ssyncset.done $0x0  }
0x11d: {  	[sflag:s4] =	ssyncadd.s32 $0xFFFFE000  }
0x11e: {  	[spmem:s2] =	stream.indirect.scatter.add.f32 [tilespmem:s16], [sflag:$0x1], $0x40, s23, s12, $0xb8;
	[tilespmem:$0x1D410] =	vst v63  }
0x11f: {  	_ =	swait.ge [sflag:s4], $0x2000  }
0x120: {  	[sflag:s4] =	ssyncset.done $0x0  }
0x121: {  	[sflag:s4] =	ssyncadd.s32 $0xFFFFE000  }
0x122: {  	[spmem:s2] =	stream.indirect.scatter.add.f32 [tilespmem:s16], [sflag:$0x1], $0x40, s25, s12, $0xb8;
	[tilespmem:$0x1D410] =	vst v63  }
0x123: {  	_ =	swait.ge [sflag:s4], $0x2000  }
0x124: {  	[sflag:s4] =	ssyncset.done $0x0  }
0x125: {  	[sflag:s4] =	ssyncadd.s32 $0xFFFFE000  }
0x126: {  	[spmem:s2] =	stream.indirect.scatter.add.f32 [tilespmem:s16], [sflag:$0x1], $0x40, s28, s12, $0xb8;
	[tilespmem:$0x1D410] =	vst v63  }
0x127: {  	_ =	swait.ge [sflag:s4], $0x2000  }
0x128: {  	[sflag:s4] =	ssyncset.done $0x0  }
0x129: {  	[sflag:s4] =	ssyncadd.s32 $0xFFFFE000  }
0x12a: {  	[spmem:s2] =	stream.indirect.scatter.add.f32 [tilespmem:s16], [sflag:$0x1], $0x40, s8, s12, $0xb8;
	[tilespmem:$0x1D410] =	vst v63  }
0x12b: {  	_ =	swait.ge [sflag:s4], $0x2000  }
0x12c: {  	[sflag:s4] =	ssyncset.done $0x0  }
0x12d: {  	[sflag:s4] =	ssyncadd.s32 $0xFFFFE000  }
0x12e: {  	[spmem:s2] =	stream.indirect.scatter.add.f32 [tilespmem:s16], [sflag:$0x1], $0x40, s19, s12, $0xb8;
	[tilespmem:$0x1D410] =	vst v63  }
0x12f: {  	_ =	swait.ge [sflag:s4], $0x2000  }
0x130: {  	[sflag:s4] =	ssyncset.done $0x0  }
0x131: {  	[sflag:s4] =	ssyncadd.s32 $0xFFFFE000  }
0x132: {  	[spmem:s2] =	stream.indirect.scatter.add.f32 [tilespmem:s16], [sflag:$0x1], $0x40, s22, s12, $0xb8;
	[tilespmem:$0x1D410] =	vst v63  }
0x133: {  	_ =	swait.ge [sflag:s4], $0x2000  }
0x134: {  	[sflag:s4] =	ssyncset.done $0x0  }
0x135: {  	[sflag:s4] =	ssyncadd.s32 $0xFFFFE000  }
0x136: {  	[spmem:s2] =	stream.indirect.scatter.add.f32 [tilespmem:s16], [sflag:$0x1], $0x40, s24, s12, $0xb8;
	[tilespmem:$0x1D410] =	vst v63  }
0x137: {  	_ =	swait.ge [sflag:s4], $0x2000  }
0x138: {  	[sflag:s4] =	ssyncset.done $0x0  }
0x139: {  	[sflag:s4] =	ssyncadd.s32 $0xFFFFE000  }
0x13a: {  	[spmem:s2] =	stream.indirect.scatter.add.f32 [tilespmem:s16], [sflag:$0x1], $0x40, s26, s12, $0xb8;
	[tilespmem:$0x1D410] =	vst v63  }
0x13b: {  	_ =	swait.ge [sflag:s4], $0x2000  }
0x13c: {  	[sflag:s4] =	ssyncset.done $0x0  }
0x13d: {  	[sflag:s4] =	ssyncadd.s32 $0xFFFFE000  }
0x13e: {  	[spmem:s2] =	stream.indirect.scatter.add.f32 [tilespmem:s16], [sflag:$0x1], $0x40, s0, s12, $0xb8;
	[tilespmem:$0x1D410] =	vst v63  }
0x13f: {  	_ =	swait.ge [sflag:s4], $0x2000  }
0x140: {  	[sflag:s4] =	ssyncset.done $0x0  }
0x141: {  	[sflag:s4] =	ssyncadd.s32 $0xFFFFE000  }
0x142: {  	[spmem:s2] =	stream.indirect.scatter.add.f32 [tilespmem:s16], [sflag:$0x1], $0x40, s7, s12, $0xb8;
	[tilespmem:$0x1D410] =	vst v63  }
0x143: {  	_ =	swait.ge [sflag:s4], $0x2000  }
0x144: {  	[sflag:s4] =	ssyncset.done $0x0  }
0x145: {  	[sflag:s4] =	ssyncadd.s32 $0xFFFFE000  }
0x146: {  	[spmem:s2] =	stream.indirect.scatter.add.f32 [tilespmem:s16], [sflag:$0x1], $0x40, s6, s12, $0xb8;
	[tilespmem:$0x1D410] =	vst v63  }
0x147: {  	_ =	swait.ge [sflag:s4], $0x2000  }
0x148: {  	[sflag:s4] =	ssyncset.done $0x0  }
0x149: {  	[sflag:s4] =	ssyncadd.s32 $0xFFFFE000  }
0x14a: {  	[bflag:$0x0] =	sbarrier.arrive $0xFFFF  }
0x14b: {  	s5 =	simm.s32 $0x16D00;
	s26 =	rddreg [dreg:$0x6]  }
0x14c: {  	[tilespmem:s5], [sflag:$0x1] =	stream.linear.gather [spmem:s26], $0x2000, $0x38;
	[tilespmem:$0x1D410] =	vst v63  }
0x14d: {  	s17 =	simm.s32 $0x40;
	_ =	swait.ge [sflag:s4], $0x2000  }
0x14e: {  	s29 =	simm.s32 $0x18D00;
	s1 =	simm.s32 $0x0;
	[sflag:s4] =	ssyncset.done $0x0  }
0x14f: {  	s20 =	simm.s32 $0x14700;
	s21 =	simm.s32 $0x14780;
	[sflag:s4] =	ssyncadd.s32 $0xFFFFE000  }
0x150: {  	[spmem:s26] =	stream.linear.scatter [tilespmem:s29], [sflag:$0x1], $0x2000, $0x38;
	[tilespmem:$0x1D410] =	vst v63  }
0x151: {  	s23 =	simm.s32 $0x14800;
	s25 =	simm.s32 $0x14880;
	_ =	swait.ge [sflag:s4], $0x2000  }
0x152: {  	s28 =	simm.s32 $0x14900;
	s8 =	simm.s32 $0x14980;
	[sflag:s4] =	ssyncset.done $0x0  }
0x153: {  	s19 =	simm.s32 $0x14A00;
	s22 =	simm.s32 $0x14A80;
	[sflag:s4] =	ssyncadd.s32 $0xFFFFE000  }
0x154: {  	s24 =	simm.s32 $0x14B00;
	s0 =	simm.s32 $0x14C00;
	s26 =	simm.s32 $0x14B80;
	v3 =	vld [tilespmem:s5+$0x0]  }
.LBB2_6:
0x155: {  	p0 =	sne.s32 s17, $0x1FC0;
	_ =	sdelay $0x3  }
0x156: {  	v3 =	vmax.f32 v3, $1.000000000e+00  }
0x157: {  	vm0 =	vge.f32 v3, $4.000000000e+00  }
0x158: {  	vm1 =	vge.f32 v3, $1.600000000e+01;
	v4 =	vsel vm0, $0x3EB33333, v2  }
0x159: {  	vm0 =	vge.f32 v3, $6.400000000e+01;
	v4 =	vsel vm1, $0x3E333333, v4  }
0x15a: {  	vm1 =	vge.f32 v3, $2.560000000e+02;
	v4 =	vsel vm0, $0x3DB33333, v4  }
0x15b: {  	vm0 =	vge.f32 v3, $1.024000000e+03;
	v4 =	vsel vm1, $0x3D333333, v4  }
0x15c: {  	vm1 =	vge.f32 v3, $4.096000000e+03;
	v4 =	vsel vm0, $0x3CB33333, v4  }
0x15d: {  	vm0 =	vge.f32 v3, $1.638400000e+04;
	v4 =	vsel vm1, $0x3C333333, v4  }
0x15e: {  	vm1 =	vge.f32 v3, $6.553600000e+04;
	v4 =	vsel vm0, $0x3BB33333, v4  }
0x15f: {  	vm0 =	vge.f32 v3, $2.621440000e+05;
	v3 =	vmul.f32 $5.000000000e-01, v3;
	v4 =	vsel vm1, $0x3B333333, v4  }
0x160: {  	v4 =	vsel vm0, $0x3AB33333, v4  }
0x161: {  	v5 =	vmul.f32 v4, v3;
	_ =	sdelay $0x1  }
0x162: {  	v5 =	vmul.f32 v5, v4;
	_ =	sdelay $0x1  }
0x163: {  	v5 =	vsub.f32 $1.500000000e+00, v5;
	_ =	sdelay $0x1  }
0x164: {  	v4 =	vmul.f32 v5, v4;
	_ =	sdelay $0x1  }
0x165: {  	v5 =	vmul.f32 v4, v3;
	_ =	sdelay $0x1  }
0x166: {  	v5 =	vmul.f32 v5, v4;
	_ =	sdelay $0x1  }
0x167: {  	v5 =	vsub.f32 $1.500000000e+00, v5;
	_ =	sdelay $0x1  }
0x168: {  	v4 =	vmul.f32 v5, v4;
	_ =	sdelay $0x1  }
0x169: {  	v5 =	vmul.f32 v4, v3;
	_ =	sdelay $0x1  }
0x16a: {  	v5 =	vmul.f32 v5, v4;
	_ =	sdelay $0x1  }
0x16b: {  	v5 =	vsub.f32 $1.500000000e+00, v5;
	_ =	sdelay $0x1  }
0x16c: {  	v4 =	vmul.f32 v5, v4;
	_ =	sdelay $0x1  }
0x16d: {  	v5 =	vmul.f32 v4, v3;
	_ =	sdelay $0x1  }
0x16e: {  	v5 =	vmul.f32 v5, v4;
	_ =	sdelay $0x1  }
0x16f: {  	v5 =	vsub.f32 $1.500000000e+00, v5;
	_ =	sdelay $0x1  }
0x170: {  	v4 =	vmul.f32 v5, v4;
	_ =	sdelay $0x1  }
0x171: {  	v5 =	vmul.f32 v4, v3;
	_ =	sdelay $0x1  }
0x172: {  	v5 =	vmul.f32 v5, v4;
	_ =	sdelay $0x1  }
0x173: {  	v5 =	vsub.f32 $1.500000000e+00, v5;
	_ =	sdelay $0x1  }
0x174: {  	v4 =	vmul.f32 v5, v4;
	_ =	sdelay $0x1  }
0x175: {  	v3 =	vmul.f32 v4, v3;
	_ =	sdelay $0x1  }
0x176: {  	v3 =	vmul.f32 v3, v4;
	_ =	sdelay $0x1  }
0x177: {  	v3 =	vsub.f32 $1.500000000e+00, v3  }
.Ltmp2:
0x178: {  	(pc) =	sbr.rel @p0 .LBB2_6-.Ltmp2, $4  }
0x179: {  	v3 =	vmul.f32 v3, v4  }
0x17a: {  	s18 =	sshra.s32 s1, $0x2;
	s1 =	smov.u32 s17  }
0x17b: {  	s5 =	sadd.s32 $0x40, s5;
	[tilespmem:s18+$0x1AD00] =	vst v3  }
0x17c: {  	s17 =	sadd.s32 $0x40, s17;
	v3 =	vld [tilespmem:s5+$0x0]  }
0x17d: {  	_ =	sdelay $0x3  }
0x17e: {  	v3 =	vmax.f32 v3, $1.000000000e+00  }
0x17f: {  	vm0 =	vge.f32 v3, $4.000000000e+00  }
0x180: {  	vm1 =	vge.f32 v3, $1.600000000e+01;
	v4 =	vsel vm0, $0x3EB33333, v2  }
0x181: {  	vm9 =	vge.f32 v3, $6.400000000e+01;
	v4 =	vsel vm1, $0x3E333333, v4  }
0x182: {  	vm10 =	vge.f32 v3, $2.560000000e+02;
	v4 =	vsel vm9, $0x3DB33333, v4  }
0x183: {  	vm11 =	vge.f32 v3, $1.024000000e+03;
	v4 =	vsel vm10, $0x3D333333, v4  }
0x184: {  	vm12 =	vge.f32 v3, $4.096000000e+03;
	v4 =	vsel vm11, $0x3CB33333, v4  }
0x185: {  	vm13 =	vge.f32 v3, $1.638400000e+04;
	v4 =	vsel vm12, $0x3C333333, v4  }
0x186: {  	vm14 =	vge.f32 v3, $6.553600000e+04;
	v4 =	vsel vm13, $0x3BB33333, v4  }
0x187: {  	vm15 =	vge.f32 v3, $2.621440000e+05;
	v3 =	vmul.f32 $5.000000000e-01, v3;
	v4 =	vsel vm14, $0x3B333333, v4  }
0x188: {  	v4 =	vsel vm15, $0x3AB33333, v4  }
0x189: {  	v5 =	vmul.f32 v4, v3;
	_ =	sdelay $0x1  }
0x18a: {  	v5 =	vmul.f32 v5, v4;
	_ =	sdelay $0x1  }
0x18b: {  	v5 =	vsub.f32 $1.500000000e+00, v5;
	_ =	sdelay $0x1  }
0x18c: {  	v4 =	vmul.f32 v5, v4;
	_ =	sdelay $0x1  }
0x18d: {  	v5 =	vmul.f32 v4, v3;
	_ =	sdelay $0x1  }
0x18e: {  	v5 =	vmul.f32 v5, v4;
	_ =	sdelay $0x1  }
0x18f: {  	v5 =	vsub.f32 $1.500000000e+00, v5;
	_ =	sdelay $0x1  }
0x190: {  	v4 =	vmul.f32 v5, v4;
	_ =	sdelay $0x1  }
0x191: {  	v5 =	vmul.f32 v4, v3;
	_ =	sdelay $0x1  }
0x192: {  	v5 =	vmul.f32 v5, v4;
	_ =	sdelay $0x1  }
0x193: {  	v5 =	vsub.f32 $1.500000000e+00, v5;
	_ =	sdelay $0x1  }
0x194: {  	v4 =	vmul.f32 v5, v4;
	_ =	sdelay $0x1  }
0x195: {  	v5 =	vmul.f32 v4, v3;
	_ =	sdelay $0x1  }
0x196: {  	v5 =	vmul.f32 v5, v4;
	_ =	sdelay $0x1  }
0x197: {  	v5 =	vsub.f32 $1.500000000e+00, v5;
	_ =	sdelay $0x1  }
0x198: {  	v4 =	vmul.f32 v5, v4;
	_ =	sdelay $0x1  }
0x199: {  	v5 =	vmul.f32 v4, v3;
	_ =	sdelay $0x1  }
0x19a: {  	v5 =	vmul.f32 v5, v4;
	_ =	sdelay $0x1  }
0x19b: {  	v5 =	vsub.f32 $1.500000000e+00, v5;
	_ =	sdelay $0x1  }
0x19c: {  	v4 =	vmul.f32 v5, v4;
	_ =	sdelay $0x1  }
0x19d: {  	v3 =	vmul.f32 v4, v3;
	_ =	sdelay $0x1  }
0x19e: {  	v3 =	vmul.f32 v3, v4;
	_ =	sdelay $0x1  }
0x19f: {  	v3 =	vsub.f32 $1.500000000e+00, v3;
	_ =	sdelay $0x1  }
0x1a0: {  	v3 =	vmul.f32 v3, v4  }
0x1a1: {  	s1 =	sshra.s32 s1, $0x2  }
0x1a2: {  	s29 =	rddreg [dreg:$0x9];
	s15 =	simm.s32 $0x40;
	s9 =	simm.s32 $0x16D00;
	[tilespmem:s1+$0x1AD00] =	vst v3  }
0x1a3: {  	[tilespmem:s9], [sflag:$0x1] =	stream.strided.gather [hbm4b:s29+s15], $0x2000, s12, s15, $0x38;
	[tilespmem:$0x1D410] =	vst v63  }
0x1a4: {  	_ =	swait.ge [sflag:s4], $0x2000  }
0x1a5: {  	[sflag:s4] =	ssyncset.done $0x0  }
0x1a6: {  	s1 =	simm.s32 $0x16D20;
	[sflag:s4] =	ssyncadd.s32 $0xFFFFE000  }
0x1a7: {  	v3 =	vld [tilespmem:s1+$0xFFFFFFF0]  }
0x1a8: {  	v5 =	vld [tilespmem:s1+$0x10]  }
0x1a9: {  	s5 =	simm.s32 $0x0;
	v4 =	vld [tilespmem:s1+$0xFFFFFFE0]  }
0x1aa: {  	v7 =	vld [tilespmem:s5+$0x1AD00]  }
0x1ab: {  	v8 =	vld [tilespmem:s1+$0x0];
	_ =	sdelay $0x3  }
0x1ac: {  	s6 =	rddreg [dreg:$0x1b];
	v4 =	vmul.f32 v4, v7;
	v6 =	vmul.f32 v5, v7  }
0x1ad: {  	s17 =	simm.s32 $0x16D20;
	s13 =	rddreg [dreg:$0x1d];
	s5 =	simm.s32 $0x40;
	v5 =	vmul.f32 v3, v7;
	v3 =	vmul.f32 v8, v7  }
.LBB2_8:
0x1ae: {  	p0 =	sne.s32 s5, $0x1FC0  }
0x1af: {  	[tilespmem:s1+$0x10] =	vst v6;
	s17 =	sadd.s32 $0x40, s17;
	s18 =	smov.u32 s5;
	s5 =	sadd.s32 $0x40, s5  }
0x1b0: {  	v7 =	vld [tilespmem:s17+$0xFFFFFFF0];
	[tilespmem:s1+$0xFFFFFFE0] =	vst v4  }
0x1b1: {  	v6 =	vld [tilespmem:s17+$0x10];
	[tilespmem:s1+$0xFFFFFFF0] =	vst v5  }
0x1b2: {  	s18 =	sshra.s32 s18, $0x2;
	v4 =	vld [tilespmem:s17+$0xFFFFFFE0];
	[tilespmem:s1+$0x0] =	vst v3;
	s1 =	smov.u32 s17  }
0x1b3: {  	v3 =	vld [tilespmem:s18+$0x1AD00]  }
0x1b4: {  	v8 =	vld [tilespmem:s17+$0x0]  }
.Ltmp3:
0x1b5: {  	(pc) =	sbr.rel @p0 .LBB2_8-.Ltmp3, $3  }
0x1b6: {  	_ =	sdelay $0x1  }
0x1b7: {  	v4 =	vmul.f32 v4, v3;
	v6 =	vmul.f32 v6, v3  }
0x1b8: {  	v5 =	vmul.f32 v7, v3;
	v3 =	vmul.f32 v8, v3  }
0x1b9: {  	[tilespmem:s1+$0x10] =	vst v6  }
0x1ba: {  	[tilespmem:s1+$0xFFFFFFE0] =	vst v4  }
0x1bb: {  	[tilespmem:s1+$0xFFFFFFF0] =	vst v5  }
0x1bc: {  	s5 =	simm.s32 $0x16D00;
	s18 =	rddreg [dreg:$0x12];
	[tilespmem:s1+$0x0] =	vst v3  }
0x1bd: {  	[spmem:s18] =	stream.linear.scatter [tilespmem:s5], [sflag:$0x1], $0x2000, $0x38;
	[tilespmem:$0x1D410] =	vst v63  }
0x1be: {  	_ =	swait.ge [sflag:s4], $0x2000  }
0x1bf: {  	[sflag:s4] =	ssyncset.done $0x0  }
0x1c0: {  	s29 =	rddreg [dreg:$0x11];
	[sflag:s4] =	ssyncadd.s32 $0xFFFFE000  }
0x1c1: {  	[tilespmem:s5], [sflag:$0x1] =	stream.linear.gather [spmem:s29], $0x2000, $0x38;
	[tilespmem:$0x1D410] =	vst v63  }
0x1c2: {  	_ =	swait.ge [sflag:s4], $0x2000  }
0x1c3: {  	[sflag:s4] =	ssyncset.done $0x0  }
0x1c4: {  	s7 =	simm.s32 $0x18D00;
	[sflag:s4] =	ssyncadd.s32 $0xFFFFE000  }
0x1c5: {  	[spmem:s29] =	stream.linear.scatter [tilespmem:s7], [sflag:$0x1], $0x2000, $0x38;
	[tilespmem:$0x1D410] =	vst v63  }
0x1c6: {  	_ =	swait.ge [sflag:s4], $0x2000  }
0x1c7: {  	[sflag:s4] =	ssyncset.done $0x0  }
0x1c8: {  	[sflag:s4] =	ssyncadd.s32 $0xFFFFE000  }
0x1c9: {  	s17 =	simm.s32 $0x40;
	s1 =	simm.s32 $0x0;
	v3 =	vld [tilespmem:s5+$0x0]  }
.LBB2_10:
0x1ca: {  	p0 =	sne.s32 s17, $0x1FC0;
	_ =	sdelay $0x3  }
0x1cb: {  	v3 =	vmax.f32 v3, $1.000000000e+00  }
0x1cc: {  	vm0 =	vge.f32 v3, $4.000000000e+00  }
0x1cd: {  	vm1 =	vge.f32 v3, $1.600000000e+01;
	v4 =	vsel vm0, $0x3EB33333, v2  }
0x1ce: {  	vm0 =	vge.f32 v3, $6.400000000e+01;
	v4 =	vsel vm1, $0x3E333333, v4  }
0x1cf: {  	vm1 =	vge.f32 v3, $2.560000000e+02;
	v4 =	vsel vm0, $0x3DB33333, v4  }
0x1d0: {  	vm0 =	vge.f32 v3, $1.024000000e+03;
	v4 =	vsel vm1, $0x3D333333, v4  }
0x1d1: {  	vm1 =	vge.f32 v3, $4.096000000e+03;
	v4 =	vsel vm0, $0x3CB33333, v4  }
0x1d2: {  	vm0 =	vge.f32 v3, $1.638400000e+04;
	v4 =	vsel vm1, $0x3C333333, v4  }
0x1d3: {  	vm1 =	vge.f32 v3, $6.553600000e+04;
	v4 =	vsel vm0, $0x3BB33333, v4  }
0x1d4: {  	vm0 =	vge.f32 v3, $2.621440000e+05;
	v3 =	vmul.f32 $5.000000000e-01, v3;
	v4 =	vsel vm1, $0x3B333333, v4  }
0x1d5: {  	v4 =	vsel vm0, $0x3AB33333, v4  }
0x1d6: {  	v5 =	vmul.f32 v4, v3;
	_ =	sdelay $0x1  }
0x1d7: {  	v5 =	vmul.f32 v5, v4;
	_ =	sdelay $0x1  }
0x1d8: {  	v5 =	vsub.f32 $1.500000000e+00, v5;
	_ =	sdelay $0x1  }
0x1d9: {  	v4 =	vmul.f32 v5, v4;
	_ =	sdelay $0x1  }
0x1da: {  	v5 =	vmul.f32 v4, v3;
	_ =	sdelay $0x1  }
0x1db: {  	v5 =	vmul.f32 v5, v4;
	_ =	sdelay $0x1  }
0x1dc: {  	v5 =	vsub.f32 $1.500000000e+00, v5;
	_ =	sdelay $0x1  }
0x1dd: {  	v4 =	vmul.f32 v5, v4;
	_ =	sdelay $0x1  }
0x1de: {  	v5 =	vmul.f32 v4, v3;
	_ =	sdelay $0x1  }
0x1df: {  	v5 =	vmul.f32 v5, v4;
	_ =	sdelay $0x1  }
0x1e0: {  	v5 =	vsub.f32 $1.500000000e+00, v5;
	_ =	sdelay $0x1  }
0x1e1: {  	v4 =	vmul.f32 v5, v4;
	_ =	sdelay $0x1  }
0x1e2: {  	v5 =	vmul.f32 v4, v3;
	_ =	sdelay $0x1  }
0x1e3: {  	v5 =	vmul.f32 v5, v4;
	_ =	sdelay $0x1  }
0x1e4: {  	v5 =	vsub.f32 $1.500000000e+00, v5;
	_ =	sdelay $0x1  }
0x1e5: {  	v4 =	vmul.f32 v5, v4;
	_ =	sdelay $0x1  }
0x1e6: {  	v5 =	vmul.f32 v4, v3;
	_ =	sdelay $0x1  }
0x1e7: {  	v5 =	vmul.f32 v5, v4;
	_ =	sdelay $0x1  }
0x1e8: {  	v5 =	vsub.f32 $1.500000000e+00, v5;
	_ =	sdelay $0x1  }
0x1e9: {  	v4 =	vmul.f32 v5, v4;
	_ =	sdelay $0x1  }
0x1ea: {  	v3 =	vmul.f32 v4, v3;
	_ =	sdelay $0x1  }
0x1eb: {  	v3 =	vmul.f32 v3, v4;
	_ =	sdelay $0x1  }
0x1ec: {  	v3 =	vsub.f32 $1.500000000e+00, v3  }
.Ltmp4:
0x1ed: {  	(pc) =	sbr.rel @p0 .LBB2_10-.Ltmp4, $4  }
0x1ee: {  	v3 =	vmul.f32 v3, v4  }
0x1ef: {  	s18 =	sshra.s32 s1, $0x2;
	s1 =	smov.u32 s17  }
0x1f0: {  	s5 =	sadd.s32 $0x40, s5;
	[tilespmem:s18+$0x1B500] =	vst v3  }
0x1f1: {  	s17 =	sadd.s32 $0x40, s17;
	v3 =	vld [tilespmem:s5+$0x0]  }
0x1f2: {  	_ =	sdelay $0x3  }
0x1f3: {  	v3 =	vmax.f32 v3, $1.000000000e+00  }
0x1f4: {  	vm0 =	vge.f32 v3, $4.000000000e+00  }
0x1f5: {  	vm1 =	vge.f32 v3, $1.600000000e+01;
	v4 =	vsel vm0, $0x3EB33333, v2  }
0x1f6: {  	vm9 =	vge.f32 v3, $6.400000000e+01;
	v4 =	vsel vm1, $0x3E333333, v4  }
0x1f7: {  	vm10 =	vge.f32 v3, $2.560000000e+02;
	v4 =	vsel vm9, $0x3DB33333, v4  }
0x1f8: {  	vm11 =	vge.f32 v3, $1.024000000e+03;
	v4 =	vsel vm10, $0x3D333333, v4  }
0x1f9: {  	vm12 =	vge.f32 v3, $4.096000000e+03;
	v4 =	vsel vm11, $0x3CB33333, v4  }
0x1fa: {  	vm13 =	vge.f32 v3, $1.638400000e+04;
	v4 =	vsel vm12, $0x3C333333, v4  }
0x1fb: {  	vm14 =	vge.f32 v3, $6.553600000e+04;
	v4 =	vsel vm13, $0x3BB33333, v4  }
0x1fc: {  	vm15 =	vge.f32 v3, $2.621440000e+05;
	v3 =	vmul.f32 $5.000000000e-01, v3;
	v4 =	vsel vm14, $0x3B333333, v4  }
0x1fd: {  	v4 =	vsel vm15, $0x3AB33333, v4  }
0x1fe: {  	v5 =	vmul.f32 v4, v3;
	_ =	sdelay $0x1  }
0x1ff: {  	v5 =	vmul.f32 v5, v4;
	_ =	sdelay $0x1  }
0x200: {  	v5 =	vsub.f32 $1.500000000e+00, v5;
	_ =	sdelay $0x1  }
0x201: {  	v4 =	vmul.f32 v5, v4;
	_ =	sdelay $0x1  }
0x202: {  	v5 =	vmul.f32 v4, v3;
	_ =	sdelay $0x1  }
0x203: {  	v5 =	vmul.f32 v5, v4;
	_ =	sdelay $0x1  }
0x204: {  	v5 =	vsub.f32 $1.500000000e+00, v5;
	_ =	sdelay $0x1  }
0x205: {  	v4 =	vmul.f32 v5, v4;
	_ =	sdelay $0x1  }
0x206: {  	v5 =	vmul.f32 v4, v3;
	_ =	sdelay $0x1  }
0x207: {  	v5 =	vmul.f32 v5, v4;
	_ =	sdelay $0x1  }
0x208: {  	v5 =	vsub.f32 $1.500000000e+00, v5;
	_ =	sdelay $0x1  }
0x209: {  	v4 =	vmul.f32 v5, v4;
	_ =	sdelay $0x1  }
0x20a: {  	v5 =	vmul.f32 v4, v3;
	_ =	sdelay $0x1  }
0x20b: {  	v5 =	vmul.f32 v5, v4;
	_ =	sdelay $0x1  }
0x20c: {  	v5 =	vsub.f32 $1.500000000e+00, v5;
	_ =	sdelay $0x1  }
0x20d: {  	v4 =	vmul.f32 v5, v4;
	_ =	sdelay $0x1  }
0x20e: {  	v5 =	vmul.f32 v4, v3;
	_ =	sdelay $0x1  }
0x20f: {  	v5 =	vmul.f32 v5, v4;
	_ =	sdelay $0x1  }
0x210: {  	v5 =	vsub.f32 $1.500000000e+00, v5;
	_ =	sdelay $0x1  }
0x211: {  	v4 =	vmul.f32 v5, v4;
	_ =	sdelay $0x1  }
0x212: {  	v3 =	vmul.f32 v4, v3;
	_ =	sdelay $0x1  }
0x213: {  	v3 =	vmul.f32 v3, v4;
	_ =	sdelay $0x1  }
0x214: {  	v3 =	vsub.f32 $1.500000000e+00, v3;
	_ =	sdelay $0x1  }
0x215: {  	v3 =	vmul.f32 v3, v4  }
0x216: {  	s1 =	sshra.s32 s1, $0x2  }
0x217: {  	s29 =	rddreg [dreg:$0xa];
	[tilespmem:s1+$0x1B500] =	vst v3  }
0x218: {  	[tilespmem:s9], [sflag:$0x1] =	stream.strided.gather [hbm4b:s29+s15], $0x2000, s12, s15, $0x38;
	[tilespmem:$0x1D410] =	vst v63  }
0x219: {  	_ =	swait.ge [sflag:s4], $0x2000  }
0x21a: {  	[sflag:s4] =	ssyncset.done $0x0  }
0x21b: {  	s1 =	simm.s32 $0x16D20;
	[sflag:s4] =	ssyncadd.s32 $0xFFFFE000  }
0x21c: {  	v3 =	vld [tilespmem:s1+$0xFFFFFFF0]  }
0x21d: {  	v5 =	vld [tilespmem:s1+$0x10]  }
0x21e: {  	s5 =	simm.s32 $0x0;
	v4 =	vld [tilespmem:s1+$0xFFFFFFE0]  }
0x21f: {  	v7 =	vld [tilespmem:s5+$0x1B500]  }
0x220: {  	v8 =	vld [tilespmem:s1+$0x0];
	_ =	sdelay $0x3  }
0x221: {  	v4 =	vmul.f32 v4, v7;
	v6 =	vmul.f32 v5, v7  }
0x222: {  	s17 =	simm.s32 $0x16D20;
	s5 =	simm.s32 $0x40;
	v5 =	vmul.f32 v3, v7;
	v3 =	vmul.f32 v8, v7  }
.LBB2_12:
0x223: {  	p0 =	sne.s32 s5, $0x1FC0  }
0x224: {  	[tilespmem:s1+$0x10] =	vst v6;
	s17 =	sadd.s32 $0x40, s17;
	s18 =	smov.u32 s5;
	s5 =	sadd.s32 $0x40, s5  }
0x225: {  	v7 =	vld [tilespmem:s17+$0xFFFFFFF0];
	[tilespmem:s1+$0xFFFFFFE0] =	vst v4  }
0x226: {  	v6 =	vld [tilespmem:s17+$0x10];
	[tilespmem:s1+$0xFFFFFFF0] =	vst v5  }
0x227: {  	s18 =	sshra.s32 s18, $0x2;
	v4 =	vld [tilespmem:s17+$0xFFFFFFE0];
	[tilespmem:s1+$0x0] =	vst v3;
	s1 =	smov.u32 s17  }
0x228: {  	v3 =	vld [tilespmem:s18+$0x1B500]  }
0x229: {  	v8 =	vld [tilespmem:s17+$0x0]  }
.Ltmp5:
0x22a: {  	(pc) =	sbr.rel @p0 .LBB2_12-.Ltmp5, $3  }
0x22b: {  	_ =	sdelay $0x1  }
0x22c: {  	v4 =	vmul.f32 v4, v3;
	v6 =	vmul.f32 v6, v3  }
0x22d: {  	v5 =	vmul.f32 v7, v3;
	v3 =	vmul.f32 v8, v3  }
0x22e: {  	[tilespmem:s1+$0x10] =	vst v6  }
0x22f: {  	[tilespmem:s1+$0xFFFFFFE0] =	vst v4  }
0x230: {  	[tilespmem:s1+$0xFFFFFFF0] =	vst v5  }
0x231: {  	s5 =	simm.s32 $0x16D00;
	s18 =	rddreg [dreg:$0x13];
	[tilespmem:s1+$0x0] =	vst v3  }
0x232: {  	[spmem:s18] =	stream.linear.scatter [tilespmem:s5], [sflag:$0x1], $0x2000, $0x38;
	[tilespmem:$0x1D410] =	vst v63  }
0x233: {  	_ =	swait.ge [sflag:s4], $0x2000  }
0x234: {  	[sflag:s4] =	ssyncset.done $0x0  }
0x235: {  	s29 =	rddreg [dreg:$0x14];
	[sflag:s4] =	ssyncadd.s32 $0xFFFFE000  }
0x236: {  	[tilespmem:s5], [sflag:$0x1] =	stream.linear.gather [spmem:s29], $0x2000, $0x38;
	[tilespmem:$0x1D410] =	vst v63  }
0x237: {  	_ =	swait.ge [sflag:s4], $0x2000  }
0x238: {  	[sflag:s4] =	ssyncset.done $0x0  }
0x239: {  	s7 =	simm.s32 $0x18D00;
	[sflag:s4] =	ssyncadd.s32 $0xFFFFE000  }
0x23a: {  	[spmem:s29] =	stream.linear.scatter [tilespmem:s7], [sflag:$0x1], $0x2000, $0x38;
	[tilespmem:$0x1D410] =	vst v63  }
0x23b: {  	_ =	swait.ge [sflag:s4], $0x2000  }
0x23c: {  	[sflag:s4] =	ssyncset.done $0x0  }
0x23d: {  	[sflag:s4] =	ssyncadd.s32 $0xFFFFE000  }
0x23e: {  	s17 =	simm.s32 $0x40;
	s1 =	simm.s32 $0x0;
	v3 =	vld [tilespmem:s5+$0x0]  }
.LBB2_14:
0x23f: {  	p0 =	sne.s32 s17, $0x1FC0;
	_ =	sdelay $0x3  }
0x240: {  	v3 =	vmax.f32 v3, $1.000000000e+00  }
0x241: {  	vm0 =	vge.f32 v3, $4.000000000e+00  }
0x242: {  	vm1 =	vge.f32 v3, $1.600000000e+01;
	v4 =	vsel vm0, $0x3EB33333, v2  }
0x243: {  	vm0 =	vge.f32 v3, $6.400000000e+01;
	v4 =	vsel vm1, $0x3E333333, v4  }
0x244: {  	vm1 =	vge.f32 v3, $2.560000000e+02;
	v4 =	vsel vm0, $0x3DB33333, v4  }
0x245: {  	vm0 =	vge.f32 v3, $1.024000000e+03;
	v4 =	vsel vm1, $0x3D333333, v4  }
0x246: {  	vm1 =	vge.f32 v3, $4.096000000e+03;
	v4 =	vsel vm0, $0x3CB33333, v4  }
0x247: {  	vm0 =	vge.f32 v3, $1.638400000e+04;
	v4 =	vsel vm1, $0x3C333333, v4  }
0x248: {  	vm1 =	vge.f32 v3, $6.553600000e+04;
	v4 =	vsel vm0, $0x3BB33333, v4  }
0x249: {  	vm0 =	vge.f32 v3, $2.621440000e+05;
	v3 =	vmul.f32 $5.000000000e-01, v3;
	v4 =	vsel vm1, $0x3B333333, v4  }
0x24a: {  	v4 =	vsel vm0, $0x3AB33333, v4  }
0x24b: {  	v5 =	vmul.f32 v4, v3;
	_ =	sdelay $0x1  }
0x24c: {  	v5 =	vmul.f32 v5, v4;
	_ =	sdelay $0x1  }
0x24d: {  	v5 =	vsub.f32 $1.500000000e+00, v5;
	_ =	sdelay $0x1  }
0x24e: {  	v4 =	vmul.f32 v5, v4;
	_ =	sdelay $0x1  }
0x24f: {  	v5 =	vmul.f32 v4, v3;
	_ =	sdelay $0x1  }
0x250: {  	v5 =	vmul.f32 v5, v4;
	_ =	sdelay $0x1  }
0x251: {  	v5 =	vsub.f32 $1.500000000e+00, v5;
	_ =	sdelay $0x1  }
0x252: {  	v4 =	vmul.f32 v5, v4;
	_ =	sdelay $0x1  }
0x253: {  	v5 =	vmul.f32 v4, v3;
	_ =	sdelay $0x1  }
0x254: {  	v5 =	vmul.f32 v5, v4;
	_ =	sdelay $0x1  }
0x255: {  	v5 =	vsub.f32 $1.500000000e+00, v5;
	_ =	sdelay $0x1  }
0x256: {  	v4 =	vmul.f32 v5, v4;
	_ =	sdelay $0x1  }
0x257: {  	v5 =	vmul.f32 v4, v3;
	_ =	sdelay $0x1  }
0x258: {  	v5 =	vmul.f32 v5, v4;
	_ =	sdelay $0x1  }
0x259: {  	v5 =	vsub.f32 $1.500000000e+00, v5;
	_ =	sdelay $0x1  }
0x25a: {  	v4 =	vmul.f32 v5, v4;
	_ =	sdelay $0x1  }
0x25b: {  	v5 =	vmul.f32 v4, v3;
	_ =	sdelay $0x1  }
0x25c: {  	v5 =	vmul.f32 v5, v4;
	_ =	sdelay $0x1  }
0x25d: {  	v5 =	vsub.f32 $1.500000000e+00, v5;
	_ =	sdelay $0x1  }
0x25e: {  	v4 =	vmul.f32 v5, v4;
	_ =	sdelay $0x1  }
0x25f: {  	v3 =	vmul.f32 v4, v3;
	_ =	sdelay $0x1  }
0x260: {  	v3 =	vmul.f32 v3, v4;
	_ =	sdelay $0x1  }
0x261: {  	v3 =	vsub.f32 $1.500000000e+00, v3  }
.Ltmp6:
0x262: {  	(pc) =	sbr.rel @p0 .LBB2_14-.Ltmp6, $4  }
0x263: {  	v3 =	vmul.f32 v3, v4  }
0x264: {  	s18 =	sshra.s32 s1, $0x2;
	s1 =	smov.u32 s17  }
0x265: {  	s5 =	sadd.s32 $0x40, s5;
	[tilespmem:s18+$0x1BD00] =	vst v3  }
0x266: {  	s17 =	sadd.s32 $0x40, s17;
	v3 =	vld [tilespmem:s5+$0x0]  }
0x267: {  	_ =	sdelay $0x3  }
0x268: {  	v3 =	vmax.f32 v3, $1.000000000e+00  }
0x269: {  	vm0 =	vge.f32 v3, $4.000000000e+00  }
0x26a: {  	vm1 =	vge.f32 v3, $1.600000000e+01;
	v4 =	vsel vm0, $0x3EB33333, v2  }
0x26b: {  	vm9 =	vge.f32 v3, $6.400000000e+01;
	v4 =	vsel vm1, $0x3E333333, v4  }
0x26c: {  	vm10 =	vge.f32 v3, $2.560000000e+02;
	v4 =	vsel vm9, $0x3DB33333, v4  }
0x26d: {  	vm11 =	vge.f32 v3, $1.024000000e+03;
	v4 =	vsel vm10, $0x3D333333, v4  }
0x26e: {  	vm12 =	vge.f32 v3, $4.096000000e+03;
	v4 =	vsel vm11, $0x3CB33333, v4  }
0x26f: {  	vm13 =	vge.f32 v3, $1.638400000e+04;
	v4 =	vsel vm12, $0x3C333333, v4  }
0x270: {  	vm14 =	vge.f32 v3, $6.553600000e+04;
	v4 =	vsel vm13, $0x3BB33333, v4  }
0x271: {  	vm15 =	vge.f32 v3, $2.621440000e+05;
	v3 =	vmul.f32 $5.000000000e-01, v3;
	v4 =	vsel vm14, $0x3B333333, v4  }
0x272: {  	v4 =	vsel vm15, $0x3AB33333, v4  }
0x273: {  	v5 =	vmul.f32 v4, v3;
	_ =	sdelay $0x1  }
0x274: {  	v5 =	vmul.f32 v5, v4;
	_ =	sdelay $0x1  }
0x275: {  	v5 =	vsub.f32 $1.500000000e+00, v5;
	_ =	sdelay $0x1  }
0x276: {  	v4 =	vmul.f32 v5, v4;
	_ =	sdelay $0x1  }
0x277: {  	v5 =	vmul.f32 v4, v3;
	_ =	sdelay $0x1  }
0x278: {  	v5 =	vmul.f32 v5, v4;
	_ =	sdelay $0x1  }
0x279: {  	v5 =	vsub.f32 $1.500000000e+00, v5;
	_ =	sdelay $0x1  }
0x27a: {  	v4 =	vmul.f32 v5, v4;
	_ =	sdelay $0x1  }
0x27b: {  	v5 =	vmul.f32 v4, v3;
	_ =	sdelay $0x1  }
0x27c: {  	v5 =	vmul.f32 v5, v4;
	_ =	sdelay $0x1  }
0x27d: {  	v5 =	vsub.f32 $1.500000000e+00, v5;
	_ =	sdelay $0x1  }
0x27e: {  	v4 =	vmul.f32 v5, v4;
	_ =	sdelay $0x1  }
0x27f: {  	v5 =	vmul.f32 v4, v3;
	_ =	sdelay $0x1  }
0x280: {  	v5 =	vmul.f32 v5, v4;
	_ =	sdelay $0x1  }
0x281: {  	v5 =	vsub.f32 $1.500000000e+00, v5;
	_ =	sdelay $0x1  }
0x282: {  	v4 =	vmul.f32 v5, v4;
	_ =	sdelay $0x1  }
0x283: {  	v5 =	vmul.f32 v4, v3;
	_ =	sdelay $0x1  }
0x284: {  	v5 =	vmul.f32 v5, v4;
	_ =	sdelay $0x1  }
0x285: {  	v5 =	vsub.f32 $1.500000000e+00, v5;
	_ =	sdelay $0x1  }
0x286: {  	v4 =	vmul.f32 v5, v4;
	_ =	sdelay $0x1  }
0x287: {  	v3 =	vmul.f32 v4, v3;
	_ =	sdelay $0x1  }
0x288: {  	v3 =	vmul.f32 v3, v4;
	_ =	sdelay $0x1  }
0x289: {  	v3 =	vsub.f32 $1.500000000e+00, v3;
	_ =	sdelay $0x1  }
0x28a: {  	v3 =	vmul.f32 v3, v4  }
0x28b: {  	s1 =	sshra.s32 s1, $0x2  }
0x28c: {  	s29 =	rddreg [dreg:$0xe];
	[tilespmem:s1+$0x1BD00] =	vst v3  }
0x28d: {  	[tilespmem:s9], [sflag:$0x1] =	stream.strided.gather [hbm4b:s29+s15], $0x2000, s12, s15, $0x38;
	[tilespmem:$0x1D410] =	vst v63  }
0x28e: {  	_ =	swait.ge [sflag:s4], $0x2000  }
0x28f: {  	[sflag:s4] =	ssyncset.done $0x0  }
0x290: {  	s1 =	simm.s32 $0x16D20;
	[sflag:s4] =	ssyncadd.s32 $0xFFFFE000  }
0x291: {  	v3 =	vld [tilespmem:s1+$0xFFFFFFF0]  }
0x292: {  	v5 =	vld [tilespmem:s1+$0x10]  }
0x293: {  	s5 =	simm.s32 $0x0;
	v4 =	vld [tilespmem:s1+$0xFFFFFFE0]  }
0x294: {  	v7 =	vld [tilespmem:s5+$0x1BD00]  }
0x295: {  	v8 =	vld [tilespmem:s1+$0x0];
	_ =	sdelay $0x3  }
0x296: {  	v4 =	vmul.f32 v4, v7;
	v6 =	vmul.f32 v5, v7  }
0x297: {  	s17 =	simm.s32 $0x16D20;
	s5 =	simm.s32 $0x40;
	v5 =	vmul.f32 v3, v7;
	v3 =	vmul.f32 v8, v7  }
.LBB2_16:
0x298: {  	p0 =	sne.s32 s5, $0x1FC0  }
0x299: {  	[tilespmem:s1+$0x10] =	vst v6;
	s17 =	sadd.s32 $0x40, s17;
	s18 =	smov.u32 s5;
	s5 =	sadd.s32 $0x40, s5  }
0x29a: {  	v7 =	vld [tilespmem:s17+$0xFFFFFFF0];
	[tilespmem:s1+$0xFFFFFFE0] =	vst v4  }
0x29b: {  	v6 =	vld [tilespmem:s17+$0x10];
	[tilespmem:s1+$0xFFFFFFF0] =	vst v5  }
0x29c: {  	s18 =	sshra.s32 s18, $0x2;
	v4 =	vld [tilespmem:s17+$0xFFFFFFE0];
	[tilespmem:s1+$0x0] =	vst v3;
	s1 =	smov.u32 s17  }
0x29d: {  	v3 =	vld [tilespmem:s18+$0x1BD00]  }
0x29e: {  	v8 =	vld [tilespmem:s17+$0x0]  }
.Ltmp7:
0x29f: {  	(pc) =	sbr.rel @p0 .LBB2_16-.Ltmp7, $3  }
0x2a0: {  	_ =	sdelay $0x1  }
0x2a1: {  	v4 =	vmul.f32 v4, v3;
	v6 =	vmul.f32 v6, v3  }
0x2a2: {  	v5 =	vmul.f32 v7, v3;
	v3 =	vmul.f32 v8, v3  }
0x2a3: {  	[tilespmem:s1+$0x10] =	vst v6  }
0x2a4: {  	[tilespmem:s1+$0xFFFFFFE0] =	vst v4  }
0x2a5: {  	[tilespmem:s1+$0xFFFFFFF0] =	vst v5  }
0x2a6: {  	s5 =	simm.s32 $0x16D00;
	s18 =	rddreg [dreg:$0x15];
	[tilespmem:s1+$0x0] =	vst v3  }
0x2a7: {  	[spmem:s18] =	stream.linear.scatter [tilespmem:s5], [sflag:$0x1], $0x2000, $0x38;
	[tilespmem:$0x1D410] =	vst v63  }
0x2a8: {  	_ =	swait.ge [sflag:s4], $0x2000  }
0x2a9: {  	[sflag:s4] =	ssyncset.done $0x0  }
0x2aa: {  	s29 =	rddreg [dreg:$0x16];
	[sflag:s4] =	ssyncadd.s32 $0xFFFFE000  }
0x2ab: {  	[tilespmem:s5], [sflag:$0x1] =	stream.linear.gather [spmem:s29], $0x2000, $0x38;
	[tilespmem:$0x1D410] =	vst v63  }
0x2ac: {  	_ =	swait.ge [sflag:s4], $0x2000  }
0x2ad: {  	[sflag:s4] =	ssyncset.done $0x0  }
0x2ae: {  	s7 =	simm.s32 $0x18D00;
	[sflag:s4] =	ssyncadd.s32 $0xFFFFE000  }
0x2af: {  	[spmem:s29] =	stream.linear.scatter [tilespmem:s7], [sflag:$0x1], $0x2000, $0x38;
	[tilespmem:$0x1D410] =	vst v63  }
0x2b0: {  	_ =	swait.ge [sflag:s4], $0x2000  }
0x2b1: {  	[sflag:s4] =	ssyncset.done $0x0  }
0x2b2: {  	[sflag:s4] =	ssyncadd.s32 $0xFFFFE000  }
0x2b3: {  	s17 =	simm.s32 $0x40;
	s1 =	simm.s32 $0x0;
	v3 =	vld [tilespmem:s5+$0x0]  }
.LBB2_18:
0x2b4: {  	p0 =	sne.s32 s17, $0x1FC0;
	_ =	sdelay $0x3  }
0x2b5: {  	v3 =	vmax.f32 v3, $1.000000000e+00  }
0x2b6: {  	vm0 =	vge.f32 v3, $4.000000000e+00  }
0x2b7: {  	vm1 =	vge.f32 v3, $1.600000000e+01;
	v4 =	vsel vm0, $0x3EB33333, v2  }
0x2b8: {  	vm0 =	vge.f32 v3, $6.400000000e+01;
	v4 =	vsel vm1, $0x3E333333, v4  }
0x2b9: {  	vm1 =	vge.f32 v3, $2.560000000e+02;
	v4 =	vsel vm0, $0x3DB33333, v4  }
0x2ba: {  	vm0 =	vge.f32 v3, $1.024000000e+03;
	v4 =	vsel vm1, $0x3D333333, v4  }
0x2bb: {  	vm1 =	vge.f32 v3, $4.096000000e+03;
	v4 =	vsel vm0, $0x3CB33333, v4  }
0x2bc: {  	vm0 =	vge.f32 v3, $1.638400000e+04;
	v4 =	vsel vm1, $0x3C333333, v4  }
0x2bd: {  	vm1 =	vge.f32 v3, $6.553600000e+04;
	v4 =	vsel vm0, $0x3BB33333, v4  }
0x2be: {  	vm0 =	vge.f32 v3, $2.621440000e+05;
	v3 =	vmul.f32 $5.000000000e-01, v3;
	v4 =	vsel vm1, $0x3B333333, v4  }
0x2bf: {  	v4 =	vsel vm0, $0x3AB33333, v4  }
0x2c0: {  	v5 =	vmul.f32 v4, v3;
	_ =	sdelay $0x1  }
0x2c1: {  	v5 =	vmul.f32 v5, v4;
	_ =	sdelay $0x1  }
0x2c2: {  	v5 =	vsub.f32 $1.500000000e+00, v5;
	_ =	sdelay $0x1  }
0x2c3: {  	v4 =	vmul.f32 v5, v4;
	_ =	sdelay $0x1  }
0x2c4: {  	v5 =	vmul.f32 v4, v3;
	_ =	sdelay $0x1  }
0x2c5: {  	v5 =	vmul.f32 v5, v4;
	_ =	sdelay $0x1  }
0x2c6: {  	v5 =	vsub.f32 $1.500000000e+00, v5;
	_ =	sdelay $0x1  }
0x2c7: {  	v4 =	vmul.f32 v5, v4;
	_ =	sdelay $0x1  }
0x2c8: {  	v5 =	vmul.f32 v4, v3;
	_ =	sdelay $0x1  }
0x2c9: {  	v5 =	vmul.f32 v5, v4;
	_ =	sdelay $0x1  }
0x2ca: {  	v5 =	vsub.f32 $1.500000000e+00, v5;
	_ =	sdelay $0x1  }
0x2cb: {  	v4 =	vmul.f32 v5, v4;
	_ =	sdelay $0x1  }
0x2cc: {  	v5 =	vmul.f32 v4, v3;
	_ =	sdelay $0x1  }
0x2cd: {  	v5 =	vmul.f32 v5, v4;
	_ =	sdelay $0x1  }
0x2ce: {  	v5 =	vsub.f32 $1.500000000e+00, v5;
	_ =	sdelay $0x1  }
0x2cf: {  	v4 =	vmul.f32 v5, v4;
	_ =	sdelay $0x1  }
0x2d0: {  	v5 =	vmul.f32 v4, v3;
	_ =	sdelay $0x1  }
0x2d1: {  	v5 =	vmul.f32 v5, v4;
	_ =	sdelay $0x1  }
0x2d2: {  	v5 =	vsub.f32 $1.500000000e+00, v5;
	_ =	sdelay $0x1  }
0x2d3: {  	v4 =	vmul.f32 v5, v4;
	_ =	sdelay $0x1  }
0x2d4: {  	v3 =	vmul.f32 v4, v3;
	_ =	sdelay $0x1  }
0x2d5: {  	v3 =	vmul.f32 v3, v4;
	_ =	sdelay $0x1  }
0x2d6: {  	v3 =	vsub.f32 $1.500000000e+00, v3  }
.Ltmp8:
0x2d7: {  	(pc) =	sbr.rel @p0 .LBB2_18-.Ltmp8, $4  }
0x2d8: {  	v3 =	vmul.f32 v3, v4  }
0x2d9: {  	s18 =	sshra.s32 s1, $0x2;
	s1 =	smov.u32 s17  }
0x2da: {  	s5 =	sadd.s32 $0x40, s5;
	[tilespmem:s18+$0x1C500] =	vst v3  }
0x2db: {  	s17 =	sadd.s32 $0x40, s17;
	v3 =	vld [tilespmem:s5+$0x0]  }
0x2dc: {  	_ =	sdelay $0x3  }
0x2dd: {  	v3 =	vmax.f32 v3, $1.000000000e+00  }
0x2de: {  	vm0 =	vge.f32 v3, $4.000000000e+00  }
0x2df: {  	vm1 =	vge.f32 v3, $1.600000000e+01;
	v4 =	vsel vm0, $0x3EB33333, v2  }
0x2e0: {  	vm9 =	vge.f32 v3, $6.400000000e+01;
	v4 =	vsel vm1, $0x3E333333, v4  }
0x2e1: {  	vm10 =	vge.f32 v3, $2.560000000e+02;
	v4 =	vsel vm9, $0x3DB33333, v4  }
0x2e2: {  	vm11 =	vge.f32 v3, $1.024000000e+03;
	v4 =	vsel vm10, $0x3D333333, v4  }
0x2e3: {  	vm12 =	vge.f32 v3, $4.096000000e+03;
	v4 =	vsel vm11, $0x3CB33333, v4  }
0x2e4: {  	vm13 =	vge.f32 v3, $1.638400000e+04;
	v4 =	vsel vm12, $0x3C333333, v4  }
0x2e5: {  	vm14 =	vge.f32 v3, $6.553600000e+04;
	v4 =	vsel vm13, $0x3BB33333, v4  }
0x2e6: {  	vm15 =	vge.f32 v3, $2.621440000e+05;
	v3 =	vmul.f32 $5.000000000e-01, v3;
	v4 =	vsel vm14, $0x3B333333, v4  }
0x2e7: {  	v4 =	vsel vm15, $0x3AB33333, v4  }
0x2e8: {  	v5 =	vmul.f32 v4, v3;
	_ =	sdelay $0x1  }
0x2e9: {  	v5 =	vmul.f32 v5, v4;
	_ =	sdelay $0x1  }
0x2ea: {  	v5 =	vsub.f32 $1.500000000e+00, v5;
	_ =	sdelay $0x1  }
0x2eb: {  	v4 =	vmul.f32 v5, v4;
	_ =	sdelay $0x1  }
0x2ec: {  	v5 =	vmul.f32 v4, v3;
	_ =	sdelay $0x1  }
0x2ed: {  	v5 =	vmul.f32 v5, v4;
	_ =	sdelay $0x1  }
0x2ee: {  	v5 =	vsub.f32 $1.500000000e+00, v5;
	_ =	sdelay $0x1  }
0x2ef: {  	v4 =	vmul.f32 v5, v4;
	_ =	sdelay $0x1  }
0x2f0: {  	v5 =	vmul.f32 v4, v3;
	_ =	sdelay $0x1  }
0x2f1: {  	v5 =	vmul.f32 v5, v4;
	_ =	sdelay $0x1  }
0x2f2: {  	v5 =	vsub.f32 $1.500000000e+00, v5;
	_ =	sdelay $0x1  }
0x2f3: {  	v4 =	vmul.f32 v5, v4;
	_ =	sdelay $0x1  }
0x2f4: {  	v5 =	vmul.f32 v4, v3;
	_ =	sdelay $0x1  }
0x2f5: {  	v5 =	vmul.f32 v5, v4;
	_ =	sdelay $0x1  }
0x2f6: {  	v5 =	vsub.f32 $1.500000000e+00, v5;
	_ =	sdelay $0x1  }
0x2f7: {  	v4 =	vmul.f32 v5, v4;
	_ =	sdelay $0x1  }
0x2f8: {  	v5 =	vmul.f32 v4, v3;
	_ =	sdelay $0x1  }
0x2f9: {  	v5 =	vmul.f32 v5, v4;
	_ =	sdelay $0x1  }
0x2fa: {  	v5 =	vsub.f32 $1.500000000e+00, v5;
	_ =	sdelay $0x1  }
0x2fb: {  	v4 =	vmul.f32 v5, v4;
	_ =	sdelay $0x1  }
0x2fc: {  	v3 =	vmul.f32 v4, v3;
	_ =	sdelay $0x1  }
0x2fd: {  	v3 =	vmul.f32 v3, v4;
	_ =	sdelay $0x1  }
0x2fe: {  	v3 =	vsub.f32 $1.500000000e+00, v3;
	_ =	sdelay $0x1  }
0x2ff: {  	v3 =	vmul.f32 v3, v4  }
0x300: {  	s1 =	sshra.s32 s1, $0x2  }
0x301: {  	s29 =	rddreg [dreg:$0xf];
	[tilespmem:s1+$0x1C500] =	vst v3  }
0x302: {  	[tilespmem:s9], [sflag:$0x1] =	stream.strided.gather [hbm4b:s29+s15], $0x2000, s12, s15, $0x38;
	[tilespmem:$0x1D410] =	vst v63  }
0x303: {  	_ =	swait.ge [sflag:s4], $0x2000  }
0x304: {  	[sflag:s4] =	ssyncset.done $0x0  }
0x305: {  	s1 =	simm.s32 $0x16D20;
	[sflag:s4] =	ssyncadd.s32 $0xFFFFE000  }
0x306: {  	v3 =	vld [tilespmem:s1+$0xFFFFFFF0]  }
0x307: {  	v5 =	vld [tilespmem:s1+$0x10]  }
0x308: {  	s5 =	simm.s32 $0x0;
	v4 =	vld [tilespmem:s1+$0xFFFFFFE0]  }
0x309: {  	v7 =	vld [tilespmem:s5+$0x1C500]  }
0x30a: {  	v8 =	vld [tilespmem:s1+$0x0];
	_ =	sdelay $0x3  }
0x30b: {  	v4 =	vmul.f32 v4, v7;
	v6 =	vmul.f32 v5, v7  }
0x30c: {  	s17 =	simm.s32 $0x16D20;
	s5 =	simm.s32 $0x40;
	v5 =	vmul.f32 v3, v7;
	v3 =	vmul.f32 v8, v7  }
.LBB2_20:
0x30d: {  	p0 =	sne.s32 s5, $0x1FC0  }
0x30e: {  	[tilespmem:s1+$0x10] =	vst v6;
	s17 =	sadd.s32 $0x40, s17;
	s18 =	smov.u32 s5;
	s5 =	sadd.s32 $0x40, s5  }
0x30f: {  	v7 =	vld [tilespmem:s17+$0xFFFFFFF0];
	[tilespmem:s1+$0xFFFFFFE0] =	vst v4  }
0x310: {  	v6 =	vld [tilespmem:s17+$0x10];
	[tilespmem:s1+$0xFFFFFFF0] =	vst v5  }
0x311: {  	s18 =	sshra.s32 s18, $0x2;
	v4 =	vld [tilespmem:s17+$0xFFFFFFE0];
	[tilespmem:s1+$0x0] =	vst v3;
	s1 =	smov.u32 s17  }
0x312: {  	v3 =	vld [tilespmem:s18+$0x1C500]  }
0x313: {  	v8 =	vld [tilespmem:s17+$0x0]  }
.Ltmp9:
0x314: {  	(pc) =	sbr.rel @p0 .LBB2_20-.Ltmp9, $3  }
0x315: {  	_ =	sdelay $0x1  }
0x316: {  	v4 =	vmul.f32 v4, v3;
	v6 =	vmul.f32 v6, v3  }
0x317: {  	v5 =	vmul.f32 v7, v3;
	v3 =	vmul.f32 v8, v3  }
0x318: {  	[tilespmem:s1+$0x10] =	vst v6  }
0x319: {  	[tilespmem:s1+$0xFFFFFFE0] =	vst v4  }
0x31a: {  	[tilespmem:s1+$0xFFFFFFF0] =	vst v5  }
0x31b: {  	s5 =	simm.s32 $0x16D00;
	s18 =	rddreg [dreg:$0x17];
	[tilespmem:s1+$0x0] =	vst v3  }
0x31c: {  	[spmem:s18] =	stream.linear.scatter [tilespmem:s5], [sflag:$0x1], $0x2000, $0x38;
	[tilespmem:$0x1D410] =	vst v63  }
0x31d: {  	_ =	swait.ge [sflag:s4], $0x2000  }
0x31e: {  	[sflag:s4] =	ssyncset.done $0x0  }
0x31f: {  	s29 =	rddreg [dreg:$0x18];
	[sflag:s4] =	ssyncadd.s32 $0xFFFFE000  }
0x320: {  	[tilespmem:s5], [sflag:$0x1] =	stream.linear.gather [spmem:s29], $0x1C40, $0x38;
	[tilespmem:$0x1D410] =	vst v63  }
0x321: {  	_ =	swait.ge [sflag:s4], $0x1C40  }
0x322: {  	[sflag:s4] =	ssyncset.done $0x0  }
0x323: {  	s7 =	simm.s32 $0x18D00;
	[sflag:s4] =	ssyncadd.s32 $0xFFFFE3C0  }
0x324: {  	[spmem:s29] =	stream.linear.scatter [tilespmem:s7], [sflag:$0x1], $0x1C40, $0x38;
	[tilespmem:$0x1D410] =	vst v63  }
0x325: {  	_ =	swait.ge [sflag:s4], $0x1C40  }
0x326: {  	[sflag:s4] =	ssyncset.done $0x0  }
0x327: {  	[sflag:s4] =	ssyncadd.s32 $0xFFFFE3C0  }
0x328: {  	s17 =	simm.s32 $0x40;
	s1 =	simm.s32 $0x0;
	v3 =	vld [tilespmem:s5+$0x0]  }
.LBB2_22:
0x329: {  	p0 =	sne.s32 s17, $0x1C00;
	_ =	sdelay $0x3  }
0x32a: {  	v3 =	vmax.f32 v3, $1.000000000e+00  }
0x32b: {  	vm0 =	vge.f32 v3, $4.000000000e+00  }
0x32c: {  	vm1 =	vge.f32 v3, $1.600000000e+01;
	v4 =	vsel vm0, $0x3EB33333, v2  }
0x32d: {  	vm0 =	vge.f32 v3, $6.400000000e+01;
	v4 =	vsel vm1, $0x3E333333, v4  }
0x32e: {  	vm1 =	vge.f32 v3, $2.560000000e+02;
	v4 =	vsel vm0, $0x3DB33333, v4  }
0x32f: {  	vm0 =	vge.f32 v3, $1.024000000e+03;
	v4 =	vsel vm1, $0x3D333333, v4  }
0x330: {  	vm1 =	vge.f32 v3, $4.096000000e+03;
	v4 =	vsel vm0, $0x3CB33333, v4  }
0x331: {  	vm0 =	vge.f32 v3, $1.638400000e+04;
	v4 =	vsel vm1, $0x3C333333, v4  }
0x332: {  	vm1 =	vge.f32 v3, $6.553600000e+04;
	v4 =	vsel vm0, $0x3BB33333, v4  }
0x333: {  	vm0 =	vge.f32 v3, $2.621440000e+05;
	v3 =	vmul.f32 $5.000000000e-01, v3;
	v4 =	vsel vm1, $0x3B333333, v4  }
0x334: {  	v4 =	vsel vm0, $0x3AB33333, v4  }
0x335: {  	v5 =	vmul.f32 v4, v3;
	_ =	sdelay $0x1  }
0x336: {  	v5 =	vmul.f32 v5, v4;
	_ =	sdelay $0x1  }
0x337: {  	v5 =	vsub.f32 $1.500000000e+00, v5;
	_ =	sdelay $0x1  }
0x338: {  	v4 =	vmul.f32 v5, v4;
	_ =	sdelay $0x1  }
0x339: {  	v5 =	vmul.f32 v4, v3;
	_ =	sdelay $0x1  }
0x33a: {  	v5 =	vmul.f32 v5, v4;
	_ =	sdelay $0x1  }
0x33b: {  	v5 =	vsub.f32 $1.500000000e+00, v5;
	_ =	sdelay $0x1  }
0x33c: {  	v4 =	vmul.f32 v5, v4;
	_ =	sdelay $0x1  }
0x33d: {  	v5 =	vmul.f32 v4, v3;
	_ =	sdelay $0x1  }
0x33e: {  	v5 =	vmul.f32 v5, v4;
	_ =	sdelay $0x1  }
0x33f: {  	v5 =	vsub.f32 $1.500000000e+00, v5;
	_ =	sdelay $0x1  }
0x340: {  	v4 =	vmul.f32 v5, v4;
	_ =	sdelay $0x1  }
0x341: {  	v5 =	vmul.f32 v4, v3;
	_ =	sdelay $0x1  }
0x342: {  	v5 =	vmul.f32 v5, v4;
	_ =	sdelay $0x1  }
0x343: {  	v5 =	vsub.f32 $1.500000000e+00, v5;
	_ =	sdelay $0x1  }
0x344: {  	v4 =	vmul.f32 v5, v4;
	_ =	sdelay $0x1  }
0x345: {  	v5 =	vmul.f32 v4, v3;
	_ =	sdelay $0x1  }
0x346: {  	v5 =	vmul.f32 v5, v4;
	_ =	sdelay $0x1  }
0x347: {  	v5 =	vsub.f32 $1.500000000e+00, v5;
	_ =	sdelay $0x1  }
0x348: {  	v4 =	vmul.f32 v5, v4;
	_ =	sdelay $0x1  }
0x349: {  	v3 =	vmul.f32 v4, v3;
	_ =	sdelay $0x1  }
0x34a: {  	v3 =	vmul.f32 v3, v4;
	_ =	sdelay $0x1  }
0x34b: {  	v3 =	vsub.f32 $1.500000000e+00, v3  }
.Ltmp10:
0x34c: {  	(pc) =	sbr.rel @p0 .LBB2_22-.Ltmp10, $4  }
0x34d: {  	v3 =	vmul.f32 v3, v4  }
0x34e: {  	s18 =	sshra.s32 s1, $0x2;
	s1 =	smov.u32 s17  }
0x34f: {  	s5 =	sadd.s32 $0x40, s5;
	[tilespmem:s18+$0x1CD00] =	vst v3  }
0x350: {  	s17 =	sadd.s32 $0x40, s17;
	v3 =	vld [tilespmem:s5+$0x0]  }
0x351: {  	_ =	sdelay $0x3  }
0x352: {  	v3 =	vmax.f32 v3, $1.000000000e+00  }
0x353: {  	vm0 =	vge.f32 v3, $4.000000000e+00  }
0x354: {  	vm1 =	vge.f32 v3, $1.600000000e+01;
	v4 =	vsel vm0, $0x3EB33333, v2  }
0x355: {  	vm9 =	vge.f32 v3, $6.400000000e+01;
	v4 =	vsel vm1, $0x3E333333, v4  }
0x356: {  	vm10 =	vge.f32 v3, $2.560000000e+02;
	v4 =	vsel vm9, $0x3DB33333, v4  }
0x357: {  	vm11 =	vge.f32 v3, $1.024000000e+03;
	v4 =	vsel vm10, $0x3D333333, v4  }
0x358: {  	vm12 =	vge.f32 v3, $4.096000000e+03;
	v4 =	vsel vm11, $0x3CB33333, v4  }
0x359: {  	vm13 =	vge.f32 v3, $1.638400000e+04;
	v4 =	vsel vm12, $0x3C333333, v4  }
0x35a: {  	vm14 =	vge.f32 v3, $6.553600000e+04;
	v4 =	vsel vm13, $0x3BB33333, v4  }
0x35b: {  	vm15 =	vge.f32 v3, $2.621440000e+05;
	v3 =	vmul.f32 $5.000000000e-01, v3;
	v4 =	vsel vm14, $0x3B333333, v4  }
0x35c: {  	v4 =	vsel vm15, $0x3AB33333, v4  }
0x35d: {  	v5 =	vmul.f32 v4, v3;
	_ =	sdelay $0x1  }
0x35e: {  	v5 =	vmul.f32 v5, v4;
	_ =	sdelay $0x1  }
0x35f: {  	v5 =	vsub.f32 $1.500000000e+00, v5;
	_ =	sdelay $0x1  }
0x360: {  	v4 =	vmul.f32 v5, v4;
	_ =	sdelay $0x1  }
0x361: {  	v5 =	vmul.f32 v4, v3;
	_ =	sdelay $0x1  }
0x362: {  	v5 =	vmul.f32 v5, v4;
	_ =	sdelay $0x1  }
0x363: {  	v5 =	vsub.f32 $1.500000000e+00, v5;
	_ =	sdelay $0x1  }
0x364: {  	v4 =	vmul.f32 v5, v4;
	_ =	sdelay $0x1  }
0x365: {  	v5 =	vmul.f32 v4, v3;
	_ =	sdelay $0x1  }
0x366: {  	v5 =	vmul.f32 v5, v4;
	_ =	sdelay $0x1  }
0x367: {  	v5 =	vsub.f32 $1.500000000e+00, v5;
	_ =	sdelay $0x1  }
0x368: {  	v4 =	vmul.f32 v5, v4;
	_ =	sdelay $0x1  }
0x369: {  	v5 =	vmul.f32 v4, v3;
	_ =	sdelay $0x1  }
0x36a: {  	v5 =	vmul.f32 v5, v4;
	_ =	sdelay $0x1  }
0x36b: {  	v5 =	vsub.f32 $1.500000000e+00, v5;
	_ =	sdelay $0x1  }
0x36c: {  	v4 =	vmul.f32 v5, v4;
	_ =	sdelay $0x1  }
0x36d: {  	v5 =	vmul.f32 v4, v3;
	_ =	sdelay $0x1  }
0x36e: {  	v5 =	vmul.f32 v5, v4;
	_ =	sdelay $0x1  }
0x36f: {  	v5 =	vsub.f32 $1.500000000e+00, v5;
	_ =	sdelay $0x1  }
0x370: {  	v4 =	vmul.f32 v5, v4;
	_ =	sdelay $0x1  }
0x371: {  	v3 =	vmul.f32 v4, v3;
	_ =	sdelay $0x1  }
0x372: {  	v3 =	vmul.f32 v3, v4;
	_ =	sdelay $0x1  }
0x373: {  	v3 =	vsub.f32 $1.500000000e+00, v3;
	_ =	sdelay $0x1  }
0x374: {  	v3 =	vmul.f32 v3, v4  }
0x375: {  	s1 =	sshra.s32 s1, $0x2  }
0x376: {  	s29 =	rddreg [dreg:$0x10];
	[tilespmem:s1+$0x1CD00] =	vst v3  }
0x377: {  	[tilespmem:s9], [sflag:$0x1] =	stream.strided.gather [hbm4b:s29+s15], $0x1C40, s12, s15, $0x38;
	[tilespmem:$0x1D410] =	vst v63  }
0x378: {  	_ =	swait.ge [sflag:s4], $0x1C40  }
0x379: {  	[sflag:s4] =	ssyncset.done $0x0  }
0x37a: {  	s1 =	simm.s32 $0x16D20;
	[sflag:s4] =	ssyncadd.s32 $0xFFFFE3C0  }
0x37b: {  	v3 =	vld [tilespmem:s1+$0xFFFFFFF0]  }
0x37c: {  	v5 =	vld [tilespmem:s1+$0x10]  }
0x37d: {  	s5 =	simm.s32 $0x0;
	v4 =	vld [tilespmem:s1+$0xFFFFFFE0]  }
0x37e: {  	v7 =	vld [tilespmem:s5+$0x1CD00]  }
0x37f: {  	v8 =	vld [tilespmem:s1+$0x0];
	_ =	sdelay $0x3  }
0x380: {  	v4 =	vmul.f32 v4, v7;
	v6 =	vmul.f32 v5, v7  }
0x381: {  	s17 =	simm.s32 $0x16D20;
	s5 =	simm.s32 $0x40;
	v5 =	vmul.f32 v3, v7;
	v3 =	vmul.f32 v8, v7  }
.LBB2_24:
0x382: {  	p0 =	sne.s32 s5, $0x1C00  }
0x383: {  	[tilespmem:s1+$0x10] =	vst v6;
	s17 =	sadd.s32 $0x40, s17;
	s18 =	smov.u32 s5;
	s5 =	sadd.s32 $0x40, s5  }
0x384: {  	v7 =	vld [tilespmem:s17+$0xFFFFFFF0];
	[tilespmem:s1+$0xFFFFFFE0] =	vst v4  }
0x385: {  	v6 =	vld [tilespmem:s17+$0x10];
	[tilespmem:s1+$0xFFFFFFF0] =	vst v5  }
0x386: {  	s18 =	sshra.s32 s18, $0x2;
	v4 =	vld [tilespmem:s17+$0xFFFFFFE0];
	[tilespmem:s1+$0x0] =	vst v3;
	s1 =	smov.u32 s17  }
0x387: {  	v3 =	vld [tilespmem:s18+$0x1CD00]  }
0x388: {  	v8 =	vld [tilespmem:s17+$0x0]  }
.Ltmp11:
0x389: {  	(pc) =	sbr.rel @p0 .LBB2_24-.Ltmp11, $3  }
0x38a: {  	_ =	sdelay $0x1  }
0x38b: {  	v4 =	vmul.f32 v4, v3;
	v6 =	vmul.f32 v6, v3  }
0x38c: {  	v5 =	vmul.f32 v7, v3;
	v3 =	vmul.f32 v8, v3  }
0x38d: {  	[tilespmem:s1+$0x10] =	vst v6  }
0x38e: {  	[tilespmem:s1+$0xFFFFFFE0] =	vst v4  }
0x38f: {  	[tilespmem:s1+$0xFFFFFFF0] =	vst v5  }
0x390: {  	s29 =	rddreg [dreg:$0x19];
	[tilespmem:s1+$0x0] =	vst v3  }
0x391: {  	[spmem:s29] =	stream.linear.scatter [tilespmem:s9], [sflag:$0x1], $0x1C40, $0x38;
	[tilespmem:$0x1D410] =	vst v63  }
0x392: {  	_ =	swait.ge [sflag:s4], $0x1C40  }
0x393: {  	[sflag:s4] =	ssyncset.done $0x0  }
0x394: {  	[sflag:s4] =	ssyncadd.s32 $0xFFFFE3C0  }
0x395: {  	s5 =	simm.s32 $0x0;
	[bflag:$0x0] =	sbarrier.arrive $0xFFFF  }
.LBB2_26:
0x396: {  	s14 =	simm.s32 $0x18D00;
	s1 =	simm.s32 $0x0  }
.LBB2_27:
0x397: {  	s17 =	smul.u32 $0xA00, s1;
	_ =	sdelay $0x1  }
0x398: {  	s17 =	sadd.s32 s31, s17  }
0x399: {  	s9 =	rddreg [dreg:$0x1];
	s17 =	sshrl.u32 s17, $0x3  }
0x39a: {  	s29 =	simm.s32 $0x0;
	s10 =	simm.s32 $0x13900;
	s18 =	sadd.s32 s9, s17  }
0x39b: {  	[tilespmem:s10], [sflag:$0x1] =	stream.linear.gather [hbm4b:s18+s29], $0xA00, $0x38;
	[tilespmem:$0x1D410] =	vst v63  }
0x39c: {  	_ =	swait.ge [sflag:s4], $0xA00  }
0x39d: {  	[sflag:s4] =	ssyncset.done $0x0  }
0x39e: {  	s17 =	sadd.s32 s6, s17;
	[sflag:s4] =	ssyncadd.s32 $0xFFFFF600  }
0x39f: {  	[tilespmem:s11], [sflag:$0x1] =	stream.linear.gather [hbm4b:s17+s29], $0xA00, $0x38;
	[tilespmem:$0x1D410] =	vst v63  }
0x3a0: {  	_ =	swait.ge [sflag:s4], $0xA00  }
0x3a1: {  	[sflag:s4] =	ssyncset.done $0x0  }
0x3a2: {  	s18 =	simm.s32 $0x13900;
	[sflag:s4] =	ssyncadd.s32 $0xFFFFF600  }
0x3a3: {  	[tilespmem:s16], [sflag:$0x1] =	stream.indirect.gather [spmem:s3], $0x40, s18, s12, $0xb8;
	[tilespmem:$0x1D410] =	vst v63  }
0x3a4: {  	_ =	swait.ge [sflag:s4], $0x2000  }
0x3a5: {  	[sflag:s4] =	ssyncset.done $0x0  }
0x3a6: {  	s29 =	simm.s32 $0x14300;
	[sflag:s4] =	ssyncadd.s32 $0xFFFFE000  }
0x3a7: {  	[spmem:s2] =	stream.indirect.scatter.add.f32 [tilespmem:s16], [sflag:$0x1], $0x40, s29, s12, $0xb8;
	[tilespmem:$0x1D410] =	vst v63  }
0x3a8: {  	_ =	swait.ge [sflag:s4], $0x2000  }
0x3a9: {  	s17 =	simm.s32 $0x80;
	s18 =	simm.s32 $0x400;
	[sflag:s4] =	ssyncset.done $0x0  }
.LBB2_28:
0x3aa: {  	s29 =	sadd.s32 $0x13900, s17  }
0x3ab: {  	[sflag:s4] =	ssyncadd.s32 $0xFFFFE000;
	s9 =	smov.u32 s18;
	s10 =	sadd.s32 $0x200, s18  }
0x3ac: {  	[tilespmem:s16], [sflag:$0x1] =	stream.indirect.gather [spmem:s3], $0x40, s29, s12, $0xb8;
	[tilespmem:$0x1D410] =	vst v63  }
0x3ad: {  	p0 =	sne.s32 s18, $0x2600;
	_ =	swait.ge [sflag:s4], $0x2000  }
.Ltmp12:
0x3ae: {  	[sflag:s4] =	ssyncset.done $0x0;
	(pc) =	sbr.rel @p0 .LBB2_28-.Ltmp12, $4  }
0x3af: {  	s17 =	sadd.s32 $0x14300, s17;
	[sflag:s4] =	ssyncadd.s32 $0xFFFFE000  }
0x3b0: {  	[spmem:s2] =	stream.indirect.scatter.add.f32 [tilespmem:s16], [sflag:$0x1], $0x40, s17, s12, $0xb8;
	[tilespmem:$0x1D410] =	vst v63  }
0x3b1: {  	_ =	swait.ge [sflag:s4], $0x2000  }
0x3b2: {  	s18 =	smov.u32 s10;
	s17 =	sshra.s32 s9, $0x2;
	[sflag:s4] =	ssyncset.done $0x0  }
0x3b3: {  	s9 =	sadd.s32 $0x13900, s17;
	[sflag:s4] =	ssyncadd.s32 $0xFFFFE000  }
0x3b4: {  	[tilespmem:s16], [sflag:$0x1] =	stream.indirect.gather [spmem:s3], $0x40, s9, s12, $0xb8;
	[tilespmem:$0x1D410] =	vst v63  }
0x3b5: {  	s1 =	sadd.s32 $0x1, s1;
	_ =	swait.ge [sflag:s4], $0x2000  }
0x3b6: {  	p0 =	sne.s32 s1, $0x8;
	[sflag:s4] =	ssyncset.done $0x0  }
.Ltmp13:
0x3b7: {  	s29 =	sadd.s32 $0x14300, s17;
	[sflag:s4] =	ssyncadd.s32 $0xFFFFE000;
	(pc) =	sbr.rel @p0 .LBB2_27-.Ltmp13, $4  }
0x3b8: {  	[spmem:s2] =	stream.indirect.scatter.add.f32 [tilespmem:s16], [sflag:$0x1], $0x40, s29, s12, $0xb8;
	[tilespmem:$0x1D410] =	vst v63  }
0x3b9: {  	_ =	swait.ge [sflag:s4], $0x2000  }
0x3ba: {  	[sflag:s4] =	ssyncset.done $0x0  }
0x3bb: {  	[sflag:s4] =	ssyncadd.s32 $0xFFFFE000  }
0x3bc: {  	[bflag:$0x0] =	sbarrier.arrive $0xFFFF  }
0x3bd: {  	s10 =	simm.s32 $0x16D00;
	s1 =	rddreg [dreg:$0x6]  }
0x3be: {  	[tilespmem:s10], [sflag:$0x1] =	stream.linear.gather [spmem:s1], $0x2000, $0x38;
	[tilespmem:$0x1D410] =	vst v63  }
0x3bf: {  	_ =	swait.ge [sflag:s4], $0x2000  }
0x3c0: {  	[sflag:s4] =	ssyncset.done $0x0  }
0x3c1: {  	[sflag:s4] =	ssyncadd.s32 $0xFFFFE000  }
0x3c2: {  	[spmem:s1] =	stream.linear.scatter [tilespmem:s14], [sflag:$0x1], $0x2000, $0x38;
	[tilespmem:$0x1D410] =	vst v63  }
0x3c3: {  	_ =	swait.ge [sflag:s4], $0x2000  }
0x3c4: {  	[sflag:s4] =	ssyncset.done $0x0  }
0x3c5: {  	s17 =	simm.s32 $0x0;
	[sflag:s4] =	ssyncadd.s32 $0xFFFFE000  }
0x3c6: {  	s1 =	simm.s32 $0x1AD00;
	v4 =	vld [tilespmem:s17+$0x16D30]  }
0x3c7: {  	v3 =	vld [tilespmem:s1+$0x0]  }
0x3c8: {  	v6 =	vld [tilespmem:s17+$0x16D10]  }
0x3c9: {  	v7 =	vld [tilespmem:s17+$0x16D00];
	_ =	sdelay $0x2  }
0x3ca: {  	v5 =	vld [tilespmem:s17+$0x16D20];
	v8 =	vmul.f32 v4, v3  }
0x3cb: {  	v4 =	vmul.f32 v6, v3  }
0x3cc: {  	s18 =	simm.s32 $0x100;
	v7 =	vmul.f32 v7, v3;
	[tilespmem:s17+$0x16D30] =	vst v8;
	v6 =	vmul.f32 v8, v3  }
.LBB2_31:
0x3cd: {  	p0 =	sne.s32 s18, $0x7F00  }
0x3ce: {  	[tilespmem:s17+$0x16D10] =	vst v4;
	s1 =	sadd.s32 $0x10, s1;
	s9 =	smov.u32 s18;
	s18 =	sadd.s32 $0x100, s18  }
0x3cf: {  	v5 =	vmul.f32 v5, v3;
	[tilespmem:s17+$0x16D00] =	vst v7;
	v7 =	vmul.f32 v7, v3  }
0x3d0: {  	[tilespmem:s17+$0x14D30] =	vst v6  }
0x3d1: {  	v4 =	vmul.f32 v4, v3;
	v3 =	vmul.f32 v5, v3;
	[tilespmem:s17+$0x14D00] =	vst v7  }
0x3d2: {  	[tilespmem:s17+$0x16D20] =	vst v5  }
0x3d3: {  	s9 =	sshra.s32 s9, $0x2;
	[tilespmem:s17+$0x14D10] =	vst v4  }
0x3d4: {  	v4 =	vld [tilespmem:s9+$0x16D30];
	[tilespmem:s17+$0x14D20] =	vst v3;
	s17 =	smov.u32 s9  }
0x3d5: {  	v3 =	vld [tilespmem:s1+$0x0]  }
0x3d6: {  	v6 =	vld [tilespmem:s17+$0x16D10]  }
0x3d7: {  	v7 =	vld [tilespmem:s17+$0x16D00]  }
.Ltmp14:
0x3d8: {  	v5 =	vld [tilespmem:s17+$0x16D20];
	(pc) =	sbr.rel @p0 .LBB2_31-.Ltmp14, $4  }
0x3d9: {  	_ = 	snop  }
0x3da: {  	v8 =	vmul.f32 v4, v3  }
0x3db: {  	v4 =	vmul.f32 v6, v3  }
0x3dc: {  	v7 =	vmul.f32 v7, v3;
	[tilespmem:s17+$0x16D30] =	vst v8;
	v6 =	vmul.f32 v8, v3  }
0x3dd: {  	[tilespmem:s17+$0x16D10] =	vst v4  }
0x3de: {  	v5 =	vmul.f32 v5, v3;
	[tilespmem:s17+$0x16D00] =	vst v7  }
0x3df: {  	s1 =	smul.u32 $0x138800, s5;
	v4 =	vmul.f32 v4, v3;
	[tilespmem:s17+$0x14D30] =	vst v6  }
0x3e0: {  	s9 =	rddreg [dreg:$0x7];
	v7 =	vmul.f32 v7, v3;
	[tilespmem:s17+$0x16D20] =	vst v5  }
0x3e1: {  	v3 =	vmul.f32 v5, v3;
	s9 =	sadd.s32 s9, s1;
	[tilespmem:s17+$0x14D10] =	vst v4  }
0x3e2: {  	[tilespmem:s17+$0x14D00] =	vst v7;
	s9 =	sshrl.u32 s9, $0x3  }
0x3e3: {  	[tilespmem:s17+$0x14D20] =	vst v3;
	s9 =	sadd.s32 s13, s9  }
0x3e4: {  	[hbm4b:s9+s15] =	stream.strided.scatter [tilespmem:s10], [sflag:$0x1], $0x2000, s12, s15, $0x38;
	[tilespmem:$0x1D410] =	vst v63  }
0x3e5: {  	_ =	swait.ge [sflag:s4], $0x2000  }
0x3e6: {  	[sflag:s4] =	ssyncset.done $0x0  }
0x3e7: {  	s17 =	rddreg [dreg:$0x12];
	[sflag:s4] =	ssyncadd.s32 $0xFFFFE000  }
0x3e8: {  	[spmem:s17] =	stream.linear.scatter [tilespmem:s16], [sflag:$0x1], $0x2000, $0x38;
	[tilespmem:$0x1D410] =	vst v63  }
0x3e9: {  	_ =	swait.ge [sflag:s4], $0x2000  }
0x3ea: {  	[sflag:s4] =	ssyncset.done $0x0  }
0x3eb: {  	s18 =	rddreg [dreg:$0x11];
	[sflag:s4] =	ssyncadd.s32 $0xFFFFE000  }
0x3ec: {  	[tilespmem:s10], [sflag:$0x1] =	stream.linear.gather [spmem:s18], $0x2000, $0x38;
	[tilespmem:$0x1D410] =	vst v63  }
0x3ed: {  	_ =	swait.ge [sflag:s4], $0x2000  }
0x3ee: {  	[sflag:s4] =	ssyncset.done $0x0  }
0x3ef: {  	s14 =	simm.s32 $0x18D00;
	[sflag:s4] =	ssyncadd.s32 $0xFFFFE000  }
0x3f0: {  	[spmem:s18] =	stream.linear.scatter [tilespmem:s14], [sflag:$0x1], $0x2000, $0x38;
	[tilespmem:$0x1D410] =	vst v63  }
0x3f1: {  	_ =	swait.ge [sflag:s4], $0x2000  }
0x3f2: {  	[sflag:s4] =	ssyncset.done $0x0  }
0x3f3: {  	s17 =	simm.s32 $0x0;
	[sflag:s4] =	ssyncadd.s32 $0xFFFFE000  }
0x3f4: {  	s18 =	simm.s32 $0x1B500;
	v4 =	vld [tilespmem:s17+$0x16D30]  }
0x3f5: {  	v3 =	vld [tilespmem:s18+$0x0]  }
0x3f6: {  	v6 =	vld [tilespmem:s17+$0x16D10]  }
0x3f7: {  	v7 =	vld [tilespmem:s17+$0x16D00];
	_ =	sdelay $0x2  }
0x3f8: {  	v5 =	vld [tilespmem:s17+$0x16D20];
	v8 =	vmul.f32 v4, v3  }
0x3f9: {  	v4 =	vmul.f32 v6, v3  }
0x3fa: {  	s7 =	simm.s32 $0x18D00;
	s29 =	simm.s32 $0x100;
	s14 =	simm.s32 $0x14400;
	v7 =	vmul.f32 v7, v3;
	[tilespmem:s17+$0x16D30] =	vst v8;
	v6 =	vmul.f32 v8, v3  }
.LBB2_33:
0x3fb: {  	p0 =	sne.s32 s29, $0x7F00  }
0x3fc: {  	[tilespmem:s17+$0x16D10] =	vst v4;
	s18 =	sadd.s32 $0x10, s18;
	s9 =	smov.u32 s29;
	s29 =	sadd.s32 $0x100, s29  }
0x3fd: {  	v5 =	vmul.f32 v5, v3;
	[tilespmem:s17+$0x16D00] =	vst v7;
	v7 =	vmul.f32 v7, v3  }
0x3fe: {  	[tilespmem:s17+$0x14D30] =	vst v6  }
0x3ff: {  	v4 =	vmul.f32 v4, v3;
	v3 =	vmul.f32 v5, v3;
	[tilespmem:s17+$0x14D00] =	vst v7  }
0x400: {  	[tilespmem:s17+$0x16D20] =	vst v5  }
0x401: {  	s9 =	sshra.s32 s9, $0x2;
	[tilespmem:s17+$0x14D10] =	vst v4  }
0x402: {  	v4 =	vld [tilespmem:s9+$0x16D30];
	[tilespmem:s17+$0x14D20] =	vst v3;
	s17 =	smov.u32 s9  }
0x403: {  	v3 =	vld [tilespmem:s18+$0x0]  }
0x404: {  	v6 =	vld [tilespmem:s17+$0x16D10]  }
0x405: {  	v7 =	vld [tilespmem:s17+$0x16D00]  }
.Ltmp15:
0x406: {  	v5 =	vld [tilespmem:s17+$0x16D20];
	(pc) =	sbr.rel @p0 .LBB2_33-.Ltmp15, $4  }
0x407: {  	_ = 	snop  }
0x408: {  	v8 =	vmul.f32 v4, v3  }
0x409: {  	v4 =	vmul.f32 v6, v3  }
0x40a: {  	v7 =	vmul.f32 v7, v3;
	[tilespmem:s17+$0x16D30] =	vst v8;
	v6 =	vmul.f32 v8, v3  }
0x40b: {  	[tilespmem:s17+$0x16D10] =	vst v4  }
0x40c: {  	v5 =	vmul.f32 v5, v3;
	[tilespmem:s17+$0x16D00] =	vst v7  }
0x40d: {  	v4 =	vmul.f32 v4, v3;
	[tilespmem:s17+$0x14D30] =	vst v6  }
0x40e: {  	s9 =	rddreg [dreg:$0x8];
	v7 =	vmul.f32 v7, v3;
	[tilespmem:s17+$0x16D20] =	vst v5  }
0x40f: {  	s9 =	sadd.s32 s9, s1;
	v3 =	vmul.f32 v5, v3;
	[tilespmem:s17+$0x14D10] =	vst v4  }
0x410: {  	s9 =	sshrl.u32 s9, $0x3;
	[tilespmem:s17+$0x14D00] =	vst v7  }
0x411: {  	s9 =	sadd.s32 s13, s9;
	[tilespmem:s17+$0x14D20] =	vst v3  }
0x412: {  	[hbm4b:s9+s15] =	stream.strided.scatter [tilespmem:s10], [sflag:$0x1], $0x2000, s12, s15, $0x38;
	[tilespmem:$0x1D410] =	vst v63  }
0x413: {  	_ =	swait.ge [sflag:s4], $0x2000  }
0x414: {  	[sflag:s4] =	ssyncset.done $0x0  }
0x415: {  	s17 =	rddreg [dreg:$0x13];
	[sflag:s4] =	ssyncadd.s32 $0xFFFFE000  }
0x416: {  	[spmem:s17] =	stream.linear.scatter [tilespmem:s16], [sflag:$0x1], $0x2000, $0x38;
	[tilespmem:$0x1D410] =	vst v63  }
0x417: {  	_ =	swait.ge [sflag:s4], $0x2000  }
0x418: {  	[sflag:s4] =	ssyncset.done $0x0  }
0x419: {  	s18 =	rddreg [dreg:$0x14];
	[sflag:s4] =	ssyncadd.s32 $0xFFFFE000  }
0x41a: {  	[tilespmem:s10], [sflag:$0x1] =	stream.linear.gather [spmem:s18], $0x2000, $0x38;
	[tilespmem:$0x1D410] =	vst v63  }
0x41b: {  	_ =	swait.ge [sflag:s4], $0x2000  }
0x41c: {  	[sflag:s4] =	ssyncset.done $0x0  }
0x41d: {  	[sflag:s4] =	ssyncadd.s32 $0xFFFFE000  }
0x41e: {  	[spmem:s18] =	stream.linear.scatter [tilespmem:s7], [sflag:$0x1], $0x2000, $0x38;
	[tilespmem:$0x1D410] =	vst v63  }
0x41f: {  	_ =	swait.ge [sflag:s4], $0x2000  }
0x420: {  	[sflag:s4] =	ssyncset.done $0x0  }
0x421: {  	s17 =	simm.s32 $0x0;
	[sflag:s4] =	ssyncadd.s32 $0xFFFFE000  }
0x422: {  	s18 =	simm.s32 $0x1BD00;
	v4 =	vld [tilespmem:s17+$0x16D30]  }
0x423: {  	v3 =	vld [tilespmem:s18+$0x0]  }
0x424: {  	v6 =	vld [tilespmem:s17+$0x16D10]  }
0x425: {  	v7 =	vld [tilespmem:s17+$0x16D00];
	_ =	sdelay $0x2  }
0x426: {  	v5 =	vld [tilespmem:s17+$0x16D20];
	v8 =	vmul.f32 v4, v3  }
0x427: {  	v4 =	vmul.f32 v6, v3  }
0x428: {  	s29 =	simm.s32 $0x100;
	v7 =	vmul.f32 v7, v3;
	[tilespmem:s17+$0x16D30] =	vst v8;
	v6 =	vmul.f32 v8, v3  }
.LBB2_35:
0x429: {  	p0 =	sne.s32 s29, $0x7F00  }
0x42a: {  	[tilespmem:s17+$0x16D10] =	vst v4;
	s18 =	sadd.s32 $0x10, s18;
	s9 =	smov.u32 s29;
	s29 =	sadd.s32 $0x100, s29  }
0x42b: {  	v5 =	vmul.f32 v5, v3;
	[tilespmem:s17+$0x16D00] =	vst v7;
	v7 =	vmul.f32 v7, v3  }
0x42c: {  	[tilespmem:s17+$0x14D30] =	vst v6  }
0x42d: {  	v4 =	vmul.f32 v4, v3;
	v3 =	vmul.f32 v5, v3;
	[tilespmem:s17+$0x14D00] =	vst v7  }
0x42e: {  	[tilespmem:s17+$0x16D20] =	vst v5  }
0x42f: {  	s9 =	sshra.s32 s9, $0x2;
	[tilespmem:s17+$0x14D10] =	vst v4  }
0x430: {  	v4 =	vld [tilespmem:s9+$0x16D30];
	[tilespmem:s17+$0x14D20] =	vst v3;
	s17 =	smov.u32 s9  }
0x431: {  	v3 =	vld [tilespmem:s18+$0x0]  }
0x432: {  	v6 =	vld [tilespmem:s17+$0x16D10]  }
0x433: {  	v7 =	vld [tilespmem:s17+$0x16D00]  }
.Ltmp16:
0x434: {  	v5 =	vld [tilespmem:s17+$0x16D20];
	(pc) =	sbr.rel @p0 .LBB2_35-.Ltmp16, $4  }
0x435: {  	_ = 	snop  }
0x436: {  	v8 =	vmul.f32 v4, v3  }
0x437: {  	v4 =	vmul.f32 v6, v3  }
0x438: {  	v7 =	vmul.f32 v7, v3;
	[tilespmem:s17+$0x16D30] =	vst v8;
	v6 =	vmul.f32 v8, v3  }
0x439: {  	[tilespmem:s17+$0x16D10] =	vst v4  }
0x43a: {  	v5 =	vmul.f32 v5, v3;
	[tilespmem:s17+$0x16D00] =	vst v7  }
0x43b: {  	v4 =	vmul.f32 v4, v3;
	[tilespmem:s17+$0x14D30] =	vst v6  }
0x43c: {  	s9 =	rddreg [dreg:$0xb];
	v7 =	vmul.f32 v7, v3;
	[tilespmem:s17+$0x16D20] =	vst v5  }
0x43d: {  	s9 =	sadd.s32 s9, s1;
	v3 =	vmul.f32 v5, v3;
	[tilespmem:s17+$0x14D10] =	vst v4  }
0x43e: {  	s9 =	sshrl.u32 s9, $0x3;
	[tilespmem:s17+$0x14D00] =	vst v7  }
0x43f: {  	s9 =	sadd.s32 s13, s9;
	[tilespmem:s17+$0x14D20] =	vst v3  }
0x440: {  	[hbm4b:s9+s15] =	stream.strided.scatter [tilespmem:s10], [sflag:$0x1], $0x2000, s12, s15, $0x38;
	[tilespmem:$0x1D410] =	vst v63  }
0x441: {  	_ =	swait.ge [sflag:s4], $0x2000  }
0x442: {  	[sflag:s4] =	ssyncset.done $0x0  }
0x443: {  	s17 =	rddreg [dreg:$0x15];
	[sflag:s4] =	ssyncadd.s32 $0xFFFFE000  }
0x444: {  	[spmem:s17] =	stream.linear.scatter [tilespmem:s16], [sflag:$0x1], $0x2000, $0x38;
	[tilespmem:$0x1D410] =	vst v63  }
0x445: {  	_ =	swait.ge [sflag:s4], $0x2000  }
0x446: {  	[sflag:s4] =	ssyncset.done $0x0  }
0x447: {  	s18 =	rddreg [dreg:$0x16];
	[sflag:s4] =	ssyncadd.s32 $0xFFFFE000  }
0x448: {  	[tilespmem:s10], [sflag:$0x1] =	stream.linear.gather [spmem:s18], $0x2000, $0x38;
	[tilespmem:$0x1D410] =	vst v63  }
0x449: {  	_ =	swait.ge [sflag:s4], $0x2000  }
0x44a: {  	[sflag:s4] =	ssyncset.done $0x0  }
0x44b: {  	[sflag:s4] =	ssyncadd.s32 $0xFFFFE000  }
0x44c: {  	[spmem:s18] =	stream.linear.scatter [tilespmem:s7], [sflag:$0x1], $0x2000, $0x38;
	[tilespmem:$0x1D410] =	vst v63  }
0x44d: {  	_ =	swait.ge [sflag:s4], $0x2000  }
0x44e: {  	[sflag:s4] =	ssyncset.done $0x0  }
0x44f: {  	s17 =	simm.s32 $0x0;
	[sflag:s4] =	ssyncadd.s32 $0xFFFFE000  }
0x450: {  	s18 =	simm.s32 $0x1C500;
	v4 =	vld [tilespmem:s17+$0x16D30]  }
0x451: {  	v3 =	vld [tilespmem:s18+$0x0]  }
0x452: {  	v6 =	vld [tilespmem:s17+$0x16D10]  }
0x453: {  	v7 =	vld [tilespmem:s17+$0x16D00];
	_ =	sdelay $0x2  }
0x454: {  	v5 =	vld [tilespmem:s17+$0x16D20];
	v8 =	vmul.f32 v4, v3  }
0x455: {  	v4 =	vmul.f32 v6, v3  }
0x456: {  	s29 =	simm.s32 $0x100;
	v7 =	vmul.f32 v7, v3;
	[tilespmem:s17+$0x16D30] =	vst v8;
	v6 =	vmul.f32 v8, v3  }
.LBB2_37:
0x457: {  	p0 =	sne.s32 s29, $0x7F00  }
0x458: {  	[tilespmem:s17+$0x16D10] =	vst v4;
	s18 =	sadd.s32 $0x10, s18;
	s9 =	smov.u32 s29;
	s29 =	sadd.s32 $0x100, s29  }
0x459: {  	v5 =	vmul.f32 v5, v3;
	[tilespmem:s17+$0x16D00] =	vst v7;
	v7 =	vmul.f32 v7, v3  }
0x45a: {  	[tilespmem:s17+$0x14D30] =	vst v6  }
0x45b: {  	v4 =	vmul.f32 v4, v3;
	v3 =	vmul.f32 v5, v3;
	[tilespmem:s17+$0x14D00] =	vst v7  }
0x45c: {  	[tilespmem:s17+$0x16D20] =	vst v5  }
0x45d: {  	s9 =	sshra.s32 s9, $0x2;
	[tilespmem:s17+$0x14D10] =	vst v4  }
0x45e: {  	v4 =	vld [tilespmem:s9+$0x16D30];
	[tilespmem:s17+$0x14D20] =	vst v3;
	s17 =	smov.u32 s9  }
0x45f: {  	v3 =	vld [tilespmem:s18+$0x0]  }
0x460: {  	v6 =	vld [tilespmem:s17+$0x16D10]  }
0x461: {  	v7 =	vld [tilespmem:s17+$0x16D00]  }
.Ltmp17:
0x462: {  	v5 =	vld [tilespmem:s17+$0x16D20];
	(pc) =	sbr.rel @p0 .LBB2_37-.Ltmp17, $4  }
0x463: {  	_ = 	snop  }
0x464: {  	v8 =	vmul.f32 v4, v3  }
0x465: {  	v4 =	vmul.f32 v6, v3  }
0x466: {  	v7 =	vmul.f32 v7, v3;
	[tilespmem:s17+$0x16D30] =	vst v8;
	v6 =	vmul.f32 v8, v3  }
0x467: {  	[tilespmem:s17+$0x16D10] =	vst v4  }
0x468: {  	v5 =	vmul.f32 v5, v3;
	[tilespmem:s17+$0x16D00] =	vst v7  }
0x469: {  	v4 =	vmul.f32 v4, v3;
	[tilespmem:s17+$0x14D30] =	vst v6  }
0x46a: {  	s9 =	rddreg [dreg:$0xc];
	v7 =	vmul.f32 v7, v3;
	[tilespmem:s17+$0x16D20] =	vst v5  }
0x46b: {  	s9 =	sadd.s32 s9, s1;
	v3 =	vmul.f32 v5, v3;
	[tilespmem:s17+$0x14D10] =	vst v4  }
0x46c: {  	s9 =	sshrl.u32 s9, $0x3;
	[tilespmem:s17+$0x14D00] =	vst v7  }
0x46d: {  	s9 =	sadd.s32 s13, s9;
	[tilespmem:s17+$0x14D20] =	vst v3  }
0x46e: {  	[hbm4b:s9+s15] =	stream.strided.scatter [tilespmem:s10], [sflag:$0x1], $0x2000, s12, s15, $0x38;
	[tilespmem:$0x1D410] =	vst v63  }
0x46f: {  	_ =	swait.ge [sflag:s4], $0x2000  }
0x470: {  	[sflag:s4] =	ssyncset.done $0x0  }
0x471: {  	s17 =	rddreg [dreg:$0x17];
	[sflag:s4] =	ssyncadd.s32 $0xFFFFE000  }
0x472: {  	[spmem:s17] =	stream.linear.scatter [tilespmem:s16], [sflag:$0x1], $0x2000, $0x38;
	[tilespmem:$0x1D410] =	vst v63  }
0x473: {  	_ =	swait.ge [sflag:s4], $0x2000  }
0x474: {  	[sflag:s4] =	ssyncset.done $0x0  }
0x475: {  	s18 =	rddreg [dreg:$0x18];
	[sflag:s4] =	ssyncadd.s32 $0xFFFFE000  }
0x476: {  	[tilespmem:s10], [sflag:$0x1] =	stream.linear.gather [spmem:s18], $0x1C40, $0x38;
	[tilespmem:$0x1D410] =	vst v63  }
0x477: {  	_ =	swait.ge [sflag:s4], $0x1C40  }
0x478: {  	[sflag:s4] =	ssyncset.done $0x0  }
0x479: {  	[sflag:s4] =	ssyncadd.s32 $0xFFFFE3C0  }
0x47a: {  	[spmem:s18] =	stream.linear.scatter [tilespmem:s7], [sflag:$0x1], $0x1C40, $0x38;
	[tilespmem:$0x1D410] =	vst v63  }
0x47b: {  	_ =	swait.ge [sflag:s4], $0x1C40  }
0x47c: {  	[sflag:s4] =	ssyncset.done $0x0  }
0x47d: {  	s17 =	simm.s32 $0x0;
	[sflag:s4] =	ssyncadd.s32 $0xFFFFE3C0  }
0x47e: {  	s18 =	simm.s32 $0x1CD00;
	v4 =	vld [tilespmem:s17+$0x16D30]  }
0x47f: {  	v3 =	vld [tilespmem:s18+$0x0]  }
0x480: {  	v6 =	vld [tilespmem:s17+$0x16D10]  }
0x481: {  	v7 =	vld [tilespmem:s17+$0x16D00];
	_ =	sdelay $0x2  }
0x482: {  	v5 =	vld [tilespmem:s17+$0x16D20];
	v8 =	vmul.f32 v4, v3  }
0x483: {  	v4 =	vmul.f32 v6, v3  }
0x484: {  	s29 =	simm.s32 $0x100;
	v7 =	vmul.f32 v7, v3;
	[tilespmem:s17+$0x16D30] =	vst v8;
	v6 =	vmul.f32 v8, v3  }
.LBB2_39:
0x485: {  	p0 =	sne.s32 s29, $0x7000  }
0x486: {  	[tilespmem:s17+$0x16D10] =	vst v4;
	s18 =	sadd.s32 $0x10, s18;
	s9 =	smov.u32 s29;
	s29 =	sadd.s32 $0x100, s29  }
0x487: {  	v5 =	vmul.f32 v5, v3;
	[tilespmem:s17+$0x16D00] =	vst v7;
	v7 =	vmul.f32 v7, v3  }
0x488: {  	[tilespmem:s17+$0x14D30] =	vst v6  }
0x489: {  	v4 =	vmul.f32 v4, v3;
	v3 =	vmul.f32 v5, v3;
	[tilespmem:s17+$0x14D00] =	vst v7  }
0x48a: {  	[tilespmem:s17+$0x16D20] =	vst v5  }
0x48b: {  	s9 =	sshra.s32 s9, $0x2;
	[tilespmem:s17+$0x14D10] =	vst v4  }
0x48c: {  	v4 =	vld [tilespmem:s9+$0x16D30];
	[tilespmem:s17+$0x14D20] =	vst v3;
	s17 =	smov.u32 s9  }
0x48d: {  	v3 =	vld [tilespmem:s18+$0x0]  }
0x48e: {  	v6 =	vld [tilespmem:s17+$0x16D10]  }
0x48f: {  	v7 =	vld [tilespmem:s17+$0x16D00]  }
.Ltmp18:
0x490: {  	v5 =	vld [tilespmem:s17+$0x16D20];
	(pc) =	sbr.rel @p0 .LBB2_39-.Ltmp18, $4  }
0x491: {  	_ = 	snop  }
0x492: {  	v8 =	vmul.f32 v4, v3  }
0x493: {  	v4 =	vmul.f32 v6, v3  }
0x494: {  	v7 =	vmul.f32 v7, v3;
	[tilespmem:s17+$0x16D30] =	vst v8;
	v6 =	vmul.f32 v8, v3  }
0x495: {  	[tilespmem:s17+$0x16D10] =	vst v4  }
0x496: {  	v5 =	vmul.f32 v5, v3;
	[tilespmem:s17+$0x16D00] =	vst v7  }
0x497: {  	v63 =	vmul.f32 v4, v3;
	[tilespmem:s17+$0x14D30] =	vst v6  }
0x498: {  	s9 =	rddreg [dreg:$0xd];
	v62 =	vmul.f32 v7, v3;
	[tilespmem:s17+$0x16D20] =	vst v5  }
0x499: {  	s1 =	sadd.s32 s9, s1;
	v3 =	vmul.f32 v5, v3;
	[tilespmem:s17+$0x14D10] =	vst v63  }
0x49a: {  	s1 =	sshrl.u32 s1, $0x3;
	[tilespmem:s17+$0x14D00] =	vst v62  }
0x49b: {  	s1 =	sadd.s32 s13, s1;
	[tilespmem:s17+$0x14D20] =	vst v3  }
0x49c: {  	[hbm4b:s1+s15] =	stream.strided.scatter [tilespmem:s10], [sflag:$0x1], $0x1C40, s12, s15, $0x38;
	[tilespmem:$0x1D410] =	vst v63  }
0x49d: {  	_ =	swait.ge [sflag:s4], $0x1C40  }
0x49e: {  	s5 =	sadd.s32 $0x1, s5;
	[sflag:s4] =	ssyncset.done $0x0  }
0x49f: {  	p0 =	sne.s32 s5, $0x4;
	s29 =	rddreg [dreg:$0x19];
	[sflag:s4] =	ssyncadd.s32 $0xFFFFE3C0  }
0x4a0: {  	[spmem:s29] =	stream.linear.scatter [tilespmem:s16], [sflag:$0x1], $0x1C40, $0x38;
	[tilespmem:$0x1D410] =	vst v63  }
.Ltmp19:
0x4a1: {  	_ =	swait.ge [sflag:s4], $0x1C40;
	(pc) =	sbr.rel @p0 .LBB2_26-.Ltmp19, $3  }
0x4a2: {  	[sflag:s4] =	ssyncset.done $0x0  }
0x4a3: {  	[sflag:s4] =	ssyncadd.s32 $0xFFFFE3C0  }
0x4a4: {  	[bflag:$0x0] =	sbarrier.arrive $0xFFFF;
	_ =	sdelay $0x1  }
0x4a5: {  	s5 =	rddreg [dreg:$0x1c]  }
0x4a6: {  	s1 =	rddreg [dreg:$0x1a];
	s5 =	sadd.s32 $0x1, s5  }
0x4a7: {  	p0 =	sne.s32 s5, s1  }
.Ltmp20:
0x4a8: {  	_ = 	snop;
	(pc) =	sbr.rel @p0 .LBB2_1-.Ltmp20, $4  }
0x4a9: {  	_ = 	snop  }
0x4aa: {  	s29 =	simm.s32 $0x0  }
0x4ab: {  	s9 =	simm.s32 $0x14380;
	s17 =	simm.s32 $0x14480;
	s13 =	simm.s32 $0x14500  }
0x4ac: {  	s10 =	simm.s32 $0x14580;
	s15 =	simm.s32 $0x14600;
	s18 =	simm.s32 $0x14680  }
0x4ad: {  	_ =	sfence.sel $0x180000  }
0x4ae: {  	[bflag:$0x0] =	sbarrier.arrive $0xFFFF  }
0x4af: {  	_ =	strace $0x90000047  }
0x4b0: {  	s0 =	stileid.u32;
	[bflag:$0x2] =	sbarrier.arrive $0xFFFF  }
0x4b1: {  	p0 =	sne.s32 s0, $0x0;
	s0 =	rddreg [dreg:$0x5]  }
0x4b2: {  	s0 =	sadd.s32 @!p0 $0x100000, s0  }
0x4b3: {  	[sflag:s0] =	ssyncadd.tile.s32 @!p0 $0x1;
	_ =	shalt  }
.Lfunc_end2:
_tile_overlayer_lowered:
.L_overlay_start_2:
0x4b4: {  	(tag) =	ssettag $0x2  }
0x4b5: {  	s0 =	rddreg [dreg:$0x0];
	s2 =	stileid.u32  }
0x4b6: {  	s1 =	rddreg [dreg:$0x1];
	p0 =	sne.s32 s2, $0x0  }
0x4b7: {  	s3 =	rddreg [dreg:$0x2];
	[bflag:$0x3] =	sbarrier.arrive $0xFFFF;
	s2 =	simm.s32 @!p0 $0x1C01  }
0x4b8: {  	[timem:s3], [sflag:s2] =	dma.local @!p0 [hbm:s0], s1  }
0x4b9: {  	s0 =	simm.s32 @!p0 $0x1  }
0x4ba: {  	_ =	swait.ge @!p0 [sflag:s0], s1  }
0x4bb: {  	s1 =	ssub.s32 @!p0 $0x0, s1;
	[sflag:s0] =	ssyncset.done @!p0 $0x0  }
0x4bc: {  	[sflag:s0] =	ssyncadd.s32 @!p0 s1  }
0x4bd: {  	[bflag:$0x3] =	sbarrier.arrive $0xFFFF  }
0x4be: {  	_ =	shalt  }

</sc_bundles>
